<compile_context>
chip_gen: v7x
topology: tpu7x:2x2x1
jax: 0.10.2.dev20260603
libtpu: 0.0.44.dev20260713+nightly
codegen_flags: <defaults>
</compile_context>

<pallas_src>
import functools

import jax
import jax.numpy as jnp
from jax import lax
from jax.experimental import pallas as pl
from jax.experimental.pallas import tpu as pltpu
from jax.experimental.pallas import tpu_sc as plsc

_N = 10000
_E = 160000
_D_IN = 256
_H = 16
_CLS = 41

_NC = 2
_NS = 16
_NW = _NC * _NS
_CH = 128
_EPAD = 163840
_NCHT = _EPAD // _CH
_NCH0 = 44
_NCH1 = 36
_NCHB = 48
_C1OFF = _NS * _NCH0
_NPADR = 10112
_RPT = _NPADR // _NS
_NBUF = 8
_PREF = 3


def _make_seg(with_deg):
    mesh = plsc.VectorSubcoreMesh(core_axis_name="c", subcore_axis_name="s",
                                  num_cores=_NC, num_subcores=_NS)
    out_type = [jax.ShapeDtypeStruct((_NC * _NPADR, _H), jnp.float32)]
    scratch = [
        pltpu.VMEM((_NCHB, _CH), jnp.int32),
        pltpu.VMEM((_NCHB, _CH), jnp.int32),
        pltpu.VMEM((_NBUF, _CH, _H), jnp.float32),
        pltpu.VMEM_SHARED((_NPADR, _H), jnp.float32),
        pltpu.VMEM_SHARED((_NPADR, _H), jnp.float32),
        pltpu.SemaphoreType.DMA,
        [pltpu.SemaphoreType.DMA] * _NBUF,
        [pltpu.SemaphoreType.DMA] * _NBUF,
    ]
    if with_deg:
        out_type.append(jax.ShapeDtypeStruct((_NC * _NPADR, _H), jnp.float32))
        scratch += [
            pltpu.VMEM((_CH, _H), jnp.float32),
            pltpu.VMEM_SHARED((_NPADR, _H), jnp.float32),
            pltpu.SemaphoreType.DMA,
        ]

    def body(*refs):
        if with_deg:
            (table, srcp, dstp, z2, ones_h, out, deg_out,
             src_v, dst_v, rows_v, acc_sh, table_sh, isem, gsem, ssem,
             ones_v, deg_sh, dsem) = refs
        else:
            (table, srcp, dstp, z2, out,
             src_v, dst_v, rows_v, acc_sh, table_sh, isem, gsem, ssem) = refs
        cid = lax.axis_index("c")
        sid = lax.axis_index("s")
        r0 = sid * _RPT
        nch = jnp.where(cid == 0, _NCH0, _NCH1)

        @pl.when(cid == 0)
        def _():
            pltpu.async_copy(srcp.at[pl.ds(sid * _NCH0, _NCH0)],
                             src_v.at[pl.ds(0, _NCH0)], isem)
            pltpu.async_copy(dstp.at[pl.ds(sid * _NCH0, _NCH0)],
                             dst_v.at[pl.ds(0, _NCH0)], isem)
            pltpu.make_async_copy(srcp.at[pl.ds(0, _NCH0)],
                                  src_v.at[pl.ds(0, _NCH0)], isem).wait()
            pltpu.make_async_copy(dstp.at[pl.ds(0, _NCH0)],
                                  dst_v.at[pl.ds(0, _NCH0)], isem).wait()

        @pl.when(cid == 1)
        def _():
            pltpu.async_copy(srcp.at[pl.ds(_C1OFF + sid * _NCH1, _NCH1)],
                             src_v.at[pl.ds(0, _NCH1)], isem)
            pltpu.async_copy(dstp.at[pl.ds(_C1OFF + sid * _NCH1, _NCH1)],
                             dst_v.at[pl.ds(0, _NCH1)], isem)
            pltpu.make_async_copy(srcp.at[pl.ds(0, _NCH1)],
                                  src_v.at[pl.ds(0, _NCH1)], isem).wait()
            pltpu.make_async_copy(dstp.at[pl.ds(0, _NCH1)],
                                  dst_v.at[pl.ds(0, _NCH1)], isem).wait()
        if with_deg:
            pltpu.async_copy(ones_h, ones_v, isem).wait()
            pltpu.sync_copy(z2.at[pl.ds(r0, _RPT)],
                            deg_sh.at[pl.ds(r0, _RPT)])
        ld_tb = pltpu.async_copy(table.at[pl.ds(r0, _RPT)],
                                 table_sh.at[pl.ds(r0, _RPT)], isem)
        pltpu.sync_copy(z2.at[pl.ds(r0, _RPT)], acc_sh.at[pl.ds(r0, _RPT)])
        ld_tb.wait()
        plsc.subcore_barrier()

        def gather(jj, bb):
            pltpu.async_copy(table_sh.at[src_v.at[jj]], rows_v.at[bb],
                             gsem[bb])

        for b in range(_PREF):
            gather(b, b)

        def step(g, carry):
            for b in range(_NBUF):
                j = g * _NBUF + b

                @pl.when(j <= nch - 1)
                def _():
                    pltpu.make_async_copy(table_sh.at[src_v.at[j]],
                                          rows_v.at[b], gsem[b]).wait()
                    pltpu.async_copy(rows_v.at[b], acc_sh.at[dst_v.at[j]],
                                     ssem[b], add=True)
                    if with_deg:
                        pltpu.async_copy(ones_v, deg_sh.at[dst_v.at[j]],
                                         dsem, add=True)

                        @pl.when(j >= 1)
                        def _():
                            pltpu.make_async_copy(
                                ones_v, deg_sh.at[dst_v.at[0]], dsem).wait()
                    jj = j + _PREF
                    bb = (b + _PREF) % _NBUF

                    @pl.when(jj <= nch - 1)
                    def _():
                        @pl.when(jj >= _NBUF)
                        def _():
                            pltpu.make_async_copy(
                                rows_v.at[bb], acc_sh.at[dst_v.at[0]],
                                ssem[bb]).wait()
                        gather(jj, bb)
            return carry

        lax.fori_loop(0, _NCHB // _NBUF, step, 0)

        for b in range(_NBUF):
            pltpu.make_async_copy(rows_v.at[b], acc_sh.at[dst_v.at[0]],
                                  ssem[b]).wait()
        if with_deg:
            pltpu.make_async_copy(ones_v, deg_sh.at[dst_v.at[0]], dsem).wait()
        plsc.subcore_barrier()

        pltpu.sync_copy(acc_sh.at[pl.ds(r0, _RPT)],
                        out.at[pl.ds(cid * _NPADR + r0, _RPT)])
        if with_deg:
            pltpu.sync_copy(deg_sh.at[pl.ds(r0, _RPT)],
                            deg_out.at[pl.ds(cid * _NPADR + r0, _RPT)])

    return pl.kernel(
        body,
        out_type=tuple(out_type) if with_deg else out_type[0],
        mesh=mesh,
        scratch_types=scratch,
        compiler_params=pltpu.CompilerParams(use_tc_tiling_on_sc=False),
    )


@functools.lru_cache(maxsize=None)
def _get_seg(with_deg):
    return _make_seg(with_deg)


_PBLK = _RPT
_NBLK = _NPADR // _PBLK


_NPK = _NPADR * _H // 128


def _proj_body(x_ref, w_ref, xl_ref, xr_ref):
    res = jnp.dot(x_ref[...], w_ref[...], preferred_element_type=jnp.float32)
    xl_ref[...] = res[:, :_H]
    xr_ref[...] = res[:, _H:]


def _proj(x, wcat):
    row = lambda i: (i, 0)
    return pl.pallas_call(
        _proj_body,
        grid=(_NBLK,),
        in_specs=[
            pl.BlockSpec((_PBLK, _D_IN), row),
            pl.BlockSpec((_D_IN, 2 * _H), lambda i: (0, 0)),
        ],
        out_specs=[
            pl.BlockSpec((_PBLK, _H), row),
            pl.BlockSpec((_PBLK, _H), row),
        ],
        out_shape=[
            jax.ShapeDtypeStruct((_NPADR, _H), jnp.float32),
            jax.ShapeDtypeStruct((_NPADR, _H), jnp.float32),
        ],
    )(x, wcat)


def _combine_body(p_ref0, p_ref1, d_ref0, d_ref1, xr_ref, b1_ref, h_ref):
    deg = jnp.maximum(d_ref0[...] + d_ref1[...], 1.0)
    mean = (p_ref0[...] + p_ref1[...]) / deg
    h_ref[...] = jnp.maximum(mean + b1_ref[...] + xr_ref[...], 0.0)


def _combine(pp, ddp, xrp, b1p):
    row = lambda i: (i, 0)
    row1 = lambda i: (1 + i, 0)
    return pl.pallas_call(
        _combine_body,
        grid=(1,),
        in_specs=[
            pl.BlockSpec((_NPK, 128), row),
            pl.BlockSpec((_NPK, 128), row1),
            pl.BlockSpec((_NPK, 128), row),
            pl.BlockSpec((_NPK, 128), row1),
            pl.BlockSpec((_NPK, 128), row),
            pl.BlockSpec((1, 128), lambda i: (0, 0)),
        ],
        out_specs=pl.BlockSpec((_NPK, 128), row),
        out_shape=jax.ShapeDtypeStruct((_NPK, 128), jnp.float32),
    )(pp, pp, ddp, ddp, xrp, b1p)


def _final_body(q_ref0, q_ref1, d_ref0, d_ref1, h_ref, wl_ref, wr_ref,
                b2_ref, o_ref):
    deg = jnp.maximum(d_ref0[...] + d_ref1[...], 1.0)
    mean2 = (q_ref0[...] + q_ref1[...]) / deg
    logits = (jnp.dot(mean2, wl_ref[...], preferred_element_type=jnp.float32)
              + jnp.dot(h_ref[...], wr_ref[...],
                        preferred_element_type=jnp.float32)
              + b2_ref[...])
    m = jnp.max(logits, axis=1, keepdims=True)
    ex = jnp.exp(logits - m)
    s = jnp.sum(ex, axis=1, keepdims=True)
    o_ref[...] = logits - m - jnp.log(s)


def _final(q, degs, h, wl, wr, b2):
    row = lambda i: (i, 0)
    row1 = lambda i: (_NBLK + i, 0)
    full = lambda i: (0, 0)
    return pl.pallas_call(
        _final_body,
        grid=(_NBLK,),
        in_specs=[
            pl.BlockSpec((_PBLK, _H), row),
            pl.BlockSpec((_PBLK, _H), row1),
            pl.BlockSpec((_PBLK, _H), row),
            pl.BlockSpec((_PBLK, _H), row1),
            pl.BlockSpec((_PBLK, _H), row),
            pl.BlockSpec((_H, _CLS), full),
            pl.BlockSpec((_H, _CLS), full),
            pl.BlockSpec((1, _CLS), full),
        ],
        out_specs=pl.BlockSpec((_PBLK, _CLS), row),
        out_shape=jax.ShapeDtypeStruct((_N, _CLS), jnp.float32),
    )(q, q, degs, degs, h, wl, wr, b2)


def kernel(x, edge_index, W1_l, b1, W1_r, W2_l, b2, W2_r):
    src = edge_index[0]
    dst = edge_index[1]
    pad = _EPAD - _E
    srcp = jnp.concatenate([src, jnp.zeros((pad,), jnp.int32)]
                           ).reshape(_NCHT, _CH)
    dstp = jnp.concatenate([dst, jnp.full((pad,), _N, jnp.int32)]
                           ).reshape(_NCHT, _CH)
    z2 = jnp.zeros((_NPADR, _H), jnp.float32)
    ones_h = jnp.ones((_CH, _H), jnp.float32)

    wcat1 = jnp.concatenate([W1_l.T, W1_r.T], axis=1)
    xl, xr = _proj(x, wcat1)
    xrp = xr.reshape(_NPK, 128)

    p, degs = _get_seg(True)(xl, srcp, dstp, z2, ones_h)
    pp = p.reshape(_NC * _NPK, 128)
    ddp = degs.reshape(_NC * _NPK, 128)
    b1p = jnp.tile(b1, 8).reshape(1, 128)
    hp = _combine(pp, ddp, xrp, b1p)
    h = hp.reshape(_NPADR, _H)

    q = _get_seg(False)(h, srcp, dstp, z2)
    return _final(q, degs, h, W2_l.T, W2_r.T, b2.reshape(1, _CLS))

# --- scband reference (transcript-rebuilt; emitter-appended) ---
"""Pipeline reference for scband-net-15315853378011 (READ-ONLY COPY).

The authoritative reference and input builder live on the scoring server;
editing this copy changes nothing except your own understanding.
"""

import jax, jax.numpy as jnp
import numpy as np

N = 10000
E = 160000
D_IN = 256
HIDDEN = 16
N_CLASSES = 41


def _sage_conv(x, src, dst, W_l, b_l, W_r, n_nodes):
    # PyG SAGEConv (mean aggregation): out = lin_l(mean_{j in N(i)} x_j) + lin_r(x_i)
    msgs = jnp.take(x, src, axis=0)
    agg = jax.ops.segment_sum(msgs, dst, num_segments=n_nodes)
    deg = jax.ops.segment_sum(jnp.ones((dst.shape[0],), x.dtype), dst, num_segments=n_nodes)
    mean = agg / jnp.clip(deg, 1.0)[:, None]
    return mean @ W_l.T + b_l + x @ W_r.T


def setup_inputs(seed: int = 0):
    key = jax.random.key(seed)
    ks = jax.random.split(key, 8)
    x = jax.random.normal(ks[0], (N, D_IN), dtype=jnp.float32)
    edge_index = jax.random.randint(ks[1], (2, E), 0, N, dtype=jnp.int32)
    W1_l = jax.random.normal(ks[2], (HIDDEN, D_IN), dtype=jnp.float32) * (1.0 / np.sqrt(D_IN))
    b1 = jnp.zeros((HIDDEN,), dtype=jnp.float32)
    W1_r = jax.random.normal(ks[3], (HIDDEN, D_IN), dtype=jnp.float32) * (1.0 / np.sqrt(D_IN))
    W2_l = jax.random.normal(ks[4], (N_CLASSES, HIDDEN), dtype=jnp.float32) * (1.0 / np.sqrt(HIDDEN))
    b2 = jnp.zeros((N_CLASSES,), dtype=jnp.float32)
    W2_r = jax.random.normal(ks[5], (N_CLASSES, HIDDEN), dtype=jnp.float32) * (1.0 / np.sqrt(HIDDEN))
    return {"x": x, "edge_index": edge_index, "W1_l": W1_l, "b1": b1, "W1_r": W1_r, "W2_l": W2_l, "b2": b2, "W2_r": W2_r}


def reference(x, edge_index, W1_l, b1, W1_r, W2_l, b2, W2_r):
    src = edge_index[0]
    dst = edge_index[1]
    h = jax.nn.relu(_sage_conv(x, src, dst, W1_l, b1, W1_r, N))
    # F.dropout(training=self.training) is identity in eval mode
    h = _sage_conv(h, src, dst, W2_l, b2, W2_r, N)
    return jax.nn.log_softmax(h, axis=1)

if __name__ == "__main__":
    import jax
    _d = setup_inputs()
    print(jax.jit(kernel)(*tuple(_d.values())))

</pallas_src>

<mosaic_0001>
#map = affine_map<(d0, d1) -> (0, 0)>
module attributes {stable_mosaic.version = 14 : i64} {
  func.func @body(%arg0: i32, %arg1: i32, %arg2: memref<10112x16xf32, #tpu.memory_space<hbm>>, %arg3: memref<1280x128xi32, #tpu.memory_space<hbm>>, %arg4: memref<1280x128xi32, #tpu.memory_space<hbm>>, %arg5: memref<10112x16xf32, #tpu.memory_space<hbm>>, %arg6: memref<20224x16xf32, #tpu.memory_space<hbm>>, %arg7: memref<48x128xi32, #tpu.memory_space<vmem>>, %arg8: memref<48x128xi32, #tpu.memory_space<vmem>>, %arg9: memref<8x128x16xf32, #tpu.memory_space<vmem>>, %arg10: memref<10112x16xf32, #tpu.memory_space<vmem_shared>>, %arg11: memref<10112x16xf32, #tpu.memory_space<vmem_shared>>, %arg12: memref<!tpu.dma_semaphore, #tpu.memory_space<semaphore_mem>>, %arg13: memref<!tpu.dma_semaphore, #tpu.memory_space<semaphore_mem>>, %arg14: memref<!tpu.dma_semaphore, #tpu.memory_space<semaphore_mem>>, %arg15: memref<!tpu.dma_semaphore, #tpu.memory_space<semaphore_mem>>, %arg16: memref<!tpu.dma_semaphore, #tpu.memory_space<semaphore_mem>>, %arg17: memref<!tpu.dma_semaphore, #tpu.memory_space<semaphore_mem>>, %arg18: memref<!tpu.dma_semaphore, #tpu.memory_space<semaphore_mem>>, %arg19: memref<!tpu.dma_semaphore, #tpu.memory_space<semaphore_mem>>, %arg20: memref<!tpu.dma_semaphore, #tpu.memory_space<semaphore_mem>>, %arg21: memref<!tpu.dma_semaphore, #tpu.memory_space<semaphore_mem>>, %arg22: memref<!tpu.dma_semaphore, #tpu.memory_space<semaphore_mem>>, %arg23: memref<!tpu.dma_semaphore, #tpu.memory_space<semaphore_mem>>, %arg24: memref<!tpu.dma_semaphore, #tpu.memory_space<semaphore_mem>>, %arg25: memref<!tpu.dma_semaphore, #tpu.memory_space<semaphore_mem>>, %arg26: memref<!tpu.dma_semaphore, #tpu.memory_space<semaphore_mem>>, %arg27: memref<!tpu.dma_semaphore, #tpu.memory_space<semaphore_mem>>, %arg28: memref<!tpu.dma_semaphore, #tpu.memory_space<semaphore_mem>>) attributes {dimension_semantics = [#tpu.dimension_semantics<core_parallel>, #tpu.dimension_semantics<subcore_parallel>], iteration_bounds = array<i64: 2, 16>, scalar_prefetch = 0 : i64, scratch_operands = 22 : i64, tpu.core_type = #tpu.core_type<sc_vector_subcore>, window_params = [{transform_indices = #map}, {transform_indices = #map}, {transform_indices = #map}, {transform_indices = #map}, {transform_indices = #map}]} {
    %mul3A = arith.constant 632 : i32
    %mul3A_0 = arith.muli %arg1, %mul3A : i32
    %eq3A = arith.constant 0 : i32
    %eq3A_1 = arith.cmpi eq, %arg0, %eq3A : i32
    %jit3A = arith.constant 44 : i32
    %jit3A_2 = arith.constant 36 : i32
    %select_n3A = arith.select %eq3A_1, %jit3A, %jit3A_2 : i32
    %eq3A_3 = arith.constant 0 : i32
    %eq3A_4 = arith.cmpi eq, %arg0, %eq3A_3 : i32
    %convert_element_type3A = arith.extui %eq3A_4 : i1 to i32
    %cond3A = arith.constant 0 : i32
    %cond3A_5 = arith.cmpi ne, %convert_element_type3A, %cond3A : i32
    scf.if %cond3A_5 {
      %mul3A_157 = arith.constant 44 : i32
      %mul3A_158 = arith.muli %arg1, %mul3A_157 : i32
      %dma_start3A_159 = arith.constant 0 : i32
      %dma_start3A_160 = arith.constant 0 : i32
      %dma_start3A_161 = tpu.memref_slice %arg7[%dma_start3A_159, %dma_start3A_160] : memref<48x128xi32, #tpu.memory_space<vmem>> -> memref<44x128xi32, #tpu.memory_space<vmem>>
      %dma_start3A_162 = arith.constant 0 : i32
      %dma_start3A_163 = tpu.memref_slice %arg3[%mul3A_158, %dma_start3A_162] : memref<1280x128xi32, #tpu.memory_space<hbm>> -> memref<44x128xi32, #tpu.memory_space<hbm>>
      %dma_start3A_164 = arith.constant 0 : i32
      %dma_start3A_165 = arith.constant 0 : i32
      %dma_start3A_166 = tpu.memref_slice %arg7[%dma_start3A_164, %dma_start3A_165] : memref<48x128xi32, #tpu.memory_space<vmem>> -> memref<44x128xi32, #tpu.memory_space<vmem>>
      %dma_start3A_167 = arith.constant 0 : i32
      %dma_start3A_168 = tpu.memref_slice %arg3[%mul3A_158, %dma_start3A_167] : memref<1280x128xi32, #tpu.memory_space<hbm>> -> memref<44x128xi32, #tpu.memory_space<hbm>>
      tpu.enqueue_dma source(%dma_start3A_168 : memref<44x128xi32, #tpu.memory_space<hbm>>) target(%dma_start3A_166 : memref<44x128xi32, #tpu.memory_space<vmem>>) target_semaphore(%arg12 : memref<!tpu.dma_semaphore, #tpu.memory_space<semaphore_mem>>)
      %mul3A_169 = arith.constant 44 : i32
      %mul3A_170 = arith.muli %arg1, %mul3A_169 : i32
      %dma_start3A_171 = arith.constant 0 : i32
      %dma_start3A_172 = arith.constant 0 : i32
      %dma_start3A_173 = tpu.memref_slice %arg8[%dma_start3A_171, %dma_start3A_172] : memref<48x128xi32, #tpu.memory_space<vmem>> -> memref<44x128xi32, #tpu.memory_space<vmem>>
      %dma_start3A_174 = arith.constant 0 : i32
      %dma_start3A_175 = tpu.memref_slice %arg4[%mul3A_170, %dma_start3A_174] : memref<1280x128xi32, #tpu.memory_space<hbm>> -> memref<44x128xi32, #tpu.memory_space<hbm>>
      %dma_start3A_176 = arith.constant 0 : i32
      %dma_start3A_177 = arith.constant 0 : i32
      %dma_start3A_178 = tpu.memref_slice %arg8[%dma_start3A_176, %dma_start3A_177] : memref<48x128xi32, #tpu.memory_space<vmem>> -> memref<44x128xi32, #tpu.memory_space<vmem>>
      %dma_start3A_179 = arith.constant 0 : i32
      %dma_start3A_180 = tpu.memref_slice %arg4[%mul3A_170, %dma_start3A_179] : memref<1280x128xi32, #tpu.memory_space<hbm>> -> memref<44x128xi32, #tpu.memory_space<hbm>>
      tpu.enqueue_dma source(%dma_start3A_180 : memref<44x128xi32, #tpu.memory_space<hbm>>) target(%dma_start3A_178 : memref<44x128xi32, #tpu.memory_space<vmem>>) target_semaphore(%arg12 : memref<!tpu.dma_semaphore, #tpu.memory_space<semaphore_mem>>)
      %dma_wait3A_181 = arith.constant 0 : i32
      %dma_wait3A_182 = arith.constant 0 : i32
      %dma_wait3A_183 = tpu.memref_slice %arg7[%dma_wait3A_181, %dma_wait3A_182] : memref<48x128xi32, #tpu.memory_space<vmem>> -> memref<44x128xi32, #tpu.memory_space<vmem>>
      %dma_wait3A_184 = arith.constant 0 : i32
      %dma_wait3A_185 = arith.constant 0 : i32
      %dma_wait3A_186 = tpu.memref_slice %arg3[%dma_wait3A_184, %dma_wait3A_185] : memref<1280x128xi32, #tpu.memory_space<hbm>> -> memref<44x128xi32, #tpu.memory_space<hbm>>
      %dma_wait3A_187 = arith.constant 0 : i32
      %dma_wait3A_188 = arith.constant 0 : i32
      %dma_wait3A_189 = tpu.memref_slice %arg7[%dma_wait3A_187, %dma_wait3A_188] : memref<48x128xi32, #tpu.memory_space<vmem>> -> memref<44x128xi32, #tpu.memory_space<vmem>>
      %dma_wait3A_190 = arith.constant 0 : i32
      %dma_wait3A_191 = arith.constant 0 : i32
      %dma_wait3A_192 = tpu.memref_slice %arg3[%dma_wait3A_190, %dma_wait3A_191] : memref<1280x128xi32, #tpu.memory_space<hbm>> -> memref<44x128xi32, #tpu.memory_space<hbm>>
      tpu.wait_dma2 semaphore(%arg12 : memref<!tpu.dma_semaphore, #tpu.memory_space<semaphore_mem>>) src(%dma_wait3A_192 : memref<44x128xi32, #tpu.memory_space<hbm>>) dst(%dma_wait3A_189 : memref<44x128xi32, #tpu.memory_space<vmem>>)
      %dma_wait3A_193 = arith.constant 0 : i32
      %dma_wait3A_194 = arith.constant 0 : i32
      %dma_wait3A_195 = tpu.memref_slice %arg8[%dma_wait3A_193, %dma_wait3A_194] : memref<48x128xi32, #tpu.memory_space<vmem>> -> memref<44x128xi32, #tpu.memory_space<vmem>>
      %dma_wait3A_196 = arith.constant 0 : i32
      %dma_wait3A_197 = arith.constant 0 : i32
      %dma_wait3A_198 = tpu.memref_slice %arg4[%dma_wait3A_196, %dma_wait3A_197] : memref<1280x128xi32, #tpu.memory_space<hbm>> -> memref<44x128xi32, #tpu.memory_space<hbm>>
      %dma_wait3A_199 = arith.constant 0 : i32
      %dma_wait3A_200 = arith.constant 0 : i32
      %dma_wait3A_201 = tpu.memref_slice %arg8[%dma_wait3A_199, %dma_wait3A_200] : memref<48x128xi32, #tpu.memory_space<vmem>> -> memref<44x128xi32, #tpu.memory_space<vmem>>
      %dma_wait3A_202 = arith.constant 0 : i32
      %dma_wait3A_203 = arith.constant 0 : i32
      %dma_wait3A_204 = tpu.memref_slice %arg4[%dma_wait3A_202, %dma_wait3A_203] : memref<1280x128xi32, #tpu.memory_space<hbm>> -> memref<44x128xi32, #tpu.memory_space<hbm>>
      tpu.wait_dma2 semaphore(%arg12 : memref<!tpu.dma_semaphore, #tpu.memory_space<semaphore_mem>>) src(%dma_wait3A_204 : memref<44x128xi32, #tpu.memory_space<hbm>>) dst(%dma_wait3A_201 : memref<44x128xi32, #tpu.memory_space<vmem>>)
    } else {
    }
    %eq3A_6 = arith.constant 1 : i32
    %eq3A_7 = arith.cmpi eq, %arg0, %eq3A_6 : i32
    %convert_element_type3A_8 = arith.extui %eq3A_7 : i1 to i32
    %cond3A_9 = arith.constant 0 : i32
    %cond3A_10 = arith.cmpi ne, %convert_element_type3A_8, %cond3A_9 : i32
    scf.if %cond3A_10 {
      %mul3A_157 = arith.constant 36 : i32
      %mul3A_158 = arith.muli %arg1, %mul3A_157 : i32
      %add3A_159 = arith.constant 704 : i32
      %add3A_160 = arith.addi %add3A_159, %mul3A_158 : i32
      %dma_start3A_161 = arith.constant 0 : i32
      %dma_start3A_162 = arith.constant 0 : i32
      %dma_start3A_163 = tpu.memref_slice %arg7[%dma_start3A_161, %dma_start3A_162] : memref<48x128xi32, #tpu.memory_space<vmem>> -> memref<36x128xi32, #tpu.memory_space<vmem>>
      %dma_start3A_164 = arith.constant 0 : i32
      %dma_start3A_165 = tpu.memref_slice %arg3[%add3A_160, %dma_start3A_164] : memref<1280x128xi32, #tpu.memory_space<hbm>> -> memref<36x128xi32, #tpu.memory_space<hbm>>
      %dma_start3A_166 = arith.constant 0 : i32
      %dma_start3A_167 = arith.constant 0 : i32
      %dma_start3A_168 = tpu.memref_slice %arg7[%dma_start3A_166, %dma_start3A_167] : memref<48x128xi32, #tpu.memory_space<vmem>> -> memref<36x128xi32, #tpu.memory_space<vmem>>
      %dma_start3A_169 = arith.constant 0 : i32
      %dma_start3A_170 = tpu.memref_slice %arg3[%add3A_160, %dma_start3A_169] : memref<1280x128xi32, #tpu.memory_space<hbm>> -> memref<36x128xi32, #tpu.memory_space<hbm>>
      tpu.enqueue_dma source(%dma_start3A_170 : memref<36x128xi32, #tpu.memory_space<hbm>>) target(%dma_start3A_168 : memref<36x128xi32, #tpu.memory_space<vmem>>) target_semaphore(%arg12 : memref<!tpu.dma_semaphore, #tpu.memory_space<semaphore_mem>>)
      %mul3A_171 = arith.constant 36 : i32
      %mul3A_172 = arith.muli %arg1, %mul3A_171 : i32
      %add3A_173 = arith.constant 704 : i32
      %add3A_174 = arith.addi %add3A_173, %mul3A_172 : i32
      %dma_start3A_175 = arith.constant 0 : i32
      %dma_start3A_176 = arith.constant 0 : i32
      %dma_start3A_177 = tpu.memref_slice %arg8[%dma_start3A_175, %dma_start3A_176] : memref<48x128xi32, #tpu.memory_space<vmem>> -> memref<36x128xi32, #tpu.memory_space<vmem>>
      %dma_start3A_178 = arith.constant 0 : i32
      %dma_start3A_179 = tpu.memref_slice %arg4[%add3A_174, %dma_start3A_178] : memref<1280x128xi32, #tpu.memory_space<hbm>> -> memref<36x128xi32, #tpu.memory_space<hbm>>
      %dma_start3A_180 = arith.constant 0 : i32
      %dma_start3A_181 = arith.constant 0 : i32
      %dma_start3A_182 = tpu.memref_slice %arg8[%dma_start3A_180, %dma_start3A_181] : memref<48x128xi32, #tpu.memory_space<vmem>> -> memref<36x128xi32, #tpu.memory_space<vmem>>
      %dma_start3A_183 = arith.constant 0 : i32
      %dma_start3A_184 = tpu.memref_slice %arg4[%add3A_174, %dma_start3A_183] : memref<1280x128xi32, #tpu.memory_space<hbm>> -> memref<36x128xi32, #tpu.memory_space<hbm>>
      tpu.enqueue_dma source(%dma_start3A_184 : memref<36x128xi32, #tpu.memory_space<hbm>>) target(%dma_start3A_182 : memref<36x128xi32, #tpu.memory_space<vmem>>) target_semaphore(%arg12 : memref<!tpu.dma_semaphore, #tpu.memory_space<semaphore_mem>>)
      %dma_wait3A_185 = arith.constant 0 : i32
      %dma_wait3A_186 = arith.constant 0 : i32
      %dma_wait3A_187 = tpu.memref_slice %arg7[%dma_wait3A_185, %dma_wait3A_186] : memref<48x128xi32, #tpu.memory_space<vmem>> -> memref<36x128xi32, #tpu.memory_space<vmem>>
      %dma_wait3A_188 = arith.constant 0 : i32
      %dma_wait3A_189 = arith.constant 0 : i32
      %dma_wait3A_190 = tpu.memref_slice %arg3[%dma_wait3A_188, %dma_wait3A_189] : memref<1280x128xi32, #tpu.memory_space<hbm>> -> memref<36x128xi32, #tpu.memory_space<hbm>>
      %dma_wait3A_191 = arith.constant 0 : i32
      %dma_wait3A_192 = arith.constant 0 : i32
      %dma_wait3A_193 = tpu.memref_slice %arg7[%dma_wait3A_191, %dma_wait3A_192] : memref<48x128xi32, #tpu.memory_space<vmem>> -> memref<36x128xi32, #tpu.memory_space<vmem>>
      %dma_wait3A_194 = arith.constant 0 : i32
      %dma_wait3A_195 = arith.constant 0 : i32
      %dma_wait3A_196 = tpu.memref_slice %arg3[%dma_wait3A_194, %dma_wait3A_195] : memref<1280x128xi32, #tpu.memory_space<hbm>> -> memref<36x128xi32, #tpu.memory_space<hbm>>
      tpu.wait_dma2 semaphore(%arg12 : memref<!tpu.dma_semaphore, #tpu.memory_space<semaphore_mem>>) src(%dma_wait3A_196 : memref<36x128xi32, #tpu.memory_space<hbm>>) dst(%dma_wait3A_193 : memref<36x128xi32, #tpu.memory_space<vmem>>)
      %dma_wait3A_197 = arith.constant 0 : i32
      %dma_wait3A_198 = arith.constant 0 : i32
      %dma_wait3A_199 = tpu.memref_slice %arg8[%dma_wait3A_197, %dma_wait3A_198] : memref<48x128xi32, #tpu.memory_space<vmem>> -> memref<36x128xi32, #tpu.memory_space<vmem>>
      %dma_wait3A_200 = arith.constant 0 : i32
      %dma_wait3A_201 = arith.constant 0 : i32
      %dma_wait3A_202 = tpu.memref_slice %arg4[%dma_wait3A_200, %dma_wait3A_201] : memref<1280x128xi32, #tpu.memory_space<hbm>> -> memref<36x128xi32, #tpu.memory_space<hbm>>
      %dma_wait3A_203 = arith.constant 0 : i32
      %dma_wait3A_204 = arith.constant 0 : i32
      %dma_wait3A_205 = tpu.memref_slice %arg8[%dma_wait3A_203, %dma_wait3A_204] : memref<48x128xi32, #tpu.memory_space<vmem>> -> memref<36x128xi32, #tpu.memory_space<vmem>>
      %dma_wait3A_206 = arith.constant 0 : i32
      %dma_wait3A_207 = arith.constant 0 : i32
      %dma_wait3A_208 = tpu.memref_slice %arg4[%dma_wait3A_206, %dma_wait3A_207] : memref<1280x128xi32, #tpu.memory_space<hbm>> -> memref<36x128xi32, #tpu.memory_space<hbm>>
      tpu.wait_dma2 semaphore(%arg12 : memref<!tpu.dma_semaphore, #tpu.memory_space<semaphore_mem>>) src(%dma_wait3A_208 : memref<36x128xi32, #tpu.memory_space<hbm>>) dst(%dma_wait3A_205 : memref<36x128xi32, #tpu.memory_space<vmem>>)
    } else {
    }
    %dma_start3A = arith.constant 0 : i32
    %dma_start3A_11 = tpu.memref_slice %arg11[%mul3A_0, %dma_start3A] : memref<10112x16xf32, #tpu.memory_space<vmem_shared>> -> memref<632x16xf32, #tpu.memory_space<vmem_shared>>
    %dma_start3A_12 = arith.constant 0 : i32
    %dma_start3A_13 = tpu.memref_slice %arg2[%mul3A_0, %dma_start3A_12] : memref<10112x16xf32, #tpu.memory_space<hbm>> -> memref<632x16xf32, #tpu.memory_space<hbm>>
    tpu.enqueue_dma source(%dma_start3A_13 : memref<632x16xf32, #tpu.memory_space<hbm>>) target(%dma_start3A_11 : memref<632x16xf32, #tpu.memory_space<vmem_shared>>) target_semaphore(%arg12 : memref<!tpu.dma_semaphore, #tpu.memory_space<semaphore_mem>>)
    "tpu.region"() ({
      %run_scoped3A = tpu.sem_alloc : memref<!tpu.dma_semaphore, #tpu.memory_space<semaphore_mem>>
      %dma_start3A_157 = arith.constant 0 : i32
      %dma_start3A_158 = tpu.memref_slice %arg10[%mul3A_0, %dma_start3A_157] : memref<10112x16xf32, #tpu.memory_space<vmem_shared>> -> memref<632x16xf32, #tpu.memory_space<vmem_shared>>
      %dma_start3A_159 = arith.constant 0 : i32
      %dma_start3A_160 = tpu.memref_slice %arg5[%mul3A_0, %dma_start3A_159] : memref<10112x16xf32, #tpu.memory_space<hbm>> -> memref<632x16xf32, #tpu.memory_space<hbm>>
      tpu.enqueue_dma source(%dma_start3A_160 : memref<632x16xf32, #tpu.memory_space<hbm>>) target(%dma_start3A_158 : memref<632x16xf32, #tpu.memory_space<vmem_shared>>) target_semaphore(%run_scoped3A : memref<!tpu.dma_semaphore, #tpu.memory_space<semaphore_mem>>)
      %dma_wait3A_161 = arith.constant 0 : i32
      %dma_wait3A_162 = tpu.memref_slice %arg10[%mul3A_0, %dma_wait3A_161] : memref<10112x16xf32, #tpu.memory_space<vmem_shared>> -> memref<632x16xf32, #tpu.memory_space<vmem_shared>>
      %dma_wait3A_163 = arith.constant 0 : i32
      %dma_wait3A_164 = tpu.memref_slice %arg5[%mul3A_0, %dma_wait3A_163] : memref<10112x16xf32, #tpu.memory_space<hbm>> -> memref<632x16xf32, #tpu.memory_space<hbm>>
      tpu.wait_dma2 semaphore(%run_scoped3A : memref<!tpu.dma_semaphore, #tpu.memory_space<semaphore_mem>>) src(%dma_wait3A_164 : memref<632x16xf32, #tpu.memory_space<hbm>>) dst(%dma_wait3A_162 : memref<632x16xf32, #tpu.memory_space<vmem_shared>>)
      tpu.yield
    }) : () -> ()
    %dma_wait3A = arith.constant 0 : i32
    %dma_wait3A_14 = tpu.memref_slice %arg11[%mul3A_0, %dma_wait3A] : memref<10112x16xf32, #tpu.memory_space<vmem_shared>> -> memref<632x16xf32, #tpu.memory_space<vmem_shared>>
    %dma_wait3A_15 = arith.constant 0 : i32
    %dma_wait3A_16 = tpu.memref_slice %arg2[%mul3A_0, %dma_wait3A_15] : memref<10112x16xf32, #tpu.memory_space<hbm>> -> memref<632x16xf32, #tpu.memory_space<hbm>>
    tpu.wait_dma2 semaphore(%arg12 : memref<!tpu.dma_semaphore, #tpu.memory_space<semaphore_mem>>) src(%dma_wait3A_16 : memref<632x16xf32, #tpu.memory_space<hbm>>) dst(%dma_wait3A_14 : memref<632x16xf32, #tpu.memory_space<vmem_shared>>)
    %barrier3A = arith.constant 0 : index
    tpu.barrier barrier_id(%barrier3A)
    %dma_start3A_17 = arith.constant 0 : i32
    %dma_start3A_18 = arith.constant 0 : i32
    %dma_start3A_19 = arith.constant 0 : i32
    %dma_start3A_20 = arith.constant 0 : i32
    %dma_start3A_21 = tpu.memref_slice %arg9[%dma_start3A_18, %dma_start3A_19, %dma_start3A_20] : memref<8x128x16xf32, #tpu.memory_space<vmem>> -> memref<1x128x16xf32, #tpu.memory_space<vmem>>
    %dma_start3A_22 = tpu.memref_squeeze %dma_start3A_21 : memref<1x128x16xf32, #tpu.memory_space<vmem>> -> memref<128x16xf32, #tpu.memory_space<vmem>>
    %dma_start3A_23 = arith.constant 0 : i32
    %dma_start3A_24 = tpu.memref_slice %arg7[%dma_start3A_17, %dma_start3A_23] : memref<48x128xi32, #tpu.memory_space<vmem>> -> memref<1x128xi32, #tpu.memory_space<vmem>>
    %dma_start3A_25 = tpu.memref_squeeze %dma_start3A_24 : memref<1x128xi32, #tpu.memory_space<vmem>> -> memref<128xi32, #tpu.memory_space<vmem>>
    %dma_start3A_26 = arith.constant 0 : i32
    %dma_start3A_27 = arith.constant 0 : i32
    %dma_start3A_28 = tpu.memref_slice %arg11[%dma_start3A_26, %dma_start3A_27] : memref<10112x16xf32, #tpu.memory_space<vmem_shared>> -> memref<10112x16xf32, #tpu.memory_space<vmem_shared>>
    tpu.enqueue_indirect_dma source(%dma_start3A_28 : memref<10112x16xf32, #tpu.memory_space<vmem_shared>>) target(%dma_start3A_22 : memref<128x16xf32, #tpu.memory_space<vmem>>) offsets(%dma_start3A_25 : memref<128xi32, #tpu.memory_space<vmem>>) semaphore(%arg13 : memref<!tpu.dma_semaphore, #tpu.memory_space<semaphore_mem>>)
    %dma_start3A_29 = arith.constant 1 : i32
    %dma_start3A_30 = arith.constant 1 : i32
    %dma_start3A_31 = arith.constant 0 : i32
    %dma_start3A_32 = arith.constant 0 : i32
    %dma_start3A_33 = tpu.memref_slice %arg9[%dma_start3A_30, %dma_start3A_31, %dma_start3A_32] : memref<8x128x16xf32, #tpu.memory_space<vmem>> -> memref<1x128x16xf32, #tpu.memory_space<vmem>>
    %dma_start3A_34 = tpu.memref_squeeze %dma_start3A_33 : memref<1x128x16xf32, #tpu.memory_space<vmem>> -> memref<128x16xf32, #tpu.memory_space<vmem>>
    %dma_start3A_35 = arith.constant 0 : i32
    %dma_start3A_36 = tpu.memref_slice %arg7[%dma_start3A_29, %dma_start3A_35] : memref<48x128xi32, #tpu.memory_space<vmem>> -> memref<1x128xi32, #tpu.memory_space<vmem>>
    %dma_start3A_37 = tpu.memref_squeeze %dma_start3A_36 : memref<1x128xi32, #tpu.memory_space<vmem>> -> memref<128xi32, #tpu.memory_space<vmem>>
    %dma_start3A_38 = arith.constant 0 : i32
    %dma_start3A_39 = arith.constant 0 : i32
    %dma_start3A_40 = tpu.memref_slice %arg11[%dma_start3A_38, %dma_start3A_39] : memref<10112x16xf32, #tpu.memory_space<vmem_shared>> -> memref<10112x16xf32, #tpu.memory_space<vmem_shared>>
    tpu.enqueue_indirect_dma source(%dma_start3A_40 : memref<10112x16xf32, #tpu.memory_space<vmem_shared>>) target(%dma_start3A_34 : memref<128x16xf32, #tpu.memory_space<vmem>>) offsets(%dma_start3A_37 : memref<128xi32, #tpu.memory_space<vmem>>) semaphore(%arg14 : memref<!tpu.dma_semaphore, #tpu.memory_space<semaphore_mem>>)
    %dma_start3A_41 = arith.constant 2 : i32
    %dma_start3A_42 = arith.constant 2 : i32
    %dma_start3A_43 = arith.constant 0 : i32
    %dma_start3A_44 = arith.constant 0 : i32
    %dma_start3A_45 = tpu.memref_slice %arg9[%dma_start3A_42, %dma_start3A_43, %dma_start3A_44] : memref<8x128x16xf32, #tpu.memory_space<vmem>> -> memref<1x128x16xf32, #tpu.memory_space<vmem>>
    %dma_start3A_46 = tpu.memref_squeeze %dma_start3A_45 : memref<1x128x16xf32, #tpu.memory_space<vmem>> -> memref<128x16xf32, #tpu.memory_space<vmem>>
    %dma_start3A_47 = arith.constant 0 : i32
    %dma_start3A_48 = tpu.memref_slice %arg7[%dma_start3A_41, %dma_start3A_47] : memref<48x128xi32, #tpu.memory_space<vmem>> -> memref<1x128xi32, #tpu.memory_space<vmem>>
    %dma_start3A_49 = tpu.memref_squeeze %dma_start3A_48 : memref<1x128xi32, #tpu.memory_space<vmem>> -> memref<128xi32, #tpu.memory_space<vmem>>
    %dma_start3A_50 = arith.constant 0 : i32
    %dma_start3A_51 = arith.constant 0 : i32
    %dma_start3A_52 = tpu.memref_slice %arg11[%dma_start3A_50, %dma_start3A_51] : memref<10112x16xf32, #tpu.memory_space<vmem_shared>> -> memref<10112x16xf32, #tpu.memory_space<vmem_shared>>
    tpu.enqueue_indirect_dma source(%dma_start3A_52 : memref<10112x16xf32, #tpu.memory_space<vmem_shared>>) target(%dma_start3A_46 : memref<128x16xf32, #tpu.memory_space<vmem>>) offsets(%dma_start3A_49 : memref<128xi32, #tpu.memory_space<vmem>>) semaphore(%arg15 : memref<!tpu.dma_semaphore, #tpu.memory_space<semaphore_mem>>)
    %scan3A = arith.constant 0 : i32
    %scan3A_53 = arith.constant 0 : i32
    %scan3A_54 = arith.constant 6 : i32
    %scan3A_55 = arith.addi %scan3A_53, %scan3A_54 : i32
    %scan3A_56 = arith.constant 1 : i32
    scf.for %scan3A_157 = %scan3A_53 to %scan3A_55 step %scan3A_56  : i32 {
      %mul3A_158 = arith.constant 8 : i32
      %mul3A_159 = arith.muli %scan3A_157, %mul3A_158 : i32
      %add3A_160 = arith.constant 0 : i32
      %add3A_161 = arith.addi %mul3A_159, %add3A_160 : i32
      %sub3A = arith.constant 1 : i32
      %sub3A_162 = arith.subi %select_n3A, %sub3A : i32
      %le3A = arith.cmpi sle, %add3A_161, %sub3A_162 : i32
      %convert_element_type3A_163 = arith.extui %le3A : i1 to i32
      %cond3A_164 = arith.constant 0 : i32
      %cond3A_165 = arith.cmpi ne, %convert_element_type3A_163, %cond3A_164 : i32
      scf.if %cond3A_165 {
        %dma_wait3A_236 = arith.constant 0 : i32
        %dma_wait3A_237 = arith.constant 0 : i32
        %dma_wait3A_238 = arith.constant 0 : i32
        %dma_wait3A_239 = tpu.memref_slice %arg9[%dma_wait3A_236, %dma_wait3A_237, %dma_wait3A_238] : memref<8x128x16xf32, #tpu.memory_space<vmem>> -> memref<1x128x16xf32, #tpu.memory_space<vmem>>
        %dma_wait3A_240 = tpu.memref_squeeze %dma_wait3A_239 : memref<1x128x16xf32, #tpu.memory_space<vmem>> -> memref<128x16xf32, #tpu.memory_space<vmem>>
        %dma_wait3A_241 = arith.constant 0 : i32
        %dma_wait3A_242 = tpu.memref_slice %arg7[%add3A_161, %dma_wait3A_241] : memref<48x128xi32, #tpu.memory_space<vmem>> -> memref<1x128xi32, #tpu.memory_space<vmem>>
        %dma_wait3A_243 = tpu.memref_squeeze %dma_wait3A_242 : memref<1x128xi32, #tpu.memory_space<vmem>> -> memref<128xi32, #tpu.memory_space<vmem>>
        %dma_wait3A_244 = arith.constant 0 : i32
        %dma_wait3A_245 = arith.constant 0 : i32
        %dma_wait3A_246 = tpu.memref_slice %arg11[%dma_wait3A_244, %dma_wait3A_245] : memref<10112x16xf32, #tpu.memory_space<vmem_shared>> -> memref<10112x16xf32, #tpu.memory_space<vmem_shared>>
        tpu.wait_indirect_dma semaphore(%arg13 : memref<!tpu.dma_semaphore, #tpu.memory_space<semaphore_mem>>) src(%dma_wait3A_246 : memref<10112x16xf32, #tpu.memory_space<vmem_shared>>) dst(%dma_wait3A_240 : memref<128x16xf32, #tpu.memory_space<vmem>>)
        %dma_start3A_247 = arith.constant 0 : i32
        %dma_start3A_248 = arith.constant 0 : i32
        %dma_start3A_249 = arith.constant 0 : i32
        %dma_start3A_250 = tpu.memref_slice %arg9[%dma_start3A_247, %dma_start3A_248, %dma_start3A_249] : memref<8x128x16xf32, #tpu.memory_space<vmem>> -> memref<1x128x16xf32, #tpu.memory_space<vmem>>
        %dma_start3A_251 = tpu.memref_squeeze %dma_start3A_250 : memref<1x128x16xf32, #tpu.memory_space<vmem>> -> memref<128x16xf32, #tpu.memory_space<vmem>>
        %dma_start3A_252 = arith.constant 0 : i32
        %dma_start3A_253 = tpu.memref_slice %arg8[%add3A_161, %dma_start3A_252] : memref<48x128xi32, #tpu.memory_space<vmem>> -> memref<1x128xi32, #tpu.memory_space<vmem>>
        %dma_start3A_254 = tpu.memref_squeeze %dma_start3A_253 : memref<1x128xi32, #tpu.memory_space<vmem>> -> memref<128xi32, #tpu.memory_space<vmem>>
        %dma_start3A_255 = arith.constant 0 : i32
        %dma_start3A_256 = arith.constant 0 : i32
        %dma_start3A_257 = tpu.memref_slice %arg10[%dma_start3A_255, %dma_start3A_256] : memref<10112x16xf32, #tpu.memory_space<vmem_shared>> -> memref<10112x16xf32, #tpu.memory_space<vmem_shared>>
        tpu.enqueue_indirect_dma source(%dma_start3A_251 : memref<128x16xf32, #tpu.memory_space<vmem>>) target(%dma_start3A_257 : memref<10112x16xf32, #tpu.memory_space<vmem_shared>>) offsets(%dma_start3A_254 : memref<128xi32, #tpu.memory_space<vmem>>) semaphore(%arg21 : memref<!tpu.dma_semaphore, #tpu.memory_space<semaphore_mem>>) {add = true}
        %add3A_258 = arith.constant 3 : i32
        %add3A_259 = arith.addi %add3A_161, %add3A_258 : i32
        %sub3A_260 = arith.constant 1 : i32
        %sub3A_261 = arith.subi %select_n3A, %sub3A_260 : i32
        %le3A_262 = arith.cmpi sle, %add3A_259, %sub3A_261 : i32
        %convert_element_type3A_263 = arith.extui %le3A_262 : i1 to i32
        %cond3A_264 = arith.constant 0 : i32
        %cond3A_265 = arith.cmpi ne, %convert_element_type3A_263, %cond3A_264 : i32
        scf.if %cond3A_265 {
          %ge3A = arith.constant 8 : i32
          %ge3A_266 = arith.cmpi sge, %add3A_259, %ge3A : i32
          %convert_element_type3A_267 = arith.extui %ge3A_266 : i1 to i32
          %cond3A_268 = arith.constant 0 : i32
          %cond3A_269 = arith.cmpi ne, %convert_element_type3A_267, %cond3A_268 : i32
          scf.if %cond3A_269 {
            %dma_wait3A_281 = arith.constant 3 : i32
            %dma_wait3A_282 = arith.constant 0 : i32
            %dma_wait3A_283 = arith.constant 0 : i32
            %dma_wait3A_284 = arith.constant 0 : i32
            %dma_wait3A_285 = tpu.memref_slice %arg9[%dma_wait3A_281, %dma_wait3A_283, %dma_wait3A_284] : memref<8x128x16xf32, #tpu.memory_space<vmem>> -> memref<1x128x16xf32, #tpu.memory_space<vmem>>
            %dma_wait3A_286 = tpu.memref_squeeze %dma_wait3A_285 : memref<1x128x16xf32, #tpu.memory_space<vmem>> -> memref<128x16xf32, #tpu.memory_space<vmem>>
            %dma_wait3A_287 = arith.constant 0 : i32
            %dma_wait3A_288 = tpu.memref_slice %arg8[%dma_wait3A_282, %dma_wait3A_287] : memref<48x128xi32, #tpu.memory_space<vmem>> -> memref<1x128xi32, #tpu.memory_space<vmem>>
            %dma_wait3A_289 = tpu.memref_squeeze %dma_wait3A_288 : memref<1x128xi32, #tpu.memory_space<vmem>> -> memref<128xi32, #tpu.memory_space<vmem>>
            %dma_wait3A_290 = arith.constant 0 : i32
            %dma_wait3A_291 = arith.constant 0 : i32
            %dma_wait3A_292 = tpu.memref_slice %arg10[%dma_wait3A_290, %dma_wait3A_291] : memref<10112x16xf32, #tpu.memory_space<vmem_shared>> -> memref<10112x16xf32, #tpu.memory_space<vmem_shared>>
            tpu.wait_indirect_dma semaphore(%arg24 : memref<!tpu.dma_semaphore, #tpu.memory_space<semaphore_mem>>) src(%dma_wait3A_286 : memref<128x16xf32, #tpu.memory_space<vmem>>) dst(%dma_wait3A_292 : memref<10112x16xf32, #tpu.memory_space<vmem_shared>>)
          } else {
          }
          %dma_start3A_270 = arith.constant 3 : i32
          %dma_start3A_271 = arith.constant 0 : i32
          %dma_start3A_272 = arith.constant 0 : i32
          %dma_start3A_273 = tpu.memref_slice %arg9[%dma_start3A_270, %dma_start3A_271, %dma_start3A_272] : memref<8x128x16xf32, #tpu.memory_space<vmem>> -> memref<1x128x16xf32, #tpu.memory_space<vmem>>
          %dma_start3A_274 = tpu.memref_squeeze %dma_start3A_273 : memref<1x128x16xf32, #tpu.memory_space<vmem>> -> memref<128x16xf32, #tpu.memory_space<vmem>>
          %dma_start3A_275 = arith.constant 0 : i32
          %dma_start3A_276 = tpu.memref_slice %arg7[%add3A_259, %dma_start3A_275] : memref<48x128xi32, #tpu.memory_space<vmem>> -> memref<1x128xi32, #tpu.memory_space<vmem>>
          %dma_start3A_277 = tpu.memref_squeeze %dma_start3A_276 : memref<1x128xi32, #tpu.memory_space<vmem>> -> memref<128xi32, #tpu.memory_space<vmem>>
          %dma_start3A_278 = arith.constant 0 : i32
          %dma_start3A_279 = arith.constant 0 : i32
          %dma_start3A_280 = tpu.memref_slice %arg11[%dma_start3A_278, %dma_start3A_279] : memref<10112x16xf32, #tpu.memory_space<vmem_shared>> -> memref<10112x16xf32, #tpu.memory_space<vmem_shared>>
          tpu.enqueue_indirect_dma source(%dma_start3A_280 : memref<10112x16xf32, #tpu.memory_space<vmem_shared>>) target(%dma_start3A_274 : memref<128x16xf32, #tpu.memory_space<vmem>>) offsets(%dma_start3A_277 : memref<128xi32, #tpu.memory_space<vmem>>) semaphore(%arg16 : memref<!tpu.dma_semaphore, #tpu.memory_space<semaphore_mem>>)
        } else {
        }
      } else {
      }
      %mul3A_166 = arith.constant 8 : i32
      %mul3A_167 = arith.muli %scan3A_157, %mul3A_166 : i32
      %add3A_168 = arith.constant 1 : i32
      %add3A_169 = arith.addi %mul3A_167, %add3A_168 : i32
      %sub3A_170 = arith.constant 1 : i32
      %sub3A_171 = arith.subi %select_n3A, %sub3A_170 : i32
      %le3A_172 = arith.cmpi sle, %add3A_169, %sub3A_171 : i32
      %convert_element_type3A_173 = arith.extui %le3A_172 : i1 to i32
      %cond3A_174 = arith.constant 0 : i32
      %cond3A_175 = arith.cmpi ne, %convert_element_type3A_173, %cond3A_174 : i32
      scf.if %cond3A_175 {
        %dma_wait3A_236 = arith.constant 1 : i32
        %dma_wait3A_237 = arith.constant 0 : i32
        %dma_wait3A_238 = arith.constant 0 : i32
        %dma_wait3A_239 = tpu.memref_slice %arg9[%dma_wait3A_236, %dma_wait3A_237, %dma_wait3A_238] : memref<8x128x16xf32, #tpu.memory_space<vmem>> -> memref<1x128x16xf32, #tpu.memory_space<vmem>>
        %dma_wait3A_240 = tpu.memref_squeeze %dma_wait3A_239 : memref<1x128x16xf32, #tpu.memory_space<vmem>> -> memref<128x16xf32, #tpu.memory_space<vmem>>
        %dma_wait3A_241 = arith.constant 0 : i32
        %dma_wait3A_242 = tpu.memref_slice %arg7[%add3A_169, %dma_wait3A_241] : memref<48x128xi32, #tpu.memory_space<vmem>> -> memref<1x128xi32, #tpu.memory_space<vmem>>
        %dma_wait3A_243 = tpu.memref_squeeze %dma_wait3A_242 : memref<1x128xi32, #tpu.memory_space<vmem>> -> memref<128xi32, #tpu.memory_space<vmem>>
        %dma_wait3A_244 = arith.constant 0 : i32
        %dma_wait3A_245 = arith.constant 0 : i32
        %dma_wait3A_246 = tpu.memref_slice %arg11[%dma_wait3A_244, %dma_wait3A_245] : memref<10112x16xf32, #tpu.memory_space<vmem_shared>> -> memref<10112x16xf32, #tpu.memory_space<vmem_shared>>
        tpu.wait_indirect_dma semaphore(%arg14 : memref<!tpu.dma_semaphore, #tpu.memory_space<semaphore_mem>>) src(%dma_wait3A_246 : memref<10112x16xf32, #tpu.memory_space<vmem_shared>>) dst(%dma_wait3A_240 : memref<128x16xf32, #tpu.memory_space<vmem>>)
        %dma_start3A_247 = arith.constant 1 : i32
        %dma_start3A_248 = arith.constant 0 : i32
        %dma_start3A_249 = arith.constant 0 : i32
        %dma_start3A_250 = tpu.memref_slice %arg9[%dma_start3A_247, %dma_start3A_248, %dma_start3A_249] : memref<8x128x16xf32, #tpu.memory_space<vmem>> -> memref<1x128x16xf32, #tpu.memory_space<vmem>>
        %dma_start3A_251 = tpu.memref_squeeze %dma_start3A_250 : memref<1x128x16xf32, #tpu.memory_space<vmem>> -> memref<128x16xf32, #tpu.memory_space<vmem>>
        %dma_start3A_252 = arith.constant 0 : i32
        %dma_start3A_253 = tpu.memref_slice %arg8[%add3A_169, %dma_start3A_252] : memref<48x128xi32, #tpu.memory_space<vmem>> -> memref<1x128xi32, #tpu.memory_space<vmem>>
        %dma_start3A_254 = tpu.memref_squeeze %dma_start3A_253 : memref<1x128xi32, #tpu.memory_space<vmem>> -> memref<128xi32, #tpu.memory_space<vmem>>
        %dma_start3A_255 = arith.constant 0 : i32
        %dma_start3A_256 = arith.constant 0 : i32
        %dma_start3A_257 = tpu.memref_slice %arg10[%dma_start3A_255, %dma_start3A_256] : memref<10112x16xf32, #tpu.memory_space<vmem_shared>> -> memref<10112x16xf32, #tpu.memory_space<vmem_shared>>
        tpu.enqueue_indirect_dma source(%dma_start3A_251 : memref<128x16xf32, #tpu.memory_space<vmem>>) target(%dma_start3A_257 : memref<10112x16xf32, #tpu.memory_space<vmem_shared>>) offsets(%dma_start3A_254 : memref<128xi32, #tpu.memory_space<vmem>>) semaphore(%arg22 : memref<!tpu.dma_semaphore, #tpu.memory_space<semaphore_mem>>) {add = true}
        %add3A_258 = arith.constant 3 : i32
        %add3A_259 = arith.addi %add3A_169, %add3A_258 : i32
        %sub3A_260 = arith.constant 1 : i32
        %sub3A_261 = arith.subi %select_n3A, %sub3A_260 : i32
        %le3A_262 = arith.cmpi sle, %add3A_259, %sub3A_261 : i32
        %convert_element_type3A_263 = arith.extui %le3A_262 : i1 to i32
        %cond3A_264 = arith.constant 0 : i32
        %cond3A_265 = arith.cmpi ne, %convert_element_type3A_263, %cond3A_264 : i32
        scf.if %cond3A_265 {
          %ge3A = arith.constant 8 : i32
          %ge3A_266 = arith.cmpi sge, %add3A_259, %ge3A : i32
          %convert_element_type3A_267 = arith.extui %ge3A_266 : i1 to i32
          %cond3A_268 = arith.constant 0 : i32
          %cond3A_269 = arith.cmpi ne, %convert_element_type3A_267, %cond3A_268 : i32
          scf.if %cond3A_269 {
            %dma_wait3A_281 = arith.constant 4 : i32
            %dma_wait3A_282 = arith.constant 0 : i32
            %dma_wait3A_283 = arith.constant 0 : i32
            %dma_wait3A_284 = arith.constant 0 : i32
            %dma_wait3A_285 = tpu.memref_slice %arg9[%dma_wait3A_281, %dma_wait3A_283, %dma_wait3A_284] : memref<8x128x16xf32, #tpu.memory_space<vmem>> -> memref<1x128x16xf32, #tpu.memory_space<vmem>>
            %dma_wait3A_286 = tpu.memref_squeeze %dma_wait3A_285 : memref<1x128x16xf32, #tpu.memory_space<vmem>> -> memref<128x16xf32, #tpu.memory_space<vmem>>
            %dma_wait3A_287 = arith.constant 0 : i32
            %dma_wait3A_288 = tpu.memref_slice %arg8[%dma_wait3A_282, %dma_wait3A_287] : memref<48x128xi32, #tpu.memory_space<vmem>> -> memref<1x128xi32, #tpu.memory_space<vmem>>
            %dma_wait3A_289 = tpu.memref_squeeze %dma_wait3A_288 : memref<1x128xi32, #tpu.memory_space<vmem>> -> memref<128xi32, #tpu.memory_space<vmem>>
            %dma_wait3A_290 = arith.constant 0 : i32
            %dma_wait3A_291 = arith.constant 0 : i32
            %dma_wait3A_292 = tpu.memref_slice %arg10[%dma_wait3A_290, %dma_wait3A_291] : memref<10112x16xf32, #tpu.memory_space<vmem_shared>> -> memref<10112x16xf32, #tpu.memory_space<vmem_shared>>
            tpu.wait_indirect_dma semaphore(%arg25 : memref<!tpu.dma_semaphore, #tpu.memory_space<semaphore_mem>>) src(%dma_wait3A_286 : memref<128x16xf32, #tpu.memory_space<vmem>>) dst(%dma_wait3A_292 : memref<10112x16xf32, #tpu.memory_space<vmem_shared>>)
          } else {
          }
          %dma_start3A_270 = arith.constant 4 : i32
          %dma_start3A_271 = arith.constant 0 : i32
          %dma_start3A_272 = arith.constant 0 : i32
          %dma_start3A_273 = tpu.memref_slice %arg9[%dma_start3A_270, %dma_start3A_271, %dma_start3A_272] : memref<8x128x16xf32, #tpu.memory_space<vmem>> -> memref<1x128x16xf32, #tpu.memory_space<vmem>>
          %dma_start3A_274 = tpu.memref_squeeze %dma_start3A_273 : memref<1x128x16xf32, #tpu.memory_space<vmem>> -> memref<128x16xf32, #tpu.memory_space<vmem>>
          %dma_start3A_275 = arith.constant 0 : i32
          %dma_start3A_276 = tpu.memref_slice %arg7[%add3A_259, %dma_start3A_275] : memref<48x128xi32, #tpu.memory_space<vmem>> -> memref<1x128xi32, #tpu.memory_space<vmem>>
          %dma_start3A_277 = tpu.memref_squeeze %dma_start3A_276 : memref<1x128xi32, #tpu.memory_space<vmem>> -> memref<128xi32, #tpu.memory_space<vmem>>
          %dma_start3A_278 = arith.constant 0 : i32
          %dma_start3A_279 = arith.constant 0 : i32
          %dma_start3A_280 = tpu.memref_slice %arg11[%dma_start3A_278, %dma_start3A_279] : memref<10112x16xf32, #tpu.memory_space<vmem_shared>> -> memref<10112x16xf32, #tpu.memory_space<vmem_shared>>
          tpu.enqueue_indirect_dma source(%dma_start3A_280 : memref<10112x16xf32, #tpu.memory_space<vmem_shared>>) target(%dma_start3A_274 : memref<128x16xf32, #tpu.memory_space<vmem>>) offsets(%dma_start3A_277 : memref<128xi32, #tpu.memory_space<vmem>>) semaphore(%arg17 : memref<!tpu.dma_semaphore, #tpu.memory_space<semaphore_mem>>)
        } else {
        }
      } else {
      }
      %mul3A_176 = arith.constant 8 : i32
      %mul3A_177 = arith.muli %scan3A_157, %mul3A_176 : i32
      %add3A_178 = arith.constant 2 : i32
      %add3A_179 = arith.addi %mul3A_177, %add3A_178 : i32
      %sub3A_180 = arith.constant 1 : i32
      %sub3A_181 = arith.subi %select_n3A, %sub3A_180 : i32
      %le3A_182 = arith.cmpi sle, %add3A_179, %sub3A_181 : i32
      %convert_element_type3A_183 = arith.extui %le3A_182 : i1 to i32
      %cond3A_184 = arith.constant 0 : i32
      %cond3A_185 = arith.cmpi ne, %convert_element_type3A_183, %cond3A_184 : i32
      scf.if %cond3A_185 {
        %dma_wait3A_236 = arith.constant 2 : i32
        %dma_wait3A_237 = arith.constant 0 : i32
        %dma_wait3A_238 = arith.constant 0 : i32
        %dma_wait3A_239 = tpu.memref_slice %arg9[%dma_wait3A_236, %dma_wait3A_237, %dma_wait3A_238] : memref<8x128x16xf32, #tpu.memory_space<vmem>> -> memref<1x128x16xf32, #tpu.memory_space<vmem>>
        %dma_wait3A_240 = tpu.memref_squeeze %dma_wait3A_239 : memref<1x128x16xf32, #tpu.memory_space<vmem>> -> memref<128x16xf32, #tpu.memory_space<vmem>>
        %dma_wait3A_241 = arith.constant 0 : i32
        %dma_wait3A_242 = tpu.memref_slice %arg7[%add3A_179, %dma_wait3A_241] : memref<48x128xi32, #tpu.memory_space<vmem>> -> memref<1x128xi32, #tpu.memory_space<vmem>>
        %dma_wait3A_243 = tpu.memref_squeeze %dma_wait3A_242 : memref<1x128xi32, #tpu.memory_space<vmem>> -> memref<128xi32, #tpu.memory_space<vmem>>
        %dma_wait3A_244 = arith.constant 0 : i32
        %dma_wait3A_245 = arith.constant 0 : i32
        %dma_wait3A_246 = tpu.memref_slice %arg11[%dma_wait3A_244, %dma_wait3A_245] : memref<10112x16xf32, #tpu.memory_space<vmem_shared>> -> memref<10112x16xf32, #tpu.memory_space<vmem_shared>>
        tpu.wait_indirect_dma semaphore(%arg15 : memref<!tpu.dma_semaphore, #tpu.memory_space<semaphore_mem>>) src(%dma_wait3A_246 : memref<10112x16xf32, #tpu.memory_space<vmem_shared>>) dst(%dma_wait3A_240 : memref<128x16xf32, #tpu.memory_space<vmem>>)
        %dma_start3A_247 = arith.constant 2 : i32
        %dma_start3A_248 = arith.constant 0 : i32
        %dma_start3A_249 = arith.constant 0 : i32
        %dma_start3A_250 = tpu.memref_slice %arg9[%dma_start3A_247, %dma_start3A_248, %dma_start3A_249] : memref<8x128x16xf32, #tpu.memory_space<vmem>> -> memref<1x128x16xf32, #tpu.memory_space<vmem>>
        %dma_start3A_251 = tpu.memref_squeeze %dma_start3A_250 : memref<1x128x16xf32, #tpu.memory_space<vmem>> -> memref<128x16xf32, #tpu.memory_space<vmem>>
        %dma_start3A_252 = arith.constant 0 : i32
        %dma_start3A_253 = tpu.memref_slice %arg8[%add3A_179, %dma_start3A_252] : memref<48x128xi32, #tpu.memory_space<vmem>> -> memref<1x128xi32, #tpu.memory_space<vmem>>
        %dma_start3A_254 = tpu.memref_squeeze %dma_start3A_253 : memref<1x128xi32, #tpu.memory_space<vmem>> -> memref<128xi32, #tpu.memory_space<vmem>>
        %dma_start3A_255 = arith.constant 0 : i32
        %dma_start3A_256 = arith.constant 0 : i32
        %dma_start3A_257 = tpu.memref_slice %arg10[%dma_start3A_255, %dma_start3A_256] : memref<10112x16xf32, #tpu.memory_space<vmem_shared>> -> memref<10112x16xf32, #tpu.memory_space<vmem_shared>>
        tpu.enqueue_indirect_dma source(%dma_start3A_251 : memref<128x16xf32, #tpu.memory_space<vmem>>) target(%dma_start3A_257 : memref<10112x16xf32, #tpu.memory_space<vmem_shared>>) offsets(%dma_start3A_254 : memref<128xi32, #tpu.memory_space<vmem>>) semaphore(%arg23 : memref<!tpu.dma_semaphore, #tpu.memory_space<semaphore_mem>>) {add = true}
        %add3A_258 = arith.constant 3 : i32
        %add3A_259 = arith.addi %add3A_179, %add3A_258 : i32
        %sub3A_260 = arith.constant 1 : i32
        %sub3A_261 = arith.subi %select_n3A, %sub3A_260 : i32
        %le3A_262 = arith.cmpi sle, %add3A_259, %sub3A_261 : i32
        %convert_element_type3A_263 = arith.extui %le3A_262 : i1 to i32
        %cond3A_264 = arith.constant 0 : i32
        %cond3A_265 = arith.cmpi ne, %convert_element_type3A_263, %cond3A_264 : i32
        scf.if %cond3A_265 {
          %ge3A = arith.constant 8 : i32
          %ge3A_266 = arith.cmpi sge, %add3A_259, %ge3A : i32
          %convert_element_type3A_267 = arith.extui %ge3A_266 : i1 to i32
          %cond3A_268 = arith.constant 0 : i32
          %cond3A_269 = arith.cmpi ne, %convert_element_type3A_267, %cond3A_268 : i32
          scf.if %cond3A_269 {
            %dma_wait3A_281 = arith.constant 5 : i32
            %dma_wait3A_282 = arith.constant 0 : i32
            %dma_wait3A_283 = arith.constant 0 : i32
            %dma_wait3A_284 = arith.constant 0 : i32
            %dma_wait3A_285 = tpu.memref_slice %arg9[%dma_wait3A_281, %dma_wait3A_283, %dma_wait3A_284] : memref<8x128x16xf32, #tpu.memory_space<vmem>> -> memref<1x128x16xf32, #tpu.memory_space<vmem>>
            %dma_wait3A_286 = tpu.memref_squeeze %dma_wait3A_285 : memref<1x128x16xf32, #tpu.memory_space<vmem>> -> memref<128x16xf32, #tpu.memory_space<vmem>>
            %dma_wait3A_287 = arith.constant 0 : i32
            %dma_wait3A_288 = tpu.memref_slice %arg8[%dma_wait3A_282, %dma_wait3A_287] : memref<48x128xi32, #tpu.memory_space<vmem>> -> memref<1x128xi32, #tpu.memory_space<vmem>>
            %dma_wait3A_289 = tpu.memref_squeeze %dma_wait3A_288 : memref<1x128xi32, #tpu.memory_space<vmem>> -> memref<128xi32, #tpu.memory_space<vmem>>
            %dma_wait3A_290 = arith.constant 0 : i32
            %dma_wait3A_291 = arith.constant 0 : i32
            %dma_wait3A_292 = tpu.memref_slice %arg10[%dma_wait3A_290, %dma_wait3A_291] : memref<10112x16xf32, #tpu.memory_space<vmem_shared>> -> memref<10112x16xf32, #tpu.memory_space<vmem_shared>>
            tpu.wait_indirect_dma semaphore(%arg26 : memref<!tpu.dma_semaphore, #tpu.memory_space<semaphore_mem>>) src(%dma_wait3A_286 : memref<128x16xf32, #tpu.memory_space<vmem>>) dst(%dma_wait3A_292 : memref<10112x16xf32, #tpu.memory_space<vmem_shared>>)
          } else {
          }
          %dma_start3A_270 = arith.constant 5 : i32
          %dma_start3A_271 = arith.constant 0 : i32
          %dma_start3A_272 = arith.constant 0 : i32
          %dma_start3A_273 = tpu.memref_slice %arg9[%dma_start3A_270, %dma_start3A_271, %dma_start3A_272] : memref<8x128x16xf32, #tpu.memory_space<vmem>> -> memref<1x128x16xf32, #tpu.memory_space<vmem>>
          %dma_start3A_274 = tpu.memref_squeeze %dma_start3A_273 : memref<1x128x16xf32, #tpu.memory_space<vmem>> -> memref<128x16xf32, #tpu.memory_space<vmem>>
          %dma_start3A_275 = arith.constant 0 : i32
          %dma_start3A_276 = tpu.memref_slice %arg7[%add3A_259, %dma_start3A_275] : memref<48x128xi32, #tpu.memory_space<vmem>> -> memref<1x128xi32, #tpu.memory_space<vmem>>
          %dma_start3A_277 = tpu.memref_squeeze %dma_start3A_276 : memref<1x128xi32, #tpu.memory_space<vmem>> -> memref<128xi32, #tpu.memory_space<vmem>>
          %dma_start3A_278 = arith.constant 0 : i32
          %dma_start3A_279 = arith.constant 0 : i32
          %dma_start3A_280 = tpu.memref_slice %arg11[%dma_start3A_278, %dma_start3A_279] : memref<10112x16xf32, #tpu.memory_space<vmem_shared>> -> memref<10112x16xf32, #tpu.memory_space<vmem_shared>>
          tpu.enqueue_indirect_dma source(%dma_start3A_280 : memref<10112x16xf32, #tpu.memory_space<vmem_shared>>) target(%dma_start3A_274 : memref<128x16xf32, #tpu.memory_space<vmem>>) offsets(%dma_start3A_277 : memref<128xi32, #tpu.memory_space<vmem>>) semaphore(%arg18 : memref<!tpu.dma_semaphore, #tpu.memory_space<semaphore_mem>>)
        } else {
        }
      } else {
      }
      %mul3A_186 = arith.constant 8 : i32
      %mul3A_187 = arith.muli %scan3A_157, %mul3A_186 : i32
      %add3A_188 = arith.constant 3 : i32
      %add3A_189 = arith.addi %mul3A_187, %add3A_188 : i32
      %sub3A_190 = arith.constant 1 : i32
      %sub3A_191 = arith.subi %select_n3A, %sub3A_190 : i32
      %le3A_192 = arith.cmpi sle, %add3A_189, %sub3A_191 : i32
      %convert_element_type3A_193 = arith.extui %le3A_192 : i1 to i32
      %cond3A_194 = arith.constant 0 : i32
      %cond3A_195 = arith.cmpi ne, %convert_element_type3A_193, %cond3A_194 : i32
      scf.if %cond3A_195 {
        %dma_wait3A_236 = arith.constant 3 : i32
        %dma_wait3A_237 = arith.constant 0 : i32
        %dma_wait3A_238 = arith.constant 0 : i32
        %dma_wait3A_239 = tpu.memref_slice %arg9[%dma_wait3A_236, %dma_wait3A_237, %dma_wait3A_238] : memref<8x128x16xf32, #tpu.memory_space<vmem>> -> memref<1x128x16xf32, #tpu.memory_space<vmem>>
        %dma_wait3A_240 = tpu.memref_squeeze %dma_wait3A_239 : memref<1x128x16xf32, #tpu.memory_space<vmem>> -> memref<128x16xf32, #tpu.memory_space<vmem>>
        %dma_wait3A_241 = arith.constant 0 : i32
        %dma_wait3A_242 = tpu.memref_slice %arg7[%add3A_189, %dma_wait3A_241] : memref<48x128xi32, #tpu.memory_space<vmem>> -> memref<1x128xi32, #tpu.memory_space<vmem>>
        %dma_wait3A_243 = tpu.memref_squeeze %dma_wait3A_242 : memref<1x128xi32, #tpu.memory_space<vmem>> -> memref<128xi32, #tpu.memory_space<vmem>>
        %dma_wait3A_244 = arith.constant 0 : i32
        %dma_wait3A_245 = arith.constant 0 : i32
        %dma_wait3A_246 = tpu.memref_slice %arg11[%dma_wait3A_244, %dma_wait3A_245] : memref<10112x16xf32, #tpu.memory_space<vmem_shared>> -> memref<10112x16xf32, #tpu.memory_space<vmem_shared>>
        tpu.wait_indirect_dma semaphore(%arg16 : memref<!tpu.dma_semaphore, #tpu.memory_space<semaphore_mem>>) src(%dma_wait3A_246 : memref<10112x16xf32, #tpu.memory_space<vmem_shared>>) dst(%dma_wait3A_240 : memref<128x16xf32, #tpu.memory_space<vmem>>)
        %dma_start3A_247 = arith.constant 3 : i32
        %dma_start3A_248 = arith.constant 0 : i32
        %dma_start3A_249 = arith.constant 0 : i32
        %dma_start3A_250 = tpu.memref_slice %arg9[%dma_start3A_247, %dma_start3A_248, %dma_start3A_249] : memref<8x128x16xf32, #tpu.memory_space<vmem>> -> memref<1x128x16xf32, #tpu.memory_space<vmem>>
        %dma_start3A_251 = tpu.memref_squeeze %dma_start3A_250 : memref<1x128x16xf32, #tpu.memory_space<vmem>> -> memref<128x16xf32, #tpu.memory_space<vmem>>
        %dma_start3A_252 = arith.constant 0 : i32
        %dma_start3A_253 = tpu.memref_slice %arg8[%add3A_189, %dma_start3A_252] : memref<48x128xi32, #tpu.memory_space<vmem>> -> memref<1x128xi32, #tpu.memory_space<vmem>>
        %dma_start3A_254 = tpu.memref_squeeze %dma_start3A_253 : memref<1x128xi32, #tpu.memory_space<vmem>> -> memref<128xi32, #tpu.memory_space<vmem>>
        %dma_start3A_255 = arith.constant 0 : i32
        %dma_start3A_256 = arith.constant 0 : i32
        %dma_start3A_257 = tpu.memref_slice %arg10[%dma_start3A_255, %dma_start3A_256] : memref<10112x16xf32, #tpu.memory_space<vmem_shared>> -> memref<10112x16xf32, #tpu.memory_space<vmem_shared>>
        tpu.enqueue_indirect_dma source(%dma_start3A_251 : memref<128x16xf32, #tpu.memory_space<vmem>>) target(%dma_start3A_257 : memref<10112x16xf32, #tpu.memory_space<vmem_shared>>) offsets(%dma_start3A_254 : memref<128xi32, #tpu.memory_space<vmem>>) semaphore(%arg24 : memref<!tpu.dma_semaphore, #tpu.memory_space<semaphore_mem>>) {add = true}
        %add3A_258 = arith.constant 3 : i32
        %add3A_259 = arith.addi %add3A_189, %add3A_258 : i32
        %sub3A_260 = arith.constant 1 : i32
        %sub3A_261 = arith.subi %select_n3A, %sub3A_260 : i32
        %le3A_262 = arith.cmpi sle, %add3A_259, %sub3A_261 : i32
        %convert_element_type3A_263 = arith.extui %le3A_262 : i1 to i32
        %cond3A_264 = arith.constant 0 : i32
        %cond3A_265 = arith.cmpi ne, %convert_element_type3A_263, %cond3A_264 : i32
        scf.if %cond3A_265 {
          %ge3A = arith.constant 8 : i32
          %ge3A_266 = arith.cmpi sge, %add3A_259, %ge3A : i32
          %convert_element_type3A_267 = arith.extui %ge3A_266 : i1 to i32
          %cond3A_268 = arith.constant 0 : i32
          %cond3A_269 = arith.cmpi ne, %convert_element_type3A_267, %cond3A_268 : i32
          scf.if %cond3A_269 {
            %dma_wait3A_281 = arith.constant 6 : i32
            %dma_wait3A_282 = arith.constant 0 : i32
            %dma_wait3A_283 = arith.constant 0 : i32
            %dma_wait3A_284 = arith.constant 0 : i32
            %dma_wait3A_285 = tpu.memref_slice %arg9[%dma_wait3A_281, %dma_wait3A_283, %dma_wait3A_284] : memref<8x128x16xf32, #tpu.memory_space<vmem>> -> memref<1x128x16xf32, #tpu.memory_space<vmem>>
            %dma_wait3A_286 = tpu.memref_squeeze %dma_wait3A_285 : memref<1x128x16xf32, #tpu.memory_space<vmem>> -> memref<128x16xf32, #tpu.memory_space<vmem>>
            %dma_wait3A_287 = arith.constant 0 : i32
            %dma_wait3A_288 = tpu.memref_slice %arg8[%dma_wait3A_282, %dma_wait3A_287] : memref<48x128xi32, #tpu.memory_space<vmem>> -> memref<1x128xi32, #tpu.memory_space<vmem>>
            %dma_wait3A_289 = tpu.memref_squeeze %dma_wait3A_288 : memref<1x128xi32, #tpu.memory_space<vmem>> -> memref<128xi32, #tpu.memory_space<vmem>>
            %dma_wait3A_290 = arith.constant 0 : i32
            %dma_wait3A_291 = arith.constant 0 : i32
            %dma_wait3A_292 = tpu.memref_slice %arg10[%dma_wait3A_290, %dma_wait3A_291] : memref<10112x16xf32, #tpu.memory_space<vmem_shared>> -> memref<10112x16xf32, #tpu.memory_space<vmem_shared>>
            tpu.wait_indirect_dma semaphore(%arg27 : memref<!tpu.dma_semaphore, #tpu.memory_space<semaphore_mem>>) src(%dma_wait3A_286 : memref<128x16xf32, #tpu.memory_space<vmem>>) dst(%dma_wait3A_292 : memref<10112x16xf32, #tpu.memory_space<vmem_shared>>)
          } else {
          }
          %dma_start3A_270 = arith.constant 6 : i32
          %dma_start3A_271 = arith.constant 0 : i32
          %dma_start3A_272 = arith.constant 0 : i32
          %dma_start3A_273 = tpu.memref_slice %arg9[%dma_start3A_270, %dma_start3A_271, %dma_start3A_272] : memref<8x128x16xf32, #tpu.memory_space<vmem>> -> memref<1x128x16xf32, #tpu.memory_space<vmem>>
          %dma_start3A_274 = tpu.memref_squeeze %dma_start3A_273 : memref<1x128x16xf32, #tpu.memory_space<vmem>> -> memref<128x16xf32, #tpu.memory_space<vmem>>
          %dma_start3A_275 = arith.constant 0 : i32
          %dma_start3A_276 = tpu.memref_slice %arg7[%add3A_259, %dma_start3A_275] : memref<48x128xi32, #tpu.memory_space<vmem>> -> memref<1x128xi32, #tpu.memory_space<vmem>>
          %dma_start3A_277 = tpu.memref_squeeze %dma_start3A_276 : memref<1x128xi32, #tpu.memory_space<vmem>> -> memref<128xi32, #tpu.memory_space<vmem>>
          %dma_start3A_278 = arith.constant 0 : i32
          %dma_start3A_279 = arith.constant 0 : i32
          %dma_start3A_280 = tpu.memref_slice %arg11[%dma_start3A_278, %dma_start3A_279] : memref<10112x16xf32, #tpu.memory_space<vmem_shared>> -> memref<10112x16xf32, #tpu.memory_space<vmem_shared>>
          tpu.enqueue_indirect_dma source(%dma_start3A_280 : memref<10112x16xf32, #tpu.memory_space<vmem_shared>>) target(%dma_start3A_274 : memref<128x16xf32, #tpu.memory_space<vmem>>) offsets(%dma_start3A_277 : memref<128xi32, #tpu.memory_space<vmem>>) semaphore(%arg19 : memref<!tpu.dma_semaphore, #tpu.memory_space<semaphore_mem>>)
        } else {
        }
      } else {
      }
      %mul3A_196 = arith.constant 8 : i32
      %mul3A_197 = arith.muli %scan3A_157, %mul3A_196 : i32
      %add3A_198 = arith.constant 4 : i32
      %add3A_199 = arith.addi %mul3A_197, %add3A_198 : i32
      %sub3A_200 = arith.constant 1 : i32
      %sub3A_201 = arith.subi %select_n3A, %sub3A_200 : i32
      %le3A_202 = arith.cmpi sle, %add3A_199, %sub3A_201 : i32
      %convert_element_type3A_203 = arith.extui %le3A_202 : i1 to i32
      %cond3A_204 = arith.constant 0 : i32
      %cond3A_205 = arith.cmpi ne, %convert_element_type3A_203, %cond3A_204 : i32
      scf.if %cond3A_205 {
        %dma_wait3A_236 = arith.constant 4 : i32
        %dma_wait3A_237 = arith.constant 0 : i32
        %dma_wait3A_238 = arith.constant 0 : i32
        %dma_wait3A_239 = tpu.memref_slice %arg9[%dma_wait3A_236, %dma_wait3A_237, %dma_wait3A_238] : memref<8x128x16xf32, #tpu.memory_space<vmem>> -> memref<1x128x16xf32, #tpu.memory_space<vmem>>
        %dma_wait3A_240 = tpu.memref_squeeze %dma_wait3A_239 : memref<1x128x16xf32, #tpu.memory_space<vmem>> -> memref<128x16xf32, #tpu.memory_space<vmem>>
        %dma_wait3A_241 = arith.constant 0 : i32
        %dma_wait3A_242 = tpu.memref_slice %arg7[%add3A_199, %dma_wait3A_241] : memref<48x128xi32, #tpu.memory_space<vmem>> -> memref<1x128xi32, #tpu.memory_space<vmem>>
        %dma_wait3A_243 = tpu.memref_squeeze %dma_wait3A_242 : memref<1x128xi32, #tpu.memory_space<vmem>> -> memref<128xi32, #tpu.memory_space<vmem>>
        %dma_wait3A_244 = arith.constant 0 : i32
        %dma_wait3A_245 = arith.constant 0 : i32
        %dma_wait3A_246 = tpu.memref_slice %arg11[%dma_wait3A_244, %dma_wait3A_245] : memref<10112x16xf32, #tpu.memory_space<vmem_shared>> -> memref<10112x16xf32, #tpu.memory_space<vmem_shared>>
        tpu.wait_indirect_dma semaphore(%arg17 : memref<!tpu.dma_semaphore, #tpu.memory_space<semaphore_mem>>) src(%dma_wait3A_246 : memref<10112x16xf32, #tpu.memory_space<vmem_shared>>) dst(%dma_wait3A_240 : memref<128x16xf32, #tpu.memory_space<vmem>>)
        %dma_start3A_247 = arith.constant 4 : i32
        %dma_start3A_248 = arith.constant 0 : i32
        %dma_start3A_249 = arith.constant 0 : i32
        %dma_start3A_250 = tpu.memref_slice %arg9[%dma_start3A_247, %dma_start3A_248, %dma_start3A_249] : memref<8x128x16xf32, #tpu.memory_space<vmem>> -> memref<1x128x16xf32, #tpu.memory_space<vmem>>
        %dma_start3A_251 = tpu.memref_squeeze %dma_start3A_250 : memref<1x128x16xf32, #tpu.memory_space<vmem>> -> memref<128x16xf32, #tpu.memory_space<vmem>>
        %dma_start3A_252 = arith.constant 0 : i32
        %dma_start3A_253 = tpu.memref_slice %arg8[%add3A_199, %dma_start3A_252] : memref<48x128xi32, #tpu.memory_space<vmem>> -> memref<1x128xi32, #tpu.memory_space<vmem>>
        %dma_start3A_254 = tpu.memref_squeeze %dma_start3A_253 : memref<1x128xi32, #tpu.memory_space<vmem>> -> memref<128xi32, #tpu.memory_space<vmem>>
        %dma_start3A_255 = arith.constant 0 : i32
        %dma_start3A_256 = arith.constant 0 : i32
        %dma_start3A_257 = tpu.memref_slice %arg10[%dma_start3A_255, %dma_start3A_256] : memref<10112x16xf32, #tpu.memory_space<vmem_shared>> -> memref<10112x16xf32, #tpu.memory_space<vmem_shared>>
        tpu.enqueue_indirect_dma source(%dma_start3A_251 : memref<128x16xf32, #tpu.memory_space<vmem>>) target(%dma_start3A_257 : memref<10112x16xf32, #tpu.memory_space<vmem_shared>>) offsets(%dma_start3A_254 : memref<128xi32, #tpu.memory_space<vmem>>) semaphore(%arg25 : memref<!tpu.dma_semaphore, #tpu.memory_space<semaphore_mem>>) {add = true}
        %add3A_258 = arith.constant 3 : i32
        %add3A_259 = arith.addi %add3A_199, %add3A_258 : i32
        %sub3A_260 = arith.constant 1 : i32
        %sub3A_261 = arith.subi %select_n3A, %sub3A_260 : i32
        %le3A_262 = arith.cmpi sle, %add3A_259, %sub3A_261 : i32
        %convert_element_type3A_263 = arith.extui %le3A_262 : i1 to i32
        %cond3A_264 = arith.constant 0 : i32
        %cond3A_265 = arith.cmpi ne, %convert_element_type3A_263, %cond3A_264 : i32
        scf.if %cond3A_265 {
          %ge3A = arith.constant 8 : i32
          %ge3A_266 = arith.cmpi sge, %add3A_259, %ge3A : i32
          %convert_element_type3A_267 = arith.extui %ge3A_266 : i1 to i32
          %cond3A_268 = arith.constant 0 : i32
          %cond3A_269 = arith.cmpi ne, %convert_element_type3A_267, %cond3A_268 : i32
          scf.if %cond3A_269 {
            %dma_wait3A_281 = arith.constant 7 : i32
            %dma_wait3A_282 = arith.constant 0 : i32
            %dma_wait3A_283 = arith.constant 0 : i32
            %dma_wait3A_284 = arith.constant 0 : i32
            %dma_wait3A_285 = tpu.memref_slice %arg9[%dma_wait3A_281, %dma_wait3A_283, %dma_wait3A_284] : memref<8x128x16xf32, #tpu.memory_space<vmem>> -> memref<1x128x16xf32, #tpu.memory_space<vmem>>
            %dma_wait3A_286 = tpu.memref_squeeze %dma_wait3A_285 : memref<1x128x16xf32, #tpu.memory_space<vmem>> -> memref<128x16xf32, #tpu.memory_space<vmem>>
            %dma_wait3A_287 = arith.constant 0 : i32
            %dma_wait3A_288 = tpu.memref_slice %arg8[%dma_wait3A_282, %dma_wait3A_287] : memref<48x128xi32, #tpu.memory_space<vmem>> -> memref<1x128xi32, #tpu.memory_space<vmem>>
            %dma_wait3A_289 = tpu.memref_squeeze %dma_wait3A_288 : memref<1x128xi32, #tpu.memory_space<vmem>> -> memref<128xi32, #tpu.memory_space<vmem>>
            %dma_wait3A_290 = arith.constant 0 : i32
            %dma_wait3A_291 = arith.constant 0 : i32
            %dma_wait3A_292 = tpu.memref_slice %arg10[%dma_wait3A_290, %dma_wait3A_291] : memref<10112x16xf32, #tpu.memory_space<vmem_shared>> -> memref<10112x16xf32, #tpu.memory_space<vmem_shared>>
            tpu.wait_indirect_dma semaphore(%arg28 : memref<!tpu.dma_semaphore, #tpu.memory_space<semaphore_mem>>) src(%dma_wait3A_286 : memref<128x16xf32, #tpu.memory_space<vmem>>) dst(%dma_wait3A_292 : memref<10112x16xf32, #tpu.memory_space<vmem_shared>>)
          } else {
          }
          %dma_start3A_270 = arith.constant 7 : i32
          %dma_start3A_271 = arith.constant 0 : i32
          %dma_start3A_272 = arith.constant 0 : i32
          %dma_start3A_273 = tpu.memref_slice %arg9[%dma_start3A_270, %dma_start3A_271, %dma_start3A_272] : memref<8x128x16xf32, #tpu.memory_space<vmem>> -> memref<1x128x16xf32, #tpu.memory_space<vmem>>
          %dma_start3A_274 = tpu.memref_squeeze %dma_start3A_273 : memref<1x128x16xf32, #tpu.memory_space<vmem>> -> memref<128x16xf32, #tpu.memory_space<vmem>>
          %dma_start3A_275 = arith.constant 0 : i32
          %dma_start3A_276 = tpu.memref_slice %arg7[%add3A_259, %dma_start3A_275] : memref<48x128xi32, #tpu.memory_space<vmem>> -> memref<1x128xi32, #tpu.memory_space<vmem>>
          %dma_start3A_277 = tpu.memref_squeeze %dma_start3A_276 : memref<1x128xi32, #tpu.memory_space<vmem>> -> memref<128xi32, #tpu.memory_space<vmem>>
          %dma_start3A_278 = arith.constant 0 : i32
          %dma_start3A_279 = arith.constant 0 : i32
          %dma_start3A_280 = tpu.memref_slice %arg11[%dma_start3A_278, %dma_start3A_279] : memref<10112x16xf32, #tpu.memory_space<vmem_shared>> -> memref<10112x16xf32, #tpu.memory_space<vmem_shared>>
          tpu.enqueue_indirect_dma source(%dma_start3A_280 : memref<10112x16xf32, #tpu.memory_space<vmem_shared>>) target(%dma_start3A_274 : memref<128x16xf32, #tpu.memory_space<vmem>>) offsets(%dma_start3A_277 : memref<128xi32, #tpu.memory_space<vmem>>) semaphore(%arg20 : memref<!tpu.dma_semaphore, #tpu.memory_space<semaphore_mem>>)
        } else {
        }
      } else {
      }
      %mul3A_206 = arith.constant 8 : i32
      %mul3A_207 = arith.muli %scan3A_157, %mul3A_206 : i32
      %add3A_208 = arith.constant 5 : i32
      %add3A_209 = arith.addi %mul3A_207, %add3A_208 : i32
      %sub3A_210 = arith.constant 1 : i32
      %sub3A_211 = arith.subi %select_n3A, %sub3A_210 : i32
      %le3A_212 = arith.cmpi sle, %add3A_209, %sub3A_211 : i32
      %convert_element_type3A_213 = arith.extui %le3A_212 : i1 to i32
      %cond3A_214 = arith.constant 0 : i32
      %cond3A_215 = arith.cmpi ne, %convert_element_type3A_213, %cond3A_214 : i32
      scf.if %cond3A_215 {
        %dma_wait3A_236 = arith.constant 5 : i32
        %dma_wait3A_237 = arith.constant 0 : i32
        %dma_wait3A_238 = arith.constant 0 : i32
        %dma_wait3A_239 = tpu.memref_slice %arg9[%dma_wait3A_236, %dma_wait3A_237, %dma_wait3A_238] : memref<8x128x16xf32, #tpu.memory_space<vmem>> -> memref<1x128x16xf32, #tpu.memory_space<vmem>>
        %dma_wait3A_240 = tpu.memref_squeeze %dma_wait3A_239 : memref<1x128x16xf32, #tpu.memory_space<vmem>> -> memref<128x16xf32, #tpu.memory_space<vmem>>
        %dma_wait3A_241 = arith.constant 0 : i32
        %dma_wait3A_242 = tpu.memref_slice %arg7[%add3A_209, %dma_wait3A_241] : memref<48x128xi32, #tpu.memory_space<vmem>> -> memref<1x128xi32, #tpu.memory_space<vmem>>
        %dma_wait3A_243 = tpu.memref_squeeze %dma_wait3A_242 : memref<1x128xi32, #tpu.memory_space<vmem>> -> memref<128xi32, #tpu.memory_space<vmem>>
        %dma_wait3A_244 = arith.constant 0 : i32
        %dma_wait3A_245 = arith.constant 0 : i32
        %dma_wait3A_246 = tpu.memref_slice %arg11[%dma_wait3A_244, %dma_wait3A_245] : memref<10112x16xf32, #tpu.memory_space<vmem_shared>> -> memref<10112x16xf32, #tpu.memory_space<vmem_shared>>
        tpu.wait_indirect_dma semaphore(%arg18 : memref<!tpu.dma_semaphore, #tpu.memory_space<semaphore_mem>>) src(%dma_wait3A_246 : memref<10112x16xf32, #tpu.memory_space<vmem_shared>>) dst(%dma_wait3A_240 : memref<128x16xf32, #tpu.memory_space<vmem>>)
        %dma_start3A_247 = arith.constant 5 : i32
        %dma_start3A_248 = arith.constant 0 : i32
        %dma_start3A_249 = arith.constant 0 : i32
        %dma_start3A_250 = tpu.memref_slice %arg9[%dma_start3A_247, %dma_start3A_248, %dma_start3A_249] : memref<8x128x16xf32, #tpu.memory_space<vmem>> -> memref<1x128x16xf32, #tpu.memory_space<vmem>>
        %dma_start3A_251 = tpu.memref_squeeze %dma_start3A_250 : memref<1x128x16xf32, #tpu.memory_space<vmem>> -> memref<128x16xf32, #tpu.memory_space<vmem>>
        %dma_start3A_252 = arith.constant 0 : i32
        %dma_start3A_253 = tpu.memref_slice %arg8[%add3A_209, %dma_start3A_252] : memref<48x128xi32, #tpu.memory_space<vmem>> -> memref<1x128xi32, #tpu.memory_space<vmem>>
        %dma_start3A_254 = tpu.memref_squeeze %dma_start3A_253 : memref<1x128xi32, #tpu.memory_space<vmem>> -> memref<128xi32, #tpu.memory_space<vmem>>
        %dma_start3A_255 = arith.constant 0 : i32
        %dma_start3A_256 = arith.constant 0 : i32
        %dma_start3A_257 = tpu.memref_slice %arg10[%dma_start3A_255, %dma_start3A_256] : memref<10112x16xf32, #tpu.memory_space<vmem_shared>> -> memref<10112x16xf32, #tpu.memory_space<vmem_shared>>
        tpu.enqueue_indirect_dma source(%dma_start3A_251 : memref<128x16xf32, #tpu.memory_space<vmem>>) target(%dma_start3A_257 : memref<10112x16xf32, #tpu.memory_space<vmem_shared>>) offsets(%dma_start3A_254 : memref<128xi32, #tpu.memory_space<vmem>>) semaphore(%arg26 : memref<!tpu.dma_semaphore, #tpu.memory_space<semaphore_mem>>) {add = true}
        %add3A_258 = arith.constant 3 : i32
        %add3A_259 = arith.addi %add3A_209, %add3A_258 : i32
        %sub3A_260 = arith.constant 1 : i32
        %sub3A_261 = arith.subi %select_n3A, %sub3A_260 : i32
        %le3A_262 = arith.cmpi sle, %add3A_259, %sub3A_261 : i32
        %convert_element_type3A_263 = arith.extui %le3A_262 : i1 to i32
        %cond3A_264 = arith.constant 0 : i32
        %cond3A_265 = arith.cmpi ne, %convert_element_type3A_263, %cond3A_264 : i32
        scf.if %cond3A_265 {
          %ge3A = arith.constant 8 : i32
          %ge3A_266 = arith.cmpi sge, %add3A_259, %ge3A : i32
          %convert_element_type3A_267 = arith.extui %ge3A_266 : i1 to i32
          %cond3A_268 = arith.constant 0 : i32
          %cond3A_269 = arith.cmpi ne, %convert_element_type3A_267, %cond3A_268 : i32
          scf.if %cond3A_269 {
            %dma_wait3A_281 = arith.constant 0 : i32
            %dma_wait3A_282 = arith.constant 0 : i32
            %dma_wait3A_283 = arith.constant 0 : i32
            %dma_wait3A_284 = arith.constant 0 : i32
            %dma_wait3A_285 = tpu.memref_slice %arg9[%dma_wait3A_281, %dma_wait3A_283, %dma_wait3A_284] : memref<8x128x16xf32, #tpu.memory_space<vmem>> -> memref<1x128x16xf32, #tpu.memory_space<vmem>>
            %dma_wait3A_286 = tpu.memref_squeeze %dma_wait3A_285 : memref<1x128x16xf32, #tpu.memory_space<vmem>> -> memref<128x16xf32, #tpu.memory_space<vmem>>
            %dma_wait3A_287 = arith.constant 0 : i32
            %dma_wait3A_288 = tpu.memref_slice %arg8[%dma_wait3A_282, %dma_wait3A_287] : memref<48x128xi32, #tpu.memory_space<vmem>> -> memref<1x128xi32, #tpu.memory_space<vmem>>
            %dma_wait3A_289 = tpu.memref_squeeze %dma_wait3A_288 : memref<1x128xi32, #tpu.memory_space<vmem>> -> memref<128xi32, #tpu.memory_space<vmem>>
            %dma_wait3A_290 = arith.constant 0 : i32
            %dma_wait3A_291 = arith.constant 0 : i32
            %dma_wait3A_292 = tpu.memref_slice %arg10[%dma_wait3A_290, %dma_wait3A_291] : memref<10112x16xf32, #tpu.memory_space<vmem_shared>> -> memref<10112x16xf32, #tpu.memory_space<vmem_shared>>
            tpu.wait_indirect_dma semaphore(%arg21 : memref<!tpu.dma_semaphore, #tpu.memory_space<semaphore_mem>>) src(%dma_wait3A_286 : memref<128x16xf32, #tpu.memory_space<vmem>>) dst(%dma_wait3A_292 : memref<10112x16xf32, #tpu.memory_space<vmem_shared>>)
          } else {
          }
          %dma_start3A_270 = arith.constant 0 : i32
          %dma_start3A_271 = arith.constant 0 : i32
          %dma_start3A_272 = arith.constant 0 : i32
          %dma_start3A_273 = tpu.memref_slice %arg9[%dma_start3A_270, %dma_start3A_271, %dma_start3A_272] : memref<8x128x16xf32, #tpu.memory_space<vmem>> -> memref<1x128x16xf32, #tpu.memory_space<vmem>>
          %dma_start3A_274 = tpu.memref_squeeze %dma_start3A_273 : memref<1x128x16xf32, #tpu.memory_space<vmem>> -> memref<128x16xf32, #tpu.memory_space<vmem>>
          %dma_start3A_275 = arith.constant 0 : i32
          %dma_start3A_276 = tpu.memref_slice %arg7[%add3A_259, %dma_start3A_275] : memref<48x128xi32, #tpu.memory_space<vmem>> -> memref<1x128xi32, #tpu.memory_space<vmem>>
          %dma_start3A_277 = tpu.memref_squeeze %dma_start3A_276 : memref<1x128xi32, #tpu.memory_space<vmem>> -> memref<128xi32, #tpu.memory_space<vmem>>
          %dma_start3A_278 = arith.constant 0 : i32
          %dma_start3A_279 = arith.constant 0 : i32
          %dma_start3A_280 = tpu.memref_slice %arg11[%dma_start3A_278, %dma_start3A_279] : memref<10112x16xf32, #tpu.memory_space<vmem_shared>> -> memref<10112x16xf32, #tpu.memory_space<vmem_shared>>
          tpu.enqueue_indirect_dma source(%dma_start3A_280 : memref<10112x16xf32, #tpu.memory_space<vmem_shared>>) target(%dma_start3A_274 : memref<128x16xf32, #tpu.memory_space<vmem>>) offsets(%dma_start3A_277 : memref<128xi32, #tpu.memory_space<vmem>>) semaphore(%arg13 : memref<!tpu.dma_semaphore, #tpu.memory_space<semaphore_mem>>)
        } else {
        }
      } else {
      }
      %mul3A_216 = arith.constant 8 : i32
      %mul3A_217 = arith.muli %scan3A_157, %mul3A_216 : i32
      %add3A_218 = arith.constant 6 : i32
      %add3A_219 = arith.addi %mul3A_217, %add3A_218 : i32
      %sub3A_220 = arith.constant 1 : i32
      %sub3A_221 = arith.subi %select_n3A, %sub3A_220 : i32
      %le3A_222 = arith.cmpi sle, %add3A_219, %sub3A_221 : i32
      %convert_element_type3A_223 = arith.extui %le3A_222 : i1 to i32
      %cond3A_224 = arith.constant 0 : i32
      %cond3A_225 = arith.cmpi ne, %convert_element_type3A_223, %cond3A_224 : i32
      scf.if %cond3A_225 {
        %dma_wait3A_236 = arith.constant 6 : i32
        %dma_wait3A_237 = arith.constant 0 : i32
        %dma_wait3A_238 = arith.constant 0 : i32
        %dma_wait3A_239 = tpu.memref_slice %arg9[%dma_wait3A_236, %dma_wait3A_237, %dma_wait3A_238] : memref<8x128x16xf32, #tpu.memory_space<vmem>> -> memref<1x128x16xf32, #tpu.memory_space<vmem>>
        %dma_wait3A_240 = tpu.memref_squeeze %dma_wait3A_239 : memref<1x128x16xf32, #tpu.memory_space<vmem>> -> memref<128x16xf32, #tpu.memory_space<vmem>>
        %dma_wait3A_241 = arith.constant 0 : i32
        %dma_wait3A_242 = tpu.memref_slice %arg7[%add3A_219, %dma_wait3A_241] : memref<48x128xi32, #tpu.memory_space<vmem>> -> memref<1x128xi32, #tpu.memory_space<vmem>>
        %dma_wait3A_243 = tpu.memref_squeeze %dma_wait3A_242 : memref<1x128xi32, #tpu.memory_space<vmem>> -> memref<128xi32, #tpu.memory_space<vmem>>
        %dma_wait3A_244 = arith.constant 0 : i32
        %dma_wait3A_245 = arith.constant 0 : i32
        %dma_wait3A_246 = tpu.memref_slice %arg11[%dma_wait3A_244, %dma_wait3A_245] : memref<10112x16xf32, #tpu.memory_space<vmem_shared>> -> memref<10112x16xf32, #tpu.memory_space<vmem_shared>>
        tpu.wait_indirect_dma semaphore(%arg19 : memref<!tpu.dma_semaphore, #tpu.memory_space<semaphore_mem>>) src(%dma_wait3A_246 : memref<10112x16xf32, #tpu.memory_space<vmem_shared>>) dst(%dma_wait3A_240 : memref<128x16xf32, #tpu.memory_space<vmem>>)
        %dma_start3A_247 = arith.constant 6 : i32
        %dma_start3A_248 = arith.constant 0 : i32
        %dma_start3A_249 = arith.constant 0 : i32
        %dma_start3A_250 = tpu.memref_slice %arg9[%dma_start3A_247, %dma_start3A_248, %dma_start3A_249] : memref<8x128x16xf32, #tpu.memory_space<vmem>> -> memref<1x128x16xf32, #tpu.memory_space<vmem>>
        %dma_start3A_251 = tpu.memref_squeeze %dma_start3A_250 : memref<1x128x16xf32, #tpu.memory_space<vmem>> -> memref<128x16xf32, #tpu.memory_space<vmem>>
        %dma_start3A_252 = arith.constant 0 : i32
        %dma_start3A_253 = tpu.memref_slice %arg8[%add3A_219, %dma_start3A_252] : memref<48x128xi32, #tpu.memory_space<vmem>> -> memref<1x128xi32, #tpu.memory_space<vmem>>
        %dma_start3A_254 = tpu.memref_squeeze %dma_start3A_253 : memref<1x128xi32, #tpu.memory_space<vmem>> -> memref<128xi32, #tpu.memory_space<vmem>>
        %dma_start3A_255 = arith.constant 0 : i32
        %dma_start3A_256 = arith.constant 0 : i32
        %dma_start3A_257 = tpu.memref_slice %arg10[%dma_start3A_255, %dma_start3A_256] : memref<10112x16xf32, #tpu.memory_space<vmem_shared>> -> memref<10112x16xf32, #tpu.memory_space<vmem_shared>>
        tpu.enqueue_indirect_dma source(%dma_start3A_251 : memref<128x16xf32, #tpu.memory_space<vmem>>) target(%dma_start3A_257 : memref<10112x16xf32, #tpu.memory_space<vmem_shared>>) offsets(%dma_start3A_254 : memref<128xi32, #tpu.memory_space<vmem>>) semaphore(%arg27 : memref<!tpu.dma_semaphore, #tpu.memory_space<semaphore_mem>>) {add = true}
        %add3A_258 = arith.constant 3 : i32
        %add3A_259 = arith.addi %add3A_219, %add3A_258 : i32
        %sub3A_260 = arith.constant 1 : i32
        %sub3A_261 = arith.subi %select_n3A, %sub3A_260 : i32
        %le3A_262 = arith.cmpi sle, %add3A_259, %sub3A_261 : i32
        %convert_element_type3A_263 = arith.extui %le3A_262 : i1 to i32
        %cond3A_264 = arith.constant 0 : i32
        %cond3A_265 = arith.cmpi ne, %convert_element_type3A_263, %cond3A_264 : i32
        scf.if %cond3A_265 {
          %ge3A = arith.constant 8 : i32
          %ge3A_266 = arith.cmpi sge, %add3A_259, %ge3A : i32
          %convert_element_type3A_267 = arith.extui %ge3A_266 : i1 to i32
          %cond3A_268 = arith.constant 0 : i32
          %cond3A_269 = arith.cmpi ne, %convert_element_type3A_267, %cond3A_268 : i32
          scf.if %cond3A_269 {
            %dma_wait3A_281 = arith.constant 1 : i32
            %dma_wait3A_282 = arith.constant 0 : i32
            %dma_wait3A_283 = arith.constant 0 : i32
            %dma_wait3A_284 = arith.constant 0 : i32
            %dma_wait3A_285 = tpu.memref_slice %arg9[%dma_wait3A_281, %dma_wait3A_283, %dma_wait3A_284] : memref<8x128x16xf32, #tpu.memory_space<vmem>> -> memref<1x128x16xf32, #tpu.memory_space<vmem>>
            %dma_wait3A_286 = tpu.memref_squeeze %dma_wait3A_285 : memref<1x128x16xf32, #tpu.memory_space<vmem>> -> memref<128x16xf32, #tpu.memory_space<vmem>>
            %dma_wait3A_287 = arith.constant 0 : i32
            %dma_wait3A_288 = tpu.memref_slice %arg8[%dma_wait3A_282, %dma_wait3A_287] : memref<48x128xi32, #tpu.memory_space<vmem>> -> memref<1x128xi32, #tpu.memory_space<vmem>>
            %dma_wait3A_289 = tpu.memref_squeeze %dma_wait3A_288 : memref<1x128xi32, #tpu.memory_space<vmem>> -> memref<128xi32, #tpu.memory_space<vmem>>
            %dma_wait3A_290 = arith.constant 0 : i32
            %dma_wait3A_291 = arith.constant 0 : i32
            %dma_wait3A_292 = tpu.memref_slice %arg10[%dma_wait3A_290, %dma_wait3A_291] : memref<10112x16xf32, #tpu.memory_space<vmem_shared>> -> memref<10112x16xf32, #tpu.memory_space<vmem_shared>>
            tpu.wait_indirect_dma semaphore(%arg22 : memref<!tpu.dma_semaphore, #tpu.memory_space<semaphore_mem>>) src(%dma_wait3A_286 : memref<128x16xf32, #tpu.memory_space<vmem>>) dst(%dma_wait3A_292 : memref<10112x16xf32, #tpu.memory_space<vmem_shared>>)
          } else {
          }
          %dma_start3A_270 = arith.constant 1 : i32
          %dma_start3A_271 = arith.constant 0 : i32
          %dma_start3A_272 = arith.constant 0 : i32
          %dma_start3A_273 = tpu.memref_slice %arg9[%dma_start3A_270, %dma_start3A_271, %dma_start3A_272] : memref<8x128x16xf32, #tpu.memory_space<vmem>> -> memref<1x128x16xf32, #tpu.memory_space<vmem>>
          %dma_start3A_274 = tpu.memref_squeeze %dma_start3A_273 : memref<1x128x16xf32, #tpu.memory_space<vmem>> -> memref<128x16xf32, #tpu.memory_space<vmem>>
          %dma_start3A_275 = arith.constant 0 : i32
          %dma_start3A_276 = tpu.memref_slice %arg7[%add3A_259, %dma_start3A_275] : memref<48x128xi32, #tpu.memory_space<vmem>> -> memref<1x128xi32, #tpu.memory_space<vmem>>
          %dma_start3A_277 = tpu.memref_squeeze %dma_start3A_276 : memref<1x128xi32, #tpu.memory_space<vmem>> -> memref<128xi32, #tpu.memory_space<vmem>>
          %dma_start3A_278 = arith.constant 0 : i32
          %dma_start3A_279 = arith.constant 0 : i32
          %dma_start3A_280 = tpu.memref_slice %arg11[%dma_start3A_278, %dma_start3A_279] : memref<10112x16xf32, #tpu.memory_space<vmem_shared>> -> memref<10112x16xf32, #tpu.memory_space<vmem_shared>>
          tpu.enqueue_indirect_dma source(%dma_start3A_280 : memref<10112x16xf32, #tpu.memory_space<vmem_shared>>) target(%dma_start3A_274 : memref<128x16xf32, #tpu.memory_space<vmem>>) offsets(%dma_start3A_277 : memref<128xi32, #tpu.memory_space<vmem>>) semaphore(%arg14 : memref<!tpu.dma_semaphore, #tpu.memory_space<semaphore_mem>>)
        } else {
        }
      } else {
      }
      %mul3A_226 = arith.constant 8 : i32
      %mul3A_227 = arith.muli %scan3A_157, %mul3A_226 : i32
      %add3A_228 = arith.constant 7 : i32
      %add3A_229 = arith.addi %mul3A_227, %add3A_228 : i32
      %sub3A_230 = arith.constant 1 : i32
      %sub3A_231 = arith.subi %select_n3A, %sub3A_230 : i32
      %le3A_232 = arith.cmpi sle, %add3A_229, %sub3A_231 : i32
      %convert_element_type3A_233 = arith.extui %le3A_232 : i1 to i32
      %cond3A_234 = arith.constant 0 : i32
      %cond3A_235 = arith.cmpi ne, %convert_element_type3A_233, %cond3A_234 : i32
      scf.if %cond3A_235 {
        %dma_wait3A_236 = arith.constant 7 : i32
        %dma_wait3A_237 = arith.constant 0 : i32
        %dma_wait3A_238 = arith.constant 0 : i32
        %dma_wait3A_239 = tpu.memref_slice %arg9[%dma_wait3A_236, %dma_wait3A_237, %dma_wait3A_238] : memref<8x128x16xf32, #tpu.memory_space<vmem>> -> memref<1x128x16xf32, #tpu.memory_space<vmem>>
        %dma_wait3A_240 = tpu.memref_squeeze %dma_wait3A_239 : memref<1x128x16xf32, #tpu.memory_space<vmem>> -> memref<128x16xf32, #tpu.memory_space<vmem>>
        %dma_wait3A_241 = arith.constant 0 : i32
        %dma_wait3A_242 = tpu.memref_slice %arg7[%add3A_229, %dma_wait3A_241] : memref<48x128xi32, #tpu.memory_space<vmem>> -> memref<1x128xi32, #tpu.memory_space<vmem>>
        %dma_wait3A_243 = tpu.memref_squeeze %dma_wait3A_242 : memref<1x128xi32, #tpu.memory_space<vmem>> -> memref<128xi32, #tpu.memory_space<vmem>>
        %dma_wait3A_244 = arith.constant 0 : i32
        %dma_wait3A_245 = arith.constant 0 : i32
        %dma_wait3A_246 = tpu.memref_slice %arg11[%dma_wait3A_244, %dma_wait3A_245] : memref<10112x16xf32, #tpu.memory_space<vmem_shared>> -> memref<10112x16xf32, #tpu.memory_space<vmem_shared>>
        tpu.wait_indirect_dma semaphore(%arg20 : memref<!tpu.dma_semaphore, #tpu.memory_space<semaphore_mem>>) src(%dma_wait3A_246 : memref<10112x16xf32, #tpu.memory_space<vmem_shared>>) dst(%dma_wait3A_240 : memref<128x16xf32, #tpu.memory_space<vmem>>)
        %dma_start3A_247 = arith.constant 7 : i32
        %dma_start3A_248 = arith.constant 0 : i32
        %dma_start3A_249 = arith.constant 0 : i32
        %dma_start3A_250 = tpu.memref_slice %arg9[%dma_start3A_247, %dma_start3A_248, %dma_start3A_249] : memref<8x128x16xf32, #tpu.memory_space<vmem>> -> memref<1x128x16xf32, #tpu.memory_space<vmem>>
        %dma_start3A_251 = tpu.memref_squeeze %dma_start3A_250 : memref<1x128x16xf32, #tpu.memory_space<vmem>> -> memref<128x16xf32, #tpu.memory_space<vmem>>
        %dma_start3A_252 = arith.constant 0 : i32
        %dma_start3A_253 = tpu.memref_slice %arg8[%add3A_229, %dma_start3A_252] : memref<48x128xi32, #tpu.memory_space<vmem>> -> memref<1x128xi32, #tpu.memory_space<vmem>>
        %dma_start3A_254 = tpu.memref_squeeze %dma_start3A_253 : memref<1x128xi32, #tpu.memory_space<vmem>> -> memref<128xi32, #tpu.memory_space<vmem>>
        %dma_start3A_255 = arith.constant 0 : i32
        %dma_start3A_256 = arith.constant 0 : i32
        %dma_start3A_257 = tpu.memref_slice %arg10[%dma_start3A_255, %dma_start3A_256] : memref<10112x16xf32, #tpu.memory_space<vmem_shared>> -> memref<10112x16xf32, #tpu.memory_space<vmem_shared>>
        tpu.enqueue_indirect_dma source(%dma_start3A_251 : memref<128x16xf32, #tpu.memory_space<vmem>>) target(%dma_start3A_257 : memref<10112x16xf32, #tpu.memory_space<vmem_shared>>) offsets(%dma_start3A_254 : memref<128xi32, #tpu.memory_space<vmem>>) semaphore(%arg28 : memref<!tpu.dma_semaphore, #tpu.memory_space<semaphore_mem>>) {add = true}
        %add3A_258 = arith.constant 3 : i32
        %add3A_259 = arith.addi %add3A_229, %add3A_258 : i32
        %sub3A_260 = arith.constant 1 : i32
        %sub3A_261 = arith.subi %select_n3A, %sub3A_260 : i32
        %le3A_262 = arith.cmpi sle, %add3A_259, %sub3A_261 : i32
        %convert_element_type3A_263 = arith.extui %le3A_262 : i1 to i32
        %cond3A_264 = arith.constant 0 : i32
        %cond3A_265 = arith.cmpi ne, %convert_element_type3A_263, %cond3A_264 : i32
        scf.if %cond3A_265 {
          %ge3A = arith.constant 8 : i32
          %ge3A_266 = arith.cmpi sge, %add3A_259, %ge3A : i32
          %convert_element_type3A_267 = arith.extui %ge3A_266 : i1 to i32
          %cond3A_268 = arith.constant 0 : i32
          %cond3A_269 = arith.cmpi ne, %convert_element_type3A_267, %cond3A_268 : i32
          scf.if %cond3A_269 {
            %dma_wait3A_281 = arith.constant 2 : i32
            %dma_wait3A_282 = arith.constant 0 : i32
            %dma_wait3A_283 = arith.constant 0 : i32
            %dma_wait3A_284 = arith.constant 0 : i32
            %dma_wait3A_285 = tpu.memref_slice %arg9[%dma_wait3A_281, %dma_wait3A_283, %dma_wait3A_284] : memref<8x128x16xf32, #tpu.memory_space<vmem>> -> memref<1x128x16xf32, #tpu.memory_space<vmem>>
            %dma_wait3A_286 = tpu.memref_squeeze %dma_wait3A_285 : memref<1x128x16xf32, #tpu.memory_space<vmem>> -> memref<128x16xf32, #tpu.memory_space<vmem>>
            %dma_wait3A_287 = arith.constant 0 : i32
            %dma_wait3A_288 = tpu.memref_slice %arg8[%dma_wait3A_282, %dma_wait3A_287] : memref<48x128xi32, #tpu.memory_space<vmem>> -> memref<1x128xi32, #tpu.memory_space<vmem>>
            %dma_wait3A_289 = tpu.memref_squeeze %dma_wait3A_288 : memref<1x128xi32, #tpu.memory_space<vmem>> -> memref<128xi32, #tpu.memory_space<vmem>>
            %dma_wait3A_290 = arith.constant 0 : i32
            %dma_wait3A_291 = arith.constant 0 : i32
            %dma_wait3A_292 = tpu.memref_slice %arg10[%dma_wait3A_290, %dma_wait3A_291] : memref<10112x16xf32, #tpu.memory_space<vmem_shared>> -> memref<10112x16xf32, #tpu.memory_space<vmem_shared>>
            tpu.wait_indirect_dma semaphore(%arg23 : memref<!tpu.dma_semaphore, #tpu.memory_space<semaphore_mem>>) src(%dma_wait3A_286 : memref<128x16xf32, #tpu.memory_space<vmem>>) dst(%dma_wait3A_292 : memref<10112x16xf32, #tpu.memory_space<vmem_shared>>)
          } else {
          }
          %dma_start3A_270 = arith.constant 2 : i32
          %dma_start3A_271 = arith.constant 0 : i32
          %dma_start3A_272 = arith.constant 0 : i32
          %dma_start3A_273 = tpu.memref_slice %arg9[%dma_start3A_270, %dma_start3A_271, %dma_start3A_272] : memref<8x128x16xf32, #tpu.memory_space<vmem>> -> memref<1x128x16xf32, #tpu.memory_space<vmem>>
          %dma_start3A_274 = tpu.memref_squeeze %dma_start3A_273 : memref<1x128x16xf32, #tpu.memory_space<vmem>> -> memref<128x16xf32, #tpu.memory_space<vmem>>
          %dma_start3A_275 = arith.constant 0 : i32
          %dma_start3A_276 = tpu.memref_slice %arg7[%add3A_259, %dma_start3A_275] : memref<48x128xi32, #tpu.memory_space<vmem>> -> memref<1x128xi32, #tpu.memory_space<vmem>>
          %dma_start3A_277 = tpu.memref_squeeze %dma_start3A_276 : memref<1x128xi32, #tpu.memory_space<vmem>> -> memref<128xi32, #tpu.memory_space<vmem>>
          %dma_start3A_278 = arith.constant 0 : i32
          %dma_start3A_279 = arith.constant 0 : i32
          %dma_start3A_280 = tpu.memref_slice %arg11[%dma_start3A_278, %dma_start3A_279] : memref<10112x16xf32, #tpu.memory_space<vmem_shared>> -> memref<10112x16xf32, #tpu.memory_space<vmem_shared>>
          tpu.enqueue_indirect_dma source(%dma_start3A_280 : memref<10112x16xf32, #tpu.memory_space<vmem_shared>>) target(%dma_start3A_274 : memref<128x16xf32, #tpu.memory_space<vmem>>) offsets(%dma_start3A_277 : memref<128xi32, #tpu.memory_space<vmem>>) semaphore(%arg15 : memref<!tpu.dma_semaphore, #tpu.memory_space<semaphore_mem>>)
        } else {
        }
      } else {
      }
    }
    %scan3A_57 = arith.constant 6 : i32
    %dma_wait3A_58 = arith.constant 0 : i32
    %dma_wait3A_59 = arith.constant 0 : i32
    %dma_wait3A_60 = arith.constant 0 : i32
    %dma_wait3A_61 = arith.constant 0 : i32
    %dma_wait3A_62 = tpu.memref_slice %arg9[%dma_wait3A_58, %dma_wait3A_60, %dma_wait3A_61] : memref<8x128x16xf32, #tpu.memory_space<vmem>> -> memref<1x128x16xf32, #tpu.memory_space<vmem>>
    %dma_wait3A_63 = tpu.memref_squeeze %dma_wait3A_62 : memref<1x128x16xf32, #tpu.memory_space<vmem>> -> memref<128x16xf32, #tpu.memory_space<vmem>>
    %dma_wait3A_64 = arith.constant 0 : i32
    %dma_wait3A_65 = tpu.memref_slice %arg8[%dma_wait3A_59, %dma_wait3A_64] : memref<48x128xi32, #tpu.memory_space<vmem>> -> memref<1x128xi32, #tpu.memory_space<vmem>>
    %dma_wait3A_66 = tpu.memref_squeeze %dma_wait3A_65 : memref<1x128xi32, #tpu.memory_space<vmem>> -> memref<128xi32, #tpu.memory_space<vmem>>
    %dma_wait3A_67 = arith.constant 0 : i32
    %dma_wait3A_68 = arith.constant 0 : i32
    %dma_wait3A_69 = tpu.memref_slice %arg10[%dma_wait3A_67, %dma_wait3A_68] : memref<10112x16xf32, #tpu.memory_space<vmem_shared>> -> memref<10112x16xf32, #tpu.memory_space<vmem_shared>>
    tpu.wait_indirect_dma semaphore(%arg21 : memref<!tpu.dma_semaphore, #tpu.memory_space<semaphore_mem>>) src(%dma_wait3A_63 : memref<128x16xf32, #tpu.memory_space<vmem>>) dst(%dma_wait3A_69 : memref<10112x16xf32, #tpu.memory_space<vmem_shared>>)
    %dma_wait3A_70 = arith.constant 1 : i32
    %dma_wait3A_71 = arith.constant 0 : i32
    %dma_wait3A_72 = arith.constant 0 : i32
    %dma_wait3A_73 = arith.constant 0 : i32
    %dma_wait3A_74 = tpu.memref_slice %arg9[%dma_wait3A_70, %dma_wait3A_72, %dma_wait3A_73] : memref<8x128x16xf32, #tpu.memory_space<vmem>> -> memref<1x128x16xf32, #tpu.memory_space<vmem>>
    %dma_wait3A_75 = tpu.memref_squeeze %dma_wait3A_74 : memref<1x128x16xf32, #tpu.memory_space<vmem>> -> memref<128x16xf32, #tpu.memory_space<vmem>>
    %dma_wait3A_76 = arith.constant 0 : i32
    %dma_wait3A_77 = tpu.memref_slice %arg8[%dma_wait3A_71, %dma_wait3A_76] : memref<48x128xi32, #tpu.memory_space<vmem>> -> memref<1x128xi32, #tpu.memory_space<vmem>>
    %dma_wait3A_78 = tpu.memref_squeeze %dma_wait3A_77 : memref<1x128xi32, #tpu.memory_space<vmem>> -> memref<128xi32, #tpu.memory_space<vmem>>
    %dma_wait3A_79 = arith.constant 0 : i32
    %dma_wait3A_80 = arith.constant 0 : i32
    %dma_wait3A_81 = tpu.memref_slice %arg10[%dma_wait3A_79, %dma_wait3A_80] : memref<10112x16xf32, #tpu.memory_space<vmem_shared>> -> memref<10112x16xf32, #tpu.memory_space<vmem_shared>>
    tpu.wait_indirect_dma semaphore(%arg22 : memref<!tpu.dma_semaphore, #tpu.memory_space<semaphore_mem>>) src(%dma_wait3A_75 : memref<128x16xf32, #tpu.memory_space<vmem>>) dst(%dma_wait3A_81 : memref<10112x16xf32, #tpu.memory_space<vmem_shared>>)
    %dma_wait3A_82 = arith.constant 2 : i32
    %dma_wait3A_83 = arith.constant 0 : i32
    %dma_wait3A_84 = arith.constant 0 : i32
    %dma_wait3A_85 = arith.constant 0 : i32
    %dma_wait3A_86 = tpu.memref_slice %arg9[%dma_wait3A_82, %dma_wait3A_84, %dma_wait3A_85] : memref<8x128x16xf32, #tpu.memory_space<vmem>> -> memref<1x128x16xf32, #tpu.memory_space<vmem>>
    %dma_wait3A_87 = tpu.memref_squeeze %dma_wait3A_86 : memref<1x128x16xf32, #tpu.memory_space<vmem>> -> memref<128x16xf32, #tpu.memory_space<vmem>>
    %dma_wait3A_88 = arith.constant 0 : i32
    %dma_wait3A_89 = tpu.memref_slice %arg8[%dma_wait3A_83, %dma_wait3A_88] : memref<48x128xi32, #tpu.memory_space<vmem>> -> memref<1x128xi32, #tpu.memory_space<vmem>>
    %dma_wait3A_90 = tpu.memref_squeeze %dma_wait3A_89 : memref<1x128xi32, #tpu.memory_space<vmem>> -> memref<128xi32, #tpu.memory_space<vmem>>
    %dma_wait3A_91 = arith.constant 0 : i32
    %dma_wait3A_92 = arith.constant 0 : i32
    %dma_wait3A_93 = tpu.memref_slice %arg10[%dma_wait3A_91, %dma_wait3A_92] : memref<10112x16xf32, #tpu.memory_space<vmem_shared>> -> memref<10112x16xf32, #tpu.memory_space<vmem_shared>>
    tpu.wait_indirect_dma semaphore(%arg23 : memref<!tpu.dma_semaphore, #tpu.memory_space<semaphore_mem>>) src(%dma_wait3A_87 : memref<128x16xf32, #tpu.memory_space<vmem>>) dst(%dma_wait3A_93 : memref<10112x16xf32, #tpu.memory_space<vmem_shared>>)
    %dma_wait3A_94 = arith.constant 3 : i32
    %dma_wait3A_95 = arith.constant 0 : i32
    %dma_wait3A_96 = arith.constant 0 : i32
    %dma_wait3A_97 = arith.constant 0 : i32
    %dma_wait3A_98 = tpu.memref_slice %arg9[%dma_wait3A_94, %dma_wait3A_96, %dma_wait3A_97] : memref<8x128x16xf32, #tpu.memory_space<vmem>> -> memref<1x128x16xf32, #tpu.memory_space<vmem>>
    %dma_wait3A_99 = tpu.memref_squeeze %dma_wait3A_98 : memref<1x128x16xf32, #tpu.memory_space<vmem>> -> memref<128x16xf32, #tpu.memory_space<vmem>>
    %dma_wait3A_100 = arith.constant 0 : i32
    %dma_wait3A_101 = tpu.memref_slice %arg8[%dma_wait3A_95, %dma_wait3A_100] : memref<48x128xi32, #tpu.memory_space<vmem>> -> memref<1x128xi32, #tpu.memory_space<vmem>>
    %dma_wait3A_102 = tpu.memref_squeeze %dma_wait3A_101 : memref<1x128xi32, #tpu.memory_space<vmem>> -> memref<128xi32, #tpu.memory_space<vmem>>
    %dma_wait3A_103 = arith.constant 0 : i32
    %dma_wait3A_104 = arith.constant 0 : i32
    %dma_wait3A_105 = tpu.memref_slice %arg10[%dma_wait3A_103, %dma_wait3A_104] : memref<10112x16xf32, #tpu.memory_space<vmem_shared>> -> memref<10112x16xf32, #tpu.memory_space<vmem_shared>>
    tpu.wait_indirect_dma semaphore(%arg24 : memref<!tpu.dma_semaphore, #tpu.memory_space<semaphore_mem>>) src(%dma_wait3A_99 : memref<128x16xf32, #tpu.memory_space<vmem>>) dst(%dma_wait3A_105 : memref<10112x16xf32, #tpu.memory_space<vmem_shared>>)
    %dma_wait3A_106 = arith.constant 4 : i32
    %dma_wait3A_107 = arith.constant 0 : i32
    %dma_wait3A_108 = arith.constant 0 : i32
    %dma_wait3A_109 = arith.constant 0 : i32
    %dma_wait3A_110 = tpu.memref_slice %arg9[%dma_wait3A_106, %dma_wait3A_108, %dma_wait3A_109] : memref<8x128x16xf32, #tpu.memory_space<vmem>> -> memref<1x128x16xf32, #tpu.memory_space<vmem>>
    %dma_wait3A_111 = tpu.memref_squeeze %dma_wait3A_110 : memref<1x128x16xf32, #tpu.memory_space<vmem>> -> memref<128x16xf32, #tpu.memory_space<vmem>>
    %dma_wait3A_112 = arith.constant 0 : i32
    %dma_wait3A_113 = tpu.memref_slice %arg8[%dma_wait3A_107, %dma_wait3A_112] : memref<48x128xi32, #tpu.memory_space<vmem>> -> memref<1x128xi32, #tpu.memory_space<vmem>>
    %dma_wait3A_114 = tpu.memref_squeeze %dma_wait3A_113 : memref<1x128xi32, #tpu.memory_space<vmem>> -> memref<128xi32, #tpu.memory_space<vmem>>
    %dma_wait3A_115 = arith.constant 0 : i32
    %dma_wait3A_116 = arith.constant 0 : i32
    %dma_wait3A_117 = tpu.memref_slice %arg10[%dma_wait3A_115, %dma_wait3A_116] : memref<10112x16xf32, #tpu.memory_space<vmem_shared>> -> memref<10112x16xf32, #tpu.memory_space<vmem_shared>>
    tpu.wait_indirect_dma semaphore(%arg25 : memref<!tpu.dma_semaphore, #tpu.memory_space<semaphore_mem>>) src(%dma_wait3A_111 : memref<128x16xf32, #tpu.memory_space<vmem>>) dst(%dma_wait3A_117 : memref<10112x16xf32, #tpu.memory_space<vmem_shared>>)
    %dma_wait3A_118 = arith.constant 5 : i32
    %dma_wait3A_119 = arith.constant 0 : i32
    %dma_wait3A_120 = arith.constant 0 : i32
    %dma_wait3A_121 = arith.constant 0 : i32
    %dma_wait3A_122 = tpu.memref_slice %arg9[%dma_wait3A_118, %dma_wait3A_120, %dma_wait3A_121] : memref<8x128x16xf32, #tpu.memory_space<vmem>> -> memref<1x128x16xf32, #tpu.memory_space<vmem>>
    %dma_wait3A_123 = tpu.memref_squeeze %dma_wait3A_122 : memref<1x128x16xf32, #tpu.memory_space<vmem>> -> memref<128x16xf32, #tpu.memory_space<vmem>>
    %dma_wait3A_124 = arith.constant 0 : i32
    %dma_wait3A_125 = tpu.memref_slice %arg8[%dma_wait3A_119, %dma_wait3A_124] : memref<48x128xi32, #tpu.memory_space<vmem>> -> memref<1x128xi32, #tpu.memory_space<vmem>>
    %dma_wait3A_126 = tpu.memref_squeeze %dma_wait3A_125 : memref<1x128xi32, #tpu.memory_space<vmem>> -> memref<128xi32, #tpu.memory_space<vmem>>
    %dma_wait3A_127 = arith.constant 0 : i32
    %dma_wait3A_128 = arith.constant 0 : i32
    %dma_wait3A_129 = tpu.memref_slice %arg10[%dma_wait3A_127, %dma_wait3A_128] : memref<10112x16xf32, #tpu.memory_space<vmem_shared>> -> memref<10112x16xf32, #tpu.memory_space<vmem_shared>>
    tpu.wait_indirect_dma semaphore(%arg26 : memref<!tpu.dma_semaphore, #tpu.memory_space<semaphore_mem>>) src(%dma_wait3A_123 : memref<128x16xf32, #tpu.memory_space<vmem>>) dst(%dma_wait3A_129 : memref<10112x16xf32, #tpu.memory_space<vmem_shared>>)
    %dma_wait3A_130 = arith.constant 6 : i32
    %dma_wait3A_131 = arith.constant 0 : i32
    %dma_wait3A_132 = arith.constant 0 : i32
    %dma_wait3A_133 = arith.constant 0 : i32
    %dma_wait3A_134 = tpu.memref_slice %arg9[%dma_wait3A_130, %dma_wait3A_132, %dma_wait3A_133] : memref<8x128x16xf32, #tpu.memory_space<vmem>> -> memref<1x128x16xf32, #tpu.memory_space<vmem>>
    %dma_wait3A_135 = tpu.memref_squeeze %dma_wait3A_134 : memref<1x128x16xf32, #tpu.memory_space<vmem>> -> memref<128x16xf32, #tpu.memory_space<vmem>>
    %dma_wait3A_136 = arith.constant 0 : i32
    %dma_wait3A_137 = tpu.memref_slice %arg8[%dma_wait3A_131, %dma_wait3A_136] : memref<48x128xi32, #tpu.memory_space<vmem>> -> memref<1x128xi32, #tpu.memory_space<vmem>>
    %dma_wait3A_138 = tpu.memref_squeeze %dma_wait3A_137 : memref<1x128xi32, #tpu.memory_space<vmem>> -> memref<128xi32, #tpu.memory_space<vmem>>
    %dma_wait3A_139 = arith.constant 0 : i32
    %dma_wait3A_140 = arith.constant 0 : i32
    %dma_wait3A_141 = tpu.memref_slice %arg10[%dma_wait3A_139, %dma_wait3A_140] : memref<10112x16xf32, #tpu.memory_space<vmem_shared>> -> memref<10112x16xf32, #tpu.memory_space<vmem_shared>>
    tpu.wait_indirect_dma semaphore(%arg27 : memref<!tpu.dma_semaphore, #tpu.memory_space<semaphore_mem>>) src(%dma_wait3A_135 : memref<128x16xf32, #tpu.memory_space<vmem>>) dst(%dma_wait3A_141 : memref<10112x16xf32, #tpu.memory_space<vmem_shared>>)
    %dma_wait3A_142 = arith.constant 7 : i32
    %dma_wait3A_143 = arith.constant 0 : i32
    %dma_wait3A_144 = arith.constant 0 : i32
    %dma_wait3A_145 = arith.constant 0 : i32
    %dma_wait3A_146 = tpu.memref_slice %arg9[%dma_wait3A_142, %dma_wait3A_144, %dma_wait3A_145] : memref<8x128x16xf32, #tpu.memory_space<vmem>> -> memref<1x128x16xf32, #tpu.memory_space<vmem>>
    %dma_wait3A_147 = tpu.memref_squeeze %dma_wait3A_146 : memref<1x128x16xf32, #tpu.memory_space<vmem>> -> memref<128x16xf32, #tpu.memory_space<vmem>>
    %dma_wait3A_148 = arith.constant 0 : i32
    %dma_wait3A_149 = tpu.memref_slice %arg8[%dma_wait3A_143, %dma_wait3A_148] : memref<48x128xi32, #tpu.memory_space<vmem>> -> memref<1x128xi32, #tpu.memory_space<vmem>>
    %dma_wait3A_150 = tpu.memref_squeeze %dma_wait3A_149 : memref<1x128xi32, #tpu.memory_space<vmem>> -> memref<128xi32, #tpu.memory_space<vmem>>
    %dma_wait3A_151 = arith.constant 0 : i32
    %dma_wait3A_152 = arith.constant 0 : i32
    %dma_wait3A_153 = tpu.memref_slice %arg10[%dma_wait3A_151, %dma_wait3A_152] : memref<10112x16xf32, #tpu.memory_space<vmem_shared>> -> memref<10112x16xf32, #tpu.memory_space<vmem_shared>>
    tpu.wait_indirect_dma semaphore(%arg28 : memref<!tpu.dma_semaphore, #tpu.memory_space<semaphore_mem>>) src(%dma_wait3A_147 : memref<128x16xf32, #tpu.memory_space<vmem>>) dst(%dma_wait3A_153 : memref<10112x16xf32, #tpu.memory_space<vmem_shared>>)
    %barrier3A_154 = arith.constant 0 : index
    tpu.barrier barrier_id(%barrier3A_154)
    %mul3A_155 = arith.constant 10112 : i32
    %mul3A_156 = arith.muli %arg0, %mul3A_155 : i32
    %add3A = arith.addi %mul3A_156, %mul3A_0 : i32
    "tpu.region"() ({
      %run_scoped3A = tpu.sem_alloc : memref<!tpu.dma_semaphore, #tpu.memory_space<semaphore_mem>>
      %dma_start3A_157 = arith.constant 0 : i32
      %dma_start3A_158 = tpu.memref_slice %arg6[%add3A, %dma_start3A_157] : memref<20224x16xf32, #tpu.memory_space<hbm>> -> memref<632x16xf32, #tpu.memory_space<hbm>>
      %dma_start3A_159 = arith.constant 0 : i32
      %dma_start3A_160 = tpu.memref_slice %arg10[%mul3A_0, %dma_start3A_159] : memref<10112x16xf32, #tpu.memory_space<vmem_shared>> -> memref<632x16xf32, #tpu.memory_space<vmem_shared>>
      tpu.enqueue_dma source(%dma_start3A_160 : memref<632x16xf32, #tpu.memory_space<vmem_shared>>) target(%dma_start3A_158 : memref<632x16xf32, #tpu.memory_space<hbm>>) target_semaphore(%run_scoped3A : memref<!tpu.dma_semaphore, #tpu.memory_space<semaphore_mem>>)
      %dma_wait3A_161 = arith.constant 0 : i32
      %dma_wait3A_162 = tpu.memref_slice %arg6[%add3A, %dma_wait3A_161] : memref<20224x16xf32, #tpu.memory_space<hbm>> -> memref<632x16xf32, #tpu.memory_space<hbm>>
      %dma_wait3A_163 = arith.constant 0 : i32
      %dma_wait3A_164 = tpu.memref_slice %arg10[%mul3A_0, %dma_wait3A_163] : memref<10112x16xf32, #tpu.memory_space<vmem_shared>> -> memref<632x16xf32, #tpu.memory_space<vmem_shared>>
      tpu.wait_dma2 semaphore(%run_scoped3A : memref<!tpu.dma_semaphore, #tpu.memory_space<semaphore_mem>>) src(%dma_wait3A_164 : memref<632x16xf32, #tpu.memory_space<vmem_shared>>) dst(%dma_wait3A_162 : memref<632x16xf32, #tpu.memory_space<hbm>>)
      tpu.yield
    }) : () -> ()
    return
  }
}

#map = affine_map<(d0, d1) -> (0, 0)>
module attributes {stable_mosaic.version = 14 : i64} {
  func.func @body(%arg0: i32, %arg1: i32, %arg2: memref<10112x16xf32, #tpu.memory_space<hbm>>, %arg3: memref<1280x128xi32, #tpu.memory_space<hbm>>, %arg4: memref<1280x128xi32, #tpu.memory_space<hbm>>, %arg5: memref<10112x16xf32, #tpu.memory_space<hbm>>, %arg6: memref<128x16xf32, #tpu.memory_space<hbm>>, %arg7: memref<20224x16xf32, #tpu.memory_space<hbm>>, %arg8: memref<20224x16xf32, #tpu.memory_space<hbm>>, %arg9: memref<48x128xi32, #tpu.memory_space<vmem>>, %arg10: memref<48x128xi32, #tpu.memory_space<vmem>>, %arg11: memref<8x128x16xf32, #tpu.memory_space<vmem>>, %arg12: memref<10112x16xf32, #tpu.memory_space<vmem_shared>>, %arg13: memref<10112x16xf32, #tpu.memory_space<vmem_shared>>, %arg14: memref<!tpu.dma_semaphore, #tpu.memory_space<semaphore_mem>>, %arg15: memref<!tpu.dma_semaphore, #tpu.memory_space<semaphore_mem>>, %arg16: memref<!tpu.dma_semaphore, #tpu.memory_space<semaphore_mem>>, %arg17: memref<!tpu.dma_semaphore, #tpu.memory_space<semaphore_mem>>, %arg18: memref<!tpu.dma_semaphore, #tpu.memory_space<semaphore_mem>>, %arg19: memref<!tpu.dma_semaphore, #tpu.memory_space<semaphore_mem>>, %arg20: memref<!tpu.dma_semaphore, #tpu.memory_space<semaphore_mem>>, %arg21: memref<!tpu.dma_semaphore, #tpu.memory_space<semaphore_mem>>, %arg22: memref<!tpu.dma_semaphore, #tpu.memory_space<semaphore_mem>>, %arg23: memref<!tpu.dma_semaphore, #tpu.memory_space<semaphore_mem>>, %arg24: memref<!tpu.dma_semaphore, #tpu.memory_space<semaphore_mem>>, %arg25: memref<!tpu.dma_semaphore, #tpu.memory_space<semaphore_mem>>, %arg26: memref<!tpu.dma_semaphore, #tpu.memory_space<semaphore_mem>>, %arg27: memref<!tpu.dma_semaphore, #tpu.memory_space<semaphore_mem>>, %arg28: memref<!tpu.dma_semaphore, #tpu.memory_space<semaphore_mem>>, %arg29: memref<!tpu.dma_semaphore, #tpu.memory_space<semaphore_mem>>, %arg30: memref<!tpu.dma_semaphore, #tpu.memory_space<semaphore_mem>>, %arg31: memref<128x16xf32, #tpu.memory_space<vmem>>, %arg32: memref<10112x16xf32, #tpu.memory_space<vmem_shared>>, %arg33: memref<!tpu.dma_semaphore, #tpu.memory_space<semaphore_mem>>) attributes {dimension_semantics = [#tpu.dimension_semantics<core_parallel>, #tpu.dimension_semantics<subcore_parallel>], iteration_bounds = array<i64: 2, 16>, scalar_prefetch = 0 : i64, scratch_operands = 25 : i64, tpu.core_type = #tpu.core_type<sc_vector_subcore>, window_params = [{transform_indices = #map}, {transform_indices = #map}, {transform_indices = #map}, {transform_indices = #map}, {transform_indices = #map}, {transform_indices = #map}, {transform_indices = #map}]} {
    %mul3A = arith.constant 632 : i32
    %mul3A_0 = arith.muli %arg1, %mul3A : i32
    %eq3A = arith.constant 0 : i32
    %eq3A_1 = arith.cmpi eq, %arg0, %eq3A : i32
    %jit3A = arith.constant 44 : i32
    %jit3A_2 = arith.constant 36 : i32
    %select_n3A = arith.select %eq3A_1, %jit3A, %jit3A_2 : i32
    %eq3A_3 = arith.constant 0 : i32
    %eq3A_4 = arith.cmpi eq, %arg0, %eq3A_3 : i32
    %convert_element_type3A = arith.extui %eq3A_4 : i1 to i32
    %cond3A = arith.constant 0 : i32
    %cond3A_5 = arith.cmpi ne, %convert_element_type3A, %cond3A : i32
    scf.if %cond3A_5 {
      %mul3A_167 = arith.constant 44 : i32
      %mul3A_168 = arith.muli %arg1, %mul3A_167 : i32
      %dma_start3A_169 = arith.constant 0 : i32
      %dma_start3A_170 = arith.constant 0 : i32
      %dma_start3A_171 = tpu.memref_slice %arg9[%dma_start3A_169, %dma_start3A_170] : memref<48x128xi32, #tpu.memory_space<vmem>> -> memref<44x128xi32, #tpu.memory_space<vmem>>
      %dma_start3A_172 = arith.constant 0 : i32
      %dma_start3A_173 = tpu.memref_slice %arg3[%mul3A_168, %dma_start3A_172] : memref<1280x128xi32, #tpu.memory_space<hbm>> -> memref<44x128xi32, #tpu.memory_space<hbm>>
      %dma_start3A_174 = arith.constant 0 : i32
      %dma_start3A_175 = arith.constant 0 : i32
      %dma_start3A_176 = tpu.memref_slice %arg9[%dma_start3A_174, %dma_start3A_175] : memref<48x128xi32, #tpu.memory_space<vmem>> -> memref<44x128xi32, #tpu.memory_space<vmem>>
      %dma_start3A_177 = arith.constant 0 : i32
      %dma_start3A_178 = tpu.memref_slice %arg3[%mul3A_168, %dma_start3A_177] : memref<1280x128xi32, #tpu.memory_space<hbm>> -> memref<44x128xi32, #tpu.memory_space<hbm>>
      tpu.enqueue_dma source(%dma_start3A_178 : memref<44x128xi32, #tpu.memory_space<hbm>>) target(%dma_start3A_176 : memref<44x128xi32, #tpu.memory_space<vmem>>) target_semaphore(%arg14 : memref<!tpu.dma_semaphore, #tpu.memory_space<semaphore_mem>>)
      %mul3A_179 = arith.constant 44 : i32
      %mul3A_180 = arith.muli %arg1, %mul3A_179 : i32
      %dma_start3A_181 = arith.constant 0 : i32
      %dma_start3A_182 = arith.constant 0 : i32
      %dma_start3A_183 = tpu.memref_slice %arg10[%dma_start3A_181, %dma_start3A_182] : memref<48x128xi32, #tpu.memory_space<vmem>> -> memref<44x128xi32, #tpu.memory_space<vmem>>
      %dma_start3A_184 = arith.constant 0 : i32
      %dma_start3A_185 = tpu.memref_slice %arg4[%mul3A_180, %dma_start3A_184] : memref<1280x128xi32, #tpu.memory_space<hbm>> -> memref<44x128xi32, #tpu.memory_space<hbm>>
      %dma_start3A_186 = arith.constant 0 : i32
      %dma_start3A_187 = arith.constant 0 : i32
      %dma_start3A_188 = tpu.memref_slice %arg10[%dma_start3A_186, %dma_start3A_187] : memref<48x128xi32, #tpu.memory_space<vmem>> -> memref<44x128xi32, #tpu.memory_space<vmem>>
      %dma_start3A_189 = arith.constant 0 : i32
      %dma_start3A_190 = tpu.memref_slice %arg4[%mul3A_180, %dma_start3A_189] : memref<1280x128xi32, #tpu.memory_space<hbm>> -> memref<44x128xi32, #tpu.memory_space<hbm>>
      tpu.enqueue_dma source(%dma_start3A_190 : memref<44x128xi32, #tpu.memory_space<hbm>>) target(%dma_start3A_188 : memref<44x128xi32, #tpu.memory_space<vmem>>) target_semaphore(%arg14 : memref<!tpu.dma_semaphore, #tpu.memory_space<semaphore_mem>>)
      %dma_wait3A_191 = arith.constant 0 : i32
      %dma_wait3A_192 = arith.constant 0 : i32
      %dma_wait3A_193 = tpu.memref_slice %arg9[%dma_wait3A_191, %dma_wait3A_192] : memref<48x128xi32, #tpu.memory_space<vmem>> -> memref<44x128xi32, #tpu.memory_space<vmem>>
      %dma_wait3A_194 = arith.constant 0 : i32
      %dma_wait3A_195 = arith.constant 0 : i32
      %dma_wait3A_196 = tpu.memref_slice %arg3[%dma_wait3A_194, %dma_wait3A_195] : memref<1280x128xi32, #tpu.memory_space<hbm>> -> memref<44x128xi32, #tpu.memory_space<hbm>>
      %dma_wait3A_197 = arith.constant 0 : i32
      %dma_wait3A_198 = arith.constant 0 : i32
      %dma_wait3A_199 = tpu.memref_slice %arg9[%dma_wait3A_197, %dma_wait3A_198] : memref<48x128xi32, #tpu.memory_space<vmem>> -> memref<44x128xi32, #tpu.memory_space<vmem>>
      %dma_wait3A_200 = arith.constant 0 : i32
      %dma_wait3A_201 = arith.constant 0 : i32
      %dma_wait3A_202 = tpu.memref_slice %arg3[%dma_wait3A_200, %dma_wait3A_201] : memref<1280x128xi32, #tpu.memory_space<hbm>> -> memref<44x128xi32, #tpu.memory_space<hbm>>
      tpu.wait_dma2 semaphore(%arg14 : memref<!tpu.dma_semaphore, #tpu.memory_space<semaphore_mem>>) src(%dma_wait3A_202 : memref<44x128xi32, #tpu.memory_space<hbm>>) dst(%dma_wait3A_199 : memref<44x128xi32, #tpu.memory_space<vmem>>)
      %dma_wait3A_203 = arith.constant 0 : i32
      %dma_wait3A_204 = arith.constant 0 : i32
      %dma_wait3A_205 = tpu.memref_slice %arg10[%dma_wait3A_203, %dma_wait3A_204] : memref<48x128xi32, #tpu.memory_space<vmem>> -> memref<44x128xi32, #tpu.memory_space<vmem>>
      %dma_wait3A_206 = arith.constant 0 : i32
      %dma_wait3A_207 = arith.constant 0 : i32
      %dma_wait3A_208 = tpu.memref_slice %arg4[%dma_wait3A_206, %dma_wait3A_207] : memref<1280x128xi32, #tpu.memory_space<hbm>> -> memref<44x128xi32, #tpu.memory_space<hbm>>
      %dma_wait3A_209 = arith.constant 0 : i32
      %dma_wait3A_210 = arith.constant 0 : i32
      %dma_wait3A_211 = tpu.memref_slice %arg10[%dma_wait3A_209, %dma_wait3A_210] : memref<48x128xi32, #tpu.memory_space<vmem>> -> memref<44x128xi32, #tpu.memory_space<vmem>>
      %dma_wait3A_212 = arith.constant 0 : i32
      %dma_wait3A_213 = arith.constant 0 : i32
      %dma_wait3A_214 = tpu.memref_slice %arg4[%dma_wait3A_212, %dma_wait3A_213] : memref<1280x128xi32, #tpu.memory_space<hbm>> -> memref<44x128xi32, #tpu.memory_space<hbm>>
      tpu.wait_dma2 semaphore(%arg14 : memref<!tpu.dma_semaphore, #tpu.memory_space<semaphore_mem>>) src(%dma_wait3A_214 : memref<44x128xi32, #tpu.memory_space<hbm>>) dst(%dma_wait3A_211 : memref<44x128xi32, #tpu.memory_space<vmem>>)
    } else {
    }
    %eq3A_6 = arith.constant 1 : i32
    %eq3A_7 = arith.cmpi eq, %arg0, %eq3A_6 : i32
    %convert_element_type3A_8 = arith.extui %eq3A_7 : i1 to i32
    %cond3A_9 = arith.constant 0 : i32
    %cond3A_10 = arith.cmpi ne, %convert_element_type3A_8, %cond3A_9 : i32
    scf.if %cond3A_10 {
      %mul3A_167 = arith.constant 36 : i32
      %mul3A_168 = arith.muli %arg1, %mul3A_167 : i32
      %add3A_169 = arith.constant 704 : i32
      %add3A_170 = arith.addi %add3A_169, %mul3A_168 : i32
      %dma_start3A_171 = arith.constant 0 : i32
      %dma_start3A_172 = arith.constant 0 : i32
      %dma_start3A_173 = tpu.memref_slice %arg9[%dma_start3A_171, %dma_start3A_172] : memref<48x128xi32, #tpu.memory_space<vmem>> -> memref<36x128xi32, #tpu.memory_space<vmem>>
      %dma_start3A_174 = arith.constant 0 : i32
      %dma_start3A_175 = tpu.memref_slice %arg3[%add3A_170, %dma_start3A_174] : memref<1280x128xi32, #tpu.memory_space<hbm>> -> memref<36x128xi32, #tpu.memory_space<hbm>>
      %dma_start3A_176 = arith.constant 0 : i32
      %dma_start3A_177 = arith.constant 0 : i32
      %dma_start3A_178 = tpu.memref_slice %arg9[%dma_start3A_176, %dma_start3A_177] : memref<48x128xi32, #tpu.memory_space<vmem>> -> memref<36x128xi32, #tpu.memory_space<vmem>>
      %dma_start3A_179 = arith.constant 0 : i32
      %dma_start3A_180 = tpu.memref_slice %arg3[%add3A_170, %dma_start3A_179] : memref<1280x128xi32, #tpu.memory_space<hbm>> -> memref<36x128xi32, #tpu.memory_space<hbm>>
      tpu.enqueue_dma source(%dma_start3A_180 : memref<36x128xi32, #tpu.memory_space<hbm>>) target(%dma_start3A_178 : memref<36x128xi32, #tpu.memory_space<vmem>>) target_semaphore(%arg14 : memref<!tpu.dma_semaphore, #tpu.memory_space<semaphore_mem>>)
      %mul3A_181 = arith.constant 36 : i32
      %mul3A_182 = arith.muli %arg1, %mul3A_181 : i32
      %add3A_183 = arith.constant 704 : i32
      %add3A_184 = arith.addi %add3A_183, %mul3A_182 : i32
      %dma_start3A_185 = arith.constant 0 : i32
      %dma_start3A_186 = arith.constant 0 : i32
      %dma_start3A_187 = tpu.memref_slice %arg10[%dma_start3A_185, %dma_start3A_186] : memref<48x128xi32, #tpu.memory_space<vmem>> -> memref<36x128xi32, #tpu.memory_space<vmem>>
      %dma_start3A_188 = arith.constant 0 : i32
      %dma_start3A_189 = tpu.memref_slice %arg4[%add3A_184, %dma_start3A_188] : memref<1280x128xi32, #tpu.memory_space<hbm>> -> memref<36x128xi32, #tpu.memory_space<hbm>>
      %dma_start3A_190 = arith.constant 0 : i32
      %dma_start3A_191 = arith.constant 0 : i32
      %dma_start3A_192 = tpu.memref_slice %arg10[%dma_start3A_190, %dma_start3A_191] : memref<48x128xi32, #tpu.memory_space<vmem>> -> memref<36x128xi32, #tpu.memory_space<vmem>>
      %dma_start3A_193 = arith.constant 0 : i32
      %dma_start3A_194 = tpu.memref_slice %arg4[%add3A_184, %dma_start3A_193] : memref<1280x128xi32, #tpu.memory_space<hbm>> -> memref<36x128xi32, #tpu.memory_space<hbm>>
      tpu.enqueue_dma source(%dma_start3A_194 : memref<36x128xi32, #tpu.memory_space<hbm>>) target(%dma_start3A_192 : memref<36x128xi32, #tpu.memory_space<vmem>>) target_semaphore(%arg14 : memref<!tpu.dma_semaphore, #tpu.memory_space<semaphore_mem>>)
      %dma_wait3A_195 = arith.constant 0 : i32
      %dma_wait3A_196 = arith.constant 0 : i32
      %dma_wait3A_197 = tpu.memref_slice %arg9[%dma_wait3A_195, %dma_wait3A_196] : memref<48x128xi32, #tpu.memory_space<vmem>> -> memref<36x128xi32, #tpu.memory_space<vmem>>
      %dma_wait3A_198 = arith.constant 0 : i32
      %dma_wait3A_199 = arith.constant 0 : i32
      %dma_wait3A_200 = tpu.memref_slice %arg3[%dma_wait3A_198, %dma_wait3A_199] : memref<1280x128xi32, #tpu.memory_space<hbm>> -> memref<36x128xi32, #tpu.memory_space<hbm>>
      %dma_wait3A_201 = arith.constant 0 : i32
      %dma_wait3A_202 = arith.constant 0 : i32
      %dma_wait3A_203 = tpu.memref_slice %arg9[%dma_wait3A_201, %dma_wait3A_202] : memref<48x128xi32, #tpu.memory_space<vmem>> -> memref<36x128xi32, #tpu.memory_space<vmem>>
      %dma_wait3A_204 = arith.constant 0 : i32
      %dma_wait3A_205 = arith.constant 0 : i32
      %dma_wait3A_206 = tpu.memref_slice %arg3[%dma_wait3A_204, %dma_wait3A_205] : memref<1280x128xi32, #tpu.memory_space<hbm>> -> memref<36x128xi32, #tpu.memory_space<hbm>>
      tpu.wait_dma2 semaphore(%arg14 : memref<!tpu.dma_semaphore, #tpu.memory_space<semaphore_mem>>) src(%dma_wait3A_206 : memref<36x128xi32, #tpu.memory_space<hbm>>) dst(%dma_wait3A_203 : memref<36x128xi32, #tpu.memory_space<vmem>>)
      %dma_wait3A_207 = arith.constant 0 : i32
      %dma_wait3A_208 = arith.constant 0 : i32
      %dma_wait3A_209 = tpu.memref_slice %arg10[%dma_wait3A_207, %dma_wait3A_208] : memref<48x128xi32, #tpu.memory_space<vmem>> -> memref<36x128xi32, #tpu.memory_space<vmem>>
      %dma_wait3A_210 = arith.constant 0 : i32
      %dma_wait3A_211 = arith.constant 0 : i32
      %dma_wait3A_212 = tpu.memref_slice %arg4[%dma_wait3A_210, %dma_wait3A_211] : memref<1280x128xi32, #tpu.memory_space<hbm>> -> memref<36x128xi32, #tpu.memory_space<hbm>>
      %dma_wait3A_213 = arith.constant 0 : i32
      %dma_wait3A_214 = arith.constant 0 : i32
      %dma_wait3A_215 = tpu.memref_slice %arg10[%dma_wait3A_213, %dma_wait3A_214] : memref<48x128xi32, #tpu.memory_space<vmem>> -> memref<36x128xi32, #tpu.memory_space<vmem>>
      %dma_wait3A_216 = arith.constant 0 : i32
      %dma_wait3A_217 = arith.constant 0 : i32
      %dma_wait3A_218 = tpu.memref_slice %arg4[%dma_wait3A_216, %dma_wait3A_217] : memref<1280x128xi32, #tpu.memory_space<hbm>> -> memref<36x128xi32, #tpu.memory_space<hbm>>
      tpu.wait_dma2 semaphore(%arg14 : memref<!tpu.dma_semaphore, #tpu.memory_space<semaphore_mem>>) src(%dma_wait3A_218 : memref<36x128xi32, #tpu.memory_space<hbm>>) dst(%dma_wait3A_215 : memref<36x128xi32, #tpu.memory_space<vmem>>)
    } else {
    }
    tpu.enqueue_dma source(%arg6 : memref<128x16xf32, #tpu.memory_space<hbm>>) target(%arg31 : memref<128x16xf32, #tpu.memory_space<vmem>>) target_semaphore(%arg14 : memref<!tpu.dma_semaphore, #tpu.memory_space<semaphore_mem>>)
    tpu.wait_dma2 semaphore(%arg14 : memref<!tpu.dma_semaphore, #tpu.memory_space<semaphore_mem>>) src(%arg6 : memref<128x16xf32, #tpu.memory_space<hbm>>) dst(%arg31 : memref<128x16xf32, #tpu.memory_space<vmem>>)
    "tpu.region"() ({
      %run_scoped3A = tpu.sem_alloc : memref<!tpu.dma_semaphore, #tpu.memory_space<semaphore_mem>>
      %dma_start3A_167 = arith.constant 0 : i32
      %dma_start3A_168 = tpu.memref_slice %arg32[%mul3A_0, %dma_start3A_167] : memref<10112x16xf32, #tpu.memory_space<vmem_shared>> -> memref<632x16xf32, #tpu.memory_space<vmem_shared>>
      %dma_start3A_169 = arith.constant 0 : i32
      %dma_start3A_170 = tpu.memref_slice %arg5[%mul3A_0, %dma_start3A_169] : memref<10112x16xf32, #tpu.memory_space<hbm>> -> memref<632x16xf32, #tpu.memory_space<hbm>>
      tpu.enqueue_dma source(%dma_start3A_170 : memref<632x16xf32, #tpu.memory_space<hbm>>) target(%dma_start3A_168 : memref<632x16xf32, #tpu.memory_space<vmem_shared>>) target_semaphore(%run_scoped3A : memref<!tpu.dma_semaphore, #tpu.memory_space<semaphore_mem>>)
      %dma_wait3A_171 = arith.constant 0 : i32
      %dma_wait3A_172 = tpu.memref_slice %arg32[%mul3A_0, %dma_wait3A_171] : memref<10112x16xf32, #tpu.memory_space<vmem_shared>> -> memref<632x16xf32, #tpu.memory_space<vmem_shared>>
      %dma_wait3A_173 = arith.constant 0 : i32
      %dma_wait3A_174 = tpu.memref_slice %arg5[%mul3A_0, %dma_wait3A_173] : memref<10112x16xf32, #tpu.memory_space<hbm>> -> memref<632x16xf32, #tpu.memory_space<hbm>>
      tpu.wait_dma2 semaphore(%run_scoped3A : memref<!tpu.dma_semaphore, #tpu.memory_space<semaphore_mem>>) src(%dma_wait3A_174 : memref<632x16xf32, #tpu.memory_space<hbm>>) dst(%dma_wait3A_172 : memref<632x16xf32, #tpu.memory_space<vmem_shared>>)
      tpu.yield
    }) : () -> ()
    %dma_start3A = arith.constant 0 : i32
    %dma_start3A_11 = tpu.memref_slice %arg13[%mul3A_0, %dma_start3A] : memref<10112x16xf32, #tpu.memory_space<vmem_shared>> -> memref<632x16xf32, #tpu.memory_space<vmem_shared>>
    %dma_start3A_12 = arith.constant 0 : i32
    %dma_start3A_13 = tpu.memref_slice %arg2[%mul3A_0, %dma_start3A_12] : memref<10112x16xf32, #tpu.memory_space<hbm>> -> memref<632x16xf32, #tpu.memory_space<hbm>>
    tpu.enqueue_dma source(%dma_start3A_13 : memref<632x16xf32, #tpu.memory_space<hbm>>) target(%dma_start3A_11 : memref<632x16xf32, #tpu.memory_space<vmem_shared>>) target_semaphore(%arg14 : memref<!tpu.dma_semaphore, #tpu.memory_space<semaphore_mem>>)
    "tpu.region"() ({
      %run_scoped3A = tpu.sem_alloc : memref<!tpu.dma_semaphore, #tpu.memory_space<semaphore_mem>>
      %dma_start3A_167 = arith.constant 0 : i32
      %dma_start3A_168 = tpu.memref_slice %arg12[%mul3A_0, %dma_start3A_167] : memref<10112x16xf32, #tpu.memory_space<vmem_shared>> -> memref<632x16xf32, #tpu.memory_space<vmem_shared>>
      %dma_start3A_169 = arith.constant 0 : i32
      %dma_start3A_170 = tpu.memref_slice %arg5[%mul3A_0, %dma_start3A_169] : memref<10112x16xf32, #tpu.memory_space<hbm>> -> memref<632x16xf32, #tpu.memory_space<hbm>>
      tpu.enqueue_dma source(%dma_start3A_170 : memref<632x16xf32, #tpu.memory_space<hbm>>) target(%dma_start3A_168 : memref<632x16xf32, #tpu.memory_space<vmem_shared>>) target_semaphore(%run_scoped3A : memref<!tpu.dma_semaphore, #tpu.memory_space<semaphore_mem>>)
      %dma_wait3A_171 = arith.constant 0 : i32
      %dma_wait3A_172 = tpu.memref_slice %arg12[%mul3A_0, %dma_wait3A_171] : memref<10112x16xf32, #tpu.memory_space<vmem_shared>> -> memref<632x16xf32, #tpu.memory_space<vmem_shared>>
      %dma_wait3A_173 = arith.constant 0 : i32
      %dma_wait3A_174 = tpu.memref_slice %arg5[%mul3A_0, %dma_wait3A_173] : memref<10112x16xf32, #tpu.memory_space<hbm>> -> memref<632x16xf32, #tpu.memory_space<hbm>>
      tpu.wait_dma2 semaphore(%run_scoped3A : memref<!tpu.dma_semaphore, #tpu.memory_space<semaphore_mem>>) src(%dma_wait3A_174 : memref<632x16xf32, #tpu.memory_space<hbm>>) dst(%dma_wait3A_172 : memref<632x16xf32, #tpu.memory_space<vmem_shared>>)
      tpu.yield
    }) : () -> ()
    %dma_wait3A = arith.constant 0 : i32
    %dma_wait3A_14 = tpu.memref_slice %arg13[%mul3A_0, %dma_wait3A] : memref<10112x16xf32, #tpu.memory_space<vmem_shared>> -> memref<632x16xf32, #tpu.memory_space<vmem_shared>>
    %dma_wait3A_15 = arith.constant 0 : i32
    %dma_wait3A_16 = tpu.memref_slice %arg2[%mul3A_0, %dma_wait3A_15] : memref<10112x16xf32, #tpu.memory_space<hbm>> -> memref<632x16xf32, #tpu.memory_space<hbm>>
    tpu.wait_dma2 semaphore(%arg14 : memref<!tpu.dma_semaphore, #tpu.memory_space<semaphore_mem>>) src(%dma_wait3A_16 : memref<632x16xf32, #tpu.memory_space<hbm>>) dst(%dma_wait3A_14 : memref<632x16xf32, #tpu.memory_space<vmem_shared>>)
    %barrier3A = arith.constant 0 : index
    tpu.barrier barrier_id(%barrier3A)
    %dma_start3A_17 = arith.constant 0 : i32
    %dma_start3A_18 = arith.constant 0 : i32
    %dma_start3A_19 = arith.constant 0 : i32
    %dma_start3A_20 = arith.constant 0 : i32
    %dma_start3A_21 = tpu.memref_slice %arg11[%dma_start3A_18, %dma_start3A_19, %dma_start3A_20] : memref<8x128x16xf32, #tpu.memory_space<vmem>> -> memref<1x128x16xf32, #tpu.memory_space<vmem>>
    %dma_start3A_22 = tpu.memref_squeeze %dma_start3A_21 : memref<1x128x16xf32, #tpu.memory_space<vmem>> -> memref<128x16xf32, #tpu.memory_space<vmem>>
    %dma_start3A_23 = arith.constant 0 : i32
    %dma_start3A_24 = tpu.memref_slice %arg9[%dma_start3A_17, %dma_start3A_23] : memref<48x128xi32, #tpu.memory_space<vmem>> -> memref<1x128xi32, #tpu.memory_space<vmem>>
    %dma_start3A_25 = tpu.memref_squeeze %dma_start3A_24 : memref<1x128xi32, #tpu.memory_space<vmem>> -> memref<128xi32, #tpu.memory_space<vmem>>
    %dma_start3A_26 = arith.constant 0 : i32
    %dma_start3A_27 = arith.constant 0 : i32
    %dma_start3A_28 = tpu.memref_slice %arg13[%dma_start3A_26, %dma_start3A_27] : memref<10112x16xf32, #tpu.memory_space<vmem_shared>> -> memref<10112x16xf32, #tpu.memory_space<vmem_shared>>
    tpu.enqueue_indirect_dma source(%dma_start3A_28 : memref<10112x16xf32, #tpu.memory_space<vmem_shared>>) target(%dma_start3A_22 : memref<128x16xf32, #tpu.memory_space<vmem>>) offsets(%dma_start3A_25 : memref<128xi32, #tpu.memory_space<vmem>>) semaphore(%arg15 : memref<!tpu.dma_semaphore, #tpu.memory_space<semaphore_mem>>)
    %dma_start3A_29 = arith.constant 1 : i32
    %dma_start3A_30 = arith.constant 1 : i32
    %dma_start3A_31 = arith.constant 0 : i32
    %dma_start3A_32 = arith.constant 0 : i32
    %dma_start3A_33 = tpu.memref_slice %arg11[%dma_start3A_30, %dma_start3A_31, %dma_start3A_32] : memref<8x128x16xf32, #tpu.memory_space<vmem>> -> memref<1x128x16xf32, #tpu.memory_space<vmem>>
    %dma_start3A_34 = tpu.memref_squeeze %dma_start3A_33 : memref<1x128x16xf32, #tpu.memory_space<vmem>> -> memref<128x16xf32, #tpu.memory_space<vmem>>
    %dma_start3A_35 = arith.constant 0 : i32
    %dma_start3A_36 = tpu.memref_slice %arg9[%dma_start3A_29, %dma_start3A_35] : memref<48x128xi32, #tpu.memory_space<vmem>> -> memref<1x128xi32, #tpu.memory_space<vmem>>
    %dma_start3A_37 = tpu.memref_squeeze %dma_start3A_36 : memref<1x128xi32, #tpu.memory_space<vmem>> -> memref<128xi32, #tpu.memory_space<vmem>>
    %dma_start3A_38 = arith.constant 0 : i32
    %dma_start3A_39 = arith.constant 0 : i32
    %dma_start3A_40 = tpu.memref_slice %arg13[%dma_start3A_38, %dma_start3A_39] : memref<10112x16xf32, #tpu.memory_space<vmem_shared>> -> memref<10112x16xf32, #tpu.memory_space<vmem_shared>>
    tpu.enqueue_indirect_dma source(%dma_start3A_40 : memref<10112x16xf32, #tpu.memory_space<vmem_shared>>) target(%dma_start3A_34 : memref<128x16xf32, #tpu.memory_space<vmem>>) offsets(%dma_start3A_37 : memref<128xi32, #tpu.memory_space<vmem>>) semaphore(%arg16 : memref<!tpu.dma_semaphore, #tpu.memory_space<semaphore_mem>>)
    %dma_start3A_41 = arith.constant 2 : i32
    %dma_start3A_42 = arith.constant 2 : i32
    %dma_start3A_43 = arith.constant 0 : i32
    %dma_start3A_44 = arith.constant 0 : i32
    %dma_start3A_45 = tpu.memref_slice %arg11[%dma_start3A_42, %dma_start3A_43, %dma_start3A_44] : memref<8x128x16xf32, #tpu.memory_space<vmem>> -> memref<1x128x16xf32, #tpu.memory_space<vmem>>
    %dma_start3A_46 = tpu.memref_squeeze %dma_start3A_45 : memref<1x128x16xf32, #tpu.memory_space<vmem>> -> memref<128x16xf32, #tpu.memory_space<vmem>>
    %dma_start3A_47 = arith.constant 0 : i32
    %dma_start3A_48 = tpu.memref_slice %arg9[%dma_start3A_41, %dma_start3A_47] : memref<48x128xi32, #tpu.memory_space<vmem>> -> memref<1x128xi32, #tpu.memory_space<vmem>>
    %dma_start3A_49 = tpu.memref_squeeze %dma_start3A_48 : memref<1x128xi32, #tpu.memory_space<vmem>> -> memref<128xi32, #tpu.memory_space<vmem>>
    %dma_start3A_50 = arith.constant 0 : i32
    %dma_start3A_51 = arith.constant 0 : i32
    %dma_start3A_52 = tpu.memref_slice %arg13[%dma_start3A_50, %dma_start3A_51] : memref<10112x16xf32, #tpu.memory_space<vmem_shared>> -> memref<10112x16xf32, #tpu.memory_space<vmem_shared>>
    tpu.enqueue_indirect_dma source(%dma_start3A_52 : memref<10112x16xf32, #tpu.memory_space<vmem_shared>>) target(%dma_start3A_46 : memref<128x16xf32, #tpu.memory_space<vmem>>) offsets(%dma_start3A_49 : memref<128xi32, #tpu.memory_space<vmem>>) semaphore(%arg17 : memref<!tpu.dma_semaphore, #tpu.memory_space<semaphore_mem>>)
    %scan3A = arith.constant 0 : i32
    %scan3A_53 = arith.constant 0 : i32
    %scan3A_54 = arith.constant 6 : i32
    %scan3A_55 = arith.addi %scan3A_53, %scan3A_54 : i32
    %scan3A_56 = arith.constant 1 : i32
    scf.for %scan3A_167 = %scan3A_53 to %scan3A_55 step %scan3A_56  : i32 {
      %mul3A_168 = arith.constant 8 : i32
      %mul3A_169 = arith.muli %scan3A_167, %mul3A_168 : i32
      %add3A_170 = arith.constant 0 : i32
      %add3A_171 = arith.addi %mul3A_169, %add3A_170 : i32
      %sub3A = arith.constant 1 : i32
      %sub3A_172 = arith.subi %select_n3A, %sub3A : i32
      %le3A = arith.cmpi sle, %add3A_171, %sub3A_172 : i32
      %convert_element_type3A_173 = arith.extui %le3A : i1 to i32
      %cond3A_174 = arith.constant 0 : i32
      %cond3A_175 = arith.cmpi ne, %convert_element_type3A_173, %cond3A_174 : i32
      scf.if %cond3A_175 {
        %dma_wait3A_246 = arith.constant 0 : i32
        %dma_wait3A_247 = arith.constant 0 : i32
        %dma_wait3A_248 = arith.constant 0 : i32
        %dma_wait3A_249 = tpu.memref_slice %arg11[%dma_wait3A_246, %dma_wait3A_247, %dma_wait3A_248] : memref<8x128x16xf32, #tpu.memory_space<vmem>> -> memref<1x128x16xf32, #tpu.memory_space<vmem>>
        %dma_wait3A_250 = tpu.memref_squeeze %dma_wait3A_249 : memref<1x128x16xf32, #tpu.memory_space<vmem>> -> memref<128x16xf32, #tpu.memory_space<vmem>>
        %dma_wait3A_251 = arith.constant 0 : i32
        %dma_wait3A_252 = tpu.memref_slice %arg9[%add3A_171, %dma_wait3A_251] : memref<48x128xi32, #tpu.memory_space<vmem>> -> memref<1x128xi32, #tpu.memory_space<vmem>>
        %dma_wait3A_253 = tpu.memref_squeeze %dma_wait3A_252 : memref<1x128xi32, #tpu.memory_space<vmem>> -> memref<128xi32, #tpu.memory_space<vmem>>
        %dma_wait3A_254 = arith.constant 0 : i32
        %dma_wait3A_255 = arith.constant 0 : i32
        %dma_wait3A_256 = tpu.memref_slice %arg13[%dma_wait3A_254, %dma_wait3A_255] : memref<10112x16xf32, #tpu.memory_space<vmem_shared>> -> memref<10112x16xf32, #tpu.memory_space<vmem_shared>>
        tpu.wait_indirect_dma semaphore(%arg15 : memref<!tpu.dma_semaphore, #tpu.memory_space<semaphore_mem>>) src(%dma_wait3A_256 : memref<10112x16xf32, #tpu.memory_space<vmem_shared>>) dst(%dma_wait3A_250 : memref<128x16xf32, #tpu.memory_space<vmem>>)
        %dma_start3A_257 = arith.constant 0 : i32
        %dma_start3A_258 = arith.constant 0 : i32
        %dma_start3A_259 = arith.constant 0 : i32
        %dma_start3A_260 = tpu.memref_slice %arg11[%dma_start3A_257, %dma_start3A_258, %dma_start3A_259] : memref<8x128x16xf32, #tpu.memory_space<vmem>> -> memref<1x128x16xf32, #tpu.memory_space<vmem>>
        %dma_start3A_261 = tpu.memref_squeeze %dma_start3A_260 : memref<1x128x16xf32, #tpu.memory_space<vmem>> -> memref<128x16xf32, #tpu.memory_space<vmem>>
        %dma_start3A_262 = arith.constant 0 : i32
        %dma_start3A_263 = tpu.memref_slice %arg10[%add3A_171, %dma_start3A_262] : memref<48x128xi32, #tpu.memory_space<vmem>> -> memref<1x128xi32, #tpu.memory_space<vmem>>
        %dma_start3A_264 = tpu.memref_squeeze %dma_start3A_263 : memref<1x128xi32, #tpu.memory_space<vmem>> -> memref<128xi32, #tpu.memory_space<vmem>>
        %dma_start3A_265 = arith.constant 0 : i32
        %dma_start3A_266 = arith.constant 0 : i32
        %dma_start3A_267 = tpu.memref_slice %arg12[%dma_start3A_265, %dma_start3A_266] : memref<10112x16xf32, #tpu.memory_space<vmem_shared>> -> memref<10112x16xf32, #tpu.memory_space<vmem_shared>>
        tpu.enqueue_indirect_dma source(%dma_start3A_261 : memref<128x16xf32, #tpu.memory_space<vmem>>) target(%dma_start3A_267 : memref<10112x16xf32, #tpu.memory_space<vmem_shared>>) offsets(%dma_start3A_264 : memref<128xi32, #tpu.memory_space<vmem>>) semaphore(%arg23 : memref<!tpu.dma_semaphore, #tpu.memory_space<semaphore_mem>>) {add = true}
        %dma_start3A_268 = arith.constant 0 : i32
        %dma_start3A_269 = tpu.memref_slice %arg10[%add3A_171, %dma_start3A_268] : memref<48x128xi32, #tpu.memory_space<vmem>> -> memref<1x128xi32, #tpu.memory_space<vmem>>
        %dma_start3A_270 = tpu.memref_squeeze %dma_start3A_269 : memref<1x128xi32, #tpu.memory_space<vmem>> -> memref<128xi32, #tpu.memory_space<vmem>>
        %dma_start3A_271 = arith.constant 0 : i32
        %dma_start3A_272 = arith.constant 0 : i32
        %dma_start3A_273 = tpu.memref_slice %arg32[%dma_start3A_271, %dma_start3A_272] : memref<10112x16xf32, #tpu.memory_space<vmem_shared>> -> memref<10112x16xf32, #tpu.memory_space<vmem_shared>>
        tpu.enqueue_indirect_dma source(%arg31 : memref<128x16xf32, #tpu.memory_space<vmem>>) target(%dma_start3A_273 : memref<10112x16xf32, #tpu.memory_space<vmem_shared>>) offsets(%dma_start3A_270 : memref<128xi32, #tpu.memory_space<vmem>>) semaphore(%arg33 : memref<!tpu.dma_semaphore, #tpu.memory_space<semaphore_mem>>) {add = true}
        %ge3A = arith.constant 1 : i32
        %ge3A_274 = arith.cmpi sge, %add3A_171, %ge3A : i32
        %convert_element_type3A_275 = arith.extui %ge3A_274 : i1 to i32
        %cond3A_276 = arith.constant 0 : i32
        %cond3A_277 = arith.cmpi ne, %convert_element_type3A_275, %cond3A_276 : i32
        scf.if %cond3A_277 {
          %dma_wait3A_286 = arith.constant 0 : i32
          %dma_wait3A_287 = arith.constant 0 : i32
          %dma_wait3A_288 = tpu.memref_slice %arg10[%dma_wait3A_286, %dma_wait3A_287] : memref<48x128xi32, #tpu.memory_space<vmem>> -> memref<1x128xi32, #tpu.memory_space<vmem>>
          %dma_wait3A_289 = tpu.memref_squeeze %dma_wait3A_288 : memref<1x128xi32, #tpu.memory_space<vmem>> -> memref<128xi32, #tpu.memory_space<vmem>>
          %dma_wait3A_290 = arith.constant 0 : i32
          %dma_wait3A_291 = arith.constant 0 : i32
          %dma_wait3A_292 = tpu.memref_slice %arg32[%dma_wait3A_290, %dma_wait3A_291] : memref<10112x16xf32, #tpu.memory_space<vmem_shared>> -> memref<10112x16xf32, #tpu.memory_space<vmem_shared>>
          tpu.wait_indirect_dma semaphore(%arg33 : memref<!tpu.dma_semaphore, #tpu.memory_space<semaphore_mem>>) src(%arg31 : memref<128x16xf32, #tpu.memory_space<vmem>>) dst(%dma_wait3A_292 : memref<10112x16xf32, #tpu.memory_space<vmem_shared>>)
        } else {
        }
        %add3A_278 = arith.constant 3 : i32
        %add3A_279 = arith.addi %add3A_171, %add3A_278 : i32
        %sub3A_280 = arith.constant 1 : i32
        %sub3A_281 = arith.subi %select_n3A, %sub3A_280 : i32
        %le3A_282 = arith.cmpi sle, %add3A_279, %sub3A_281 : i32
        %convert_element_type3A_283 = arith.extui %le3A_282 : i1 to i32
        %cond3A_284 = arith.constant 0 : i32
        %cond3A_285 = arith.cmpi ne, %convert_element_type3A_283, %cond3A_284 : i32
        scf.if %cond3A_285 {
          %ge3A_286 = arith.constant 8 : i32
          %ge3A_287 = arith.cmpi sge, %add3A_279, %ge3A_286 : i32
          %convert_element_type3A_288 = arith.extui %ge3A_287 : i1 to i32
          %cond3A_289 = arith.constant 0 : i32
          %cond3A_290 = arith.cmpi ne, %convert_element_type3A_288, %cond3A_289 : i32
          scf.if %cond3A_290 {
            %dma_wait3A_302 = arith.constant 3 : i32
            %dma_wait3A_303 = arith.constant 0 : i32
            %dma_wait3A_304 = arith.constant 0 : i32
            %dma_wait3A_305 = arith.constant 0 : i32
            %dma_wait3A_306 = tpu.memref_slice %arg11[%dma_wait3A_302, %dma_wait3A_304, %dma_wait3A_305] : memref<8x128x16xf32, #tpu.memory_space<vmem>> -> memref<1x128x16xf32, #tpu.memory_space<vmem>>
            %dma_wait3A_307 = tpu.memref_squeeze %dma_wait3A_306 : memref<1x128x16xf32, #tpu.memory_space<vmem>> -> memref<128x16xf32, #tpu.memory_space<vmem>>
            %dma_wait3A_308 = arith.constant 0 : i32
            %dma_wait3A_309 = tpu.memref_slice %arg10[%dma_wait3A_303, %dma_wait3A_308] : memref<48x128xi32, #tpu.memory_space<vmem>> -> memref<1x128xi32, #tpu.memory_space<vmem>>
            %dma_wait3A_310 = tpu.memref_squeeze %dma_wait3A_309 : memref<1x128xi32, #tpu.memory_space<vmem>> -> memref<128xi32, #tpu.memory_space<vmem>>
            %dma_wait3A_311 = arith.constant 0 : i32
            %dma_wait3A_312 = arith.constant 0 : i32
            %dma_wait3A_313 = tpu.memref_slice %arg12[%dma_wait3A_311, %dma_wait3A_312] : memref<10112x16xf32, #tpu.memory_space<vmem_shared>> -> memref<10112x16xf32, #tpu.memory_space<vmem_shared>>
            tpu.wait_indirect_dma semaphore(%arg26 : memref<!tpu.dma_semaphore, #tpu.memory_space<semaphore_mem>>) src(%dma_wait3A_307 : memref<128x16xf32, #tpu.memory_space<vmem>>) dst(%dma_wait3A_313 : memref<10112x16xf32, #tpu.memory_space<vmem_shared>>)
          } else {
          }
          %dma_start3A_291 = arith.constant 3 : i32
          %dma_start3A_292 = arith.constant 0 : i32
          %dma_start3A_293 = arith.constant 0 : i32
          %dma_start3A_294 = tpu.memref_slice %arg11[%dma_start3A_291, %dma_start3A_292, %dma_start3A_293] : memref<8x128x16xf32, #tpu.memory_space<vmem>> -> memref<1x128x16xf32, #tpu.memory_space<vmem>>
          %dma_start3A_295 = tpu.memref_squeeze %dma_start3A_294 : memref<1x128x16xf32, #tpu.memory_space<vmem>> -> memref<128x16xf32, #tpu.memory_space<vmem>>
          %dma_start3A_296 = arith.constant 0 : i32
          %dma_start3A_297 = tpu.memref_slice %arg9[%add3A_279, %dma_start3A_296] : memref<48x128xi32, #tpu.memory_space<vmem>> -> memref<1x128xi32, #tpu.memory_space<vmem>>
          %dma_start3A_298 = tpu.memref_squeeze %dma_start3A_297 : memref<1x128xi32, #tpu.memory_space<vmem>> -> memref<128xi32, #tpu.memory_space<vmem>>
          %dma_start3A_299 = arith.constant 0 : i32
          %dma_start3A_300 = arith.constant 0 : i32
          %dma_start3A_301 = tpu.memref_slice %arg13[%dma_start3A_299, %dma_start3A_300] : memref<10112x16xf32, #tpu.memory_space<vmem_shared>> -> memref<10112x16xf32, #tpu.memory_space<vmem_shared>>
          tpu.enqueue_indirect_dma source(%dma_start3A_301 : memref<10112x16xf32, #tpu.memory_space<vmem_shared>>) target(%dma_start3A_295 : memref<128x16xf32, #tpu.memory_space<vmem>>) offsets(%dma_start3A_298 : memref<128xi32, #tpu.memory_space<vmem>>) semaphore(%arg18 : memref<!tpu.dma_semaphore, #tpu.memory_space<semaphore_mem>>)
        } else {
        }
      } else {
      }
      %mul3A_176 = arith.constant 8 : i32
      %mul3A_177 = arith.muli %scan3A_167, %mul3A_176 : i32
      %add3A_178 = arith.constant 1 : i32
      %add3A_179 = arith.addi %mul3A_177, %add3A_178 : i32
      %sub3A_180 = arith.constant 1 : i32
      %sub3A_181 = arith.subi %select_n3A, %sub3A_180 : i32
      %le3A_182 = arith.cmpi sle, %add3A_179, %sub3A_181 : i32
      %convert_element_type3A_183 = arith.extui %le3A_182 : i1 to i32
      %cond3A_184 = arith.constant 0 : i32
      %cond3A_185 = arith.cmpi ne, %convert_element_type3A_183, %cond3A_184 : i32
      scf.if %cond3A_185 {
        %dma_wait3A_246 = arith.constant 1 : i32
        %dma_wait3A_247 = arith.constant 0 : i32
        %dma_wait3A_248 = arith.constant 0 : i32
        %dma_wait3A_249 = tpu.memref_slice %arg11[%dma_wait3A_246, %dma_wait3A_247, %dma_wait3A_248] : memref<8x128x16xf32, #tpu.memory_space<vmem>> -> memref<1x128x16xf32, #tpu.memory_space<vmem>>
        %dma_wait3A_250 = tpu.memref_squeeze %dma_wait3A_249 : memref<1x128x16xf32, #tpu.memory_space<vmem>> -> memref<128x16xf32, #tpu.memory_space<vmem>>
        %dma_wait3A_251 = arith.constant 0 : i32
        %dma_wait3A_252 = tpu.memref_slice %arg9[%add3A_179, %dma_wait3A_251] : memref<48x128xi32, #tpu.memory_space<vmem>> -> memref<1x128xi32, #tpu.memory_space<vmem>>
        %dma_wait3A_253 = tpu.memref_squeeze %dma_wait3A_252 : memref<1x128xi32, #tpu.memory_space<vmem>> -> memref<128xi32, #tpu.memory_space<vmem>>
        %dma_wait3A_254 = arith.constant 0 : i32
        %dma_wait3A_255 = arith.constant 0 : i32
        %dma_wait3A_256 = tpu.memref_slice %arg13[%dma_wait3A_254, %dma_wait3A_255] : memref<10112x16xf32, #tpu.memory_space<vmem_shared>> -> memref<10112x16xf32, #tpu.memory_space<vmem_shared>>
        tpu.wait_indirect_dma semaphore(%arg16 : memref<!tpu.dma_semaphore, #tpu.memory_space<semaphore_mem>>) src(%dma_wait3A_256 : memref<10112x16xf32, #tpu.memory_space<vmem_shared>>) dst(%dma_wait3A_250 : memref<128x16xf32, #tpu.memory_space<vmem>>)
        %dma_start3A_257 = arith.constant 1 : i32
        %dma_start3A_258 = arith.constant 0 : i32
        %dma_start3A_259 = arith.constant 0 : i32
        %dma_start3A_260 = tpu.memref_slice %arg11[%dma_start3A_257, %dma_start3A_258, %dma_start3A_259] : memref<8x128x16xf32, #tpu.memory_space<vmem>> -> memref<1x128x16xf32, #tpu.memory_space<vmem>>
        %dma_start3A_261 = tpu.memref_squeeze %dma_start3A_260 : memref<1x128x16xf32, #tpu.memory_space<vmem>> -> memref<128x16xf32, #tpu.memory_space<vmem>>
        %dma_start3A_262 = arith.constant 0 : i32
        %dma_start3A_263 = tpu.memref_slice %arg10[%add3A_179, %dma_start3A_262] : memref<48x128xi32, #tpu.memory_space<vmem>> -> memref<1x128xi32, #tpu.memory_space<vmem>>
        %dma_start3A_264 = tpu.memref_squeeze %dma_start3A_263 : memref<1x128xi32, #tpu.memory_space<vmem>> -> memref<128xi32, #tpu.memory_space<vmem>>
        %dma_start3A_265 = arith.constant 0 : i32
        %dma_start3A_266 = arith.constant 0 : i32
        %dma_start3A_267 = tpu.memref_slice %arg12[%dma_start3A_265, %dma_start3A_266] : memref<10112x16xf32, #tpu.memory_space<vmem_shared>> -> memref<10112x16xf32, #tpu.memory_space<vmem_shared>>
        tpu.enqueue_indirect_dma source(%dma_start3A_261 : memref<128x16xf32, #tpu.memory_space<vmem>>) target(%dma_start3A_267 : memref<10112x16xf32, #tpu.memory_space<vmem_shared>>) offsets(%dma_start3A_264 : memref<128xi32, #tpu.memory_space<vmem>>) semaphore(%arg24 : memref<!tpu.dma_semaphore, #tpu.memory_space<semaphore_mem>>) {add = true}
        %dma_start3A_268 = arith.constant 0 : i32
        %dma_start3A_269 = tpu.memref_slice %arg10[%add3A_179, %dma_start3A_268] : memref<48x128xi32, #tpu.memory_space<vmem>> -> memref<1x128xi32, #tpu.memory_space<vmem>>
        %dma_start3A_270 = tpu.memref_squeeze %dma_start3A_269 : memref<1x128xi32, #tpu.memory_space<vmem>> -> memref<128xi32, #tpu.memory_space<vmem>>
        %dma_start3A_271 = arith.constant 0 : i32
        %dma_start3A_272 = arith.constant 0 : i32
        %dma_start3A_273 = tpu.memref_slice %arg32[%dma_start3A_271, %dma_start3A_272] : memref<10112x16xf32, #tpu.memory_space<vmem_shared>> -> memref<10112x16xf32, #tpu.memory_space<vmem_shared>>
        tpu.enqueue_indirect_dma source(%arg31 : memref<128x16xf32, #tpu.memory_space<vmem>>) target(%dma_start3A_273 : memref<10112x16xf32, #tpu.memory_space<vmem_shared>>) offsets(%dma_start3A_270 : memref<128xi32, #tpu.memory_space<vmem>>) semaphore(%arg33 : memref<!tpu.dma_semaphore, #tpu.memory_space<semaphore_mem>>) {add = true}
        %ge3A = arith.constant 1 : i32
        %ge3A_274 = arith.cmpi sge, %add3A_179, %ge3A : i32
        %convert_element_type3A_275 = arith.extui %ge3A_274 : i1 to i32
        %cond3A_276 = arith.constant 0 : i32
        %cond3A_277 = arith.cmpi ne, %convert_element_type3A_275, %cond3A_276 : i32
        scf.if %cond3A_277 {
          %dma_wait3A_286 = arith.constant 0 : i32
          %dma_wait3A_287 = arith.constant 0 : i32
          %dma_wait3A_288 = tpu.memref_slice %arg10[%dma_wait3A_286, %dma_wait3A_287] : memref<48x128xi32, #tpu.memory_space<vmem>> -> memref<1x128xi32, #tpu.memory_space<vmem>>
          %dma_wait3A_289 = tpu.memref_squeeze %dma_wait3A_288 : memref<1x128xi32, #tpu.memory_space<vmem>> -> memref<128xi32, #tpu.memory_space<vmem>>
          %dma_wait3A_290 = arith.constant 0 : i32
          %dma_wait3A_291 = arith.constant 0 : i32
          %dma_wait3A_292 = tpu.memref_slice %arg32[%dma_wait3A_290, %dma_wait3A_291] : memref<10112x16xf32, #tpu.memory_space<vmem_shared>> -> memref<10112x16xf32, #tpu.memory_space<vmem_shared>>
          tpu.wait_indirect_dma semaphore(%arg33 : memref<!tpu.dma_semaphore, #tpu.memory_space<semaphore_mem>>) src(%arg31 : memref<128x16xf32, #tpu.memory_space<vmem>>) dst(%dma_wait3A_292 : memref<10112x16xf32, #tpu.memory_space<vmem_shared>>)
        } else {
        }
        %add3A_278 = arith.constant 3 : i32
        %add3A_279 = arith.addi %add3A_179, %add3A_278 : i32
        %sub3A_280 = arith.constant 1 : i32
        %sub3A_281 = arith.subi %select_n3A, %sub3A_280 : i32
        %le3A_282 = arith.cmpi sle, %add3A_279, %sub3A_281 : i32
        %convert_element_type3A_283 = arith.extui %le3A_282 : i1 to i32
        %cond3A_284 = arith.constant 0 : i32
        %cond3A_285 = arith.cmpi ne, %convert_element_type3A_283, %cond3A_284 : i32
        scf.if %cond3A_285 {
          %ge3A_286 = arith.constant 8 : i32
          %ge3A_287 = arith.cmpi sge, %add3A_279, %ge3A_286 : i32
          %convert_element_type3A_288 = arith.extui %ge3A_287 : i1 to i32
          %cond3A_289 = arith.constant 0 : i32
          %cond3A_290 = arith.cmpi ne, %convert_element_type3A_288, %cond3A_289 : i32
          scf.if %cond3A_290 {
            %dma_wait3A_302 = arith.constant 4 : i32
            %dma_wait3A_303 = arith.constant 0 : i32
            %dma_wait3A_304 = arith.constant 0 : i32
            %dma_wait3A_305 = arith.constant 0 : i32
            %dma_wait3A_306 = tpu.memref_slice %arg11[%dma_wait3A_302, %dma_wait3A_304, %dma_wait3A_305] : memref<8x128x16xf32, #tpu.memory_space<vmem>> -> memref<1x128x16xf32, #tpu.memory_space<vmem>>
            %dma_wait3A_307 = tpu.memref_squeeze %dma_wait3A_306 : memref<1x128x16xf32, #tpu.memory_space<vmem>> -> memref<128x16xf32, #tpu.memory_space<vmem>>
            %dma_wait3A_308 = arith.constant 0 : i32
            %dma_wait3A_309 = tpu.memref_slice %arg10[%dma_wait3A_303, %dma_wait3A_308] : memref<48x128xi32, #tpu.memory_space<vmem>> -> memref<1x128xi32, #tpu.memory_space<vmem>>
            %dma_wait3A_310 = tpu.memref_squeeze %dma_wait3A_309 : memref<1x128xi32, #tpu.memory_space<vmem>> -> memref<128xi32, #tpu.memory_space<vmem>>
            %dma_wait3A_311 = arith.constant 0 : i32
            %dma_wait3A_312 = arith.constant 0 : i32
            %dma_wait3A_313 = tpu.memref_slice %arg12[%dma_wait3A_311, %dma_wait3A_312] : memref<10112x16xf32, #tpu.memory_space<vmem_shared>> -> memref<10112x16xf32, #tpu.memory_space<vmem_shared>>
            tpu.wait_indirect_dma semaphore(%arg27 : memref<!tpu.dma_semaphore, #tpu.memory_space<semaphore_mem>>) src(%dma_wait3A_307 : memref<128x16xf32, #tpu.memory_space<vmem>>) dst(%dma_wait3A_313 : memref<10112x16xf32, #tpu.memory_space<vmem_shared>>)
          } else {
          }
          %dma_start3A_291 = arith.constant 4 : i32
          %dma_start3A_292 = arith.constant 0 : i32
          %dma_start3A_293 = arith.constant 0 : i32
          %dma_start3A_294 = tpu.memref_slice %arg11[%dma_start3A_291, %dma_start3A_292, %dma_start3A_293] : memref<8x128x16xf32, #tpu.memory_space<vmem>> -> memref<1x128x16xf32, #tpu.memory_space<vmem>>
          %dma_start3A_295 = tpu.memref_squeeze %dma_start3A_294 : memref<1x128x16xf32, #tpu.memory_space<vmem>> -> memref<128x16xf32, #tpu.memory_space<vmem>>
          %dma_start3A_296 = arith.constant 0 : i32
          %dma_start3A_297 = tpu.memref_slice %arg9[%add3A_279, %dma_start3A_296] : memref<48x128xi32, #tpu.memory_space<vmem>> -> memref<1x128xi32, #tpu.memory_space<vmem>>
          %dma_start3A_298 = tpu.memref_squeeze %dma_start3A_297 : memref<1x128xi32, #tpu.memory_space<vmem>> -> memref<128xi32, #tpu.memory_space<vmem>>
          %dma_start3A_299 = arith.constant 0 : i32
          %dma_start3A_300 = arith.constant 0 : i32
          %dma_start3A_301 = tpu.memref_slice %arg13[%dma_start3A_299, %dma_start3A_300] : memref<10112x16xf32, #tpu.memory_space<vmem_shared>> -> memref<10112x16xf32, #tpu.memory_space<vmem_shared>>
          tpu.enqueue_indirect_dma source(%dma_start3A_301 : memref<10112x16xf32, #tpu.memory_space<vmem_shared>>) target(%dma_start3A_295 : memref<128x16xf32, #tpu.memory_space<vmem>>) offsets(%dma_start3A_298 : memref<128xi32, #tpu.memory_space<vmem>>) semaphore(%arg19 : memref<!tpu.dma_semaphore, #tpu.memory_space<semaphore_mem>>)
        } else {
        }
      } else {
      }
      %mul3A_186 = arith.constant 8 : i32
      %mul3A_187 = arith.muli %scan3A_167, %mul3A_186 : i32
      %add3A_188 = arith.constant 2 : i32
      %add3A_189 = arith.addi %mul3A_187, %add3A_188 : i32
      %sub3A_190 = arith.constant 1 : i32
      %sub3A_191 = arith.subi %select_n3A, %sub3A_190 : i32
      %le3A_192 = arith.cmpi sle, %add3A_189, %sub3A_191 : i32
      %convert_element_type3A_193 = arith.extui %le3A_192 : i1 to i32
      %cond3A_194 = arith.constant 0 : i32
      %cond3A_195 = arith.cmpi ne, %convert_element_type3A_193, %cond3A_194 : i32
      scf.if %cond3A_195 {
        %dma_wait3A_246 = arith.constant 2 : i32
        %dma_wait3A_247 = arith.constant 0 : i32
        %dma_wait3A_248 = arith.constant 0 : i32
        %dma_wait3A_249 = tpu.memref_slice %arg11[%dma_wait3A_246, %dma_wait3A_247, %dma_wait3A_248] : memref<8x128x16xf32, #tpu.memory_space<vmem>> -> memref<1x128x16xf32, #tpu.memory_space<vmem>>
        %dma_wait3A_250 = tpu.memref_squeeze %dma_wait3A_249 : memref<1x128x16xf32, #tpu.memory_space<vmem>> -> memref<128x16xf32, #tpu.memory_space<vmem>>
        %dma_wait3A_251 = arith.constant 0 : i32
        %dma_wait3A_252 = tpu.memref_slice %arg9[%add3A_189, %dma_wait3A_251] : memref<48x128xi32, #tpu.memory_space<vmem>> -> memref<1x128xi32, #tpu.memory_space<vmem>>
        %dma_wait3A_253 = tpu.memref_squeeze %dma_wait3A_252 : memref<1x128xi32, #tpu.memory_space<vmem>> -> memref<128xi32, #tpu.memory_space<vmem>>
        %dma_wait3A_254 = arith.constant 0 : i32
        %dma_wait3A_255 = arith.constant 0 : i32
        %dma_wait3A_256 = tpu.memref_slice %arg13[%dma_wait3A_254, %dma_wait3A_255] : memref<10112x16xf32, #tpu.memory_space<vmem_shared>> -> memref<10112x16xf32, #tpu.memory_space<vmem_shared>>
        tpu.wait_indirect_dma semaphore(%arg17 : memref<!tpu.dma_semaphore, #tpu.memory_space<semaphore_mem>>) src(%dma_wait3A_256 : memref<10112x16xf32, #tpu.memory_space<vmem_shared>>) dst(%dma_wait3A_250 : memref<128x16xf32, #tpu.memory_space<vmem>>)
        %dma_start3A_257 = arith.constant 2 : i32
        %dma_start3A_258 = arith.constant 0 : i32
        %dma_start3A_259 = arith.constant 0 : i32
        %dma_start3A_260 = tpu.memref_slice %arg11[%dma_start3A_257, %dma_start3A_258, %dma_start3A_259] : memref<8x128x16xf32, #tpu.memory_space<vmem>> -> memref<1x128x16xf32, #tpu.memory_space<vmem>>
        %dma_start3A_261 = tpu.memref_squeeze %dma_start3A_260 : memref<1x128x16xf32, #tpu.memory_space<vmem>> -> memref<128x16xf32, #tpu.memory_space<vmem>>
        %dma_start3A_262 = arith.constant 0 : i32
        %dma_start3A_263 = tpu.memref_slice %arg10[%add3A_189, %dma_start3A_262] : memref<48x128xi32, #tpu.memory_space<vmem>> -> memref<1x128xi32, #tpu.memory_space<vmem>>
        %dma_start3A_264 = tpu.memref_squeeze %dma_start3A_263 : memref<1x128xi32, #tpu.memory_space<vmem>> -> memref<128xi32, #tpu.memory_space<vmem>>
        %dma_start3A_265 = arith.constant 0 : i32
        %dma_start3A_266 = arith.constant 0 : i32
        %dma_start3A_267 = tpu.memref_slice %arg12[%dma_start3A_265, %dma_start3A_266] : memref<10112x16xf32, #tpu.memory_space<vmem_shared>> -> memref<10112x16xf32, #tpu.memory_space<vmem_shared>>
        tpu.enqueue_indirect_dma source(%dma_start3A_261 : memref<128x16xf32, #tpu.memory_space<vmem>>) target(%dma_start3A_267 : memref<10112x16xf32, #tpu.memory_space<vmem_shared>>) offsets(%dma_start3A_264 : memref<128xi32, #tpu.memory_space<vmem>>) semaphore(%arg25 : memref<!tpu.dma_semaphore, #tpu.memory_space<semaphore_mem>>) {add = true}
        %dma_start3A_268 = arith.constant 0 : i32
        %dma_start3A_269 = tpu.memref_slice %arg10[%add3A_189, %dma_start3A_268] : memref<48x128xi32, #tpu.memory_space<vmem>> -> memref<1x128xi32, #tpu.memory_space<vmem>>
        %dma_start3A_270 = tpu.memref_squeeze %dma_start3A_269 : memref<1x128xi32, #tpu.memory_space<vmem>> -> memref<128xi32, #tpu.memory_space<vmem>>
        %dma_start3A_271 = arith.constant 0 : i32
        %dma_start3A_272 = arith.constant 0 : i32
        %dma_start3A_273 = tpu.memref_slice %arg32[%dma_start3A_271, %dma_start3A_272] : memref<10112x16xf32, #tpu.memory_space<vmem_shared>> -> memref<10112x16xf32, #tpu.memory_space<vmem_shared>>
        tpu.enqueue_indirect_dma source(%arg31 : memref<128x16xf32, #tpu.memory_space<vmem>>) target(%dma_start3A_273 : memref<10112x16xf32, #tpu.memory_space<vmem_shared>>) offsets(%dma_start3A_270 : memref<128xi32, #tpu.memory_space<vmem>>) semaphore(%arg33 : memref<!tpu.dma_semaphore, #tpu.memory_space<semaphore_mem>>) {add = true}
        %ge3A = arith.constant 1 : i32
        %ge3A_274 = arith.cmpi sge, %add3A_189, %ge3A : i32
        %convert_element_type3A_275 = arith.extui %ge3A_274 : i1 to i32
        %cond3A_276 = arith.constant 0 : i32
        %cond3A_277 = arith.cmpi ne, %convert_element_type3A_275, %cond3A_276 : i32
        scf.if %cond3A_277 {
          %dma_wait3A_286 = arith.constant 0 : i32
          %dma_wait3A_287 = arith.constant 0 : i32
          %dma_wait3A_288 = tpu.memref_slice %arg10[%dma_wait3A_286, %dma_wait3A_287] : memref<48x128xi32, #tpu.memory_space<vmem>> -> memref<1x128xi32, #tpu.memory_space<vmem>>
          %dma_wait3A_289 = tpu.memref_squeeze %dma_wait3A_288 : memref<1x128xi32, #tpu.memory_space<vmem>> -> memref<128xi32, #tpu.memory_space<vmem>>
          %dma_wait3A_290 = arith.constant 0 : i32
          %dma_wait3A_291 = arith.constant 0 : i32
          %dma_wait3A_292 = tpu.memref_slice %arg32[%dma_wait3A_290, %dma_wait3A_291] : memref<10112x16xf32, #tpu.memory_space<vmem_shared>> -> memref<10112x16xf32, #tpu.memory_space<vmem_shared>>
          tpu.wait_indirect_dma semaphore(%arg33 : memref<!tpu.dma_semaphore, #tpu.memory_space<semaphore_mem>>) src(%arg31 : memref<128x16xf32, #tpu.memory_space<vmem>>) dst(%dma_wait3A_292 : memref<10112x16xf32, #tpu.memory_space<vmem_shared>>)
        } else {
        }
        %add3A_278 = arith.constant 3 : i32
        %add3A_279 = arith.addi %add3A_189, %add3A_278 : i32
        %sub3A_280 = arith.constant 1 : i32
        %sub3A_281 = arith.subi %select_n3A, %sub3A_280 : i32
        %le3A_282 = arith.cmpi sle, %add3A_279, %sub3A_281 : i32
        %convert_element_type3A_283 = arith.extui %le3A_282 : i1 to i32
        %cond3A_284 = arith.constant 0 : i32
        %cond3A_285 = arith.cmpi ne, %convert_element_type3A_283, %cond3A_284 : i32
        scf.if %cond3A_285 {
          %ge3A_286 = arith.constant 8 : i32
          %ge3A_287 = arith.cmpi sge, %add3A_279, %ge3A_286 : i32
          %convert_element_type3A_288 = arith.extui %ge3A_287 : i1 to i32
          %cond3A_289 = arith.constant 0 : i32
          %cond3A_290 = arith.cmpi ne, %convert_element_type3A_288, %cond3A_289 : i32
          scf.if %cond3A_290 {
            %dma_wait3A_302 = arith.constant 5 : i32
            %dma_wait3A_303 = arith.constant 0 : i32
            %dma_wait3A_304 = arith.constant 0 : i32
            %dma_wait3A_305 = arith.constant 0 : i32
            %dma_wait3A_306 = tpu.memref_slice %arg11[%dma_wait3A_302, %dma_wait3A_304, %dma_wait3A_305] : memref<8x128x16xf32, #tpu.memory_space<vmem>> -> memref<1x128x16xf32, #tpu.memory_space<vmem>>
            %dma_wait3A_307 = tpu.memref_squeeze %dma_wait3A_306 : memref<1x128x16xf32, #tpu.memory_space<vmem>> -> memref<128x16xf32, #tpu.memory_space<vmem>>
            %dma_wait3A_308 = arith.constant 0 : i32
            %dma_wait3A_309 = tpu.memref_slice %arg10[%dma_wait3A_303, %dma_wait3A_308] : memref<48x128xi32, #tpu.memory_space<vmem>> -> memref<1x128xi32, #tpu.memory_space<vmem>>
            %dma_wait3A_310 = tpu.memref_squeeze %dma_wait3A_309 : memref<1x128xi32, #tpu.memory_space<vmem>> -> memref<128xi32, #tpu.memory_space<vmem>>
            %dma_wait3A_311 = arith.constant 0 : i32
            %dma_wait3A_312 = arith.constant 0 : i32
            %dma_wait3A_313 = tpu.memref_slice %arg12[%dma_wait3A_311, %dma_wait3A_312] : memref<10112x16xf32, #tpu.memory_space<vmem_shared>> -> memref<10112x16xf32, #tpu.memory_space<vmem_shared>>
            tpu.wait_indirect_dma semaphore(%arg28 : memref<!tpu.dma_semaphore, #tpu.memory_space<semaphore_mem>>) src(%dma_wait3A_307 : memref<128x16xf32, #tpu.memory_space<vmem>>) dst(%dma_wait3A_313 : memref<10112x16xf32, #tpu.memory_space<vmem_shared>>)
          } else {
          }
          %dma_start3A_291 = arith.constant 5 : i32
          %dma_start3A_292 = arith.constant 0 : i32
          %dma_start3A_293 = arith.constant 0 : i32
          %dma_start3A_294 = tpu.memref_slice %arg11[%dma_start3A_291, %dma_start3A_292, %dma_start3A_293] : memref<8x128x16xf32, #tpu.memory_space<vmem>> -> memref<1x128x16xf32, #tpu.memory_space<vmem>>
          %dma_start3A_295 = tpu.memref_squeeze %dma_start3A_294 : memref<1x128x16xf32, #tpu.memory_space<vmem>> -> memref<128x16xf32, #tpu.memory_space<vmem>>
          %dma_start3A_296 = arith.constant 0 : i32
          %dma_start3A_297 = tpu.memref_slice %arg9[%add3A_279, %dma_start3A_296] : memref<48x128xi32, #tpu.memory_space<vmem>> -> memref<1x128xi32, #tpu.memory_space<vmem>>
          %dma_start3A_298 = tpu.memref_squeeze %dma_start3A_297 : memref<1x128xi32, #tpu.memory_space<vmem>> -> memref<128xi32, #tpu.memory_space<vmem>>
          %dma_start3A_299 = arith.constant 0 : i32
          %dma_start3A_300 = arith.constant 0 : i32
          %dma_start3A_301 = tpu.memref_slice %arg13[%dma_start3A_299, %dma_start3A_300] : memref<10112x16xf32, #tpu.memory_space<vmem_shared>> -> memref<10112x16xf32, #tpu.memory_space<vmem_shared>>
          tpu.enqueue_indirect_dma source(%dma_start3A_301 : memref<10112x16xf32, #tpu.memory_space<vmem_shared>>) target(%dma_start3A_295 : memref<128x16xf32, #tpu.memory_space<vmem>>) offsets(%dma_start3A_298 : memref<128xi32, #tpu.memory_space<vmem>>) semaphore(%arg20 : memref<!tpu.dma_semaphore, #tpu.memory_space<semaphore_mem>>)
        } else {
        }
      } else {
      }
      %mul3A_196 = arith.constant 8 : i32
      %mul3A_197 = arith.muli %scan3A_167, %mul3A_196 : i32
      %add3A_198 = arith.constant 3 : i32
      %add3A_199 = arith.addi %mul3A_197, %add3A_198 : i32
      %sub3A_200 = arith.constant 1 : i32
      %sub3A_201 = arith.subi %select_n3A, %sub3A_200 : i32
      %le3A_202 = arith.cmpi sle, %add3A_199, %sub3A_201 : i32
      %convert_element_type3A_203 = arith.extui %le3A_202 : i1 to i32
      %cond3A_204 = arith.constant 0 : i32
      %cond3A_205 = arith.cmpi ne, %convert_element_type3A_203, %cond3A_204 : i32
      scf.if %cond3A_205 {
        %dma_wait3A_246 = arith.constant 3 : i32
        %dma_wait3A_247 = arith.constant 0 : i32
        %dma_wait3A_248 = arith.constant 0 : i32
        %dma_wait3A_249 = tpu.memref_slice %arg11[%dma_wait3A_246, %dma_wait3A_247, %dma_wait3A_248] : memref<8x128x16xf32, #tpu.memory_space<vmem>> -> memref<1x128x16xf32, #tpu.memory_space<vmem>>
        %dma_wait3A_250 = tpu.memref_squeeze %dma_wait3A_249 : memref<1x128x16xf32, #tpu.memory_space<vmem>> -> memref<128x16xf32, #tpu.memory_space<vmem>>
        %dma_wait3A_251 = arith.constant 0 : i32
        %dma_wait3A_252 = tpu.memref_slice %arg9[%add3A_199, %dma_wait3A_251] : memref<48x128xi32, #tpu.memory_space<vmem>> -> memref<1x128xi32, #tpu.memory_space<vmem>>
        %dma_wait3A_253 = tpu.memref_squeeze %dma_wait3A_252 : memref<1x128xi32, #tpu.memory_space<vmem>> -> memref<128xi32, #tpu.memory_space<vmem>>
        %dma_wait3A_254 = arith.constant 0 : i32
        %dma_wait3A_255 = arith.constant 0 : i32
        %dma_wait3A_256 = tpu.memref_slice %arg13[%dma_wait3A_254, %dma_wait3A_255] : memref<10112x16xf32, #tpu.memory_space<vmem_shared>> -> memref<10112x16xf32, #tpu.memory_space<vmem_shared>>
        tpu.wait_indirect_dma semaphore(%arg18 : memref<!tpu.dma_semaphore, #tpu.memory_space<semaphore_mem>>) src(%dma_wait3A_256 : memref<10112x16xf32, #tpu.memory_space<vmem_shared>>) dst(%dma_wait3A_250 : memref<128x16xf32, #tpu.memory_space<vmem>>)
        %dma_start3A_257 = arith.constant 3 : i32
        %dma_start3A_258 = arith.constant 0 : i32
        %dma_start3A_259 = arith.constant 0 : i32
        %dma_start3A_260 = tpu.memref_slice %arg11[%dma_start3A_257, %dma_start3A_258, %dma_start3A_259] : memref<8x128x16xf32, #tpu.memory_space<vmem>> -> memref<1x128x16xf32, #tpu.memory_space<vmem>>
        %dma_start3A_261 = tpu.memref_squeeze %dma_start3A_260 : memref<1x128x16xf32, #tpu.memory_space<vmem>> -> memref<128x16xf32, #tpu.memory_space<vmem>>
        %dma_start3A_262 = arith.constant 0 : i32
        %dma_start3A_263 = tpu.memref_slice %arg10[%add3A_199, %dma_start3A_262] : memref<48x128xi32, #tpu.memory_space<vmem>> -> memref<1x128xi32, #tpu.memory_space<vmem>>
        %dma_start3A_264 = tpu.memref_squeeze %dma_start3A_263 : memref<1x128xi32, #tpu.memory_space<vmem>> -> memref<128xi32, #tpu.memory_space<vmem>>
        %dma_start3A_265 = arith.constant 0 : i32
        %dma_start3A_266 = arith.constant 0 : i32
        %dma_start3A_267 = tpu.memref_slice %arg12[%dma_start3A_265, %dma_start3A_266] : memref<10112x16xf32, #tpu.memory_space<vmem_shared>> -> memref<10112x16xf32, #tpu.memory_space<vmem_shared>>
        tpu.enqueue_indirect_dma source(%dma_start3A_261 : memref<128x16xf32, #tpu.memory_space<vmem>>) target(%dma_start3A_267 : memref<10112x16xf32, #tpu.memory_space<vmem_shared>>) offsets(%dma_start3A_264 : memref<128xi32, #tpu.memory_space<vmem>>) semaphore(%arg26 : memref<!tpu.dma_semaphore, #tpu.memory_space<semaphore_mem>>) {add = true}
        %dma_start3A_268 = arith.constant 0 : i32
        %dma_start3A_269 = tpu.memref_slice %arg10[%add3A_199, %dma_start3A_268] : memref<48x128xi32, #tpu.memory_space<vmem>> -> memref<1x128xi32, #tpu.memory_space<vmem>>
        %dma_start3A_270 = tpu.memref_squeeze %dma_start3A_269 : memref<1x128xi32, #tpu.memory_space<vmem>> -> memref<128xi32, #tpu.memory_space<vmem>>
        %dma_start3A_271 = arith.constant 0 : i32
        %dma_start3A_272 = arith.constant 0 : i32
        %dma_start3A_273 = tpu.memref_slice %arg32[%dma_start3A_271, %dma_start3A_272] : memref<10112x16xf32, #tpu.memory_space<vmem_shared>> -> memref<10112x16xf32, #tpu.memory_space<vmem_shared>>
        tpu.enqueue_indirect_dma source(%arg31 : memref<128x16xf32, #tpu.memory_space<vmem>>) target(%dma_start3A_273 : memref<10112x16xf32, #tpu.memory_space<vmem_shared>>) offsets(%dma_start3A_270 : memref<128xi32, #tpu.memory_space<vmem>>) semaphore(%arg33 : memref<!tpu.dma_semaphore, #tpu.memory_space<semaphore_mem>>) {add = true}
        %ge3A = arith.constant 1 : i32
        %ge3A_274 = arith.cmpi sge, %add3A_199, %ge3A : i32
        %convert_element_type3A_275 = arith.extui %ge3A_274 : i1 to i32
        %cond3A_276 = arith.constant 0 : i32
        %cond3A_277 = arith.cmpi ne, %convert_element_type3A_275, %cond3A_276 : i32
        scf.if %cond3A_277 {
          %dma_wait3A_286 = arith.constant 0 : i32
          %dma_wait3A_287 = arith.constant 0 : i32
          %dma_wait3A_288 = tpu.memref_slice %arg10[%dma_wait3A_286, %dma_wait3A_287] : memref<48x128xi32, #tpu.memory_space<vmem>> -> memref<1x128xi32, #tpu.memory_space<vmem>>
          %dma_wait3A_289 = tpu.memref_squeeze %dma_wait3A_288 : memref<1x128xi32, #tpu.memory_space<vmem>> -> memref<128xi32, #tpu.memory_space<vmem>>
          %dma_wait3A_290 = arith.constant 0 : i32
          %dma_wait3A_291 = arith.constant 0 : i32
          %dma_wait3A_292 = tpu.memref_slice %arg32[%dma_wait3A_290, %dma_wait3A_291] : memref<10112x16xf32, #tpu.memory_space<vmem_shared>> -> memref<10112x16xf32, #tpu.memory_space<vmem_shared>>
          tpu.wait_indirect_dma semaphore(%arg33 : memref<!tpu.dma_semaphore, #tpu.memory_space<semaphore_mem>>) src(%arg31 : memref<128x16xf32, #tpu.memory_space<vmem>>) dst(%dma_wait3A_292 : memref<10112x16xf32, #tpu.memory_space<vmem_shared>>)
        } else {
        }
        %add3A_278 = arith.constant 3 : i32
        %add3A_279 = arith.addi %add3A_199, %add3A_278 : i32
        %sub3A_280 = arith.constant 1 : i32
        %sub3A_281 = arith.subi %select_n3A, %sub3A_280 : i32
        %le3A_282 = arith.cmpi sle, %add3A_279, %sub3A_281 : i32
        %convert_element_type3A_283 = arith.extui %le3A_282 : i1 to i32
        %cond3A_284 = arith.constant 0 : i32
        %cond3A_285 = arith.cmpi ne, %convert_element_type3A_283, %cond3A_284 : i32
        scf.if %cond3A_285 {
          %ge3A_286 = arith.constant 8 : i32
          %ge3A_287 = arith.cmpi sge, %add3A_279, %ge3A_286 : i32
          %convert_element_type3A_288 = arith.extui %ge3A_287 : i1 to i32
          %cond3A_289 = arith.constant 0 : i32
          %cond3A_290 = arith.cmpi ne, %convert_element_type3A_288, %cond3A_289 : i32
          scf.if %cond3A_290 {
            %dma_wait3A_302 = arith.constant 6 : i32
            %dma_wait3A_303 = arith.constant 0 : i32
            %dma_wait3A_304 = arith.constant 0 : i32
            %dma_wait3A_305 = arith.constant 0 : i32
            %dma_wait3A_306 = tpu.memref_slice %arg11[%dma_wait3A_302, %dma_wait3A_304, %dma_wait3A_305] : memref<8x128x16xf32, #tpu.memory_space<vmem>> -> memref<1x128x16xf32, #tpu.memory_space<vmem>>
            %dma_wait3A_307 = tpu.memref_squeeze %dma_wait3A_306 : memref<1x128x16xf32, #tpu.memory_space<vmem>> -> memref<128x16xf32, #tpu.memory_space<vmem>>
            %dma_wait3A_308 = arith.constant 0 : i32
            %dma_wait3A_309 = tpu.memref_slice %arg10[%dma_wait3A_303, %dma_wait3A_308] : memref<48x128xi32, #tpu.memory_space<vmem>> -> memref<1x128xi32, #tpu.memory_space<vmem>>
            %dma_wait3A_310 = tpu.memref_squeeze %dma_wait3A_309 : memref<1x128xi32, #tpu.memory_space<vmem>> -> memref<128xi32, #tpu.memory_space<vmem>>
            %dma_wait3A_311 = arith.constant 0 : i32
            %dma_wait3A_312 = arith.constant 0 : i32
            %dma_wait3A_313 = tpu.memref_slice %arg12[%dma_wait3A_311, %dma_wait3A_312] : memref<10112x16xf32, #tpu.memory_space<vmem_shared>> -> memref<10112x16xf32, #tpu.memory_space<vmem_shared>>
            tpu.wait_indirect_dma semaphore(%arg29 : memref<!tpu.dma_semaphore, #tpu.memory_space<semaphore_mem>>) src(%dma_wait3A_307 : memref<128x16xf32, #tpu.memory_space<vmem>>) dst(%dma_wait3A_313 : memref<10112x16xf32, #tpu.memory_space<vmem_shared>>)
          } else {
          }
          %dma_start3A_291 = arith.constant 6 : i32
          %dma_start3A_292 = arith.constant 0 : i32
          %dma_start3A_293 = arith.constant 0 : i32
          %dma_start3A_294 = tpu.memref_slice %arg11[%dma_start3A_291, %dma_start3A_292, %dma_start3A_293] : memref<8x128x16xf32, #tpu.memory_space<vmem>> -> memref<1x128x16xf32, #tpu.memory_space<vmem>>
          %dma_start3A_295 = tpu.memref_squeeze %dma_start3A_294 : memref<1x128x16xf32, #tpu.memory_space<vmem>> -> memref<128x16xf32, #tpu.memory_space<vmem>>
          %dma_start3A_296 = arith.constant 0 : i32
          %dma_start3A_297 = tpu.memref_slice %arg9[%add3A_279, %dma_start3A_296] : memref<48x128xi32, #tpu.memory_space<vmem>> -> memref<1x128xi32, #tpu.memory_space<vmem>>
          %dma_start3A_298 = tpu.memref_squeeze %dma_start3A_297 : memref<1x128xi32, #tpu.memory_space<vmem>> -> memref<128xi32, #tpu.memory_space<vmem>>
          %dma_start3A_299 = arith.constant 0 : i32
          %dma_start3A_300 = arith.constant 0 : i32
          %dma_start3A_301 = tpu.memref_slice %arg13[%dma_start3A_299, %dma_start3A_300] : memref<10112x16xf32, #tpu.memory_space<vmem_shared>> -> memref<10112x16xf32, #tpu.memory_space<vmem_shared>>
          tpu.enqueue_indirect_dma source(%dma_start3A_301 : memref<10112x16xf32, #tpu.memory_space<vmem_shared>>) target(%dma_start3A_295 : memref<128x16xf32, #tpu.memory_space<vmem>>) offsets(%dma_start3A_298 : memref<128xi32, #tpu.memory_space<vmem>>) semaphore(%arg21 : memref<!tpu.dma_semaphore, #tpu.memory_space<semaphore_mem>>)
        } else {
        }
      } else {
      }
      %mul3A_206 = arith.constant 8 : i32
      %mul3A_207 = arith.muli %scan3A_167, %mul3A_206 : i32
      %add3A_208 = arith.constant 4 : i32
      %add3A_209 = arith.addi %mul3A_207, %add3A_208 : i32
      %sub3A_210 = arith.constant 1 : i32
      %sub3A_211 = arith.subi %select_n3A, %sub3A_210 : i32
      %le3A_212 = arith.cmpi sle, %add3A_209, %sub3A_211 : i32
      %convert_element_type3A_213 = arith.extui %le3A_212 : i1 to i32
      %cond3A_214 = arith.constant 0 : i32
      %cond3A_215 = arith.cmpi ne, %convert_element_type3A_213, %cond3A_214 : i32
      scf.if %cond3A_215 {
        %dma_wait3A_246 = arith.constant 4 : i32
        %dma_wait3A_247 = arith.constant 0 : i32
        %dma_wait3A_248 = arith.constant 0 : i32
        %dma_wait3A_249 = tpu.memref_slice %arg11[%dma_wait3A_246, %dma_wait3A_247, %dma_wait3A_248] : memref<8x128x16xf32, #tpu.memory_space<vmem>> -> memref<1x128x16xf32, #tpu.memory_space<vmem>>
        %dma_wait3A_250 = tpu.memref_squeeze %dma_wait3A_249 : memref<1x128x16xf32, #tpu.memory_space<vmem>> -> memref<128x16xf32, #tpu.memory_space<vmem>>
        %dma_wait3A_251 = arith.constant 0 : i32
        %dma_wait3A_252 = tpu.memref_slice %arg9[%add3A_209, %dma_wait3A_251] : memref<48x128xi32, #tpu.memory_space<vmem>> -> memref<1x128xi32, #tpu.memory_space<vmem>>
        %dma_wait3A_253 = tpu.memref_squeeze %dma_wait3A_252 : memref<1x128xi32, #tpu.memory_space<vmem>> -> memref<128xi32, #tpu.memory_space<vmem>>
        %dma_wait3A_254 = arith.constant 0 : i32
        %dma_wait3A_255 = arith.constant 0 : i32
        %dma_wait3A_256 = tpu.memref_slice %arg13[%dma_wait3A_254, %dma_wait3A_255] : memref<10112x16xf32, #tpu.memory_space<vmem_shared>> -> memref<10112x16xf32, #tpu.memory_space<vmem_shared>>
        tpu.wait_indirect_dma semaphore(%arg19 : memref<!tpu.dma_semaphore, #tpu.memory_space<semaphore_mem>>) src(%dma_wait3A_256 : memref<10112x16xf32, #tpu.memory_space<vmem_shared>>) dst(%dma_wait3A_250 : memref<128x16xf32, #tpu.memory_space<vmem>>)
        %dma_start3A_257 = arith.constant 4 : i32
        %dma_start3A_258 = arith.constant 0 : i32
        %dma_start3A_259 = arith.constant 0 : i32
        %dma_start3A_260 = tpu.memref_slice %arg11[%dma_start3A_257, %dma_start3A_258, %dma_start3A_259] : memref<8x128x16xf32, #tpu.memory_space<vmem>> -> memref<1x128x16xf32, #tpu.memory_space<vmem>>
        %dma_start3A_261 = tpu.memref_squeeze %dma_start3A_260 : memref<1x128x16xf32, #tpu.memory_space<vmem>> -> memref<128x16xf32, #tpu.memory_space<vmem>>
        %dma_start3A_262 = arith.constant 0 : i32
        %dma_start3A_263 = tpu.memref_slice %arg10[%add3A_209, %dma_start3A_262] : memref<48x128xi32, #tpu.memory_space<vmem>> -> memref<1x128xi32, #tpu.memory_space<vmem>>
        %dma_start3A_264 = tpu.memref_squeeze %dma_start3A_263 : memref<1x128xi32, #tpu.memory_space<vmem>> -> memref<128xi32, #tpu.memory_space<vmem>>
        %dma_start3A_265 = arith.constant 0 : i32
        %dma_start3A_266 = arith.constant 0 : i32
        %dma_start3A_267 = tpu.memref_slice %arg12[%dma_start3A_265, %dma_start3A_266] : memref<10112x16xf32, #tpu.memory_space<vmem_shared>> -> memref<10112x16xf32, #tpu.memory_space<vmem_shared>>
        tpu.enqueue_indirect_dma source(%dma_start3A_261 : memref<128x16xf32, #tpu.memory_space<vmem>>) target(%dma_start3A_267 : memref<10112x16xf32, #tpu.memory_space<vmem_shared>>) offsets(%dma_start3A_264 : memref<128xi32, #tpu.memory_space<vmem>>) semaphore(%arg27 : memref<!tpu.dma_semaphore, #tpu.memory_space<semaphore_mem>>) {add = true}
        %dma_start3A_268 = arith.constant 0 : i32
        %dma_start3A_269 = tpu.memref_slice %arg10[%add3A_209, %dma_start3A_268] : memref<48x128xi32, #tpu.memory_space<vmem>> -> memref<1x128xi32, #tpu.memory_space<vmem>>
        %dma_start3A_270 = tpu.memref_squeeze %dma_start3A_269 : memref<1x128xi32, #tpu.memory_space<vmem>> -> memref<128xi32, #tpu.memory_space<vmem>>
        %dma_start3A_271 = arith.constant 0 : i32
        %dma_start3A_272 = arith.constant 0 : i32
        %dma_start3A_273 = tpu.memref_slice %arg32[%dma_start3A_271, %dma_start3A_272] : memref<10112x16xf32, #tpu.memory_space<vmem_shared>> -> memref<10112x16xf32, #tpu.memory_space<vmem_shared>>
        tpu.enqueue_indirect_dma source(%arg31 : memref<128x16xf32, #tpu.memory_space<vmem>>) target(%dma_start3A_273 : memref<10112x16xf32, #tpu.memory_space<vmem_shared>>) offsets(%dma_start3A_270 : memref<128xi32, #tpu.memory_space<vmem>>) semaphore(%arg33 : memref<!tpu.dma_semaphore, #tpu.memory_space<semaphore_mem>>) {add = true}
        %ge3A = arith.constant 1 : i32
        %ge3A_274 = arith.cmpi sge, %add3A_209, %ge3A : i32
        %convert_element_type3A_275 = arith.extui %ge3A_274 : i1 to i32
        %cond3A_276 = arith.constant 0 : i32
        %cond3A_277 = arith.cmpi ne, %convert_element_type3A_275, %cond3A_276 : i32
        scf.if %cond3A_277 {
          %dma_wait3A_286 = arith.constant 0 : i32
          %dma_wait3A_287 = arith.constant 0 : i32
          %dma_wait3A_288 = tpu.memref_slice %arg10[%dma_wait3A_286, %dma_wait3A_287] : memref<48x128xi32, #tpu.memory_space<vmem>> -> memref<1x128xi32, #tpu.memory_space<vmem>>
          %dma_wait3A_289 = tpu.memref_squeeze %dma_wait3A_288 : memref<1x128xi32, #tpu.memory_space<vmem>> -> memref<128xi32, #tpu.memory_space<vmem>>
          %dma_wait3A_290 = arith.constant 0 : i32
          %dma_wait3A_291 = arith.constant 0 : i32
          %dma_wait3A_292 = tpu.memref_slice %arg32[%dma_wait3A_290, %dma_wait3A_291] : memref<10112x16xf32, #tpu.memory_space<vmem_shared>> -> memref<10112x16xf32, #tpu.memory_space<vmem_shared>>
          tpu.wait_indirect_dma semaphore(%arg33 : memref<!tpu.dma_semaphore, #tpu.memory_space<semaphore_mem>>) src(%arg31 : memref<128x16xf32, #tpu.memory_space<vmem>>) dst(%dma_wait3A_292 : memref<10112x16xf32, #tpu.memory_space<vmem_shared>>)
        } else {
        }
        %add3A_278 = arith.constant 3 : i32
        %add3A_279 = arith.addi %add3A_209, %add3A_278 : i32
        %sub3A_280 = arith.constant 1 : i32
        %sub3A_281 = arith.subi %select_n3A, %sub3A_280 : i32
        %le3A_282 = arith.cmpi sle, %add3A_279, %sub3A_281 : i32
        %convert_element_type3A_283 = arith.extui %le3A_282 : i1 to i32
        %cond3A_284 = arith.constant 0 : i32
        %cond3A_285 = arith.cmpi ne, %convert_element_type3A_283, %cond3A_284 : i32
        scf.if %cond3A_285 {
          %ge3A_286 = arith.constant 8 : i32
          %ge3A_287 = arith.cmpi sge, %add3A_279, %ge3A_286 : i32
          %convert_element_type3A_288 = arith.extui %ge3A_287 : i1 to i32
          %cond3A_289 = arith.constant 0 : i32
          %cond3A_290 = arith.cmpi ne, %convert_element_type3A_288, %cond3A_289 : i32
          scf.if %cond3A_290 {
            %dma_wait3A_302 = arith.constant 7 : i32
            %dma_wait3A_303 = arith.constant 0 : i32
            %dma_wait3A_304 = arith.constant 0 : i32
            %dma_wait3A_305 = arith.constant 0 : i32
            %dma_wait3A_306 = tpu.memref_slice %arg11[%dma_wait3A_302, %dma_wait3A_304, %dma_wait3A_305] : memref<8x128x16xf32, #tpu.memory_space<vmem>> -> memref<1x128x16xf32, #tpu.memory_space<vmem>>
            %dma_wait3A_307 = tpu.memref_squeeze %dma_wait3A_306 : memref<1x128x16xf32, #tpu.memory_space<vmem>> -> memref<128x16xf32, #tpu.memory_space<vmem>>
            %dma_wait3A_308 = arith.constant 0 : i32
            %dma_wait3A_309 = tpu.memref_slice %arg10[%dma_wait3A_303, %dma_wait3A_308] : memref<48x128xi32, #tpu.memory_space<vmem>> -> memref<1x128xi32, #tpu.memory_space<vmem>>
            %dma_wait3A_310 = tpu.memref_squeeze %dma_wait3A_309 : memref<1x128xi32, #tpu.memory_space<vmem>> -> memref<128xi32, #tpu.memory_space<vmem>>
            %dma_wait3A_311 = arith.constant 0 : i32
            %dma_wait3A_312 = arith.constant 0 : i32
            %dma_wait3A_313 = tpu.memref_slice %arg12[%dma_wait3A_311, %dma_wait3A_312] : memref<10112x16xf32, #tpu.memory_space<vmem_shared>> -> memref<10112x16xf32, #tpu.memory_space<vmem_shared>>
            tpu.wait_indirect_dma semaphore(%arg30 : memref<!tpu.dma_semaphore, #tpu.memory_space<semaphore_mem>>) src(%dma_wait3A_307 : memref<128x16xf32, #tpu.memory_space<vmem>>) dst(%dma_wait3A_313 : memref<10112x16xf32, #tpu.memory_space<vmem_shared>>)
          } else {
          }
          %dma_start3A_291 = arith.constant 7 : i32
          %dma_start3A_292 = arith.constant 0 : i32
          %dma_start3A_293 = arith.constant 0 : i32
          %dma_start3A_294 = tpu.memref_slice %arg11[%dma_start3A_291, %dma_start3A_292, %dma_start3A_293] : memref<8x128x16xf32, #tpu.memory_space<vmem>> -> memref<1x128x16xf32, #tpu.memory_space<vmem>>
          %dma_start3A_295 = tpu.memref_squeeze %dma_start3A_294 : memref<1x128x16xf32, #tpu.memory_space<vmem>> -> memref<128x16xf32, #tpu.memory_space<vmem>>
          %dma_start3A_296 = arith.constant 0 : i32
          %dma_start3A_297 = tpu.memref_slice %arg9[%add3A_279, %dma_start3A_296] : memref<48x128xi32, #tpu.memory_space<vmem>> -> memref<1x128xi32, #tpu.memory_space<vmem>>
          %dma_start3A_298 = tpu.memref_squeeze %dma_start3A_297 : memref<1x128xi32, #tpu.memory_space<vmem>> -> memref<128xi32, #tpu.memory_space<vmem>>
          %dma_start3A_299 = arith.constant 0 : i32
          %dma_start3A_300 = arith.constant 0 : i32
          %dma_start3A_301 = tpu.memref_slice %arg13[%dma_start3A_299, %dma_start3A_300] : memref<10112x16xf32, #tpu.memory_space<vmem_shared>> -> memref<10112x16xf32, #tpu.memory_space<vmem_shared>>
          tpu.enqueue_indirect_dma source(%dma_start3A_301 : memref<10112x16xf32, #tpu.memory_space<vmem_shared>>) target(%dma_start3A_295 : memref<128x16xf32, #tpu.memory_space<vmem>>) offsets(%dma_start3A_298 : memref<128xi32, #tpu.memory_space<vmem>>) semaphore(%arg22 : memref<!tpu.dma_semaphore, #tpu.memory_space<semaphore_mem>>)
        } else {
        }
      } else {
      }
      %mul3A_216 = arith.constant 8 : i32
      %mul3A_217 = arith.muli %scan3A_167, %mul3A_216 : i32
      %add3A_218 = arith.constant 5 : i32
      %add3A_219 = arith.addi %mul3A_217, %add3A_218 : i32
      %sub3A_220 = arith.constant 1 : i32
      %sub3A_221 = arith.subi %select_n3A, %sub3A_220 : i32
      %le3A_222 = arith.cmpi sle, %add3A_219, %sub3A_221 : i32
      %convert_element_type3A_223 = arith.extui %le3A_222 : i1 to i32
      %cond3A_224 = arith.constant 0 : i32
      %cond3A_225 = arith.cmpi ne, %convert_element_type3A_223, %cond3A_224 : i32
      scf.if %cond3A_225 {
        %dma_wait3A_246 = arith.constant 5 : i32
        %dma_wait3A_247 = arith.constant 0 : i32
        %dma_wait3A_248 = arith.constant 0 : i32
        %dma_wait3A_249 = tpu.memref_slice %arg11[%dma_wait3A_246, %dma_wait3A_247, %dma_wait3A_248] : memref<8x128x16xf32, #tpu.memory_space<vmem>> -> memref<1x128x16xf32, #tpu.memory_space<vmem>>
        %dma_wait3A_250 = tpu.memref_squeeze %dma_wait3A_249 : memref<1x128x16xf32, #tpu.memory_space<vmem>> -> memref<128x16xf32, #tpu.memory_space<vmem>>
        %dma_wait3A_251 = arith.constant 0 : i32
        %dma_wait3A_252 = tpu.memref_slice %arg9[%add3A_219, %dma_wait3A_251] : memref<48x128xi32, #tpu.memory_space<vmem>> -> memref<1x128xi32, #tpu.memory_space<vmem>>
        %dma_wait3A_253 = tpu.memref_squeeze %dma_wait3A_252 : memref<1x128xi32, #tpu.memory_space<vmem>> -> memref<128xi32, #tpu.memory_space<vmem>>
        %dma_wait3A_254 = arith.constant 0 : i32
        %dma_wait3A_255 = arith.constant 0 : i32
        %dma_wait3A_256 = tpu.memref_slice %arg13[%dma_wait3A_254, %dma_wait3A_255] : memref<10112x16xf32, #tpu.memory_space<vmem_shared>> -> memref<10112x16xf32, #tpu.memory_space<vmem_shared>>
        tpu.wait_indirect_dma semaphore(%arg20 : memref<!tpu.dma_semaphore, #tpu.memory_space<semaphore_mem>>) src(%dma_wait3A_256 : memref<10112x16xf32, #tpu.memory_space<vmem_shared>>) dst(%dma_wait3A_250 : memref<128x16xf32, #tpu.memory_space<vmem>>)
        %dma_start3A_257 = arith.constant 5 : i32
        %dma_start3A_258 = arith.constant 0 : i32
        %dma_start3A_259 = arith.constant 0 : i32
        %dma_start3A_260 = tpu.memref_slice %arg11[%dma_start3A_257, %dma_start3A_258, %dma_start3A_259] : memref<8x128x16xf32, #tpu.memory_space<vmem>> -> memref<1x128x16xf32, #tpu.memory_space<vmem>>
        %dma_start3A_261 = tpu.memref_squeeze %dma_start3A_260 : memref<1x128x16xf32, #tpu.memory_space<vmem>> -> memref<128x16xf32, #tpu.memory_space<vmem>>
        %dma_start3A_262 = arith.constant 0 : i32
        %dma_start3A_263 = tpu.memref_slice %arg10[%add3A_219, %dma_start3A_262] : memref<48x128xi32, #tpu.memory_space<vmem>> -> memref<1x128xi32, #tpu.memory_space<vmem>>
        %dma_start3A_264 = tpu.memref_squeeze %dma_start3A_263 : memref<1x128xi32, #tpu.memory_space<vmem>> -> memref<128xi32, #tpu.memory_space<vmem>>
        %dma_start3A_265 = arith.constant 0 : i32
        %dma_start3A_266 = arith.constant 0 : i32
        %dma_start3A_267 = tpu.memref_slice %arg12[%dma_start3A_265, %dma_start3A_266] : memref<10112x16xf32, #tpu.memory_space<vmem_shared>> -> memref<10112x16xf32, #tpu.memory_space<vmem_shared>>
        tpu.enqueue_indirect_dma source(%dma_start3A_261 : memref<128x16xf32, #tpu.memory_space<vmem>>) target(%dma_start3A_267 : memref<10112x16xf32, #tpu.memory_space<vmem_shared>>) offsets(%dma_start3A_264 : memref<128xi32, #tpu.memory_space<vmem>>) semaphore(%arg28 : memref<!tpu.dma_semaphore, #tpu.memory_space<semaphore_mem>>) {add = true}
        %dma_start3A_268 = arith.constant 0 : i32
        %dma_start3A_269 = tpu.memref_slice %arg10[%add3A_219, %dma_start3A_268] : memref<48x128xi32, #tpu.memory_space<vmem>> -> memref<1x128xi32, #tpu.memory_space<vmem>>
        %dma_start3A_270 = tpu.memref_squeeze %dma_start3A_269 : memref<1x128xi32, #tpu.memory_space<vmem>> -> memref<128xi32, #tpu.memory_space<vmem>>
        %dma_start3A_271 = arith.constant 0 : i32
        %dma_start3A_272 = arith.constant 0 : i32
        %dma_start3A_273 = tpu.memref_slice %arg32[%dma_start3A_271, %dma_start3A_272] : memref<10112x16xf32, #tpu.memory_space<vmem_shared>> -> memref<10112x16xf32, #tpu.memory_space<vmem_shared>>
        tpu.enqueue_indirect_dma source(%arg31 : memref<128x16xf32, #tpu.memory_space<vmem>>) target(%dma_start3A_273 : memref<10112x16xf32, #tpu.memory_space<vmem_shared>>) offsets(%dma_start3A_270 : memref<128xi32, #tpu.memory_space<vmem>>) semaphore(%arg33 : memref<!tpu.dma_semaphore, #tpu.memory_space<semaphore_mem>>) {add = true}
        %ge3A = arith.constant 1 : i32
        %ge3A_274 = arith.cmpi sge, %add3A_219, %ge3A : i32
        %convert_element_type3A_275 = arith.extui %ge3A_274 : i1 to i32
        %cond3A_276 = arith.constant 0 : i32
        %cond3A_277 = arith.cmpi ne, %convert_element_type3A_275, %cond3A_276 : i32
        scf.if %cond3A_277 {
          %dma_wait3A_286 = arith.constant 0 : i32
          %dma_wait3A_287 = arith.constant 0 : i32
          %dma_wait3A_288 = tpu.memref_slice %arg10[%dma_wait3A_286, %dma_wait3A_287] : memref<48x128xi32, #tpu.memory_space<vmem>> -> memref<1x128xi32, #tpu.memory_space<vmem>>
          %dma_wait3A_289 = tpu.memref_squeeze %dma_wait3A_288 : memref<1x128xi32, #tpu.memory_space<vmem>> -> memref<128xi32, #tpu.memory_space<vmem>>
          %dma_wait3A_290 = arith.constant 0 : i32
          %dma_wait3A_291 = arith.constant 0 : i32
          %dma_wait3A_292 = tpu.memref_slice %arg32[%dma_wait3A_290, %dma_wait3A_291] : memref<10112x16xf32, #tpu.memory_space<vmem_shared>> -> memref<10112x16xf32, #tpu.memory_space<vmem_shared>>
          tpu.wait_indirect_dma semaphore(%arg33 : memref<!tpu.dma_semaphore, #tpu.memory_space<semaphore_mem>>) src(%arg31 : memref<128x16xf32, #tpu.memory_space<vmem>>) dst(%dma_wait3A_292 : memref<10112x16xf32, #tpu.memory_space<vmem_shared>>)
        } else {
        }
        %add3A_278 = arith.constant 3 : i32
        %add3A_279 = arith.addi %add3A_219, %add3A_278 : i32
        %sub3A_280 = arith.constant 1 : i32
        %sub3A_281 = arith.subi %select_n3A, %sub3A_280 : i32
        %le3A_282 = arith.cmpi sle, %add3A_279, %sub3A_281 : i32
        %convert_element_type3A_283 = arith.extui %le3A_282 : i1 to i32
        %cond3A_284 = arith.constant 0 : i32
        %cond3A_285 = arith.cmpi ne, %convert_element_type3A_283, %cond3A_284 : i32
        scf.if %cond3A_285 {
          %ge3A_286 = arith.constant 8 : i32
          %ge3A_287 = arith.cmpi sge, %add3A_279, %ge3A_286 : i32
          %convert_element_type3A_288 = arith.extui %ge3A_287 : i1 to i32
          %cond3A_289 = arith.constant 0 : i32
          %cond3A_290 = arith.cmpi ne, %convert_element_type3A_288, %cond3A_289 : i32
          scf.if %cond3A_290 {
            %dma_wait3A_302 = arith.constant 0 : i32
            %dma_wait3A_303 = arith.constant 0 : i32
            %dma_wait3A_304 = arith.constant 0 : i32
            %dma_wait3A_305 = arith.constant 0 : i32
            %dma_wait3A_306 = tpu.memref_slice %arg11[%dma_wait3A_302, %dma_wait3A_304, %dma_wait3A_305] : memref<8x128x16xf32, #tpu.memory_space<vmem>> -> memref<1x128x16xf32, #tpu.memory_space<vmem>>
            %dma_wait3A_307 = tpu.memref_squeeze %dma_wait3A_306 : memref<1x128x16xf32, #tpu.memory_space<vmem>> -> memref<128x16xf32, #tpu.memory_space<vmem>>
            %dma_wait3A_308 = arith.constant 0 : i32
            %dma_wait3A_309 = tpu.memref_slice %arg10[%dma_wait3A_303, %dma_wait3A_308] : memref<48x128xi32, #tpu.memory_space<vmem>> -> memref<1x128xi32, #tpu.memory_space<vmem>>
            %dma_wait3A_310 = tpu.memref_squeeze %dma_wait3A_309 : memref<1x128xi32, #tpu.memory_space<vmem>> -> memref<128xi32, #tpu.memory_space<vmem>>
            %dma_wait3A_311 = arith.constant 0 : i32
            %dma_wait3A_312 = arith.constant 0 : i32
            %dma_wait3A_313 = tpu.memref_slice %arg12[%dma_wait3A_311, %dma_wait3A_312] : memref<10112x16xf32, #tpu.memory_space<vmem_shared>> -> memref<10112x16xf32, #tpu.memory_space<vmem_shared>>
            tpu.wait_indirect_dma semaphore(%arg23 : memref<!tpu.dma_semaphore, #tpu.memory_space<semaphore_mem>>) src(%dma_wait3A_307 : memref<128x16xf32, #tpu.memory_space<vmem>>) dst(%dma_wait3A_313 : memref<10112x16xf32, #tpu.memory_space<vmem_shared>>)
          } else {
          }
          %dma_start3A_291 = arith.constant 0 : i32
          %dma_start3A_292 = arith.constant 0 : i32
          %dma_start3A_293 = arith.constant 0 : i32
          %dma_start3A_294 = tpu.memref_slice %arg11[%dma_start3A_291, %dma_start3A_292, %dma_start3A_293] : memref<8x128x16xf32, #tpu.memory_space<vmem>> -> memref<1x128x16xf32, #tpu.memory_space<vmem>>
          %dma_start3A_295 = tpu.memref_squeeze %dma_start3A_294 : memref<1x128x16xf32, #tpu.memory_space<vmem>> -> memref<128x16xf32, #tpu.memory_space<vmem>>
          %dma_start3A_296 = arith.constant 0 : i32
          %dma_start3A_297 = tpu.memref_slice %arg9[%add3A_279, %dma_start3A_296] : memref<48x128xi32, #tpu.memory_space<vmem>> -> memref<1x128xi32, #tpu.memory_space<vmem>>
          %dma_start3A_298 = tpu.memref_squeeze %dma_start3A_297 : memref<1x128xi32, #tpu.memory_space<vmem>> -> memref<128xi32, #tpu.memory_space<vmem>>
          %dma_start3A_299 = arith.constant 0 : i32
          %dma_start3A_300 = arith.constant 0 : i32
          %dma_start3A_301 = tpu.memref_slice %arg13[%dma_start3A_299, %dma_start3A_300] : memref<10112x16xf32, #tpu.memory_space<vmem_shared>> -> memref<10112x16xf32, #tpu.memory_space<vmem_shared>>
          tpu.enqueue_indirect_dma source(%dma_start3A_301 : memref<10112x16xf32, #tpu.memory_space<vmem_shared>>) target(%dma_start3A_295 : memref<128x16xf32, #tpu.memory_space<vmem>>) offsets(%dma_start3A_298 : memref<128xi32, #tpu.memory_space<vmem>>) semaphore(%arg15 : memref<!tpu.dma_semaphore, #tpu.memory_space<semaphore_mem>>)
        } else {
        }
      } else {
      }
      %mul3A_226 = arith.constant 8 : i32
      %mul3A_227 = arith.muli %scan3A_167, %mul3A_226 : i32
      %add3A_228 = arith.constant 6 : i32
      %add3A_229 = arith.addi %mul3A_227, %add3A_228 : i32
      %sub3A_230 = arith.constant 1 : i32
      %sub3A_231 = arith.subi %select_n3A, %sub3A_230 : i32
      %le3A_232 = arith.cmpi sle, %add3A_229, %sub3A_231 : i32
      %convert_element_type3A_233 = arith.extui %le3A_232 : i1 to i32
      %cond3A_234 = arith.constant 0 : i32
      %cond3A_235 = arith.cmpi ne, %convert_element_type3A_233, %cond3A_234 : i32
      scf.if %cond3A_235 {
        %dma_wait3A_246 = arith.constant 6 : i32
        %dma_wait3A_247 = arith.constant 0 : i32
        %dma_wait3A_248 = arith.constant 0 : i32
        %dma_wait3A_249 = tpu.memref_slice %arg11[%dma_wait3A_246, %dma_wait3A_247, %dma_wait3A_248] : memref<8x128x16xf32, #tpu.memory_space<vmem>> -> memref<1x128x16xf32, #tpu.memory_space<vmem>>
        %dma_wait3A_250 = tpu.memref_squeeze %dma_wait3A_249 : memref<1x128x16xf32, #tpu.memory_space<vmem>> -> memref<128x16xf32, #tpu.memory_space<vmem>>
        %dma_wait3A_251 = arith.constant 0 : i32
        %dma_wait3A_252 = tpu.memref_slice %arg9[%add3A_229, %dma_wait3A_251] : memref<48x128xi32, #tpu.memory_space<vmem>> -> memref<1x128xi32, #tpu.memory_space<vmem>>
        %dma_wait3A_253 = tpu.memref_squeeze %dma_wait3A_252 : memref<1x128xi32, #tpu.memory_space<vmem>> -> memref<128xi32, #tpu.memory_space<vmem>>
        %dma_wait3A_254 = arith.constant 0 : i32
        %dma_wait3A_255 = arith.constant 0 : i32
        %dma_wait3A_256 = tpu.memref_slice %arg13[%dma_wait3A_254, %dma_wait3A_255] : memref<10112x16xf32, #tpu.memory_space<vmem_shared>> -> memref<10112x16xf32, #tpu.memory_space<vmem_shared>>
        tpu.wait_indirect_dma semaphore(%arg21 : memref<!tpu.dma_semaphore, #tpu.memory_space<semaphore_mem>>) src(%dma_wait3A_256 : memref<10112x16xf32, #tpu.memory_space<vmem_shared>>) dst(%dma_wait3A_250 : memref<128x16xf32, #tpu.memory_space<vmem>>)
        %dma_start3A_257 = arith.constant 6 : i32
        %dma_start3A_258 = arith.constant 0 : i32
        %dma_start3A_259 = arith.constant 0 : i32
        %dma_start3A_260 = tpu.memref_slice %arg11[%dma_start3A_257, %dma_start3A_258, %dma_start3A_259] : memref<8x128x16xf32, #tpu.memory_space<vmem>> -> memref<1x128x16xf32, #tpu.memory_space<vmem>>
        %dma_start3A_261 = tpu.memref_squeeze %dma_start3A_260 : memref<1x128x16xf32, #tpu.memory_space<vmem>> -> memref<128x16xf32, #tpu.memory_space<vmem>>
        %dma_start3A_262 = arith.constant 0 : i32
        %dma_start3A_263 = tpu.memref_slice %arg10[%add3A_229, %dma_start3A_262] : memref<48x128xi32, #tpu.memory_space<vmem>> -> memref<1x128xi32, #tpu.memory_space<vmem>>
        %dma_start3A_264 = tpu.memref_squeeze %dma_start3A_263 : memref<1x128xi32, #tpu.memory_space<vmem>> -> memref<128xi32, #tpu.memory_space<vmem>>
        %dma_start3A_265 = arith.constant 0 : i32
        %dma_start3A_266 = arith.constant 0 : i32
        %dma_start3A_267 = tpu.memref_slice %arg12[%dma_start3A_265, %dma_start3A_266] : memref<10112x16xf32, #tpu.memory_space<vmem_shared>> -> memref<10112x16xf32, #tpu.memory_space<vmem_shared>>
        tpu.enqueue_indirect_dma source(%dma_start3A_261 : memref<128x16xf32, #tpu.memory_space<vmem>>) target(%dma_start3A_267 : memref<10112x16xf32, #tpu.memory_space<vmem_shared>>) offsets(%dma_start3A_264 : memref<128xi32, #tpu.memory_space<vmem>>) semaphore(%arg29 : memref<!tpu.dma_semaphore, #tpu.memory_space<semaphore_mem>>) {add = true}
        %dma_start3A_268 = arith.constant 0 : i32
        %dma_start3A_269 = tpu.memref_slice %arg10[%add3A_229, %dma_start3A_268] : memref<48x128xi32, #tpu.memory_space<vmem>> -> memref<1x128xi32, #tpu.memory_space<vmem>>
        %dma_start3A_270 = tpu.memref_squeeze %dma_start3A_269 : memref<1x128xi32, #tpu.memory_space<vmem>> -> memref<128xi32, #tpu.memory_space<vmem>>
        %dma_start3A_271 = arith.constant 0 : i32
        %dma_start3A_272 = arith.constant 0 : i32
        %dma_start3A_273 = tpu.memref_slice %arg32[%dma_start3A_271, %dma_start3A_272] : memref<10112x16xf32, #tpu.memory_space<vmem_shared>> -> memref<10112x16xf32, #tpu.memory_space<vmem_shared>>
        tpu.enqueue_indirect_dma source(%arg31 : memref<128x16xf32, #tpu.memory_space<vmem>>) target(%dma_start3A_273 : memref<10112x16xf32, #tpu.memory_space<vmem_shared>>) offsets(%dma_start3A_270 : memref<128xi32, #tpu.memory_space<vmem>>) semaphore(%arg33 : memref<!tpu.dma_semaphore, #tpu.memory_space<semaphore_mem>>) {add = true}
        %ge3A = arith.constant 1 : i32
        %ge3A_274 = arith.cmpi sge, %add3A_229, %ge3A : i32
        %convert_element_type3A_275 = arith.extui %ge3A_274 : i1 to i32
        %cond3A_276 = arith.constant 0 : i32
        %cond3A_277 = arith.cmpi ne, %convert_element_type3A_275, %cond3A_276 : i32
        scf.if %cond3A_277 {
          %dma_wait3A_286 = arith.constant 0 : i32
          %dma_wait3A_287 = arith.constant 0 : i32
          %dma_wait3A_288 = tpu.memref_slice %arg10[%dma_wait3A_286, %dma_wait3A_287] : memref<48x128xi32, #tpu.memory_space<vmem>> -> memref<1x128xi32, #tpu.memory_space<vmem>>
          %dma_wait3A_289 = tpu.memref_squeeze %dma_wait3A_288 : memref<1x128xi32, #tpu.memory_space<vmem>> -> memref<128xi32, #tpu.memory_space<vmem>>
          %dma_wait3A_290 = arith.constant 0 : i32
          %dma_wait3A_291 = arith.constant 0 : i32
          %dma_wait3A_292 = tpu.memref_slice %arg32[%dma_wait3A_290, %dma_wait3A_291] : memref<10112x16xf32, #tpu.memory_space<vmem_shared>> -> memref<10112x16xf32, #tpu.memory_space<vmem_shared>>
          tpu.wait_indirect_dma semaphore(%arg33 : memref<!tpu.dma_semaphore, #tpu.memory_space<semaphore_mem>>) src(%arg31 : memref<128x16xf32, #tpu.memory_space<vmem>>) dst(%dma_wait3A_292 : memref<10112x16xf32, #tpu.memory_space<vmem_shared>>)
        } else {
        }
        %add3A_278 = arith.constant 3 : i32
        %add3A_279 = arith.addi %add3A_229, %add3A_278 : i32
        %sub3A_280 = arith.constant 1 : i32
        %sub3A_281 = arith.subi %select_n3A, %sub3A_280 : i32
        %le3A_282 = arith.cmpi sle, %add3A_279, %sub3A_281 : i32
        %convert_element_type3A_283 = arith.extui %le3A_282 : i1 to i32
        %cond3A_284 = arith.constant 0 : i32
        %cond3A_285 = arith.cmpi ne, %convert_element_type3A_283, %cond3A_284 : i32
        scf.if %cond3A_285 {
          %ge3A_286 = arith.constant 8 : i32
          %ge3A_287 = arith.cmpi sge, %add3A_279, %ge3A_286 : i32
          %convert_element_type3A_288 = arith.extui %ge3A_287 : i1 to i32
          %cond3A_289 = arith.constant 0 : i32
          %cond3A_290 = arith.cmpi ne, %convert_element_type3A_288, %cond3A_289 : i32
          scf.if %cond3A_290 {
            %dma_wait3A_302 = arith.constant 1 : i32
            %dma_wait3A_303 = arith.constant 0 : i32
            %dma_wait3A_304 = arith.constant 0 : i32
            %dma_wait3A_305 = arith.constant 0 : i32
            %dma_wait3A_306 = tpu.memref_slice %arg11[%dma_wait3A_302, %dma_wait3A_304, %dma_wait3A_305] : memref<8x128x16xf32, #tpu.memory_space<vmem>> -> memref<1x128x16xf32, #tpu.memory_space<vmem>>
            %dma_wait3A_307 = tpu.memref_squeeze %dma_wait3A_306 : memref<1x128x16xf32, #tpu.memory_space<vmem>> -> memref<128x16xf32, #tpu.memory_space<vmem>>
            %dma_wait3A_308 = arith.constant 0 : i32
            %dma_wait3A_309 = tpu.memref_slice %arg10[%dma_wait3A_303, %dma_wait3A_308] : memref<48x128xi32, #tpu.memory_space<vmem>> -> memref<1x128xi32, #tpu.memory_space<vmem>>
            %dma_wait3A_310 = tpu.memref_squeeze %dma_wait3A_309 : memref<1x128xi32, #tpu.memory_space<vmem>> -> memref<128xi32, #tpu.memory_space<vmem>>
            %dma_wait3A_311 = arith.constant 0 : i32
            %dma_wait3A_312 = arith.constant 0 : i32
            %dma_wait3A_313 = tpu.memref_slice %arg12[%dma_wait3A_311, %dma_wait3A_312] : memref<10112x16xf32, #tpu.memory_space<vmem_shared>> -> memref<10112x16xf32, #tpu.memory_space<vmem_shared>>
            tpu.wait_indirect_dma semaphore(%arg24 : memref<!tpu.dma_semaphore, #tpu.memory_space<semaphore_mem>>) src(%dma_wait3A_307 : memref<128x16xf32, #tpu.memory_space<vmem>>) dst(%dma_wait3A_313 : memref<10112x16xf32, #tpu.memory_space<vmem_shared>>)
          } else {
          }
          %dma_start3A_291 = arith.constant 1 : i32
          %dma_start3A_292 = arith.constant 0 : i32
          %dma_start3A_293 = arith.constant 0 : i32
          %dma_start3A_294 = tpu.memref_slice %arg11[%dma_start3A_291, %dma_start3A_292, %dma_start3A_293] : memref<8x128x16xf32, #tpu.memory_space<vmem>> -> memref<1x128x16xf32, #tpu.memory_space<vmem>>
          %dma_start3A_295 = tpu.memref_squeeze %dma_start3A_294 : memref<1x128x16xf32, #tpu.memory_space<vmem>> -> memref<128x16xf32, #tpu.memory_space<vmem>>
          %dma_start3A_296 = arith.constant 0 : i32
          %dma_start3A_297 = tpu.memref_slice %arg9[%add3A_279, %dma_start3A_296] : memref<48x128xi32, #tpu.memory_space<vmem>> -> memref<1x128xi32, #tpu.memory_space<vmem>>
          %dma_start3A_298 = tpu.memref_squeeze %dma_start3A_297 : memref<1x128xi32, #tpu.memory_space<vmem>> -> memref<128xi32, #tpu.memory_space<vmem>>
          %dma_start3A_299 = arith.constant 0 : i32
          %dma_start3A_300 = arith.constant 0 : i32
          %dma_start3A_301 = tpu.memref_slice %arg13[%dma_start3A_299, %dma_start3A_300] : memref<10112x16xf32, #tpu.memory_space<vmem_shared>> -> memref<10112x16xf32, #tpu.memory_space<vmem_shared>>
          tpu.enqueue_indirect_dma source(%dma_start3A_301 : memref<10112x16xf32, #tpu.memory_space<vmem_shared>>) target(%dma_start3A_295 : memref<128x16xf32, #tpu.memory_space<vmem>>) offsets(%dma_start3A_298 : memref<128xi32, #tpu.memory_space<vmem>>) semaphore(%arg16 : memref<!tpu.dma_semaphore, #tpu.memory_space<semaphore_mem>>)
        } else {
        }
      } else {
      }
      %mul3A_236 = arith.constant 8 : i32
      %mul3A_237 = arith.muli %scan3A_167, %mul3A_236 : i32
      %add3A_238 = arith.constant 7 : i32
      %add3A_239 = arith.addi %mul3A_237, %add3A_238 : i32
      %sub3A_240 = arith.constant 1 : i32
      %sub3A_241 = arith.subi %select_n3A, %sub3A_240 : i32
      %le3A_242 = arith.cmpi sle, %add3A_239, %sub3A_241 : i32
      %convert_element_type3A_243 = arith.extui %le3A_242 : i1 to i32
      %cond3A_244 = arith.constant 0 : i32
      %cond3A_245 = arith.cmpi ne, %convert_element_type3A_243, %cond3A_244 : i32
      scf.if %cond3A_245 {
        %dma_wait3A_246 = arith.constant 7 : i32
        %dma_wait3A_247 = arith.constant 0 : i32
        %dma_wait3A_248 = arith.constant 0 : i32
        %dma_wait3A_249 = tpu.memref_slice %arg11[%dma_wait3A_246, %dma_wait3A_247, %dma_wait3A_248] : memref<8x128x16xf32, #tpu.memory_space<vmem>> -> memref<1x128x16xf32, #tpu.memory_space<vmem>>
        %dma_wait3A_250 = tpu.memref_squeeze %dma_wait3A_249 : memref<1x128x16xf32, #tpu.memory_space<vmem>> -> memref<128x16xf32, #tpu.memory_space<vmem>>
        %dma_wait3A_251 = arith.constant 0 : i32
        %dma_wait3A_252 = tpu.memref_slice %arg9[%add3A_239, %dma_wait3A_251] : memref<48x128xi32, #tpu.memory_space<vmem>> -> memref<1x128xi32, #tpu.memory_space<vmem>>
        %dma_wait3A_253 = tpu.memref_squeeze %dma_wait3A_252 : memref<1x128xi32, #tpu.memory_space<vmem>> -> memref<128xi32, #tpu.memory_space<vmem>>
        %dma_wait3A_254 = arith.constant 0 : i32
        %dma_wait3A_255 = arith.constant 0 : i32
        %dma_wait3A_256 = tpu.memref_slice %arg13[%dma_wait3A_254, %dma_wait3A_255] : memref<10112x16xf32, #tpu.memory_space<vmem_shared>> -> memref<10112x16xf32, #tpu.memory_space<vmem_shared>>
        tpu.wait_indirect_dma semaphore(%arg22 : memref<!tpu.dma_semaphore, #tpu.memory_space<semaphore_mem>>) src(%dma_wait3A_256 : memref<10112x16xf32, #tpu.memory_space<vmem_shared>>) dst(%dma_wait3A_250 : memref<128x16xf32, #tpu.memory_space<vmem>>)
        %dma_start3A_257 = arith.constant 7 : i32
        %dma_start3A_258 = arith.constant 0 : i32
        %dma_start3A_259 = arith.constant 0 : i32
        %dma_start3A_260 = tpu.memref_slice %arg11[%dma_start3A_257, %dma_start3A_258, %dma_start3A_259] : memref<8x128x16xf32, #tpu.memory_space<vmem>> -> memref<1x128x16xf32, #tpu.memory_space<vmem>>
        %dma_start3A_261 = tpu.memref_squeeze %dma_start3A_260 : memref<1x128x16xf32, #tpu.memory_space<vmem>> -> memref<128x16xf32, #tpu.memory_space<vmem>>
        %dma_start3A_262 = arith.constant 0 : i32
        %dma_start3A_263 = tpu.memref_slice %arg10[%add3A_239, %dma_start3A_262] : memref<48x128xi32, #tpu.memory_space<vmem>> -> memref<1x128xi32, #tpu.memory_space<vmem>>
        %dma_start3A_264 = tpu.memref_squeeze %dma_start3A_263 : memref<1x128xi32, #tpu.memory_space<vmem>> -> memref<128xi32, #tpu.memory_space<vmem>>
        %dma_start3A_265 = arith.constant 0 : i32
        %dma_start3A_266 = arith.constant 0 : i32
        %dma_start3A_267 = tpu.memref_slice %arg12[%dma_start3A_265, %dma_start3A_266] : memref<10112x16xf32, #tpu.memory_space<vmem_shared>> -> memref<10112x16xf32, #tpu.memory_space<vmem_shared>>
        tpu.enqueue_indirect_dma source(%dma_start3A_261 : memref<128x16xf32, #tpu.memory_space<vmem>>) target(%dma_start3A_267 : memref<10112x16xf32, #tpu.memory_space<vmem_shared>>) offsets(%dma_start3A_264 : memref<128xi32, #tpu.memory_space<vmem>>) semaphore(%arg30 : memref<!tpu.dma_semaphore, #tpu.memory_space<semaphore_mem>>) {add = true}
        %dma_start3A_268 = arith.constant 0 : i32
        %dma_start3A_269 = tpu.memref_slice %arg10[%add3A_239, %dma_start3A_268] : memref<48x128xi32, #tpu.memory_space<vmem>> -> memref<1x128xi32, #tpu.memory_space<vmem>>
        %dma_start3A_270 = tpu.memref_squeeze %dma_start3A_269 : memref<1x128xi32, #tpu.memory_space<vmem>> -> memref<128xi32, #tpu.memory_space<vmem>>
        %dma_start3A_271 = arith.constant 0 : i32
        %dma_start3A_272 = arith.constant 0 : i32
        %dma_start3A_273 = tpu.memref_slice %arg32[%dma_start3A_271, %dma_start3A_272] : memref<10112x16xf32, #tpu.memory_space<vmem_shared>> -> memref<10112x16xf32, #tpu.memory_space<vmem_shared>>
        tpu.enqueue_indirect_dma source(%arg31 : memref<128x16xf32, #tpu.memory_space<vmem>>) target(%dma_start3A_273 : memref<10112x16xf32, #tpu.memory_space<vmem_shared>>) offsets(%dma_start3A_270 : memref<128xi32, #tpu.memory_space<vmem>>) semaphore(%arg33 : memref<!tpu.dma_semaphore, #tpu.memory_space<semaphore_mem>>) {add = true}
        %ge3A = arith.constant 1 : i32
        %ge3A_274 = arith.cmpi sge, %add3A_239, %ge3A : i32
        %convert_element_type3A_275 = arith.extui %ge3A_274 : i1 to i32
        %cond3A_276 = arith.constant 0 : i32
        %cond3A_277 = arith.cmpi ne, %convert_element_type3A_275, %cond3A_276 : i32
        scf.if %cond3A_277 {
          %dma_wait3A_286 = arith.constant 0 : i32
          %dma_wait3A_287 = arith.constant 0 : i32
          %dma_wait3A_288 = tpu.memref_slice %arg10[%dma_wait3A_286, %dma_wait3A_287] : memref<48x128xi32, #tpu.memory_space<vmem>> -> memref<1x128xi32, #tpu.memory_space<vmem>>
          %dma_wait3A_289 = tpu.memref_squeeze %dma_wait3A_288 : memref<1x128xi32, #tpu.memory_space<vmem>> -> memref<128xi32, #tpu.memory_space<vmem>>
          %dma_wait3A_290 = arith.constant 0 : i32
          %dma_wait3A_291 = arith.constant 0 : i32
          %dma_wait3A_292 = tpu.memref_slice %arg32[%dma_wait3A_290, %dma_wait3A_291] : memref<10112x16xf32, #tpu.memory_space<vmem_shared>> -> memref<10112x16xf32, #tpu.memory_space<vmem_shared>>
          tpu.wait_indirect_dma semaphore(%arg33 : memref<!tpu.dma_semaphore, #tpu.memory_space<semaphore_mem>>) src(%arg31 : memref<128x16xf32, #tpu.memory_space<vmem>>) dst(%dma_wait3A_292 : memref<10112x16xf32, #tpu.memory_space<vmem_shared>>)
        } else {
        }
        %add3A_278 = arith.constant 3 : i32
        %add3A_279 = arith.addi %add3A_239, %add3A_278 : i32
        %sub3A_280 = arith.constant 1 : i32
        %sub3A_281 = arith.subi %select_n3A, %sub3A_280 : i32
        %le3A_282 = arith.cmpi sle, %add3A_279, %sub3A_281 : i32
        %convert_element_type3A_283 = arith.extui %le3A_282 : i1 to i32
        %cond3A_284 = arith.constant 0 : i32
        %cond3A_285 = arith.cmpi ne, %convert_element_type3A_283, %cond3A_284 : i32
        scf.if %cond3A_285 {
          %ge3A_286 = arith.constant 8 : i32
          %ge3A_287 = arith.cmpi sge, %add3A_279, %ge3A_286 : i32
          %convert_element_type3A_288 = arith.extui %ge3A_287 : i1 to i32
          %cond3A_289 = arith.constant 0 : i32
          %cond3A_290 = arith.cmpi ne, %convert_element_type3A_288, %cond3A_289 : i32
          scf.if %cond3A_290 {
            %dma_wait3A_302 = arith.constant 2 : i32
            %dma_wait3A_303 = arith.constant 0 : i32
            %dma_wait3A_304 = arith.constant 0 : i32
            %dma_wait3A_305 = arith.constant 0 : i32
            %dma_wait3A_306 = tpu.memref_slice %arg11[%dma_wait3A_302, %dma_wait3A_304, %dma_wait3A_305] : memref<8x128x16xf32, #tpu.memory_space<vmem>> -> memref<1x128x16xf32, #tpu.memory_space<vmem>>
            %dma_wait3A_307 = tpu.memref_squeeze %dma_wait3A_306 : memref<1x128x16xf32, #tpu.memory_space<vmem>> -> memref<128x16xf32, #tpu.memory_space<vmem>>
            %dma_wait3A_308 = arith.constant 0 : i32
            %dma_wait3A_309 = tpu.memref_slice %arg10[%dma_wait3A_303, %dma_wait3A_308] : memref<48x128xi32, #tpu.memory_space<vmem>> -> memref<1x128xi32, #tpu.memory_space<vmem>>
            %dma_wait3A_310 = tpu.memref_squeeze %dma_wait3A_309 : memref<1x128xi32, #tpu.memory_space<vmem>> -> memref<128xi32, #tpu.memory_space<vmem>>
            %dma_wait3A_311 = arith.constant 0 : i32
            %dma_wait3A_312 = arith.constant 0 : i32
            %dma_wait3A_313 = tpu.memref_slice %arg12[%dma_wait3A_311, %dma_wait3A_312] : memref<10112x16xf32, #tpu.memory_space<vmem_shared>> -> memref<10112x16xf32, #tpu.memory_space<vmem_shared>>
            tpu.wait_indirect_dma semaphore(%arg25 : memref<!tpu.dma_semaphore, #tpu.memory_space<semaphore_mem>>) src(%dma_wait3A_307 : memref<128x16xf32, #tpu.memory_space<vmem>>) dst(%dma_wait3A_313 : memref<10112x16xf32, #tpu.memory_space<vmem_shared>>)
          } else {
          }
          %dma_start3A_291 = arith.constant 2 : i32
          %dma_start3A_292 = arith.constant 0 : i32
          %dma_start3A_293 = arith.constant 0 : i32
          %dma_start3A_294 = tpu.memref_slice %arg11[%dma_start3A_291, %dma_start3A_292, %dma_start3A_293] : memref<8x128x16xf32, #tpu.memory_space<vmem>> -> memref<1x128x16xf32, #tpu.memory_space<vmem>>
          %dma_start3A_295 = tpu.memref_squeeze %dma_start3A_294 : memref<1x128x16xf32, #tpu.memory_space<vmem>> -> memref<128x16xf32, #tpu.memory_space<vmem>>
          %dma_start3A_296 = arith.constant 0 : i32
          %dma_start3A_297 = tpu.memref_slice %arg9[%add3A_279, %dma_start3A_296] : memref<48x128xi32, #tpu.memory_space<vmem>> -> memref<1x128xi32, #tpu.memory_space<vmem>>
          %dma_start3A_298 = tpu.memref_squeeze %dma_start3A_297 : memref<1x128xi32, #tpu.memory_space<vmem>> -> memref<128xi32, #tpu.memory_space<vmem>>
          %dma_start3A_299 = arith.constant 0 : i32
          %dma_start3A_300 = arith.constant 0 : i32
          %dma_start3A_301 = tpu.memref_slice %arg13[%dma_start3A_299, %dma_start3A_300] : memref<10112x16xf32, #tpu.memory_space<vmem_shared>> -> memref<10112x16xf32, #tpu.memory_space<vmem_shared>>
          tpu.enqueue_indirect_dma source(%dma_start3A_301 : memref<10112x16xf32, #tpu.memory_space<vmem_shared>>) target(%dma_start3A_295 : memref<128x16xf32, #tpu.memory_space<vmem>>) offsets(%dma_start3A_298 : memref<128xi32, #tpu.memory_space<vmem>>) semaphore(%arg17 : memref<!tpu.dma_semaphore, #tpu.memory_space<semaphore_mem>>)
        } else {
        }
      } else {
      }
    }
    %scan3A_57 = arith.constant 6 : i32
    %dma_wait3A_58 = arith.constant 0 : i32
    %dma_wait3A_59 = arith.constant 0 : i32
    %dma_wait3A_60 = arith.constant 0 : i32
    %dma_wait3A_61 = arith.constant 0 : i32
    %dma_wait3A_62 = tpu.memref_slice %arg11[%dma_wait3A_58, %dma_wait3A_60, %dma_wait3A_61] : memref<8x128x16xf32, #tpu.memory_space<vmem>> -> memref<1x128x16xf32, #tpu.memory_space<vmem>>
    %dma_wait3A_63 = tpu.memref_squeeze %dma_wait3A_62 : memref<1x128x16xf32, #tpu.memory_space<vmem>> -> memref<128x16xf32, #tpu.memory_space<vmem>>
    %dma_wait3A_64 = arith.constant 0 : i32
    %dma_wait3A_65 = tpu.memref_slice %arg10[%dma_wait3A_59, %dma_wait3A_64] : memref<48x128xi32, #tpu.memory_space<vmem>> -> memref<1x128xi32, #tpu.memory_space<vmem>>
    %dma_wait3A_66 = tpu.memref_squeeze %dma_wait3A_65 : memref<1x128xi32, #tpu.memory_space<vmem>> -> memref<128xi32, #tpu.memory_space<vmem>>
    %dma_wait3A_67 = arith.constant 0 : i32
    %dma_wait3A_68 = arith.constant 0 : i32
    %dma_wait3A_69 = tpu.memref_slice %arg12[%dma_wait3A_67, %dma_wait3A_68] : memref<10112x16xf32, #tpu.memory_space<vmem_shared>> -> memref<10112x16xf32, #tpu.memory_space<vmem_shared>>
    tpu.wait_indirect_dma semaphore(%arg23 : memref<!tpu.dma_semaphore, #tpu.memory_space<semaphore_mem>>) src(%dma_wait3A_63 : memref<128x16xf32, #tpu.memory_space<vmem>>) dst(%dma_wait3A_69 : memref<10112x16xf32, #tpu.memory_space<vmem_shared>>)
    %dma_wait3A_70 = arith.constant 1 : i32
    %dma_wait3A_71 = arith.constant 0 : i32
    %dma_wait3A_72 = arith.constant 0 : i32
    %dma_wait3A_73 = arith.constant 0 : i32
    %dma_wait3A_74 = tpu.memref_slice %arg11[%dma_wait3A_70, %dma_wait3A_72, %dma_wait3A_73] : memref<8x128x16xf32, #tpu.memory_space<vmem>> -> memref<1x128x16xf32, #tpu.memory_space<vmem>>
    %dma_wait3A_75 = tpu.memref_squeeze %dma_wait3A_74 : memref<1x128x16xf32, #tpu.memory_space<vmem>> -> memref<128x16xf32, #tpu.memory_space<vmem>>
    %dma_wait3A_76 = arith.constant 0 : i32
    %dma_wait3A_77 = tpu.memref_slice %arg10[%dma_wait3A_71, %dma_wait3A_76] : memref<48x128xi32, #tpu.memory_space<vmem>> -> memref<1x128xi32, #tpu.memory_space<vmem>>
    %dma_wait3A_78 = tpu.memref_squeeze %dma_wait3A_77 : memref<1x128xi32, #tpu.memory_space<vmem>> -> memref<128xi32, #tpu.memory_space<vmem>>
    %dma_wait3A_79 = arith.constant 0 : i32
    %dma_wait3A_80 = arith.constant 0 : i32
    %dma_wait3A_81 = tpu.memref_slice %arg12[%dma_wait3A_79, %dma_wait3A_80] : memref<10112x16xf32, #tpu.memory_space<vmem_shared>> -> memref<10112x16xf32, #tpu.memory_space<vmem_shared>>
    tpu.wait_indirect_dma semaphore(%arg24 : memref<!tpu.dma_semaphore, #tpu.memory_space<semaphore_mem>>) src(%dma_wait3A_75 : memref<128x16xf32, #tpu.memory_space<vmem>>) dst(%dma_wait3A_81 : memref<10112x16xf32, #tpu.memory_space<vmem_shared>>)
    %dma_wait3A_82 = arith.constant 2 : i32
    %dma_wait3A_83 = arith.constant 0 : i32
    %dma_wait3A_84 = arith.constant 0 : i32
    %dma_wait3A_85 = arith.constant 0 : i32
    %dma_wait3A_86 = tpu.memref_slice %arg11[%dma_wait3A_82, %dma_wait3A_84, %dma_wait3A_85] : memref<8x128x16xf32, #tpu.memory_space<vmem>> -> memref<1x128x16xf32, #tpu.memory_space<vmem>>
    %dma_wait3A_87 = tpu.memref_squeeze %dma_wait3A_86 : memref<1x128x16xf32, #tpu.memory_space<vmem>> -> memref<128x16xf32, #tpu.memory_space<vmem>>
    %dma_wait3A_88 = arith.constant 0 : i32
    %dma_wait3A_89 = tpu.memref_slice %arg10[%dma_wait3A_83, %dma_wait3A_88] : memref<48x128xi32, #tpu.memory_space<vmem>> -> memref<1x128xi32, #tpu.memory_space<vmem>>
    %dma_wait3A_90 = tpu.memref_squeeze %dma_wait3A_89 : memref<1x128xi32, #tpu.memory_space<vmem>> -> memref<128xi32, #tpu.memory_space<vmem>>
    %dma_wait3A_91 = arith.constant 0 : i32
    %dma_wait3A_92 = arith.constant 0 : i32
    %dma_wait3A_93 = tpu.memref_slice %arg12[%dma_wait3A_91, %dma_wait3A_92] : memref<10112x16xf32, #tpu.memory_space<vmem_shared>> -> memref<10112x16xf32, #tpu.memory_space<vmem_shared>>
    tpu.wait_indirect_dma semaphore(%arg25 : memref<!tpu.dma_semaphore, #tpu.memory_space<semaphore_mem>>) src(%dma_wait3A_87 : memref<128x16xf32, #tpu.memory_space<vmem>>) dst(%dma_wait3A_93 : memref<10112x16xf32, #tpu.memory_space<vmem_shared>>)
    %dma_wait3A_94 = arith.constant 3 : i32
    %dma_wait3A_95 = arith.constant 0 : i32
    %dma_wait3A_96 = arith.constant 0 : i32
    %dma_wait3A_97 = arith.constant 0 : i32
    %dma_wait3A_98 = tpu.memref_slice %arg11[%dma_wait3A_94, %dma_wait3A_96, %dma_wait3A_97] : memref<8x128x16xf32, #tpu.memory_space<vmem>> -> memref<1x128x16xf32, #tpu.memory_space<vmem>>
    %dma_wait3A_99 = tpu.memref_squeeze %dma_wait3A_98 : memref<1x128x16xf32, #tpu.memory_space<vmem>> -> memref<128x16xf32, #tpu.memory_space<vmem>>
    %dma_wait3A_100 = arith.constant 0 : i32
    %dma_wait3A_101 = tpu.memref_slice %arg10[%dma_wait3A_95, %dma_wait3A_100] : memref<48x128xi32, #tpu.memory_space<vmem>> -> memref<1x128xi32, #tpu.memory_space<vmem>>
    %dma_wait3A_102 = tpu.memref_squeeze %dma_wait3A_101 : memref<1x128xi32, #tpu.memory_space<vmem>> -> memref<128xi32, #tpu.memory_space<vmem>>
    %dma_wait3A_103 = arith.constant 0 : i32
    %dma_wait3A_104 = arith.constant 0 : i32
    %dma_wait3A_105 = tpu.memref_slice %arg12[%dma_wait3A_103, %dma_wait3A_104] : memref<10112x16xf32, #tpu.memory_space<vmem_shared>> -> memref<10112x16xf32, #tpu.memory_space<vmem_shared>>
    tpu.wait_indirect_dma semaphore(%arg26 : memref<!tpu.dma_semaphore, #tpu.memory_space<semaphore_mem>>) src(%dma_wait3A_99 : memref<128x16xf32, #tpu.memory_space<vmem>>) dst(%dma_wait3A_105 : memref<10112x16xf32, #tpu.memory_space<vmem_shared>>)
    %dma_wait3A_106 = arith.constant 4 : i32
    %dma_wait3A_107 = arith.constant 0 : i32
    %dma_wait3A_108 = arith.constant 0 : i32
    %dma_wait3A_109 = arith.constant 0 : i32
    %dma_wait3A_110 = tpu.memref_slice %arg11[%dma_wait3A_106, %dma_wait3A_108, %dma_wait3A_109] : memref<8x128x16xf32, #tpu.memory_space<vmem>> -> memref<1x128x16xf32, #tpu.memory_space<vmem>>
    %dma_wait3A_111 = tpu.memref_squeeze %dma_wait3A_110 : memref<1x128x16xf32, #tpu.memory_space<vmem>> -> memref<128x16xf32, #tpu.memory_space<vmem>>
    %dma_wait3A_112 = arith.constant 0 : i32
    %dma_wait3A_113 = tpu.memref_slice %arg10[%dma_wait3A_107, %dma_wait3A_112] : memref<48x128xi32, #tpu.memory_space<vmem>> -> memref<1x128xi32, #tpu.memory_space<vmem>>
    %dma_wait3A_114 = tpu.memref_squeeze %dma_wait3A_113 : memref<1x128xi32, #tpu.memory_space<vmem>> -> memref<128xi32, #tpu.memory_space<vmem>>
    %dma_wait3A_115 = arith.constant 0 : i32
    %dma_wait3A_116 = arith.constant 0 : i32
    %dma_wait3A_117 = tpu.memref_slice %arg12[%dma_wait3A_115, %dma_wait3A_116] : memref<10112x16xf32, #tpu.memory_space<vmem_shared>> -> memref<10112x16xf32, #tpu.memory_space<vmem_shared>>
    tpu.wait_indirect_dma semaphore(%arg27 : memref<!tpu.dma_semaphore, #tpu.memory_space<semaphore_mem>>) src(%dma_wait3A_111 : memref<128x16xf32, #tpu.memory_space<vmem>>) dst(%dma_wait3A_117 : memref<10112x16xf32, #tpu.memory_space<vmem_shared>>)
    %dma_wait3A_118 = arith.constant 5 : i32
    %dma_wait3A_119 = arith.constant 0 : i32
    %dma_wait3A_120 = arith.constant 0 : i32
    %dma_wait3A_121 = arith.constant 0 : i32
    %dma_wait3A_122 = tpu.memref_slice %arg11[%dma_wait3A_118, %dma_wait3A_120, %dma_wait3A_121] : memref<8x128x16xf32, #tpu.memory_space<vmem>> -> memref<1x128x16xf32, #tpu.memory_space<vmem>>
    %dma_wait3A_123 = tpu.memref_squeeze %dma_wait3A_122 : memref<1x128x16xf32, #tpu.memory_space<vmem>> -> memref<128x16xf32, #tpu.memory_space<vmem>>
    %dma_wait3A_124 = arith.constant 0 : i32
    %dma_wait3A_125 = tpu.memref_slice %arg10[%dma_wait3A_119, %dma_wait3A_124] : memref<48x128xi32, #tpu.memory_space<vmem>> -> memref<1x128xi32, #tpu.memory_space<vmem>>
    %dma_wait3A_126 = tpu.memref_squeeze %dma_wait3A_125 : memref<1x128xi32, #tpu.memory_space<vmem>> -> memref<128xi32, #tpu.memory_space<vmem>>
    %dma_wait3A_127 = arith.constant 0 : i32
    %dma_wait3A_128 = arith.constant 0 : i32
    %dma_wait3A_129 = tpu.memref_slice %arg12[%dma_wait3A_127, %dma_wait3A_128] : memref<10112x16xf32, #tpu.memory_space<vmem_shared>> -> memref<10112x16xf32, #tpu.memory_space<vmem_shared>>
    tpu.wait_indirect_dma semaphore(%arg28 : memref<!tpu.dma_semaphore, #tpu.memory_space<semaphore_mem>>) src(%dma_wait3A_123 : memref<128x16xf32, #tpu.memory_space<vmem>>) dst(%dma_wait3A_129 : memref<10112x16xf32, #tpu.memory_space<vmem_shared>>)
    %dma_wait3A_130 = arith.constant 6 : i32
    %dma_wait3A_131 = arith.constant 0 : i32
    %dma_wait3A_132 = arith.constant 0 : i32
    %dma_wait3A_133 = arith.constant 0 : i32
    %dma_wait3A_134 = tpu.memref_slice %arg11[%dma_wait3A_130, %dma_wait3A_132, %dma_wait3A_133] : memref<8x128x16xf32, #tpu.memory_space<vmem>> -> memref<1x128x16xf32, #tpu.memory_space<vmem>>
    %dma_wait3A_135 = tpu.memref_squeeze %dma_wait3A_134 : memref<1x128x16xf32, #tpu.memory_space<vmem>> -> memref<128x16xf32, #tpu.memory_space<vmem>>
    %dma_wait3A_136 = arith.constant 0 : i32
    %dma_wait3A_137 = tpu.memref_slice %arg10[%dma_wait3A_131, %dma_wait3A_136] : memref<48x128xi32, #tpu.memory_space<vmem>> -> memref<1x128xi32, #tpu.memory_space<vmem>>
    %dma_wait3A_138 = tpu.memref_squeeze %dma_wait3A_137 : memref<1x128xi32, #tpu.memory_space<vmem>> -> memref<128xi32, #tpu.memory_space<vmem>>
    %dma_wait3A_139 = arith.constant 0 : i32
    %dma_wait3A_140 = arith.constant 0 : i32
    %dma_wait3A_141 = tpu.memref_slice %arg12[%dma_wait3A_139, %dma_wait3A_140] : memref<10112x16xf32, #tpu.memory_space<vmem_shared>> -> memref<10112x16xf32, #tpu.memory_space<vmem_shared>>
    tpu.wait_indirect_dma semaphore(%arg29 : memref<!tpu.dma_semaphore, #tpu.memory_space<semaphore_mem>>) src(%dma_wait3A_135 : memref<128x16xf32, #tpu.memory_space<vmem>>) dst(%dma_wait3A_141 : memref<10112x16xf32, #tpu.memory_space<vmem_shared>>)
    %dma_wait3A_142 = arith.constant 7 : i32
    %dma_wait3A_143 = arith.constant 0 : i32
    %dma_wait3A_144 = arith.constant 0 : i32
    %dma_wait3A_145 = arith.constant 0 : i32
    %dma_wait3A_146 = tpu.memref_slice %arg11[%dma_wait3A_142, %dma_wait3A_144, %dma_wait3A_145] : memref<8x128x16xf32, #tpu.memory_space<vmem>> -> memref<1x128x16xf32, #tpu.memory_space<vmem>>
    %dma_wait3A_147 = tpu.memref_squeeze %dma_wait3A_146 : memref<1x128x16xf32, #tpu.memory_space<vmem>> -> memref<128x16xf32, #tpu.memory_space<vmem>>
    %dma_wait3A_148 = arith.constant 0 : i32
    %dma_wait3A_149 = tpu.memref_slice %arg10[%dma_wait3A_143, %dma_wait3A_148] : memref<48x128xi32, #tpu.memory_space<vmem>> -> memref<1x128xi32, #tpu.memory_space<vmem>>
    %dma_wait3A_150 = tpu.memref_squeeze %dma_wait3A_149 : memref<1x128xi32, #tpu.memory_space<vmem>> -> memref<128xi32, #tpu.memory_space<vmem>>
    %dma_wait3A_151 = arith.constant 0 : i32
    %dma_wait3A_152 = arith.constant 0 : i32
    %dma_wait3A_153 = tpu.memref_slice %arg12[%dma_wait3A_151, %dma_wait3A_152] : memref<10112x16xf32, #tpu.memory_space<vmem_shared>> -> memref<10112x16xf32, #tpu.memory_space<vmem_shared>>
    tpu.wait_indirect_dma semaphore(%arg30 : memref<!tpu.dma_semaphore, #tpu.memory_space<semaphore_mem>>) src(%dma_wait3A_147 : memref<128x16xf32, #tpu.memory_space<vmem>>) dst(%dma_wait3A_153 : memref<10112x16xf32, #tpu.memory_space<vmem_shared>>)
    %dma_wait3A_154 = arith.constant 0 : i32
    %dma_wait3A_155 = arith.constant 0 : i32
    %dma_wait3A_156 = tpu.memref_slice %arg10[%dma_wait3A_154, %dma_wait3A_155] : memref<48x128xi32, #tpu.memory_space<vmem>> -> memref<1x128xi32, #tpu.memory_space<vmem>>
    %dma_wait3A_157 = tpu.memref_squeeze %dma_wait3A_156 : memref<1x128xi32, #tpu.memory_space<vmem>> -> memref<128xi32, #tpu.memory_space<vmem>>
    %dma_wait3A_158 = arith.constant 0 : i32
    %dma_wait3A_159 = arith.constant 0 : i32
    %dma_wait3A_160 = tpu.memref_slice %arg32[%dma_wait3A_158, %dma_wait3A_159] : memref<10112x16xf32, #tpu.memory_space<vmem_shared>> -> memref<10112x16xf32, #tpu.memory_space<vmem_shared>>
    tpu.wait_indirect_dma semaphore(%arg33 : memref<!tpu.dma_semaphore, #tpu.memory_space<semaphore_mem>>) src(%arg31 : memref<128x16xf32, #tpu.memory_space<vmem>>) dst(%dma_wait3A_160 : memref<10112x16xf32, #tpu.memory_space<vmem_shared>>)
    %barrier3A_161 = arith.constant 0 : index
    tpu.barrier barrier_id(%barrier3A_161)
    %mul3A_162 = arith.constant 10112 : i32
    %mul3A_163 = arith.muli %arg0, %mul3A_162 : i32
    %add3A = arith.addi %mul3A_163, %mul3A_0 : i32
    "tpu.region"() ({
      %run_scoped3A = tpu.sem_alloc : memref<!tpu.dma_semaphore, #tpu.memory_space<semaphore_mem>>
      %dma_start3A_167 = arith.constant 0 : i32
      %dma_start3A_168 = tpu.memref_slice %arg7[%add3A, %dma_start3A_167] : memref<20224x16xf32, #tpu.memory_space<hbm>> -> memref<632x16xf32, #tpu.memory_space<hbm>>
      %dma_start3A_169 = arith.constant 0 : i32
      %dma_start3A_170 = tpu.memref_slice %arg12[%mul3A_0, %dma_start3A_169] : memref<10112x16xf32, #tpu.memory_space<vmem_shared>> -> memref<632x16xf32, #tpu.memory_space<vmem_shared>>
      tpu.enqueue_dma source(%dma_start3A_170 : memref<632x16xf32, #tpu.memory_space<vmem_shared>>) target(%dma_start3A_168 : memref<632x16xf32, #tpu.memory_space<hbm>>) target_semaphore(%run_scoped3A : memref<!tpu.dma_semaphore, #tpu.memory_space<semaphore_mem>>)
      %dma_wait3A_171 = arith.constant 0 : i32
      %dma_wait3A_172 = tpu.memref_slice %arg7[%add3A, %dma_wait3A_171] : memref<20224x16xf32, #tpu.memory_space<hbm>> -> memref<632x16xf32, #tpu.memory_space<hbm>>
      %dma_wait3A_173 = arith.constant 0 : i32
      %dma_wait3A_174 = tpu.memref_slice %arg12[%mul3A_0, %dma_wait3A_173] : memref<10112x16xf32, #tpu.memory_space<vmem_shared>> -> memref<632x16xf32, #tpu.memory_space<vmem_shared>>
      tpu.wait_dma2 semaphore(%run_scoped3A : memref<!tpu.dma_semaphore, #tpu.memory_space<semaphore_mem>>) src(%dma_wait3A_174 : memref<632x16xf32, #tpu.memory_space<vmem_shared>>) dst(%dma_wait3A_172 : memref<632x16xf32, #tpu.memory_space<hbm>>)
      tpu.yield
    }) : () -> ()
    %mul3A_164 = arith.constant 10112 : i32
    %mul3A_165 = arith.muli %arg0, %mul3A_164 : i32
    %add3A_166 = arith.addi %mul3A_165, %mul3A_0 : i32
    "tpu.region"() ({
      %run_scoped3A = tpu.sem_alloc : memref<!tpu.dma_semaphore, #tpu.memory_space<semaphore_mem>>
      %dma_start3A_167 = arith.constant 0 : i32
      %dma_start3A_168 = tpu.memref_slice %arg8[%add3A_166, %dma_start3A_167] : memref<20224x16xf32, #tpu.memory_space<hbm>> -> memref<632x16xf32, #tpu.memory_space<hbm>>
      %dma_start3A_169 = arith.constant 0 : i32
      %dma_start3A_170 = tpu.memref_slice %arg32[%mul3A_0, %dma_start3A_169] : memref<10112x16xf32, #tpu.memory_space<vmem_shared>> -> memref<632x16xf32, #tpu.memory_space<vmem_shared>>
      tpu.enqueue_dma source(%dma_start3A_170 : memref<632x16xf32, #tpu.memory_space<vmem_shared>>) target(%dma_start3A_168 : memref<632x16xf32, #tpu.memory_space<hbm>>) target_semaphore(%run_scoped3A : memref<!tpu.dma_semaphore, #tpu.memory_space<semaphore_mem>>)
      %dma_wait3A_171 = arith.constant 0 : i32
      %dma_wait3A_172 = tpu.memref_slice %arg8[%add3A_166, %dma_wait3A_171] : memref<20224x16xf32, #tpu.memory_space<hbm>> -> memref<632x16xf32, #tpu.memory_space<hbm>>
      %dma_wait3A_173 = arith.constant 0 : i32
      %dma_wait3A_174 = tpu.memref_slice %arg32[%mul3A_0, %dma_wait3A_173] : memref<10112x16xf32, #tpu.memory_space<vmem_shared>> -> memref<632x16xf32, #tpu.memory_space<vmem_shared>>
      tpu.wait_dma2 semaphore(%run_scoped3A : memref<!tpu.dma_semaphore, #tpu.memory_space<semaphore_mem>>) src(%dma_wait3A_174 : memref<632x16xf32, #tpu.memory_space<vmem_shared>>) dst(%dma_wait3A_172 : memref<632x16xf32, #tpu.memory_space<hbm>>)
      tpu.yield
    }) : () -> ()
    return
  }
}

module attributes {stable_mosaic.version = 14 : i64} {
  func.func @_proj_body(%arg0: i32, %arg1: memref<632x256xf32, #tpu.memory_space<vmem>>, %arg2: memref<256x32xf32, #tpu.memory_space<vmem>>, %arg3: memref<632x16xf32, #tpu.memory_space<vmem>>, %arg4: memref<632x16xf32, #tpu.memory_space<vmem>>) attributes {dimension_semantics = [#tpu.dimension_semantics<arbitrary>], iteration_bounds = array<i64: 16>, scalar_prefetch = 0 : i64, scratch_operands = 0 : i64, tpu.core_type = #tpu.core_type<tc>, window_params = [{transform_indices = @transform_0, window_bounds = array<i64: 632, 256>}, {pipeline_mode = #tpu.pipeline_mode<synchronous>, transform_indices = @transform_1, window_bounds = array<i64: 256, 32>}, {transform_indices = @transform_2, window_bounds = array<i64: 632, 16>}, {transform_indices = @transform_3, window_bounds = array<i64: 632, 16>}]} {
    %get3A = arith.constant 0 : index
    %get3A_0 = arith.constant 0 : index
    %get3A_1 = vector.load %arg1[%get3A, %get3A_0] : memref<632x256xf32, #tpu.memory_space<vmem>>, vector<632x256xf32>
    %get3A_2 = arith.constant 0 : index
    %get3A_3 = arith.constant 0 : index
    %get3A_4 = vector.load %arg2[%get3A_2, %get3A_3] : memref<256x32xf32, #tpu.memory_space<vmem>>, vector<256x32xf32>
    %dot_general3A = arith.constant dense<0.000000e+00> : vector<632x32xf32>
    %dot_general3A_5 = tpu.matmul %get3A_1, %get3A_4, %dot_general3A {dimension_numbers = #tpu.dot_dimension_numbers<[1], [0], [0], [1], [0, 0, 1, 1], [], []>, transpose_lhs_hint = false} : vector<632x256xf32>, vector<256x32xf32>, vector<632x32xf32> -> vector<632x32xf32>
    %slice3A = vector.extract_strided_slice %dot_general3A_5 {offsets = [0, 0], sizes = [632, 16], strides = [1, 1]} : vector<632x32xf32> to vector<632x16xf32>
    %swap3A = arith.constant 0 : index
    %swap3A_6 = arith.constant 0 : index
    %swap3A_7 = vector.load %arg3[%swap3A, %swap3A_6] : memref<632x16xf32, #tpu.memory_space<vmem>>, vector<632x16xf32>
    tpu.vector_store %arg3[%swap3A, %swap3A_6], %slice3A {strides = array<i32>} : memref<632x16xf32, #tpu.memory_space<vmem>>, vector<632x16xf32>,
    %slice3A_8 = vector.extract_strided_slice %dot_general3A_5 {offsets = [0, 16], sizes = [632, 16], strides = [1, 1]} : vector<632x32xf32> to vector<632x16xf32>
    %swap3A_9 = arith.constant 0 : index
    %swap3A_10 = arith.constant 0 : index
    %swap3A_11 = vector.load %arg4[%swap3A_9, %swap3A_10] : memref<632x16xf32, #tpu.memory_space<vmem>>, vector<632x16xf32>
    tpu.vector_store %arg4[%swap3A_9, %swap3A_10], %slice3A_8 {strides = array<i32>} : memref<632x16xf32, #tpu.memory_space<vmem>>, vector<632x16xf32>,
    return
  }
  func.func @transform_0(%arg0: i32) -> (i32, i32) {
    %c0_i32 = arith.constant 0 : i32
    %c0_i32_0 = arith.constant 0 : i32
    return %arg0, %c0_i32 : i32, i32
  }
  func.func @transform_1(%arg0: i32) -> (i32, i32) {
    %c0_i32 = arith.constant 0 : i32
    %c0_i32_0 = arith.constant 0 : i32
    %c0_i32_1 = arith.constant 0 : i32
    return %c0_i32, %c0_i32_0 : i32, i32
  }
  func.func @transform_2(%arg0: i32) -> (i32, i32) {
    %c0_i32 = arith.constant 0 : i32
    %c0_i32_0 = arith.constant 0 : i32
    return %arg0, %c0_i32 : i32, i32
  }
  func.func @transform_3(%arg0: i32) -> (i32, i32) {
    %c0_i32 = arith.constant 0 : i32
    %c0_i32_0 = arith.constant 0 : i32
    return %arg0, %c0_i32 : i32, i32
  }
}

module attributes {stable_mosaic.version = 14 : i64} {
  func.func @_combine_body(%arg0: i32, %arg1: memref<1264x128xf32, #tpu.memory_space<vmem>>, %arg2: memref<1264x128xf32, #tpu.memory_space<vmem>>, %arg3: memref<1264x128xf32, #tpu.memory_space<vmem>>, %arg4: memref<1264x128xf32, #tpu.memory_space<vmem>>, %arg5: memref<1264x128xf32, #tpu.memory_space<vmem>>, %arg6: memref<1x128xf32, #tpu.memory_space<vmem>>, %arg7: memref<1264x128xf32, #tpu.memory_space<vmem>>) attributes {dimension_semantics = [#tpu.dimension_semantics<arbitrary>], iteration_bounds = array<i64: 1>, scalar_prefetch = 0 : i64, scratch_operands = 0 : i64, tpu.core_type = #tpu.core_type<tc>, window_params = [{transform_indices = @transform_0, window_bounds = array<i64: 1264, 128>}, {transform_indices = @transform_1, window_bounds = array<i64: 1264, 128>}, {transform_indices = @transform_2, window_bounds = array<i64: 1264, 128>}, {transform_indices = @transform_3, window_bounds = array<i64: 1264, 128>}, {transform_indices = @transform_4, window_bounds = array<i64: 1264, 128>}, {pipeline_mode = #tpu.pipeline_mode<synchronous>, transform_indices = @transform_5, window_bounds = array<i64: 1, 128>}, {transform_indices = @transform_6, window_bounds = array<i64: 1264, 128>}]} {
    %get3A = arith.constant 0 : index
    %get3A_0 = arith.constant 0 : index
    %get3A_1 = vector.load %arg3[%get3A, %get3A_0] : memref<1264x128xf32, #tpu.memory_space<vmem>>, vector<1264x128xf32>
    %get3A_2 = arith.constant 0 : index
    %get3A_3 = arith.constant 0 : index
    %get3A_4 = vector.load %arg4[%get3A_2, %get3A_3] : memref<1264x128xf32, #tpu.memory_space<vmem>>, vector<1264x128xf32>
    %add3A = arith.addf %get3A_1, %get3A_4 : vector<1264x128xf32>
    %max3A = arith.constant 1.000000e+00 : f32
    %max3A_5 = vector.broadcast %max3A : f32 to vector<1264x128xf32>
    %max3A_6 = arith.maximumf %add3A, %max3A_5 : vector<1264x128xf32>
    %get3A_7 = arith.constant 0 : index
    %get3A_8 = arith.constant 0 : index
    %get3A_9 = vector.load %arg1[%get3A_7, %get3A_8] : memref<1264x128xf32, #tpu.memory_space<vmem>>, vector<1264x128xf32>
    %get3A_10 = arith.constant 0 : index
    %get3A_11 = arith.constant 0 : index
    %get3A_12 = vector.load %arg2[%get3A_10, %get3A_11] : memref<1264x128xf32, #tpu.memory_space<vmem>>, vector<1264x128xf32>
    %add3A_13 = arith.addf %get3A_9, %get3A_12 : vector<1264x128xf32>
    %div3A = arith.divf %add3A_13, %max3A_6 : vector<1264x128xf32>
    %get3A_14 = arith.constant 0 : index
    %get3A_15 = arith.constant 0 : index
    %get3A_16 = vector.load %arg6[%get3A_14, %get3A_15] : memref<1x128xf32, #tpu.memory_space<vmem>>, vector<1x128xf32>
    %add3A_17 = vector.broadcast %get3A_16 : vector<1x128xf32> to vector<1264x128xf32>
    %add3A_18 = arith.addf %div3A, %add3A_17 : vector<1264x128xf32>
    %get3A_19 = arith.constant 0 : index
    %get3A_20 = arith.constant 0 : index
    %get3A_21 = vector.load %arg5[%get3A_19, %get3A_20] : memref<1264x128xf32, #tpu.memory_space<vmem>>, vector<1264x128xf32>
    %add3A_22 = arith.addf %add3A_18, %get3A_21 : vector<1264x128xf32>
    %max3A_23 = arith.constant 0.000000e+00 : f32
    %max3A_24 = vector.broadcast %max3A_23 : f32 to vector<1264x128xf32>
    %max3A_25 = arith.maximumf %add3A_22, %max3A_24 : vector<1264x128xf32>
    %swap3A = arith.constant 0 : index
    %swap3A_26 = arith.constant 0 : index
    %swap3A_27 = vector.load %arg7[%swap3A, %swap3A_26] : memref<1264x128xf32, #tpu.memory_space<vmem>>, vector<1264x128xf32>
    tpu.vector_store %arg7[%swap3A, %swap3A_26], %max3A_25 {strides = array<i32>} : memref<1264x128xf32, #tpu.memory_space<vmem>>, vector<1264x128xf32>,
    return
  }
  func.func @transform_0(%arg0: i32) -> (i32, i32) {
    %c0_i32 = arith.constant 0 : i32
    %c0_i32_0 = arith.constant 0 : i32
    return %arg0, %c0_i32 : i32, i32
  }
  func.func @transform_1(%arg0: i32) -> (i32, i32) {
    %add3A = arith.constant 1 : i32
    %add3A_0 = arith.addi %add3A, %arg0 : i32
    %c0_i32 = arith.constant 0 : i32
    %c0_i32_1 = arith.constant 0 : i32
    return %add3A_0, %c0_i32 : i32, i32
  }
  func.func @transform_2(%arg0: i32) -> (i32, i32) {
    %c0_i32 = arith.constant 0 : i32
    %c0_i32_0 = arith.constant 0 : i32
    return %arg0, %c0_i32 : i32, i32
  }
  func.func @transform_3(%arg0: i32) -> (i32, i32) {
    %add3A = arith.constant 1 : i32
    %add3A_0 = arith.addi %add3A, %arg0 : i32
    %c0_i32 = arith.constant 0 : i32
    %c0_i32_1 = arith.constant 0 : i32
    return %add3A_0, %c0_i32 : i32, i32
  }
  func.func @transform_4(%arg0: i32) -> (i32, i32) {
    %c0_i32 = arith.constant 0 : i32
    %c0_i32_0 = arith.constant 0 : i32
    return %arg0, %c0_i32 : i32, i32
  }
  func.func @transform_5(%arg0: i32) -> (i32, i32) {
    %c0_i32 = arith.constant 0 : i32
    %c0_i32_0 = arith.constant 0 : i32
    %c0_i32_1 = arith.constant 0 : i32
    return %c0_i32, %c0_i32_0 : i32, i32
  }
  func.func @transform_6(%arg0: i32) -> (i32, i32) {
    %c0_i32 = arith.constant 0 : i32
    %c0_i32_0 = arith.constant 0 : i32
    return %arg0, %c0_i32 : i32, i32
  }
}

module attributes {stable_mosaic.version = 14 : i64} {
  func.func @_final_body(%arg0: i32, %arg1: memref<632x16xf32, #tpu.memory_space<vmem>>, %arg2: memref<632x16xf32, #tpu.memory_space<vmem>>, %arg3: memref<632x16xf32, #tpu.memory_space<vmem>>, %arg4: memref<632x16xf32, #tpu.memory_space<vmem>>, %arg5: memref<632x16xf32, #tpu.memory_space<vmem>>, %arg6: memref<16x41xf32, #tpu.memory_space<vmem>>, %arg7: memref<16x41xf32, #tpu.memory_space<vmem>>, %arg8: memref<1x41xf32, #tpu.memory_space<vmem>>, %arg9: memref<632x41xf32, #tpu.memory_space<vmem>>) attributes {dimension_semantics = [#tpu.dimension_semantics<arbitrary>], iteration_bounds = array<i64: 16>, scalar_prefetch = 0 : i64, scratch_operands = 0 : i64, tpu.core_type = #tpu.core_type<tc>, window_params = [{transform_indices = @transform_0, window_bounds = array<i64: 632, 16>}, {transform_indices = @transform_1, window_bounds = array<i64: 632, 16>}, {transform_indices = @transform_2, window_bounds = array<i64: 632, 16>}, {transform_indices = @transform_3, window_bounds = array<i64: 632, 16>}, {transform_indices = @transform_4, window_bounds = array<i64: 632, 16>}, {pipeline_mode = #tpu.pipeline_mode<synchronous>, transform_indices = @transform_5, window_bounds = array<i64: 16, 41>}, {pipeline_mode = #tpu.pipeline_mode<synchronous>, transform_indices = @transform_6, window_bounds = array<i64: 16, 41>}, {pipeline_mode = #tpu.pipeline_mode<synchronous>, transform_indices = @transform_7, window_bounds = array<i64: 1, 41>}, {transform_indices = @transform_8, window_bounds = array<i64: 632, 41>}]} {
    %get3A = arith.constant 0 : index
    %get3A_0 = arith.constant 0 : index
    %get3A_1 = vector.load %arg3[%get3A, %get3A_0] : memref<632x16xf32, #tpu.memory_space<vmem>>, vector<632x16xf32>
    %get3A_2 = arith.constant 0 : index
    %get3A_3 = arith.constant 0 : index
    %get3A_4 = vector.load %arg4[%get3A_2, %get3A_3] : memref<632x16xf32, #tpu.memory_space<vmem>>, vector<632x16xf32>
    %add3A = arith.addf %get3A_1, %get3A_4 : vector<632x16xf32>
    %max3A = arith.constant 1.000000e+00 : f32
    %max3A_5 = vector.broadcast %max3A : f32 to vector<632x16xf32>
    %max3A_6 = arith.maximumf %add3A, %max3A_5 : vector<632x16xf32>
    %get3A_7 = arith.constant 0 : index
    %get3A_8 = arith.constant 0 : index
    %get3A_9 = vector.load %arg1[%get3A_7, %get3A_8] : memref<632x16xf32, #tpu.memory_space<vmem>>, vector<632x16xf32>
    %get3A_10 = arith.constant 0 : index
    %get3A_11 = arith.constant 0 : index
    %get3A_12 = vector.load %arg2[%get3A_10, %get3A_11] : memref<632x16xf32, #tpu.memory_space<vmem>>, vector<632x16xf32>
    %add3A_13 = arith.addf %get3A_9, %get3A_12 : vector<632x16xf32>
    %div3A = arith.divf %add3A_13, %max3A_6 : vector<632x16xf32>
    %get3A_14 = arith.constant 0 : index
    %get3A_15 = arith.constant 0 : index
    %get3A_16 = vector.load %arg6[%get3A_14, %get3A_15] : memref<16x41xf32, #tpu.memory_space<vmem>>, vector<16x41xf32>
    %dot_general3A = arith.constant dense<0.000000e+00> : vector<632x41xf32>
    %dot_general3A_17 = tpu.matmul %div3A, %get3A_16, %dot_general3A {dimension_numbers = #tpu.dot_dimension_numbers<[1], [0], [0], [1], [0, 0, 1, 1], [], []>, transpose_lhs_hint = false} : vector<632x16xf32>, vector<16x41xf32>, vector<632x41xf32> -> vector<632x41xf32>
    %get3A_18 = arith.constant 0 : index
    %get3A_19 = arith.constant 0 : index
    %get3A_20 = vector.load %arg5[%get3A_18, %get3A_19] : memref<632x16xf32, #tpu.memory_space<vmem>>, vector<632x16xf32>
    %get3A_21 = arith.constant 0 : index
    %get3A_22 = arith.constant 0 : index
    %get3A_23 = vector.load %arg7[%get3A_21, %get3A_22] : memref<16x41xf32, #tpu.memory_space<vmem>>, vector<16x41xf32>
    %dot_general3A_24 = arith.constant dense<0.000000e+00> : vector<632x41xf32>
    %dot_general3A_25 = tpu.matmul %get3A_20, %get3A_23, %dot_general3A_24 {dimension_numbers = #tpu.dot_dimension_numbers<[1], [0], [0], [1], [0, 0, 1, 1], [], []>, transpose_lhs_hint = false} : vector<632x16xf32>, vector<16x41xf32>, vector<632x41xf32> -> vector<632x41xf32>
    %add3A_26 = arith.addf %dot_general3A_17, %dot_general3A_25 : vector<632x41xf32>
    %get3A_27 = arith.constant 0 : index
    %get3A_28 = arith.constant 0 : index
    %get3A_29 = vector.load %arg8[%get3A_27, %get3A_28] : memref<1x41xf32, #tpu.memory_space<vmem>>, vector<1x41xf32>
    %add3A_30 = vector.broadcast %get3A_29 : vector<1x41xf32> to vector<632x41xf32>
    %add3A_31 = arith.addf %add3A_26, %add3A_30 : vector<632x41xf32>
    %reduce_max3A = arith.constant dense<0xFF800000> : vector<632xf32>
    %reduce_max3A_32 = vector.multi_reduction <maximumf>, %add3A_31, %reduce_max3A [1] : vector<632x41xf32> to vector<632xf32>
    %broadcast_in_dim3A = vector.shape_cast %reduce_max3A_32 : vector<632xf32> to vector<632x1xf32>
    %sub3A = vector.broadcast %broadcast_in_dim3A : vector<632x1xf32> to vector<632x41xf32>
    %sub3A_33 = arith.subf %add3A_31, %sub3A : vector<632x41xf32>
    %exp3A = math.exp %sub3A_33 : vector<632x41xf32>
    %reduce_sum3A = arith.constant dense<0.000000e+00> : vector<632xf32>
    %reduce_sum3A_34 = vector.multi_reduction <add>, %exp3A, %reduce_sum3A [1] : vector<632x41xf32> to vector<632xf32>
    %broadcast_in_dim3A_35 = vector.shape_cast %reduce_sum3A_34 : vector<632xf32> to vector<632x1xf32>
    %sub3A_36 = vector.broadcast %broadcast_in_dim3A : vector<632x1xf32> to vector<632x41xf32>
    %sub3A_37 = arith.subf %add3A_31, %sub3A_36 : vector<632x41xf32>
    %log3A = math.log %broadcast_in_dim3A_35 : vector<632x1xf32>
    %sub3A_38 = vector.broadcast %log3A : vector<632x1xf32> to vector<632x41xf32>
    %sub3A_39 = arith.subf %sub3A_37, %sub3A_38 : vector<632x41xf32>
    %swap3A = arith.constant 0 : index
    %swap3A_40 = arith.constant 0 : index
    %swap3A_41 = vector.load %arg9[%swap3A, %swap3A_40] : memref<632x41xf32, #tpu.memory_space<vmem>>, vector<632x41xf32>
    tpu.vector_store %arg9[%swap3A, %swap3A_40], %sub3A_39 {strides = array<i32>} : memref<632x41xf32, #tpu.memory_space<vmem>>, vector<632x41xf32>,
    return
  }
  func.func @transform_0(%arg0: i32) -> (i32, i32) {
    %c0_i32 = arith.constant 0 : i32
    %c0_i32_0 = arith.constant 0 : i32
    return %arg0, %c0_i32 : i32, i32
  }
  func.func @transform_1(%arg0: i32) -> (i32, i32) {
    %add3A = arith.constant 16 : i32
    %add3A_0 = arith.addi %add3A, %arg0 : i32
    %c0_i32 = arith.constant 0 : i32
    %c0_i32_1 = arith.constant 0 : i32
    return %add3A_0, %c0_i32 : i32, i32
  }
  func.func @transform_2(%arg0: i32) -> (i32, i32) {
    %c0_i32 = arith.constant 0 : i32
    %c0_i32_0 = arith.constant 0 : i32
    return %arg0, %c0_i32 : i32, i32
  }
  func.func @transform_3(%arg0: i32) -> (i32, i32) {
    %add3A = arith.constant 16 : i32
    %add3A_0 = arith.addi %add3A, %arg0 : i32
    %c0_i32 = arith.constant 0 : i32
    %c0_i32_1 = arith.constant 0 : i32
    return %add3A_0, %c0_i32 : i32, i32
  }
  func.func @transform_4(%arg0: i32) -> (i32, i32) {
    %c0_i32 = arith.constant 0 : i32
    %c0_i32_0 = arith.constant 0 : i32
    return %arg0, %c0_i32 : i32, i32
  }
  func.func @transform_5(%arg0: i32) -> (i32, i32) {
    %c0_i32 = arith.constant 0 : i32
    %c0_i32_0 = arith.constant 0 : i32
    %c0_i32_1 = arith.constant 0 : i32
    return %c0_i32, %c0_i32_0 : i32, i32
  }
  func.func @transform_6(%arg0: i32) -> (i32, i32) {
    %c0_i32 = arith.constant 0 : i32
    %c0_i32_0 = arith.constant 0 : i32
    %c0_i32_1 = arith.constant 0 : i32
    return %c0_i32, %c0_i32_0 : i32, i32
  }
  func.func @transform_7(%arg0: i32) -> (i32, i32) {
    %c0_i32 = arith.constant 0 : i32
    %c0_i32_0 = arith.constant 0 : i32
    %c0_i32_1 = arith.constant 0 : i32
    return %c0_i32, %c0_i32_0 : i32, i32
  }
  func.func @transform_8(%arg0: i32) -> (i32, i32) {
    %c0_i32 = arith.constant 0 : i32
    %c0_i32_0 = arith.constant 0 : i32
    return %arg0, %c0_i32 : i32, i32
  }
}

</mosaic_0001>

<sc_bundles>
// kernel: kernel.10.cloned.1.call-start
scs
__scs_entry_jumppad:
0x0: {  	(pc) =	sbr.rel $0x88, $3  }
0x1: {  	(tag) =	ssettag $0x0;
	lr =	simm.s32 $0x1  }
0x2: {  	[smem:$0x3F99] =	sst lr;
	_ =	strace $0xD0000000  }
0x3: {  	_ = 	snop  }
0x4: {  	_ = 	snop  }
0x5: {  	_ = 	snop  }
0x6: {  	_ = 	snop  }
0x7: {  	_ = 	snop  }
__scs_overlays_trampoline_lowered:
0x8: {  	[smem:$0x3FA8] =	sst s0  }
0x9: {  	[smem:$0x3FA9] =	sst s1  }
0xa: {  	[smem:$0x3FAA] =	sst s2  }
0xb: {  	[smem:$0x3FAB] =	sst s3  }
0xc: {  	[smem:$0x3FAC] =	sst s4  }
0xd: {  	[smem:$0x3FAD] =	sst s5  }
0xe: {  	[smem:$0x3FAE] =	sst s6  }
0xf: {  	[smem:$0x3FAF] =	sst s7  }
0x10: {  	[smem:$0x3FB0] =	sst s8  }
0x11: {  	[smem:$0x3FB1] =	sst s9;
	s0 =	simm.s32 @!p0 $0x0  }
0x12: {  	s1 =	sld [smem:$0x3F97];
	s0 =	simm.s32 @p0 $0x1  }
0x13: {  	[smem:$0x3FB2] =	sst s0;
	s0 =	simm.s32 @!p1 $0x0  }
0x14: {  	s2 =	sld [smem:$0x3F96];
	s0 =	simm.s32 @p1 $0x1  }
0x15: {  	[smem:$0x3FB3] =	sst s0;
	s0 =	simm.s32 @!p2 $0x0  }
0x16: {  	s3 =	sld [smem:$0x3FDB];
	s0 =	simm.s32 @p2 $0x1  }
0x17: {  	s4 =	simm.s32 $0x1BF5;
	[smem:$0x3FB5] =	sst s0  }
0x18: {  	s0 =	sld [smem:$0x3F98];
	_ =	swait.ge [sflag:s4], $0x0  }
0x19: {  	s7 =	sld [smem:$0x3F99]  }
0x1a: {  	s8 =	sadd.s32 $0xFFFFE003, lr  }
0x1b: {  	s9 =	sadd.s32 $0xFFFFFEF7, lr;
	s5 =	simm.s32 $0xFFFFFFFF;
	p2 =	slt.u32 s8, $0xFFFFF086  }
0x1c: {  	p1 =	slt.u32 s9, $0xF7A;
	s5 =	simm.s32 @!p2 $0x0  }
0x1d: {  	s5 =	simm.s32 @p1 $0x1;
	p0 =	seq.s32 s7, s2  }
0x1e: {  	s7 =	smul.u32 @!p0 $0xF7A, s2;
	p2 =	seq.s32 @!p0 s5, $0x0  }
0x1f: {  	s9 =	smul.u32 $0xF7A, s1;
	s8 =	simm.s32 @!p0 $0x1BF5;
	p2 =	por !p2, p0  }
0x20: {  	[sflag:s8] =	ssyncset.s32 @!p0 $0xFFFFF086;
	s6 =	sadd.s32 @!p0 s3, s7;
	s7 =	simm.s32 @!p0 $0x108  }
0x21: {  	s3 =	sadd.s32 s3, s9;
	s6 =	sadd.s32 @!p0 $0x88, s6;
	s7 =	simm.s32 @p2 $0x1082  }
0x22: {  	[simem:s7], [sflag:s8] =	dma.local @!p0 [hbm:s6], $0xF7A  }
0x23: {  	s9 =	sor.u32 $0xD0000000, s2;
	s6 =	simm.s32 $0x108;
	_ =	swait.ge @!p0 [sflag:s8], $0x0  }
0x24: {  	s3 =	sadd.s32 $0x88, s3;
	s6 =	simm.s32 @!p1 $0x1082;
	[sflag:s4] =	ssyncset.s32 $0xFFFFF086  }
0x25: {  	[simem:s6], [sflag:s4] =	dma.local [hbm:s3], $0xF7A  }
0x26: {  	[smem:$0x3F99] =	sst s1;
	(tag) =	ssettag s2;
	_ =	strace s9  }
0x27: {  	s1 =	sld [smem:$0x3FA9]  }
0x28: {  	s2 =	sld [smem:$0x3FAA]  }
0x29: {  	s4 =	sld [smem:$0x3FAC]  }
0x2a: {  	p0 =	seq.s32 s5, $0x0;
	s5 =	sld [smem:$0x3FAD]  }
0x2b: {  	s6 =	sld [smem:$0x3FAE]  }
0x2c: {  	s7 =	sld [smem:$0x3FAF]  }
0x2d: {  	s3 =	simm.s32 $0x108;
	s8 =	sld [smem:$0x3FB0]  }
0x2e: {  	s3 =	simm.s32 @!p0 $0x1082;
	s9 =	sld [smem:$0x3FB1]  }
0x2f: {  	lr =	sadd.s32 s0, s3;
	s0 =	sld [smem:$0x3FA8]  }
0x30: {  	s3 =	sld [smem:$0x3FAB]  }
0x31: {  	[smem:$0x3FB4] =	sst s10  }
0x32: {  	s10 =	sld [smem:$0x3FB2];
	_ =	sdelay $0x3  }
0x33: {  	p0 =	seq.s32 s10, $0x1;
	s10 =	sld [smem:$0x3FB4];
	_ =	sdelay $0x3  }
0x34: {  	[smem:$0x3FB4] =	sst s10  }
0x35: {  	s10 =	sld [smem:$0x3FB3];
	_ =	sdelay $0x3  }
0x36: {  	p1 =	seq.s32 s10, $0x1;
	s10 =	sld [smem:$0x3FB4];
	_ =	sdelay $0x3  }
0x37: {  	[smem:$0x3FB4] =	sst s10  }
0x38: {  	s10 =	sld [smem:$0x3FB5]  }
0x39: {  	_ = 	snop;
	(pc) =	sbr.ind lr, $3  }
0x3a: {  	_ = 	snop  }
0x3b: {  	_ = 	snop  }
0x3c: {  	p2 =	seq.s32 s10, $0x1;
	s10 =	sld [smem:$0x3FB4]  }
0x3d: {  	_ =	shalt  }
0x3e: {  	_ =	shalt  }
0x3f: {  	_ =	shalt  }
0x40: {  	_ =	shalt  }
0x41: {  	_ =	shalt  }
0x42: {  	_ =	shalt  }
0x43: {  	_ =	shalt  }
0x44: {  	_ =	shalt  }
0x45: {  	_ =	shalt  }
0x46: {  	_ =	shalt  }
0x47: {  	_ =	shalt  }
0x48: {  	_ =	shalt  }
0x49: {  	_ =	shalt  }
0x4a: {  	_ =	shalt  }
0x4b: {  	_ =	shalt  }
0x4c: {  	_ =	shalt  }
0x4d: {  	_ =	shalt  }
0x4e: {  	_ =	shalt  }
0x4f: {  	_ =	shalt  }
0x50: {  	_ =	shalt  }
0x51: {  	_ =	shalt  }
0x52: {  	_ =	shalt  }
0x53: {  	_ =	shalt  }
0x54: {  	_ =	shalt  }
0x55: {  	_ =	shalt  }
0x56: {  	_ =	shalt  }
0x57: {  	_ =	shalt  }
0x58: {  	_ =	shalt  }
0x59: {  	_ =	shalt  }
0x5a: {  	_ =	shalt  }
0x5b: {  	_ =	shalt  }
0x5c: {  	_ =	shalt  }
0x5d: {  	_ =	shalt  }
0x5e: {  	_ =	shalt  }
0x5f: {  	_ =	shalt  }
0x60: {  	_ =	shalt  }
0x61: {  	_ =	shalt  }
0x62: {  	_ =	shalt  }
0x63: {  	_ =	shalt  }
0x64: {  	_ =	shalt  }
0x65: {  	_ =	shalt  }
0x66: {  	_ =	shalt  }
0x67: {  	_ =	shalt  }
0x68: {  	_ =	shalt  }
0x69: {  	_ =	shalt  }
0x6a: {  	_ =	shalt  }
0x6b: {  	_ =	shalt  }
0x6c: {  	_ =	shalt  }
0x6d: {  	_ =	shalt  }
0x6e: {  	_ =	shalt  }
0x6f: {  	_ =	shalt  }
0x70: {  	_ =	shalt  }
0x71: {  	_ =	shalt  }
0x72: {  	_ =	shalt  }
0x73: {  	_ =	shalt  }
0x74: {  	_ =	shalt  }
0x75: {  	_ =	shalt  }
0x76: {  	_ =	shalt  }
0x77: {  	_ =	shalt  }
0x78: {  	_ =	shalt  }
0x79: {  	_ =	shalt  }
0x7a: {  	_ =	shalt  }
0x7b: {  	_ =	shalt  }
0x7c: {  	_ =	shalt  }
0x7d: {  	_ =	shalt  }
0x7e: {  	_ =	shalt  }
0x7f: {  	_ =	shalt  }
0x80: {  	_ =	shalt  }
0x81: {  	_ =	shalt  }
0x82: {  	_ =	shalt  }
0x83: {  	_ =	shalt  }
0x84: {  	_ =	shalt  }
0x85: {  	_ =	shalt  }
0x86: {  	_ =	shalt  }
0x87: {  	_ =	shalt  }
.Lfunc_end0:
.L_simem_size_0:
called_computation.1_lowered:
.L_overlay_start_0:
0x88: {  	s2 =	sld [smem:$0x3FD9]  }
0x89: {  	s3 =	sld [smem:$0x3FFE];
	_ =	sdelay $0x1  }
0x8a: {  	s1 =	srdreg.scid  }
0x8b: {  	s0 =	sand.u32 $0x1, s1  }
0x8c: {  	s17 =	sshll.u32 s0, $0xA;
	s2 =	sadd.s32 s3, s2  }
0x8d: {  	s2 =	sadd.s32 s2, s17  }
0x8e: {  	[smem:$0x3FC0] =	sst s2  }
0x8f: {  	_ = 	snop  }
0x90: {  	s2 =	sld [smem:$0x3FD0];
	(tm) =	ssettm $0x1  }
0x91: {  	s18 =	sld [smem:$0x3FFB];
	_ =	sdelay $0x3  }
0x92: {  	_ =	strace s18  }
0x93: {  	s3 =	sld [smem:$0x3FFC];
	_ =	sdelay $0x3  }
0x94: {  	_ =	strace s3  }
0x95: {  	s3 =	sld [smem:$0x3FFD];
	_ =	sdelay $0x3  }
0x96: {  	_ =	strace s3  }
0x97: {  	_ =	strace $0x8FFFFFFF  }
0x98: {  	s19 =	sld [smem:$0x3FDB];
	_ =	sdelay $0x1  }
0x99: {  	s4 =	simm.s32 $_scs_section_size  }
0x9a: {  	s5 =	simm.s32 $_size__tile_overlayer_lowered;
	s6 =	simm.s32 $_tile_overlayer_lowered  }
0x9b: {  	s22 =	simm.s32 $0x1BFF;
	s21 =	sshll.u32 s6, $0x1;
	s3 =	sadd.s32 s4, s19  }
0x9c: {  	s7 =	simm.s32 $0x0;
	s20 =	sshll.u32 s5, $0x1;
	s5 =	sadd.s32 s21, s3  }
0x9d: {  	[timem:s7], [sflag:s22] =	dma.local [hbm:s5], s20  }
0x9e: {  	_ =	swait.ge [sflag:s22], s20  }
0x9f: {  	s4 =	ssub.s32 $0x0, s20;
	[sflag:s22] =	ssyncset.done $0x0  }
0xa0: {  	[sflag:s22] =	ssyncadd.s32 s4;
	_ =	sdelay $0x1  }
0xa1: {  	s23 =	simm.s32 $0x1B8B  }
0xa2: {  	_ =	swait.ge [sflag:s23], $0x1  }
0xa3: {  	[sflag:s23] =	ssyncset.done $0x0  }
0xa4: {  	s25 =	simm.s32 $0x1B8E;
	s24 =	sld [smem:$0x3FFE];
	[sflag:s23] =	ssyncadd.s32 $0xFFFFFFFF  }
0xa5: {  	s26 =	simm.s32 $execute0_lowered;
	[smem:$0x3FD2] =	sst s25  }
0xa6: {  	s5 =	sshll.u32 s26, $0x1;
	_ =	strace $0x80000049;
	[dreg:$0x1] =	wrdreg $0xFFFFFFFF  }
0xa7: {  	s28 =	simm.s32 $_size_execute0_lowered;
	s3 =	sadd.s32 s3, s5;
	[dreg:$0x0] =	wrdreg $0x0  }
0xa8: {  	s5 =	sshll.u32 s28, $0x1;
	[dreg:$0x2] =	wrdreg s3  }
0xa9: {  	[dreg:$0x3] =	wrdreg s5  }
0xaa: {  	[dreg:$0x4] =	wrdreg $0xC0  }
0xab: {  	_ =	task [dreg:s7], $0x5FFFF  }
0xac: {  	[dreg:$0x1] =	wrdreg $0xFFFFFFFF  }
0xad: {  	[dreg:$0x0] =	wrdreg $0x60  }
0xae: {  	[dreg:$0x2] =	wrdreg s24  }
0xaf: {  	[dreg:$0x3] =	wrdreg s2  }
0xb0: {  	[dreg:$0x4] =	wrdreg $0x97800  }
0xb1: {  	[dreg:$0x5] =	wrdreg $0x70000  }
0xb2: {  	[dreg:$0x6] =	wrdreg $0x9  }
0xb3: {  	_ =	task.clear_ibuf [dreg:s7], $0x7FFFF;
	_ =	strace $0x90000049  }
0xb4: {  	s29 =	simm.s32 $0x9;
	_ =	strace $0x8000004B  }
0xb5: {  	_ =	swait.ge [sflag:s29], $0x1  }
0xb6: {  	[sflag:s29] =	ssyncadd.s32 $0xFFFFFFFF  }
0xb7: {  	_ =	strace $0x9000004B  }
0xb8: {  	_ =	sfence  }
0xb9: {  	s30 =	sld [smem:$0x0];
	_ =	sdelay $0x2  }
0xba: {  	s31 =	sshll.u32 s1, $0xD;
	s1 =	sshrl.u32 s1, $0x2  }
0xbb: {  	s3 =	sand.u32 $0x4000, s31;
	s1 =	sadd.s32 s1, s30  }
0xbc: {  	s0 =	sor.u32 s3, s0;
	s1 =	sshll.u32 s1, $0x11  }
0xbd: {  	s0 =	sor.u32 s1, s0  }
0xbe: {  	s0 =	sadd.s32 $0x8F2B, s0  }
0xbf: {  	[sflag:s0] =	ssyncadd.remote.s32 $0x1  }
0xc0: {  	_ =	sfence.sel $0xFFFF  }
0xc1: {  	[dreg:$0x0] =	wrdreg $0xFFFFFFFF;
	(pc) =	sbr.abs _section_cstart, $3  }
0xc2: {  	[dreg:$0x1] =	wrdreg $0xFFFFFFFF  }
0xc3: {  	_ =	task.clear_ibuf [dreg:s7], $0x2FFFF;
	_ =	strace $0x9FFFFFFF  }
0xc4: {  	(tm) =	ssettm $0x7FFFFFFF  }
0xc5: {  	_ =	shalt  }
tec
execute0_lowered:
.L_overlay_start_1:
0x0: {  	(tag) =	ssettag $0x1  }
0x1: {  	s0 =	rddreg [dreg:$0x0]  }
0x2: {  	s2 =	rddreg [dreg:$0x1]  }
0x3: {  	s1 =	rddreg [dreg:$0x2]  }
0x4: {  	s3 =	rddreg [dreg:$0x3];
	s12 =	stileid.u32  }
0x5: {  	s4 =	simm.s32 $0x0;
	s5 =	srdreg.scid;
	s18 =	smul.u32 $0x2780, s12  }
0x6: {  	[smem:$0x7FF] =	sst s4;
	s6 =	sadd.s32 $0xB800, s0;
	s9 =	smul.u32 $0x1200, s12  }
0x7: {  	s5 =	sand.u32 $0x1, s5;
	s10 =	sadd.s32 $0x6800, s0;
	s21 =	smul.u32 $0x2C0, s12  }
0x8: {  	s29 =	sshll.u32 s12, $0x6;
	_ =	strace $0x8000004A;
	s8 =	ssub.s32 $0x2, s5  }
0x9: {  	s30 =	sor.u32 $0x1C01, s29;
	s7 =	sshrl.u32 s18, $0x3;
	s19 =	sshrl.u32 s8, $0x1  }
0xa: {  	s20 =	sshrl.u32 s9, $0x3;
	s22 =	sadd.s32 s10, s21;
	s23 =	sadd.s32 s18, s1  }
0xb: {  	[dreg:$0xd] =	wrdreg s30;
	s0 =	sadd.s32 s7, s0;
	s7 =	ssub.s32 s8, s19  }
0xc: {  	s8 =	sadd.s32 $0x2C00, s20;
	[dreg:$0x8] =	wrdreg s22;
	s31 =	sshrl.u32 s23, $0x3  }
0xd: {  	s11 =	smul.u32 $0x4F0, s12;
	s13 =	sadd.s32 s6, s8;
	[dreg:$0xe] =	wrdreg s31  }
0xe: {  	p0 =	seq.s32 s5, $0x0;
	s8 =	sadd.s32 s10, s8;
	[dreg:$0x5] =	wrdreg s13  }
0xf: {  	s24 =	smul.u32 $0x4F00, s5;
	s6 =	sadd.s32 s6, s21;
	[dreg:$0x6] =	wrdreg s8  }
0x10: {  	s4 =	sadd.s32 s18, s3;
	s25 =	sadd.s32 $0x1800, s0;
	[dreg:$0x7] =	wrdreg s6  }
0x11: {  	s26 =	sadd.s32 s11, s24;
	s0 =	sadd.s32 $0x10A00, s0;
	[dreg:$0x9] =	wrdreg s25  }
0x12: {  	s10 =	simm.s32 $0x2B;
	s28 =	smax.u32 s7, $0x1;
	[dreg:$0xa] =	wrdreg s0  }
0x13: {  	s7 =	sor.u32 $0x1C12, s29;
	s10 =	simm.s32 @!p0 $0x23;
	[dreg:$0xc] =	wrdreg s28  }
0x14: {  	s0 =	sadd.s32 s2, s26;
	p0 =	sne.s32 s5, $0x0;
	[dreg:$0xf] =	wrdreg s7  }
0x15: {  	s8 =	sshrl.u32 s4, $0x3;
	[dreg:$0xb] =	wrdreg s0;
	s2 =	simm.s32 @!p0 $0x0  }
0x16: {  	[dreg:$0x10] =	wrdreg s8;
	s2 =	simm.s32 @p0 $0x1  }
0x17: {  	s9 =	simm.s32 $0x12;
	s4 =	simm.s32 $0x0;
	[smem:$0x7FD] =	sst s2  }
.LBB2_1:
0x18: {  	s0 =	sld [smem:$0x7FD];
	_ =	sdelay $0x2  }
0x19: {  	p0 =	seq.s32 s0, $0x1  }
0x1a: {  	s0 =	rddreg [dreg:$0x5];
	s5 =	simm.s32 @p0 $0x0  }
0x1b: {  	[tilespmem:s5], [sflag:$0x1] =	stream.linear.gather @p0 [hbm4b:s0+s5], $0x1200, $0x38;
	[tilespmem:$0xBF00] =	vst v63  }
0x1c: {  	s6 =	simm.s32 @p0 $0x1800;
	s0 =	rddreg [dreg:$0x6]  }
0x1d: {  	[tilespmem:s6], [sflag:$0x1] =	stream.linear.gather @p0 [hbm4b:s0+s5], $0x1200, $0x38;
	[tilespmem:$0xBF00] =	vst v63  }
0x1e: {  	s5 =	simm.s32 @p0 $0x1  }
0x1f: {  	_ =	swait.ge @p0 [sflag:s5], $0x1200  }
0x20: {  	[sflag:s5] =	ssyncset.done @p0 $0x0  }
0x21: {  	[sflag:s5] =	ssyncadd.s32 @p0 $0xFFFFEE00  }
0x22: {  	_ =	swait.ge @p0 [sflag:s5], $0x1200  }
0x23: {  	[sflag:s5] =	ssyncset.done @p0 $0x0  }
0x24: {  	s0 =	rddreg [dreg:$0x7];
	[sflag:s5] =	ssyncadd.s32 @p0 $0xFFFFEE00;
	s5 =	simm.s32 @!p0 $0x0  }
0x25: {  	[tilespmem:s5], [sflag:$0x1] =	stream.linear.gather @!p0 [hbm4b:s0+s5], $0x1600, $0x38;
	[tilespmem:$0xBF00] =	vst v63  }
0x26: {  	s6 =	simm.s32 @!p0 $0x1800;
	s0 =	rddreg [dreg:$0x8]  }
0x27: {  	[tilespmem:s6], [sflag:$0x1] =	stream.linear.gather @!p0 [hbm4b:s0+s5], $0x1600, $0x38;
	[tilespmem:$0xBF00] =	vst v63  }
0x28: {  	s5 =	simm.s32 @!p0 $0x1  }
0x29: {  	_ =	swait.ge @!p0 [sflag:s5], $0x1600  }
0x2a: {  	[sflag:s5] =	ssyncset.done @!p0 $0x0  }
0x2b: {  	[sflag:s5] =	ssyncadd.s32 @!p0 $0xFFFFEA00  }
0x2c: {  	_ =	swait.ge @!p0 [sflag:s5], $0x1600  }
0x2d: {  	s18 =	rddreg [dreg:$0x9]  }
0x2e: {  	[sflag:s5] =	ssyncset.done @!p0 $0x0;
	s2 =	rddreg [dreg:$0xd]  }
0x2f: {  	s19 =	rddreg [dreg:$0xe];
	[sflag:s5] =	ssyncadd.s32 @!p0 $0xFFFFEA00  }
0x30: {  	[spmem:s19], [sflag:s2] =	dma.local [hbm:s18], $0x4F0  }
0x31: {  	s0 =	rddreg [dreg:$0xa]  }
0x32: {  	[spmem:s8], [sflag:s7] =	dma.local [hbm:s0], $0x4F0  }
0x33: {  	_ =	swait.ge [sflag:s9], $0x4F0  }
0x34: {  	[sflag:s9] =	ssyncset.done $0x0  }
0x35: {  	s20 =	simm.s32 $0x1;
	[sflag:s9] =	ssyncadd.s32 $0xFFFFFB10  }
0x36: {  	s21 =	simm.s32 $0x0;
	s22 =	simm.s32 $0x80;
	_ =	swait.ge [sflag:s20], $0x4F0  }
0x37: {  	s23 =	simm.s32 $0x3000;
	s24 =	simm.s32 $0x3800;
	[sflag:s20] =	ssyncset.done $0x0  }
0x38: {  	s25 =	simm.s32 $0x100;
	p0 =	slt.u32 s10, $0x0;
	[sflag:s20] =	ssyncadd.s32 $0xFFFFFB10  }
0x39: {  	p3 =	sle.u32 s10, $0x0;
	p1 =	slt.u32 @!p0 s10, $0x3;
	[bflag:$0x0] =	sbarrier.arrive $0xFFFF  }
0x3a: {  	[tilespmem:s23], [sflag:$0x2] =	stream.indirect.gather [spmem:s1], $0x10, s21, s22, $0xb8;
	[tilespmem:$0xBF00] =	vst v63  }
0x3b: {  	s26 =	simm.s32 $0x4000;
	p2 =	slt.u32 @!p3 s10, $0x4;
	p4 =	por p1, p0  }
0x3c: {  	[tilespmem:s24], [sflag:$0x3] =	stream.indirect.gather [spmem:s1], $0x10, s22, s22, $0xb8;
	[tilespmem:$0xBF00] =	vst v63  }
0x3d: {  	s5 =	simm.s32 @!p0 $0x2;
	s6 =	simm.s32 @!p0 $0x1800;
	p5 =	por @!p4 $0x1, $0x1  }
0x3e: {  	[tilespmem:s26], [sflag:$0x4] =	stream.indirect.gather [spmem:s1], $0x10, s25, s22, $0xb8;
	[tilespmem:$0xBF00] =	vst v63  }
0x3f: {  	s8 =	simm.s32 @!p0 $0x3000;
	p5 =	por @!p0 p5, p1;
	_ =	swait.ge @!p0 [sflag:s5], $0x800  }
0x40: {  	p1 =	por p2, p3;
	p6 =	por p5, p0;
	[sflag:s5] =	ssyncset.done @!p0 $0x0  }
0x41: {  	s7 =	simm.s32 @!p6 $0xD;
	[sflag:s5] =	ssyncadd.s32 @!p0 $0xFFFFF800;
	s5 =	simm.s32 @!p0 $0x80  }
0x42: {  	[spmem:s3] =	stream.indirect.scatter.add.f32 @!p0 [tilespmem:s8], [sflag:$0xA], $0x10, s6, s5, $0xb8;
	[tilespmem:$0xBF00] =	vst v63  }
0x43: {  	s9 =	simm.s32 @!p3 $0x3800;
	s5 =	simm.s32 @!p3 $0x3;
	p0 =	por @!p1 $0x1, $0x1  }
0x44: {  	s6 =	simm.s32 @!p4 $0x180;
	s8 =	simm.s32 @!p4 $0x4800;
	p0 =	por @!p3 p0, p2  }
0x45: {  	_ =	swait.ge @!p6 [sflag:s7], $0x800;
	p2 =	slt.u32 s10, $0x2;
	s0 =	simm.s32 @!p0 $0x0  }
0x46: {  	[sflag:s7] =	ssyncset.done @!p6 $0x0;
	p5 =	slt.u32 @!p2 s10, $0x5;
	s0 =	simm.s32 @p0 $0x1  }
0x47: {  	[sflag:s7] =	ssyncadd.s32 @!p6 $0xFFFFF800;
	s7 =	simm.s32 @!p4 $0x80;
	[smem:$0x7F7] =	sst s0  }
0x48: {  	[tilespmem:s8], [sflag:$0x5] =	stream.indirect.gather @!p4 [spmem:s1], $0x10, s6, s7, $0xb8;
	[tilespmem:$0xBF00] =	vst v63  }
0x49: {  	p0 =	por p5, p2;
	s6 =	simm.s32 @!p3 $0x1880;
	_ =	swait.ge @!p3 [sflag:s5], $0x800  }
0x4a: {  	p4 =	por @!p0 $0x1, $0x1;
	s28 =	sld [smem:$0x7F7];
	[sflag:s5] =	ssyncset.done @!p3 $0x0  }
0x4b: {  	s7 =	simm.s32 @!p3 $0x80;
	p4 =	por @!p2 p4, p5;
	[sflag:s5] =	ssyncadd.s32 @!p3 $0xFFFFF800  }
0x4c: {  	[spmem:s3] =	stream.indirect.scatter.add.f32 @!p3 [tilespmem:s9], [sflag:$0xB], $0x10, s6, s7, $0xb8;
	[tilespmem:$0xBF00] =	vst v63  }
0x4d: {  	s0 =	simm.s32 @!p4 $0x0;
	p6 =	seq.s32 s28, $0x1  }
0x4e: {  	s0 =	simm.s32 @p4 $0x1;
	p6 =	por p6, p3  }
0x4f: {  	[smem:$0x7F8] =	sst s0;
	s8 =	simm.s32 @!p6 $0xE  }
0x50: {  	s6 =	simm.s32 @!p1 $0x200;
	p3 =	slt.u32 s10, $0x3;
	_ =	swait.ge @!p6 [sflag:s8], $0x800  }
0x51: {  	s9 =	simm.s32 @!p1 $0x5000;
	p4 =	slt.u32 @!p3 s10, $0x6;
	[sflag:s8] =	ssyncset.done @!p6 $0x0  }
0x52: {  	p5 =	por p4, p3;
	[sflag:s8] =	ssyncadd.s32 @!p6 $0xFFFFF800;
	s8 =	simm.s32 @!p1 $0x80  }
0x53: {  	[tilespmem:s9], [sflag:$0x6] =	stream.indirect.gather @!p1 [spmem:s1], $0x10, s6, s8, $0xb8;
	[tilespmem:$0xBF00] =	vst v63  }
0x54: {  	p1 =	por @!p5 $0x1, $0x1  }
0x55: {  	p1 =	por @!p3 p1, p4  }
0x56: {  	s0 =	simm.s32 @!p1 $0x0  }
0x57: {  	s0 =	simm.s32 @p1 $0x1  }
0x58: {  	s6 =	simm.s32 @!p2 $0x4;
	[smem:$0x7F9] =	sst s0  }
0x59: {  	_ =	swait.ge @!p2 [sflag:s6], $0x800  }
0x5a: {  	s11 =	simm.s32 @!p2 $0x80;
	s29 =	sld [smem:$0x7F8];
	[sflag:s6] =	ssyncset.done @!p2 $0x0  }
0x5b: {  	s8 =	simm.s32 @!p2 $0x1900;
	s9 =	simm.s32 @!p2 $0x4000;
	[sflag:s6] =	ssyncadd.s32 @!p2 $0xFFFFF800  }
0x5c: {  	[spmem:s3] =	stream.indirect.scatter.add.f32 @!p2 [tilespmem:s9], [sflag:$0xC], $0x10, s8, s11, $0xb8;
	[tilespmem:$0xBF00] =	vst v63  }
0x5d: {  	p6 =	seq.s32 s29, $0x1  }
0x5e: {  	p1 =	por p6, p2  }
0x5f: {  	s6 =	simm.s32 @!p1 $0xF  }
0x60: {  	_ =	swait.ge @!p1 [sflag:s6], $0x800  }
0x61: {  	s7 =	simm.s32 @!p0 $0x280;
	[sflag:s6] =	ssyncset.done @!p1 $0x0  }
0x62: {  	s9 =	simm.s32 @!p0 $0x80;
	s11 =	simm.s32 @!p0 $0x5800;
	[sflag:s6] =	ssyncadd.s32 @!p1 $0xFFFFF800  }
0x63: {  	[tilespmem:s11], [sflag:$0x7] =	stream.indirect.gather @!p0 [spmem:s1], $0x10, s7, s9, $0xb8;
	[tilespmem:$0xBF00] =	vst v63  }
0x64: {  	s21 =	simm.s32 $0x1000;
	s23 =	simm.s32 $0x8;
	p0 =	slt.u32 s10, $0x5  }
0x65: {  	s24 =	simm.s32 $0x0;
	s22 =	simm.s32 $0x0;
	s0 =	simm.s32 @!p0 $0x0  }
0x66: {  	s5 =	simm.s32 @!p3 $0x1980;
	s8 =	simm.s32 @!p5 $0x300;
	s0 =	simm.s32 @p0 $0x1  }
0x67: {  	p6 =	slt.u32 s10, $0x4;
	s6 =	simm.s32 @!p3 $0x5;
	[smem:$0x7FC] =	sst s0  }
0x68: {  	p4 =	slt.u32 @!p6 s10, $0x7;
	s14 =	simm.s32 @!p6 $0x6;
	_ =	swait.ge @!p3 [sflag:s6], $0x800  }
0x69: {  	p2 =	por p4, p6;
	s30 =	sld [smem:$0x7F9];
	[sflag:s6] =	ssyncset.done @!p3 $0x0  }
0x6a: {  	s7 =	simm.s32 @!p3 $0x4800;
	s9 =	simm.s32 @!p3 $0x80;
	[sflag:s6] =	ssyncadd.s32 @!p3 $0xFFFFF800  }
0x6b: {  	[spmem:s3] =	stream.indirect.scatter.add.f32 @!p3 [tilespmem:s7], [sflag:$0xD], $0x10, s5, s9, $0xb8;
	[tilespmem:$0xBF00] =	vst v63  }
0x6c: {  	s12 =	simm.s32 @!p2 $0x380;
	s6 =	simm.s32 @!p5 $0x80;
	p1 =	seq.s32 s30, $0x1  }
0x6d: {  	s9 =	simm.s32 @!p0 $0x1A80;
	p1 =	por p1, p3;
	p3 =	por @!p2 $0x1, $0x1  }
0x6e: {  	s5 =	simm.s32 @!p5 $0x6000;
	s11 =	simm.s32 @!p1 $0x10;
	p0 =	por @!p6 p3, p4  }
0x6f: {  	p3 =	slt.u32 s10, $0x6;
	_ =	swait.ge @!p1 [sflag:s11], $0x800;
	s0 =	simm.s32 @!p0 $0x0  }
0x70: {  	p4 =	por p3, p3;
	s0 =	simm.s32 @p0 $0x1;
	s31 =	sld [smem:$0x7FC]  }
0x71: {  	[sflag:s11] =	ssyncset.done @!p1 $0x0;
	[smem:$0x7FA] =	sst s0;
	s0 =	simm.s32 @!p2 $0x0  }
0x72: {  	[sflag:s11] =	ssyncadd.s32 @!p1 $0xFFFFF800;
	s0 =	simm.s32 @p2 $0x1;
	p2 =	slt.u32 @!p3 s10, $0x9  }
0x73: {  	s11 =	simm.s32 @!p3 $0x0;
	p0 =	por p2, p3;
	p1 =	seq.s32 s31, $0x1  }
0x74: {  	[smem:$0x7FB] =	sst s0;
	s7 =	simm.s32 @!p0 $0x480;
	p3 =	slt.u32 @!p1 s10, $0x8  }
.LBB2_2:
0x75: {  	s0 =	simm.s32 @!p0 $0x0  }
0x76: {  	[tilespmem:s5], [sflag:$0x8] =	stream.indirect.gather @!p5 [spmem:s1], $0x10, s8, s6, $0xb8;
	[tilespmem:$0xBF00] =	vst v63  }
0x77: {  	s0 =	simm.s32 @p0 $0x1  }
0x78: {  	[smem:$0x7E7] =	sst s0  }
0x79: {  	_ =	swait.ge @!p6 [sflag:s14], $0x800  }
0x7a: {  	s20 =	sshra.s32 @!p6 s22, $0x2;
	s25 =	simm.s32 @!p6 $0x5000;
	[sflag:s14] =	ssyncset.done @!p6 $0x0  }
0x7b: {  	[sflag:s14] =	ssyncadd.s32 @!p6 $0xFFFFF800;
	s14 =	sadd.s32 @!p6 $0x1A00, s20;
	s20 =	simm.s32 @!p6 $0x80  }
0x7c: {  	[spmem:s3] =	stream.indirect.scatter.add.f32 @!p6 [tilespmem:s25], [sflag:$0xE], $0x10, s14, s20, $0xb8;
	[tilespmem:$0xBF00] =	vst v63  }
0x7d: {  	s25 =	sld [smem:$0x7FA]  }
0x7e: {  	s13 =	smov.u32 s21;
	s21 =	sadd.s32 $0x1000, s21;
	s0 =	simm.s32 @!p4 $0x0  }
0x7f: {  	s19 =	sadd.s32 $0x3, s23;
	p1 =	sne.s32 s21, $0x6000;
	s0 =	simm.s32 @p4 $0x1  }
0x80: {  	[smem:$0x7DF] =	sst s0;
	s0 =	simm.s32 @!p1 $0x0;
	p2 =	seq.s32 s25, $0x1  }
0x81: {  	s0 =	simm.s32 @p1 $0x1;
	p1 =	sgt.u32 s19, s10;
	p2 =	por p2, p6  }
0x82: {  	s20 =	sadd.s32 @!p4 $0x1B00, s11;
	[smem:$0x7F6] =	sst s0;
	s11 =	simm.s32 @!p2 $0x11  }
0x83: {  	s0 =	simm.s32 @!p1 $0x0;
	_ =	swait.ge @!p2 [sflag:s11], $0x800  }
0x84: {  	s0 =	simm.s32 @p1 $0x1;
	p1 =	sgt.u32 s23, s10;
	s26 =	sld [smem:$0x7FB]  }
0x85: {  	s18 =	simm.s32 @!p1 $0x0;
	s28 =	sld [smem:$0x7FC]  }
0x86: {  	s25 =	simm.s32 @!p0 $0xB;
	s18 =	simm.s32 @p1 $0x1;
	[sflag:s11] =	ssyncset.done @!p2 $0x0  }
0x87: {  	[smem:$0x7F2] =	sst s0;
	[sflag:s11] =	ssyncadd.s32 @!p2 $0xFFFFF800;
	p4 =	seq.s32 s26, $0x1  }
0x88: {  	s26 =	sadd.s32 $0x7, s24;
	p5 =	seq.s32 s28, $0x1;
	s28 =	simm.s32 @!p0 $0x80  }
0x89: {  	p0 =	sge.u32 s23, s10;
	s14 =	simm.s32 @!p4 $0x6800;
	s19 =	simm.s32 @!p5 $0x7  }
0x8a: {  	p6 =	por p3, p5;
	p3 =	sgt.u32 s26, s10;
	s2 =	simm.s32 @!p4 $0x80  }
0x8b: {  	s17 =	simm.s32 @!p0 $0x0;
	s0 =	simm.s32 @!p6 $0x0;
	s29 =	sshra.s32 @!p6 s22, $0x2  }
0x8c: {  	s16 =	sshra.s32 @!p3 s22, $0x2;
	s17 =	simm.s32 @p0 $0x1;
	s11 =	sadd.s32 @!p3 $0xA, s24  }
0x8d: {  	[tilespmem:s14], [sflag:$0x9] =	stream.indirect.gather @!p4 [spmem:s1], $0x10, s12, s2, $0xb8;
	[tilespmem:$0xBF00] =	vst v63  }
0x8e: {  	s2 =	simm.s32 @!p5 $0x0;
	s0 =	simm.s32 @p6 $0x1;
	[smem:$0x7ED] =	sst s17  }
0x8f: {  	s2 =	simm.s32 @p5 $0x1;
	[smem:$0x7E4] =	sst s0;
	s0 =	simm.s32 @!p3 $0x0  }
0x90: {  	s14 =	sadd.s32 @!p0 $0x4, s23;
	[smem:$0x7FC] =	sst s2;
	s0 =	simm.s32 @p3 $0x1  }
0x91: {  	s24 =	sadd.s32 @!p1 $0x3, s23;
	s17 =	sadd.s32 @!p6 $0x400, s29;
	[smem:$0x7E5] =	sst s0  }
0x92: {  	p2 =	sgt.u32 @!p1 s24, s10;
	p3 =	sgt.u32 @!p0 s14, s10;
	_ =	swait.ge @!p5 [sflag:s19], $0x800  }
0x93: {  	s2 =	simm.s32 @!p6 $0x80;
	s14 =	simm.s32 @!p3 $0x0;
	[smem:$0x7E8] =	sst s18  }
0x94: {  	s14 =	simm.s32 @p3 $0x1;
	p3 =	por p3, p0;
	s18 =	sld [smem:$0x7E4]  }
0x95: {  	[sflag:s19] =	ssyncset.done @!p5 $0x0;
	[smem:$0x7E0] =	sst s14;
	s14 =	simm.s32 @!p2 $0x0  }
0x96: {  	[sflag:s19] =	ssyncadd.s32 @!p5 $0xFFFFF800;
	s14 =	simm.s32 @p2 $0x1;
	s19 =	sld [smem:$0x7E5]  }
0x97: {  	[smem:$0x7E2] =	sst s14;
	s14 =	simm.s32 @!p3 $0x0;
	p4 =	seq.s32 s18, $0x1  }
0x98: {  	s14 =	simm.s32 @p3 $0x1;
	s18 =	simm.s32 @!p4 $0xA;
	p4 =	por p2, p1  }
0x99: {  	s0 =	simm.s32 @!p6 $0x3000;
	[smem:$0x7F0] =	sst s14;
	s14 =	simm.s32 @!p4 $0x0  }
0x9a: {  	s29 =	sld [smem:$0x7DF];
	p2 =	seq.s32 @!p3 s13, $0x0;
	s14 =	simm.s32 @p4 $0x1  }
0x9b: {  	p3 =	seq.s32 s19, $0x1;
	[smem:$0x7EA] =	sst s14;
	s14 =	simm.s32 @!p2 $0x0  }
0x9c: {  	s24 =	sld [smem:$0x7E0];
	s14 =	simm.s32 @p2 $0x1;
	p2 =	sgt.u32 @!p3 s11, s10  }
0x9d: {  	p6 =	seq.s32 s29, $0x1;
	[smem:$0x7E1] =	sst s14;
	s11 =	simm.s32 @!p2 $0x0  }
0x9e: {  	s11 =	simm.s32 @p2 $0x1;
	p2 =	seq.s32 @!p4 s13, $0x0;
	s29 =	sld [smem:$0x7E1]  }
0x9f: {  	[smem:$0x7E6] =	sst s11;
	s11 =	simm.s32 @!p2 $0x0  }
0xa0: {  	s30 =	simm.s32 @!p5 $0x5800;
	s14 =	sld [smem:$0x7E2];
	s11 =	simm.s32 @p2 $0x1  }
0xa1: {  	s31 =	simm.s32 @!p5 $0x80;
	p2 =	seq.s32 s24, $0x1;
	[smem:$0x7E3] =	sst s11  }
0xa2: {  	p5 =	seq.s32 s29, $0x1;
	s29 =	sadd.s32 @!p3 $0x1B80, s16;
	s16 =	sld [smem:$0x7E3]  }
0xa3: {  	p2 =	por @!p0 p5, p2  }
0xa4: {  	s26 =	sshra.s32 @!p1 s13, $0x2;
	s19 =	sld [smem:$0x7F2];
	s11 =	simm.s32 @!p2 $0x0  }
0xa5: {  	s11 =	simm.s32 @p2 $0x1;
	p2 =	seq.s32 s14, $0x1;
	p3 =	seq.s32 s16, $0x1  }
0xa6: {  	s12 =	simm.s32 @!p0 $0x3;
	s24 =	sld [smem:$0x7FC];
	p2 =	por @!p1 p3, p2  }
0xa7: {  	s14 =	sshra.s32 @!p4 s13, $0x2;
	[smem:$0x7EB] =	sst s11;
	s11 =	simm.s32 @!p2 $0x0  }
0xa8: {  	s16 =	sshra.s32 @!p0 s13, $0x2;
	s11 =	simm.s32 @p2 $0x1;
	p2 =	seq.s32 s19, $0x1  }
0xa9: {  	s19 =	sadd.s32 @!p4 $0x180, s14;
	s14 =	sadd.s32 @!p0 $0x1880, s16;
	s16 =	sld [smem:$0x7F0]  }
0xaa: {  	p0 =	seq.s32 s24, $0x1;
	[smem:$0x7E9] =	sst s11;
	s11 =	sadd.s32 @!p2 $0x6, s23  }
0xab: {  	[spmem:s3] =	stream.indirect.scatter.add.f32 @!p0 [tilespmem:s30], [sflag:$0xF], $0x10, s9, s31, $0xb8;
	[tilespmem:$0xBF00] =	vst v63  }
0xac: {  	s26 =	sadd.s32 @!p1 $0x1800, s26;
	s24 =	sld [smem:$0x7E4];
	p1 =	sgt.u32 @!p2 s11, s10  }
0xad: {  	s11 =	simm.s32 @!p1 $0x0  }
0xae: {  	s11 =	simm.s32 @p1 $0x1  }
0xaf: {  	p5 =	seq.s32 s16, $0x1;
	p0 =	seq.s32 s24, $0x1;
	[smem:$0x7EC] =	sst s11  }
0xb0: {  	s9 =	sshra.s32 @!p5 s13, $0x2;
	_ =	swait.ge @!p0 [sflag:s18], $0x800  }
0xb1: {  	s15 =	sadd.s32 $0x2, s23;
	s9 =	sadd.s32 @!p5 $0x200, s9;
	[sflag:s18] =	ssyncset.done @!p0 $0x0  }
0xb2: {  	p5 =	sgt.u32 s15, s10;
	s15 =	simm.s32 @!p6 $0x8;
	[sflag:s18] =	ssyncadd.s32 @!p0 $0xFFFFF800  }
0xb3: {  	[tilespmem:s0], [sflag:$0x2] =	stream.indirect.gather @!p0 [spmem:s1], $0x10, s17, s2, $0xb8;
	[tilespmem:$0xBF00] =	vst v63  }
0xb4: {  	_ =	swait.ge @!p6 [sflag:s15], $0x800  }
0xb5: {  	s16 =	simm.s32 @!p6 $0x6000;
	s30 =	sld [smem:$0x7E5];
	[sflag:s15] =	ssyncset.done @!p6 $0x0  }
0xb6: {  	s2 =	simm.s32 @!p6 $0x80;
	s31 =	sld [smem:$0x7E6];
	[sflag:s15] =	ssyncadd.s32 @!p6 $0xFFFFF800  }
0xb7: {  	[spmem:s3] =	stream.indirect.scatter.add.f32 @!p6 [tilespmem:s16], [sflag:$0x10], $0x10, s20, s2, $0xb8;
	[tilespmem:$0xBF00] =	vst v63  }
0xb8: {  	s11 =	sshra.s32 @!p2 s13, $0x2;
	s16 =	sld [smem:$0x7E7]  }
0xb9: {  	s17 =	sadd.s32 @!p5 $0x5, s23;
	p1 =	seq.s32 s30, $0x1;
	p3 =	seq.s32 s31, $0x1  }
0xba: {  	s11 =	sadd.s32 @!p2 $0x1980, s11;
	p2 =	por p3, p1;
	p3 =	sgt.u32 @!p5 s17, s10  }
0xbb: {  	p4 =	seq.s32 s16, $0x1;
	s15 =	sshra.s32 @!p2 s22, $0x2;
	p0 =	por p3, p5  }
0xbc: {  	s22 =	smov.u32 s13;
	_ =	swait.ge @!p4 [sflag:s25], $0x800;
	s13 =	simm.s32 @!p0 $0x0  }
0xbd: {  	s2 =	simm.s32 @!p1 $0x9;
	[sflag:s25] =	ssyncset.done @!p4 $0x0;
	s13 =	simm.s32 @p0 $0x1  }
0xbe: {  	[smem:$0x7F1] =	sst s13;
	[sflag:s25] =	ssyncadd.s32 @!p4 $0xFFFFF800;
	s13 =	simm.s32 @!p4 $0x3800  }
0xbf: {  	[tilespmem:s13], [sflag:$0x3] =	stream.indirect.gather @!p4 [spmem:s1], $0x10, s7, s28, $0xb8;
	[tilespmem:$0xBF00] =	vst v63  }
0xc0: {  	p4 =	seq.s32 @!p0 s22, $0x0;
	_ =	swait.ge @!p1 [sflag:s2], $0x800  }
0xc1: {  	s0 =	simm.s32 @!p1 $0x6800;
	p3 =	por @!p5 p4, p3;
	s17 =	sld [smem:$0x7E8]  }
0xc2: {  	s7 =	simm.s32 @!p3 $0x0;
	[sflag:s2] =	ssyncset.done @!p1 $0x0;
	s18 =	sld [smem:$0x7E9]  }
0xc3: {  	s7 =	simm.s32 @p3 $0x1;
	[sflag:s2] =	ssyncadd.s32 @!p1 $0xFFFFF800;
	s2 =	simm.s32 @!p1 $0x80  }
0xc4: {  	[spmem:s3] =	stream.indirect.scatter.add.f32 @!p1 [tilespmem:s0], [sflag:$0x11], $0x10, s29, s2, $0xb8;
	[tilespmem:$0xBF00] =	vst v63  }
0xc5: {  	s13 =	simm.s32 @!p2 $0xC;
	[smem:$0x7EF] =	sst s7;
	s0 =	simm.s32 @!p2 $0x4000  }
0xc6: {  	p1 =	seq.s32 s17, $0x1;
	p4 =	seq.s32 s18, $0x1;
	_ =	swait.ge @!p2 [sflag:s13], $0x800  }
0xc7: {  	p3 =	por p4, p1;
	s2 =	simm.s32 @!p1 $0x2;
	[sflag:s13] =	ssyncset.done @!p2 $0x0  }
0xc8: {  	[sflag:s13] =	ssyncadd.s32 @!p2 $0xFFFFF800;
	s13 =	sadd.s32 @!p2 $0x500, s15;
	s15 =	simm.s32 @!p2 $0x80  }
0xc9: {  	[tilespmem:s0], [sflag:$0x4] =	stream.indirect.gather @!p2 [spmem:s1], $0x10, s13, s15, $0xb8;
	[tilespmem:$0xBF00] =	vst v63  }
0xca: {  	s13 =	simm.s32 @!p3 $0xD;
	_ =	swait.ge @!p1 [sflag:s2], $0x800  }
0xcb: {  	s15 =	simm.s32 @!p1 $0x3000;
	s20 =	sld [smem:$0x7ED];
	[sflag:s2] =	ssyncset.done @!p1 $0x0  }
0xcc: {  	s25 =	sld [smem:$0x7F2];
	[sflag:s2] =	ssyncadd.s32 @!p1 $0xFFFFF800;
	s2 =	simm.s32 @!p1 $0x80  }
0xcd: {  	[spmem:s3] =	stream.indirect.scatter.add.f32 @!p1 [tilespmem:s15], [sflag:$0xA], $0x10, s26, s2, $0xb8;
	[tilespmem:$0xBF00] =	vst v63  }
0xce: {  	s28 =	sld [smem:$0x7EC];
	_ =	swait.ge @!p3 [sflag:s13], $0x800  }
0xcf: {  	s30 =	sld [smem:$0x7EB]  }
0xd0: {  	s7 =	sshra.s32 @!p0 s22, $0x2  }
0xd1: {  	s7 =	sadd.s32 @!p0 $0x280, s7  }
0xd2: {  	p0 =	seq.s32 s20, $0x1;
	s31 =	sld [smem:$0x7EC];
	p1 =	seq.s32 s30, $0x1  }
0xd3: {  	p2 =	seq.s32 s25, $0x1;
	p1 =	por p1, p0  }
0xd4: {  	p6 =	seq.s32 s28, $0x1;
	s0 =	simm.s32 @!p0 $0x80;
	s15 =	simm.s32 @!p1 $0x0  }
0xd5: {  	p6 =	por p6, p2;
	p0 =	seq.s32 s31, $0x1;
	s15 =	simm.s32 @p1 $0x1  }
0xd6: {  	[smem:$0x7EE] =	sst s15;
	s15 =	simm.s32 @!p1 $0xE;
	p1 =	seq.s32 @!p6 s22, $0x0  }
0xd7: {  	p0 =	por @!p2 p1, p0  }
0xd8: {  	s29 =	sld [smem:$0x7EA];
	s16 =	simm.s32 @!p0 $0x0  }
0xd9: {  	s16 =	simm.s32 @p0 $0x1  }
0xda: {  	[smem:$0x7F3] =	sst s16  }
0xdb: {  	[sflag:s13] =	ssyncset.done @!p3 $0x0;
	p4 =	seq.s32 s29, $0x1;
	s16 =	sld [smem:$0x7ED]  }
0xdc: {  	[sflag:s13] =	ssyncadd.s32 @!p3 $0xFFFFF800;
	s2 =	simm.s32 @!p4 $0x80;
	s13 =	simm.s32 @!p4 $0x4800  }
0xdd: {  	[tilespmem:s13], [sflag:$0x5] =	stream.indirect.gather @!p4 [spmem:s1], $0x10, s19, s2, $0xb8;
	[tilespmem:$0xBF00] =	vst v63  }
0xde: {  	p3 =	seq.s32 s16, $0x1  }
0xdf: {  	s8 =	sadd.s32 $0x4, s23;
	_ =	swait.ge @!p3 [sflag:s12], $0x800  }
0xe0: {  	s13 =	simm.s32 @!p6 $0x0;
	[sflag:s12] =	ssyncset.done @!p3 $0x0;
	s17 =	sld [smem:$0x7EE]  }
0xe1: {  	s13 =	simm.s32 @p6 $0x1;
	s16 =	simm.s32 @!p3 $0x3800;
	[sflag:s12] =	ssyncadd.s32 @!p3 $0xFFFFF800  }
0xe2: {  	[spmem:s3] =	stream.indirect.scatter.add.f32 @!p3 [tilespmem:s16], [sflag:$0xB], $0x10, s14, s0, $0xb8;
	[tilespmem:$0xBF00] =	vst v63  }
0xe3: {  	s6 =	sadd.s32 $0x5, s23;
	[smem:$0x7F4] =	sst s13;
	p1 =	seq.s32 s17, $0x1  }
0xe4: {  	s24 =	smov.u32 s23;
	s2 =	sshra.s32 @!p5 s22, $0x2;
	_ =	swait.ge @!p1 [sflag:s15], $0x800  }
0xe5: {  	p0 =	por p6, p6;
	s13 =	sshra.s32 @!p6 s22, $0x2;
	s18 =	sld [smem:$0x7F0]  }
0xe6: {  	p6 =	sgt.u32 s8, s10;
	s12 =	simm.s32 @!p5 $0x4;
	s19 =	sld [smem:$0x7EF]  }
0xe7: {  	s8 =	sadd.s32 @!p0 $0x300, s13;
	p0 =	sgt.u32 s6, s10;
	s0 =	sadd.s32 @!p5 $0x1900, s2  }
0xe8: {  	s2 =	sadd.s32 @!p6 $0x7, s24;
	s14 =	simm.s32 @!p5 $0x4000;
	[sflag:s15] =	ssyncset.done @!p1 $0x0  }
0xe9: {  	s20 =	sld [smem:$0x7F0];
	p2 =	seq.s32 s18, $0x1;
	p4 =	seq.s32 s19, $0x1  }
0xea: {  	s6 =	simm.s32 @!p2 $0x80;
	s13 =	simm.s32 @!p2 $0x5000;
	p2 =	por p1, p1  }
0xeb: {  	p1 =	sgt.u32 @!p6 s2, s10;
	p3 =	por p4, p5;
	s2 =	simm.s32 @!p5 $0x80  }
0xec: {  	[sflag:s15] =	ssyncadd.s32 @!p2 $0xFFFFF800;
	p4 =	por p1, p6;
	p2 =	seq.s32 s20, $0x1  }
0xed: {  	[tilespmem:s13], [sflag:$0x6] =	stream.indirect.gather @!p2 [spmem:s1], $0x10, s9, s6, $0xb8;
	[tilespmem:$0xBF00] =	vst v63  }
0xee: {  	p2 =	seq.s32 @!p4 s22, $0x0;
	s6 =	sshra.s32 @!p0 s22, $0x2;
	s13 =	sadd.s32 @!p0 $0x8, s24  }
0xef: {  	_ =	swait.ge @!p5 [sflag:s12], $0x800;
	s9 =	sadd.s32 @!p0 $0x1A80, s6;
	s6 =	simm.s32 @!p0 $0x0  }
0xf0: {  	p2 =	por @!p6 p2, p1;
	s6 =	simm.s32 @p0 $0x1;
	p0 =	sgt.u32 @!p0 s13, s10  }
0xf1: {  	[sflag:s12] =	ssyncset.done @!p5 $0x0;
	[smem:$0x7FC] =	sst s6;
	s6 =	simm.s32 @!p0 $0x0  }
0xf2: {  	s25 =	sld [smem:$0x7F1];
	[sflag:s12] =	ssyncadd.s32 @!p5 $0xFFFFF800;
	s6 =	simm.s32 @p0 $0x1  }
0xf3: {  	[spmem:s3] =	stream.indirect.scatter.add.f32 @!p5 [tilespmem:s14], [sflag:$0xC], $0x10, s0, s2, $0xb8;
	[tilespmem:$0xBF00] =	vst v63  }
0xf4: {  	s0 =	simm.s32 @!p2 $0x0;
	[smem:$0x7F5] =	sst s6;
	s6 =	simm.s32 @!p3 $0xF  }
0xf5: {  	p0 =	seq.s32 s25, $0x1;
	s0 =	simm.s32 @p2 $0x1;
	_ =	swait.ge @!p3 [sflag:s6], $0x800  }
0xf6: {  	s2 =	simm.s32 @!p4 $0x0;
	s13 =	simm.s32 @!p0 $0x80;
	[smem:$0x7FA] =	sst s0  }
0xf7: {  	s15 =	simm.s32 @!p0 $0x5800;
	[sflag:s6] =	ssyncset.done @!p3 $0x0;
	s26 =	sld [smem:$0x7F2]  }
0xf8: {  	s0 =	sshra.s32 @!p4 s22, $0x2;
	s28 =	sld [smem:$0x7F3];
	[sflag:s6] =	ssyncadd.s32 @!p3 $0xFFFFF800  }
0xf9: {  	[tilespmem:s15], [sflag:$0x7] =	stream.indirect.gather @!p0 [spmem:s1], $0x10, s7, s13, $0xb8;
	[tilespmem:$0xBF00] =	vst v63  }
0xfa: {  	s2 =	simm.s32 @p4 $0x1;
	s12 =	sadd.s32 @!p4 $0x380, s0;
	p4 =	seq.s32 s26, $0x1  }
0xfb: {  	[smem:$0x7FB] =	sst s2;
	s0 =	simm.s32 @!p4 $0x5  }
0xfc: {  	p2 =	seq.s32 s28, $0x1;
	_ =	swait.ge @!p4 [sflag:s0], $0x800  }
0xfd: {  	p3 =	por p2, p4;
	s2 =	simm.s32 @!p4 $0x4800;
	[sflag:s0] =	ssyncset.done @!p4 $0x0  }
0xfe: {  	s7 =	simm.s32 @!p4 $0x80;
	s6 =	simm.s32 @!p3 $0x10;
	[sflag:s0] =	ssyncadd.s32 @!p4 $0xFFFFF800  }
0xff: {  	[spmem:s3] =	stream.indirect.scatter.add.f32 @!p4 [tilespmem:s2], [sflag:$0xD], $0x10, s11, s7, $0xb8;
	[tilespmem:$0xBF00] =	vst v63  }
0x100: {  	s5 =	sadd.s32 $0x6, s23;
	s29 =	sld [smem:$0x7F4];
	_ =	swait.ge @!p3 [sflag:s6], $0x800  }
0x101: {  	p5 =	sgt.u32 s5, s10;
	s31 =	sld [smem:$0x7F6]  }
0x102: {  	s13 =	sadd.s32 @!p5 $0x9, s24  }
0x103: {  	p2 =	sgt.u32 @!p5 s13, s10  }
0x104: {  	p0 =	por p2, p5;
	p2 =	seq.s32 s31, $0x1  }
.Ltmp0:
0x105: {  	s23 =	sadd.s32 $0x8, s23;
	s14 =	simm.s32 @!p6 $0x6;
	(pc) =	sbr.rel @p2 .LBB2_2-.Ltmp0, $4  }
0x106: {  	s0 =	sshra.s32 @!p0 s22, $0x2;
	s11 =	sshra.s32 @!p5 s22, $0x2;
	s30 =	sld [smem:$0x7F5]  }
0x107: {  	p4 =	por p5, p5;
	s7 =	sadd.s32 @!p0 $0x480, s0;
	p1 =	seq.s32 s29, $0x1  }
0x108: {  	s5 =	simm.s32 @!p1 $0x6000;
	[sflag:s6] =	ssyncset.done @!p3 $0x0;
	p5 =	por p1, p1  }
0x109: {  	[sflag:s6] =	ssyncadd.s32 @!p3 $0xFFFFF800;
	s6 =	simm.s32 @!p1 $0x80;
	p3 =	seq.s32 s30, $0x1  }
0x10a: {  	[tilespmem:s5], [sflag:$0x8] =	stream.indirect.gather @!p5 [spmem:s1], $0x10, s8, s6, $0xb8;
	[tilespmem:$0xBF00] =	vst v63  }
0x10b: {  	s0 =	sshra.s32 @!p6 s22, $0x2;
	_ =	swait.ge @!p6 [sflag:s14], $0x800  }
0x10c: {  	s2 =	simm.s32 @!p6 $0x5000;
	[sflag:s14] =	ssyncset.done @!p6 $0x0;
	s17 =	sld [smem:$0x7FA]  }
0x10d: {  	s5 =	simm.s32 @!p6 $0x80;
	s0 =	sadd.s32 @!p6 $0x1A00, s0;
	[sflag:s14] =	ssyncadd.s32 @!p6 $0xFFFFF800  }
0x10e: {  	[spmem:s3] =	stream.indirect.scatter.add.f32 @!p6 [tilespmem:s2], [sflag:$0xE], $0x10, s0, s5, $0xb8;
	[tilespmem:$0xBF00] =	vst v63  }
0x10f: {  	p2 =	seq.s32 s17, $0x1  }
0x110: {  	p1 =	por p2, p6  }
0x111: {  	s0 =	simm.s32 @!p1 $0x11  }
0x112: {  	_ =	swait.ge @!p1 [sflag:s0], $0x800  }
0x113: {  	s18 =	sld [smem:$0x7FB]  }
0x114: {  	s19 =	sld [smem:$0x7FC]  }
0x115: {  	[sflag:s0] =	ssyncset.done @!p1 $0x0  }
0x116: {  	[sflag:s0] =	ssyncadd.s32 @!p1 $0xFFFFF800;
	p1 =	seq.s32 s18, $0x1  }
0x117: {  	p5 =	seq.s32 s19, $0x1;
	s0 =	simm.s32 @!p1 $0x6800;
	s2 =	simm.s32 @!p1 $0x80  }
0x118: {  	[tilespmem:s0], [sflag:$0x9] =	stream.indirect.gather @!p1 [spmem:s1], $0x10, s12, s2, $0xb8;
	[tilespmem:$0xBF00] =	vst v63  }
0x119: {  	s0 =	simm.s32 @!p5 $0x7  }
0x11a: {  	_ =	swait.ge @!p5 [sflag:s0], $0x800  }
0x11b: {  	s2 =	simm.s32 @!p5 $0x5800;
	[sflag:s0] =	ssyncset.done @!p5 $0x0  }
0x11c: {  	p1 =	por p3, p5;
	[sflag:s0] =	ssyncadd.s32 @!p5 $0xFFFFF800;
	s0 =	simm.s32 @!p5 $0x80  }
0x11d: {  	[spmem:s3] =	stream.indirect.scatter.add.f32 @!p5 [tilespmem:s2], [sflag:$0xF], $0x10, s9, s0, $0xb8;
	[tilespmem:$0xBF00] =	vst v63  }
0x11e: {  	s0 =	simm.s32 @!p1 $0xA  }
0x11f: {  	_ =	swait.ge @!p1 [sflag:s0], $0x800  }
0x120: {  	s5 =	simm.s32 @!p1 $0x3000;
	s2 =	sshra.s32 @!p1 s22, $0x2;
	[sflag:s0] =	ssyncset.done @!p1 $0x0  }
0x121: {  	s2 =	sadd.s32 @!p1 $0x400, s2;
	[sflag:s0] =	ssyncadd.s32 @!p1 $0xFFFFF800;
	s0 =	simm.s32 @!p1 $0x80  }
0x122: {  	[tilespmem:s5], [sflag:$0x2] =	stream.indirect.gather @!p1 [spmem:s1], $0x10, s2, s0, $0xb8;
	[tilespmem:$0xBF00] =	vst v63  }
0x123: {  	s0 =	simm.s32 @!p4 $0x8  }
0x124: {  	_ =	swait.ge @!p4 [sflag:s0], $0x800  }
0x125: {  	s2 =	sadd.s32 @!p4 $0x1B00, s11;
	[sflag:s0] =	ssyncset.done @!p4 $0x0  }
0x126: {  	s5 =	simm.s32 @!p4 $0x80;
	[sflag:s0] =	ssyncadd.s32 @!p4 $0xFFFFF800;
	s0 =	simm.s32 @!p4 $0x6000  }
0x127: {  	[spmem:s3] =	stream.indirect.scatter.add.f32 @!p4 [tilespmem:s0], [sflag:$0x10], $0x10, s2, s5, $0xb8;
	[tilespmem:$0xBF00] =	vst v63  }
0x128: {  	s0 =	simm.s32 @!p0 $0xB  }
0x129: {  	s20 =	sadd.s32 $0x7, s24;
	_ =	swait.ge @!p0 [sflag:s0], $0x800  }
0x12a: {  	p2 =	sgt.u32 s20, s10;
	[sflag:s0] =	ssyncset.done @!p0 $0x0  }
0x12b: {  	s2 =	simm.s32 @!p0 $0x80;
	[sflag:s0] =	ssyncadd.s32 @!p0 $0xFFFFF800;
	s0 =	simm.s32 @!p0 $0x3800  }
0x12c: {  	[tilespmem:s0], [sflag:$0x3] =	stream.indirect.gather @!p0 [spmem:s1], $0x10, s7, s2, $0xb8;
	[tilespmem:$0xBF00] =	vst v63  }
0x12d: {  	s0 =	simm.s32 @!p2 $0x9  }
0x12e: {  	_ =	swait.ge @!p2 [sflag:s0], $0x800  }
0x12f: {  	s5 =	simm.s32 @!p2 $0x6800;
	s2 =	sshra.s32 @!p2 s22, $0x2;
	[sflag:s0] =	ssyncset.done @!p2 $0x0  }
0x130: {  	s2 =	sadd.s32 @!p2 $0x1B80, s2;
	[sflag:s0] =	ssyncadd.s32 @!p2 $0xFFFFF800;
	s0 =	simm.s32 @!p2 $0x80  }
0x131: {  	[spmem:s3] =	stream.indirect.scatter.add.f32 @!p2 [tilespmem:s5], [sflag:$0x11], $0x10, s2, s0, $0xb8;
	[tilespmem:$0xBF00] =	vst v63  }
0x132: {  	s0 =	sadd.s32 @!p2 $0xA, s24  }
0x133: {  	p1 =	sgt.u32 @!p2 s0, s10  }
0x134: {  	p0 =	por p1, p2  }
0x135: {  	s0 =	simm.s32 @!p0 $0xC  }
0x136: {  	s21 =	simm.s32 $0xA;
	_ =	swait.ge @!p0 [sflag:s0], $0x800  }
0x137: {  	s2 =	sshra.s32 @!p0 s22, $0x2;
	s5 =	simm.s32 @!p0 $0x4000;
	[sflag:s0] =	ssyncset.done @!p0 $0x0  }
0x138: {  	[sflag:s0] =	ssyncadd.s32 @!p0 $0xFFFFF800;
	s0 =	sadd.s32 @!p0 $0x500, s2;
	s2 =	simm.s32 @!p0 $0x80  }
0x139: {  	[tilespmem:s5], [sflag:$0x4] =	stream.indirect.gather @!p0 [spmem:s1], $0x10, s0, s2, $0xb8;
	[tilespmem:$0xBF00] =	vst v63  }
0x13a: {  	_ =	swait.ge [sflag:s21], $0x800  }
0x13b: {  	[sflag:s21] =	ssyncset.done $0x0  }
0x13c: {  	s22 =	simm.s32 $0xB;
	[sflag:s21] =	ssyncadd.s32 $0xFFFFF800  }
0x13d: {  	_ =	swait.ge [sflag:s22], $0x800  }
0x13e: {  	[sflag:s22] =	ssyncset.done $0x0  }
0x13f: {  	s23 =	simm.s32 $0xC;
	[sflag:s22] =	ssyncadd.s32 $0xFFFFF800  }
0x140: {  	_ =	swait.ge [sflag:s23], $0x800  }
0x141: {  	[sflag:s23] =	ssyncset.done $0x0  }
0x142: {  	s24 =	simm.s32 $0xD;
	[sflag:s23] =	ssyncadd.s32 $0xFFFFF800  }
0x143: {  	_ =	swait.ge [sflag:s24], $0x800  }
0x144: {  	[sflag:s24] =	ssyncset.done $0x0  }
0x145: {  	s25 =	simm.s32 $0xE;
	[sflag:s24] =	ssyncadd.s32 $0xFFFFF800  }
0x146: {  	_ =	swait.ge [sflag:s25], $0x800  }
0x147: {  	[sflag:s25] =	ssyncset.done $0x0  }
0x148: {  	s26 =	simm.s32 $0xF;
	[sflag:s25] =	ssyncadd.s32 $0xFFFFF800  }
0x149: {  	_ =	swait.ge [sflag:s26], $0x800  }
0x14a: {  	[sflag:s26] =	ssyncset.done $0x0  }
0x14b: {  	s28 =	simm.s32 $0x10;
	[sflag:s26] =	ssyncadd.s32 $0xFFFFF800  }
0x14c: {  	_ =	swait.ge [sflag:s28], $0x800  }
0x14d: {  	[sflag:s28] =	ssyncset.done $0x0  }
0x14e: {  	s29 =	simm.s32 $0x11;
	[sflag:s28] =	ssyncadd.s32 $0xFFFFF800  }
0x14f: {  	_ =	swait.ge [sflag:s29], $0x800  }
0x150: {  	[sflag:s29] =	ssyncset.done $0x0  }
0x151: {  	[sflag:s29] =	ssyncadd.s32 $0xFFFFF800  }
0x152: {  	[bflag:$0x0] =	sbarrier.arrive $0xFFFF  }
0x153: {  	s30 =	rddreg [dreg:$0xb]  }
0x154: {  	s7 =	rddreg [dreg:$0xf]  }
0x155: {  	s9 =	simm.s32 $0x12;
	s8 =	rddreg [dreg:$0x10]  }
0x156: {  	[hbm:s30], [sflag:s7] =	dma.local [spmem:s8], $0x4F0  }
0x157: {  	_ =	swait.ge [sflag:s9], $0x4F0  }
0x158: {  	s4 =	sadd.s32 $0x1, s4;
	s31 =	rddreg [dreg:$0xc]  }
0x159: {  	p0 =	sne.s32 s4, s31  }
.Ltmp1:
0x15a: {  	_ = 	snop;
	(pc) =	sbr.rel @p0 .LBB2_1-.Ltmp1, $3  }
0x15b: {  	_ =	sdelay $0x1  }
0x15c: {  	[sflag:s9] =	ssyncset.done $0x0  }
0x15d: {  	[sflag:s9] =	ssyncadd.s32 $0xFFFFFB10  }
0x15e: {  	_ =	sfence.sel $0x180000  }
0x15f: {  	[bflag:$0x0] =	sbarrier.arrive $0xFFFF  }
0x160: {  	_ =	strace $0x9000004A  }
0x161: {  	s0 =	stileid.u32;
	[bflag:$0x2] =	sbarrier.arrive $0xFFFF  }
0x162: {  	p0 =	sne.s32 s0, $0x0;
	s0 =	rddreg [dreg:$0x4]  }
0x163: {  	s0 =	sadd.s32 @!p0 $0x100000, s0  }
0x164: {  	[sflag:s0] =	ssyncadd.tile.s32 @!p0 $0x1;
	_ =	shalt  }
.Lfunc_end2:
_tile_overlayer_lowered:
.L_overlay_start_2:
0x165: {  	(tag) =	ssettag $0x2  }
0x166: {  	s0 =	rddreg [dreg:$0x0];
	s2 =	stileid.u32  }
0x167: {  	s1 =	rddreg [dreg:$0x1];
	p0 =	sne.s32 s2, $0x0  }
0x168: {  	s3 =	rddreg [dreg:$0x2];
	[bflag:$0x3] =	sbarrier.arrive $0xFFFF;
	s2 =	simm.s32 @!p0 $0x1C12  }
0x169: {  	[timem:s3], [sflag:s2] =	dma.local @!p0 [hbm:s0], s1  }
0x16a: {  	s0 =	simm.s32 @!p0 $0x12  }
0x16b: {  	_ =	swait.ge @!p0 [sflag:s0], s1  }
0x16c: {  	s1 =	ssub.s32 @!p0 $0x0, s1;
	[sflag:s0] =	ssyncset.done @!p0 $0x0  }
0x16d: {  	[sflag:s0] =	ssyncadd.s32 @!p0 s1  }
0x16e: {  	[bflag:$0x3] =	sbarrier.arrive $0xFFFF  }
0x16f: {  	_ =	shalt  }

// kernel: kernel.7.cloned.1.call-start
scs
__scs_entry_jumppad:
0x0: {  	(pc) =	sbr.rel $0x88, $3  }
0x1: {  	(tag) =	ssettag $0x0;
	lr =	simm.s32 $0x1  }
0x2: {  	[smem:$0x3F99] =	sst lr;
	_ =	strace $0xD0000000  }
0x3: {  	_ = 	snop  }
0x4: {  	_ = 	snop  }
0x5: {  	_ = 	snop  }
0x6: {  	_ = 	snop  }
0x7: {  	_ = 	snop  }
__scs_overlays_trampoline_lowered:
0x8: {  	[smem:$0x3FA8] =	sst s0  }
0x9: {  	[smem:$0x3FA9] =	sst s1  }
0xa: {  	[smem:$0x3FAA] =	sst s2  }
0xb: {  	[smem:$0x3FAB] =	sst s3  }
0xc: {  	[smem:$0x3FAC] =	sst s4  }
0xd: {  	[smem:$0x3FAD] =	sst s5  }
0xe: {  	[smem:$0x3FAE] =	sst s6  }
0xf: {  	[smem:$0x3FAF] =	sst s7  }
0x10: {  	[smem:$0x3FB0] =	sst s8  }
0x11: {  	[smem:$0x3FB1] =	sst s9;
	s0 =	simm.s32 @!p0 $0x0  }
0x12: {  	s1 =	sld [smem:$0x3F97];
	s0 =	simm.s32 @p0 $0x1  }
0x13: {  	[smem:$0x3FB2] =	sst s0;
	s0 =	simm.s32 @!p1 $0x0  }
0x14: {  	s2 =	sld [smem:$0x3F96];
	s0 =	simm.s32 @p1 $0x1  }
0x15: {  	[smem:$0x3FB3] =	sst s0;
	s0 =	simm.s32 @!p2 $0x0  }
0x16: {  	s3 =	sld [smem:$0x3FDB];
	s0 =	simm.s32 @p2 $0x1  }
0x17: {  	s4 =	simm.s32 $0x1BF5;
	[smem:$0x3FB5] =	sst s0  }
0x18: {  	s0 =	sld [smem:$0x3F98];
	_ =	swait.ge [sflag:s4], $0x0  }
0x19: {  	s7 =	sld [smem:$0x3F99]  }
0x1a: {  	s8 =	sadd.s32 $0xFFFFE003, lr  }
0x1b: {  	s9 =	sadd.s32 $0xFFFFFEF7, lr;
	s5 =	simm.s32 $0xFFFFFFFF;
	p2 =	slt.u32 s8, $0xFFFFF086  }
0x1c: {  	p1 =	slt.u32 s9, $0xF7A;
	s5 =	simm.s32 @!p2 $0x0  }
0x1d: {  	s5 =	simm.s32 @p1 $0x1;
	p0 =	seq.s32 s7, s2  }
0x1e: {  	s7 =	smul.u32 @!p0 $0xF7A, s2;
	p2 =	seq.s32 @!p0 s5, $0x0  }
0x1f: {  	s9 =	smul.u32 $0xF7A, s1;
	s8 =	simm.s32 @!p0 $0x1BF5;
	p2 =	por !p2, p0  }
0x20: {  	[sflag:s8] =	ssyncset.s32 @!p0 $0xFFFFF086;
	s6 =	sadd.s32 @!p0 s3, s7;
	s7 =	simm.s32 @!p0 $0x108  }
0x21: {  	s3 =	sadd.s32 s3, s9;
	s6 =	sadd.s32 @!p0 $0x88, s6;
	s7 =	simm.s32 @p2 $0x1082  }
0x22: {  	[simem:s7], [sflag:s8] =	dma.local @!p0 [hbm:s6], $0xF7A  }
0x23: {  	s9 =	sor.u32 $0xD0000000, s2;
	s6 =	simm.s32 $0x108;
	_ =	swait.ge @!p0 [sflag:s8], $0x0  }
0x24: {  	s3 =	sadd.s32 $0x88, s3;
	s6 =	simm.s32 @!p1 $0x1082;
	[sflag:s4] =	ssyncset.s32 $0xFFFFF086  }
0x25: {  	[simem:s6], [sflag:s4] =	dma.local [hbm:s3], $0xF7A  }
0x26: {  	[smem:$0x3F99] =	sst s1;
	(tag) =	ssettag s2;
	_ =	strace s9  }
0x27: {  	s1 =	sld [smem:$0x3FA9]  }
0x28: {  	s2 =	sld [smem:$0x3FAA]  }
0x29: {  	s4 =	sld [smem:$0x3FAC]  }
0x2a: {  	p0 =	seq.s32 s5, $0x0;
	s5 =	sld [smem:$0x3FAD]  }
0x2b: {  	s6 =	sld [smem:$0x3FAE]  }
0x2c: {  	s7 =	sld [smem:$0x3FAF]  }
0x2d: {  	s3 =	simm.s32 $0x108;
	s8 =	sld [smem:$0x3FB0]  }
0x2e: {  	s3 =	simm.s32 @!p0 $0x1082;
	s9 =	sld [smem:$0x3FB1]  }
0x2f: {  	lr =	sadd.s32 s0, s3;
	s0 =	sld [smem:$0x3FA8]  }
0x30: {  	s3 =	sld [smem:$0x3FAB]  }
0x31: {  	[smem:$0x3FB4] =	sst s10  }
0x32: {  	s10 =	sld [smem:$0x3FB2];
	_ =	sdelay $0x3  }
0x33: {  	p0 =	seq.s32 s10, $0x1;
	s10 =	sld [smem:$0x3FB4];
	_ =	sdelay $0x3  }
0x34: {  	[smem:$0x3FB4] =	sst s10  }
0x35: {  	s10 =	sld [smem:$0x3FB3];
	_ =	sdelay $0x3  }
0x36: {  	p1 =	seq.s32 s10, $0x1;
	s10 =	sld [smem:$0x3FB4];
	_ =	sdelay $0x3  }
0x37: {  	[smem:$0x3FB4] =	sst s10  }
0x38: {  	s10 =	sld [smem:$0x3FB5]  }
0x39: {  	_ = 	snop;
	(pc) =	sbr.ind lr, $3  }
0x3a: {  	_ = 	snop  }
0x3b: {  	_ = 	snop  }
0x3c: {  	p2 =	seq.s32 s10, $0x1;
	s10 =	sld [smem:$0x3FB4]  }
0x3d: {  	_ =	shalt  }
0x3e: {  	_ =	shalt  }
0x3f: {  	_ =	shalt  }
0x40: {  	_ =	shalt  }
0x41: {  	_ =	shalt  }
0x42: {  	_ =	shalt  }
0x43: {  	_ =	shalt  }
0x44: {  	_ =	shalt  }
0x45: {  	_ =	shalt  }
0x46: {  	_ =	shalt  }
0x47: {  	_ =	shalt  }
0x48: {  	_ =	shalt  }
0x49: {  	_ =	shalt  }
0x4a: {  	_ =	shalt  }
0x4b: {  	_ =	shalt  }
0x4c: {  	_ =	shalt  }
0x4d: {  	_ =	shalt  }
0x4e: {  	_ =	shalt  }
0x4f: {  	_ =	shalt  }
0x50: {  	_ =	shalt  }
0x51: {  	_ =	shalt  }
0x52: {  	_ =	shalt  }
0x53: {  	_ =	shalt  }
0x54: {  	_ =	shalt  }
0x55: {  	_ =	shalt  }
0x56: {  	_ =	shalt  }
0x57: {  	_ =	shalt  }
0x58: {  	_ =	shalt  }
0x59: {  	_ =	shalt  }
0x5a: {  	_ =	shalt  }
0x5b: {  	_ =	shalt  }
0x5c: {  	_ =	shalt  }
0x5d: {  	_ =	shalt  }
0x5e: {  	_ =	shalt  }
0x5f: {  	_ =	shalt  }
0x60: {  	_ =	shalt  }
0x61: {  	_ =	shalt  }
0x62: {  	_ =	shalt  }
0x63: {  	_ =	shalt  }
0x64: {  	_ =	shalt  }
0x65: {  	_ =	shalt  }
0x66: {  	_ =	shalt  }
0x67: {  	_ =	shalt  }
0x68: {  	_ =	shalt  }
0x69: {  	_ =	shalt  }
0x6a: {  	_ =	shalt  }
0x6b: {  	_ =	shalt  }
0x6c: {  	_ =	shalt  }
0x6d: {  	_ =	shalt  }
0x6e: {  	_ =	shalt  }
0x6f: {  	_ =	shalt  }
0x70: {  	_ =	shalt  }
0x71: {  	_ =	shalt  }
0x72: {  	_ =	shalt  }
0x73: {  	_ =	shalt  }
0x74: {  	_ =	shalt  }
0x75: {  	_ =	shalt  }
0x76: {  	_ =	shalt  }
0x77: {  	_ =	shalt  }
0x78: {  	_ =	shalt  }
0x79: {  	_ =	shalt  }
0x7a: {  	_ =	shalt  }
0x7b: {  	_ =	shalt  }
0x7c: {  	_ =	shalt  }
0x7d: {  	_ =	shalt  }
0x7e: {  	_ =	shalt  }
0x7f: {  	_ =	shalt  }
0x80: {  	_ =	shalt  }
0x81: {  	_ =	shalt  }
0x82: {  	_ =	shalt  }
0x83: {  	_ =	shalt  }
0x84: {  	_ =	shalt  }
0x85: {  	_ =	shalt  }
0x86: {  	_ =	shalt  }
0x87: {  	_ =	shalt  }
.Lfunc_end0:
.L_simem_size_0:
called_computation_lowered:
.L_overlay_start_0:
0x88: {  	s2 =	sld [smem:$0x3FD9]  }
0x89: {  	s3 =	sld [smem:$0x3FFE];
	_ =	sdelay $0x1  }
0x8a: {  	s1 =	srdreg.scid  }
0x8b: {  	s0 =	sand.u32 $0x1, s1  }
0x8c: {  	s17 =	sshll.u32 s0, $0xA;
	s2 =	sadd.s32 s3, s2  }
0x8d: {  	s2 =	sadd.s32 s2, s17  }
0x8e: {  	[smem:$0x3FC0] =	sst s2  }
0x8f: {  	_ = 	snop  }
0x90: {  	s2 =	sld [smem:$0x3FD0];
	(tm) =	ssettm $0x1  }
0x91: {  	s18 =	sld [smem:$0x3FFB];
	_ =	sdelay $0x3  }
0x92: {  	_ =	strace s18  }
0x93: {  	s3 =	sld [smem:$0x3FFC];
	_ =	sdelay $0x3  }
0x94: {  	_ =	strace s3  }
0x95: {  	s3 =	sld [smem:$0x3FFD];
	_ =	sdelay $0x3  }
0x96: {  	_ =	strace s3  }
0x97: {  	_ =	strace $0x8FFFFFFF  }
0x98: {  	s19 =	sld [smem:$0x3FDB];
	_ =	sdelay $0x1  }
0x99: {  	s4 =	simm.s32 $_scs_section_size  }
0x9a: {  	s5 =	simm.s32 $_size__tile_overlayer_lowered;
	s6 =	simm.s32 $_tile_overlayer_lowered  }
0x9b: {  	s22 =	simm.s32 $0x1BFF;
	s21 =	sshll.u32 s6, $0x1;
	s3 =	sadd.s32 s4, s19  }
0x9c: {  	s7 =	simm.s32 $0x0;
	s20 =	sshll.u32 s5, $0x1;
	s5 =	sadd.s32 s21, s3  }
0x9d: {  	[timem:s7], [sflag:s22] =	dma.local [hbm:s5], s20  }
0x9e: {  	_ =	swait.ge [sflag:s22], s20  }
0x9f: {  	s4 =	ssub.s32 $0x0, s20;
	[sflag:s22] =	ssyncset.done $0x0  }
0xa0: {  	[sflag:s22] =	ssyncadd.s32 s4;
	_ =	sdelay $0x1  }
0xa1: {  	s23 =	simm.s32 $0x1B8B  }
0xa2: {  	_ =	swait.ge [sflag:s23], $0x1  }
0xa3: {  	[sflag:s23] =	ssyncset.done $0x0  }
0xa4: {  	s25 =	simm.s32 $0x1B8E;
	s24 =	sld [smem:$0x3FFE];
	[sflag:s23] =	ssyncadd.s32 $0xFFFFFFFF  }
0xa5: {  	s26 =	simm.s32 $execute0_lowered;
	[smem:$0x3FD2] =	sst s25  }
0xa6: {  	s5 =	sshll.u32 s26, $0x1;
	_ =	strace $0x80000046;
	[dreg:$0x1] =	wrdreg $0xFFFFFFFF  }
0xa7: {  	s28 =	simm.s32 $_size_execute0_lowered;
	s3 =	sadd.s32 s3, s5;
	[dreg:$0x0] =	wrdreg $0x0  }
0xa8: {  	s5 =	sshll.u32 s28, $0x1;
	[dreg:$0x2] =	wrdreg s3  }
0xa9: {  	[dreg:$0x3] =	wrdreg s5  }
0xaa: {  	[dreg:$0x4] =	wrdreg $0xC0  }
0xab: {  	_ =	task [dreg:s7], $0x5FFFF  }
0xac: {  	[dreg:$0x1] =	wrdreg $0xFFFFFFFF  }
0xad: {  	[dreg:$0x0] =	wrdreg $0x60  }
0xae: {  	[dreg:$0x2] =	wrdreg s24  }
0xaf: {  	[dreg:$0x3] =	wrdreg s2  }
0xb0: {  	[dreg:$0x4] =	wrdreg $0xC7000  }
0xb1: {  	[dreg:$0x5] =	wrdreg $0x97800  }
0xb2: {  	[dreg:$0x6] =	wrdreg $0x70000  }
0xb3: {  	[dreg:$0x7] =	wrdreg $0x9  }
0xb4: {  	_ =	task.clear_ibuf [dreg:s7], $0x8FFFF;
	_ =	strace $0x90000046  }
0xb5: {  	s29 =	simm.s32 $0x9;
	_ =	strace $0x80000048  }
0xb6: {  	_ =	swait.ge [sflag:s29], $0x1  }
0xb7: {  	[sflag:s29] =	ssyncadd.s32 $0xFFFFFFFF  }
0xb8: {  	_ =	strace $0x90000048  }
0xb9: {  	_ =	sfence  }
0xba: {  	s30 =	sld [smem:$0x0];
	_ =	sdelay $0x2  }
0xbb: {  	s31 =	sshll.u32 s1, $0xD;
	s1 =	sshrl.u32 s1, $0x2  }
0xbc: {  	s3 =	sand.u32 $0x4000, s31;
	s1 =	sadd.s32 s1, s30  }
0xbd: {  	s0 =	sor.u32 s3, s0;
	s1 =	sshll.u32 s1, $0x11  }
0xbe: {  	s0 =	sor.u32 s1, s0  }
0xbf: {  	s0 =	sadd.s32 $0x8F2B, s0  }
0xc0: {  	[sflag:s0] =	ssyncadd.remote.s32 $0x1  }
0xc1: {  	_ =	sfence.sel $0xFFFF  }
0xc2: {  	[dreg:$0x0] =	wrdreg $0xFFFFFFFF;
	(pc) =	sbr.abs _section_cstart, $3  }
0xc3: {  	[dreg:$0x1] =	wrdreg $0xFFFFFFFF  }
0xc4: {  	_ =	task.clear_ibuf [dreg:s7], $0x2FFFF;
	_ =	strace $0x9FFFFFFF  }
0xc5: {  	(tm) =	ssettm $0x7FFFFFFF  }
tec
execute0_lowered:
.L_overlay_start_1:
0x0: {  	(tag) =	ssettag $0x1  }
0x1: {  	s0 =	rddreg [dreg:$0x0]  }
0x2: {  	s1 =	rddreg [dreg:$0x1]  }
0x3: {  	s2 =	rddreg [dreg:$0x2]  }
0x4: {  	s3 =	rddreg [dreg:$0x3]  }
0x5: {  	s4 =	rddreg [dreg:$0x4];
	s14 =	stileid.u32  }
0x6: {  	s6 =	srdreg.scid;
	s8 =	simm.s32 $0x0;
	s19 =	simm.s32 $0xBF00  }
0x7: {  	s29 =	simm.s32 $0xA;
	s30 =	simm.s32 $0xB;
	s5 =	smul.u32 $0x2780, s14  }
0x8: {  	s31 =	simm.s32 $0xC;
	s28 =	simm.s32 $0x10;
	s7 =	smul.u32 $0x278, s14  }
0x9: {  	s6 =	sand.u32 $0x1, s6;
	[smem:$0x7FF] =	sst s8;
	s11 =	smul.u32 $0x1200, s14  }
0xa: {  	s10 =	sadd.s32 $0xB800, s0;
	s21 =	sadd.s32 $0x6800, s0;
	s14 =	smul.u32 $0x2C0, s14  }
0xb: {  	s12 =	sadd.s32 $0x10800, s0;
	s20 =	smul.u32 $0x2780, s6;
	_ =	strace $0x80000047  }
0xc: {  	[dreg:$0x6] =	wrdreg s12;
	s22 =	ssub.s32 $0x2, s6;
	p0 =	seq.s32 s6, $0x0  }
0xd: {  	s9 =	sshrl.u32 s5, $0x3;
	s13 =	sshrl.u32 s22, $0x1;
	s11 =	sshrl.u32 s11, $0x3  }
0xe: {  	s8 =	sadd.s32 s21, s14;
	s24 =	sadd.s32 s5, s2;
	s25 =	sadd.s32 s5, s3  }
0xf: {  	s5 =	sadd.s32 s5, s4;
	s9 =	sadd.s32 s9, s0;
	[dreg:$0xa] =	wrdreg s8  }
0x10: {  	s7 =	sadd.s32 s7, s20;
	s13 =	ssub.s32 s22, s13;
	[dreg:$0xb] =	wrdreg s24  }
0x11: {  	s11 =	sadd.s32 $0x2C00, s11;
	[dreg:$0xd] =	wrdreg s5;
	s20 =	simm.s32 $0x1  }
0x12: {  	s22 =	sshrl.u32 s25, $0x3;
	s24 =	simm.s32 $0x3000;
	s25 =	simm.s32 $0xE  }
0x13: {  	s5 =	simm.s32 $0x12;
	s8 =	simm.s32 $0x0;
	s7 =	sshll.u32 s7, $0x1  }
0x14: {  	s23 =	sadd.s32 s10, s11;
	s11 =	sadd.s32 s21, s11;
	s10 =	sadd.s32 s10, s14  }
0x15: {  	s12 =	sadd.s32 $0x10A00, s9;
	s9 =	sadd.s32 $0x1800, s9;
	[dreg:$0x7] =	wrdreg s23  }
0x16: {  	s14 =	simm.s32 $0x2B;
	s26 =	smax.u32 s13, $0x1;
	[dreg:$0x8] =	wrdreg s11  }
0x17: {  	s21 =	simm.s32 $0x13;
	s0 =	sadd.s32 s7, s0;
	[dreg:$0x9] =	wrdreg s10  }
.Ltmp0:
0x18: {  	[dreg:$0xc] =	wrdreg s9;
	s14 =	simm.s32 @!p0 $0x23;
	(pc) =	sbr.rel .LBB2_1-.Ltmp0, $4  }
0x19: {  	s1 =	sadd.s32 s1, s7;
	[dreg:$0x10] =	wrdreg s26;
	p0 =	sne.s32 s6, $0x0  }
0x1a: {  	s23 =	simm.s32 $0x80;
	s26 =	simm.s32 $0xF;
	s6 =	simm.s32 $0x2  }
0x1b: {  	s7 =	simm.s32 $0x4800;
	[dreg:$0xe] =	wrdreg s1;
	s0 =	sadd.s32 $0x15A00, s0  }
0x1c: {  	s1 =	simm.s32 $0x11;
	[dreg:$0xf] =	wrdreg s0;
	s0 =	simm.s32 $0xD  }
.LBB2_9:
0x1d: {  	_ =	swait.ge [sflag:s29], $0x800  }
0x1e: {  	[sflag:s29] =	ssyncset.done $0x0  }
0x1f: {  	[sflag:s29] =	ssyncadd.s32 $0xFFFFF800  }
0x20: {  	_ =	swait.ge [sflag:s30], $0x800  }
0x21: {  	[sflag:s30] =	ssyncset.done $0x0  }
0x22: {  	[sflag:s30] =	ssyncadd.s32 $0xFFFFF800  }
0x23: {  	_ =	swait.ge [sflag:s31], $0x800  }
0x24: {  	[sflag:s31] =	ssyncset.done $0x0  }
0x25: {  	[sflag:s31] =	ssyncadd.s32 $0xFFFFF800  }
0x26: {  	_ =	swait.ge [sflag:s0], $0x800  }
0x27: {  	[sflag:s0] =	ssyncset.done $0x0  }
0x28: {  	[sflag:s0] =	ssyncadd.s32 $0xFFFFF800  }
0x29: {  	_ =	swait.ge [sflag:s25], $0x800  }
0x2a: {  	[sflag:s25] =	ssyncset.done $0x0  }
0x2b: {  	[sflag:s25] =	ssyncadd.s32 $0xFFFFF800  }
0x2c: {  	_ =	swait.ge [sflag:s26], $0x800  }
0x2d: {  	[sflag:s26] =	ssyncset.done $0x0  }
0x2e: {  	[sflag:s26] =	ssyncadd.s32 $0xFFFFF800  }
0x2f: {  	_ =	swait.ge [sflag:s28], $0x800  }
0x30: {  	[sflag:s28] =	ssyncset.done $0x0  }
0x31: {  	[sflag:s28] =	ssyncadd.s32 $0xFFFFF800  }
0x32: {  	_ =	swait.ge [sflag:s1], $0x800  }
0x33: {  	[sflag:s1] =	ssyncset.done $0x0  }
0x34: {  	[sflag:s1] =	ssyncadd.s32 $0xFFFFF800  }
0x35: {  	_ =	swait.ge [sflag:s5], $0x800  }
0x36: {  	[sflag:s5] =	ssyncset.done $0x0  }
0x37: {  	[sflag:s5] =	ssyncadd.s32 $0xFFFFF800  }
0x38: {  	[bflag:$0x0] =	sbarrier.arrive $0xFFFF  }
0x39: {  	s13 =	rddreg [dreg:$0xe]  }
0x3a: {  	[hbm:s13], [sflag:s9] =	dma.local [spmem:s11], $0x4F0  }
0x3b: {  	_ =	swait.ge [sflag:s21], $0x4F0  }
0x3c: {  	[sflag:s21] =	ssyncset.done $0x0  }
0x3d: {  	s17 =	rddreg [dreg:$0xf];
	[sflag:s21] =	ssyncadd.s32 $0xFFFFFB10  }
0x3e: {  	[hbm:s17], [sflag:s9] =	dma.local [spmem:s10], $0x4F0  }
0x3f: {  	_ =	swait.ge [sflag:s21], $0x4F0  }
0x40: {  	s8 =	sadd.s32 $0x1, s8;
	s18 =	rddreg [dreg:$0x10]  }
0x41: {  	p1 =	sne.s32 s8, s18  }
.Ltmp1:
0x42: {  	_ = 	snop;
	(pc) =	sbr.rel @!p1 .LBB2_10-.Ltmp1, $3  }
0x43: {  	_ =	sdelay $0x1  }
0x44: {  	[sflag:s21] =	ssyncset.done $0x0  }
0x45: {  	[sflag:s21] =	ssyncadd.s32 $0xFFFFFB10  }
.LBB2_1:
0x46: {  	s9 =	simm.s32 @p0 $0x0;
	s10 =	rddreg [dreg:$0x7]  }
0x47: {  	[tilespmem:s9], [sflag:$0x1] =	stream.linear.gather @p0 [hbm4b:s10+s9], $0x1200, $0x38;
	[tilespmem:$0xEE80] =	vst v63  }
0x48: {  	s11 =	rddreg [dreg:$0x8];
	s10 =	simm.s32 @p0 $0x1800  }
0x49: {  	[tilespmem:s10], [sflag:$0x1] =	stream.linear.gather @p0 [hbm4b:s11+s9], $0x1200, $0x38;
	[tilespmem:$0xEE80] =	vst v63  }
0x4a: {  	s9 =	simm.s32 @p0 $0x1  }
0x4b: {  	_ =	swait.ge @p0 [sflag:s9], $0x1200  }
0x4c: {  	[sflag:s9] =	ssyncset.done @p0 $0x0  }
0x4d: {  	[sflag:s9] =	ssyncadd.s32 @p0 $0xFFFFEE00  }
0x4e: {  	_ =	swait.ge @p0 [sflag:s9], $0x1200  }
0x4f: {  	[sflag:s9] =	ssyncset.done @p0 $0x0  }
0x50: {  	s10 =	rddreg [dreg:$0x9];
	[sflag:s9] =	ssyncadd.s32 @p0 $0xFFFFEE00;
	s9 =	simm.s32 @!p0 $0x0  }
0x51: {  	[tilespmem:s9], [sflag:$0x1] =	stream.linear.gather @!p0 [hbm4b:s10+s9], $0x1600, $0x38;
	[tilespmem:$0xEE80] =	vst v63  }
0x52: {  	s11 =	rddreg [dreg:$0xa];
	s10 =	simm.s32 @!p0 $0x1800  }
0x53: {  	[tilespmem:s10], [sflag:$0x1] =	stream.linear.gather @!p0 [hbm4b:s11+s9], $0x1600, $0x38;
	[tilespmem:$0xEE80] =	vst v63  }
0x54: {  	s9 =	simm.s32 @!p0 $0x1  }
0x55: {  	_ =	swait.ge @!p0 [sflag:s9], $0x1600  }
0x56: {  	[sflag:s9] =	ssyncset.done @!p0 $0x0  }
0x57: {  	[sflag:s9] =	ssyncadd.s32 @!p0 $0xFFFFEA00  }
0x58: {  	_ =	swait.ge @!p0 [sflag:s9], $0x1600  }
0x59: {  	[sflag:s9] =	ssyncset.done @!p0 $0x0  }
0x5a: {  	s13 =	simm.s32 $0x0;
	s16 =	rddreg [dreg:$0x6];
	[sflag:s9] =	ssyncadd.s32 @!p0 $0xFFFFEA00  }
0x5b: {  	[tilespmem:s19], [sflag:$0x1] =	stream.linear.gather [hbm4b:s16+s13], $0x800, $0x38;
	[tilespmem:$0xEE80] =	vst v63  }
0x5c: {  	s17 =	stileid.u32;
	_ =	swait.ge [sflag:s20], $0x800  }
0x5d: {  	s18 =	sshll.u32 s17, $0x6;
	[sflag:s20] =	ssyncset.done $0x0;
	s15 =	rddreg [dreg:$0xb]  }
0x5e: {  	s9 =	sor.u32 $0x1C13, s18;
	[sflag:s20] =	ssyncadd.s32 $0xFFFFF800;
	s10 =	sshrl.u32 s15, $0x3  }
0x5f: {  	[spmem:s10], [sflag:s9] =	dma.local [hbm:s12], $0x4F0  }
0x60: {  	_ =	swait.ge [sflag:s21], $0x4F0  }
0x61: {  	[sflag:s21] =	ssyncset.done $0x0  }
0x62: {  	s11 =	sor.u32 $0x1C01, s18;
	s15 =	rddreg [dreg:$0xc];
	[sflag:s21] =	ssyncadd.s32 $0xFFFFFB10  }
0x63: {  	[spmem:s22], [sflag:s11] =	dma.local [hbm:s15], $0x4F0  }
0x64: {  	s11 =	rddreg [dreg:$0xd]  }
0x65: {  	s11 =	sshrl.u32 s11, $0x3  }
0x66: {  	[spmem:s11], [sflag:s9] =	dma.local [hbm:s12], $0x4F0  }
0x67: {  	_ =	swait.ge [sflag:s21], $0x4F0  }
0x68: {  	[sflag:s21] =	ssyncset.done $0x0  }
0x69: {  	[sflag:s21] =	ssyncadd.s32 $0xFFFFFB10  }
0x6a: {  	_ =	swait.ge [sflag:s20], $0x4F0  }
0x6b: {  	[sflag:s20] =	ssyncset.done $0x0  }
0x6c: {  	[sflag:s20] =	ssyncadd.s32 $0xFFFFFB10  }
0x6d: {  	[bflag:$0x0] =	sbarrier.arrive $0xFFFF  }
0x6e: {  	[tilespmem:s24], [sflag:$0x2] =	stream.indirect.gather [spmem:s3], $0x10, s13, s23, $0xb8;
	[tilespmem:$0xEE80] =	vst v63  }
.Ltmp2:
0x6f: {  	_ = 	snop;
	(pc) =	sbr.rel .LBB2_2-.Ltmp2, $4  }
0x70: {  	s17 =	simm.s32 $0x100;
	s16 =	simm.s32 $0x3800  }
0x71: {  	[tilespmem:s16], [sflag:$0x3] =	stream.indirect.gather [spmem:s3], $0x10, s23, s23, $0xb8;
	[tilespmem:$0xEE80] =	vst v63  }
0x72: {  	s18 =	simm.s32 $0x4000;
	s15 =	simm.s32 $0x0;
	s13 =	simm.s32 $0x0  }
0x73: {  	[tilespmem:s18], [sflag:$0x4] =	stream.indirect.gather [spmem:s3], $0x10, s17, s23, $0xb8;
	[tilespmem:$0xEE80] =	vst v63  }
.LBB2_4:
0x74: {  	s16 =	simm.s32 $0x600  }
.LBB2_7:
0x75: {  	s16 =	sshra.s32 s16, $0x2  }
0x76: {  	[tilespmem:s7], [sflag:$0x5] =	stream.indirect.gather [spmem:s3], $0x10, s16, s23, $0xb8;
	[tilespmem:$0xEE80] =	vst v63  }
.LBB2_8:
0x77: {  	p1 =	sge.u32 s13, s14  }
0x78: {  	s16 =	simm.s32 @!p1 $0x3  }
0x79: {  	_ =	swait.ge @!p1 [sflag:s16], $0x800  }
0x7a: {  	[sflag:s16] =	ssyncset.done @!p1 $0x0  }
0x7b: {  	[sflag:s16] =	ssyncadd.s32 @!p1 $0xFFFFF800;
	s16 =	sshra.s32 @!p1 s15, $0x2  }
0x7c: {  	s17 =	simm.s32 @!p1 $0x80;
	s18 =	simm.s32 @!p1 $0x3800;
	s16 =	sadd.s32 @!p1 $0x1880, s16  }
0x7d: {  	[spmem:s4] =	stream.indirect.scatter.add.f32 @!p1 [tilespmem:s18], [sflag:$0xB], $0x10, s16, s17, $0xb8;
	[tilespmem:$0xEE80] =	vst v63  }
0x7e: {  	s18 =	simm.s32 @!p1 $0xBF00  }
0x7f: {  	[spmem:s2] =	stream.indirect.scatter.add.f32 @!p1 [tilespmem:s18], [sflag:$0x12], $0x10, s16, s17, $0xb8;
	[tilespmem:$0xEE80] =	vst v63  }
0x80: {  	s16 =	sadd.s32 @!p1 $0x4, s13  }
0x81: {  	p3 =	sgt.u32 @!p1 s16, s14  }
0x82: {  	p2 =	por p3, p1  }
0x83: {  	s16 =	simm.s32 @!p1 $0x12;
	p4 =	seq.s32 @!p2 s15, $0x0  }
0x84: {  	_ =	swait.ge @!p1 [sflag:s16], $0x800;
	p3 =	por @!p1 p4, p3  }
0x85: {  	[sflag:s16] =	ssyncset.done @!p1 $0x0;
	p3 =	por p3, p1  }
0x86: {  	[sflag:s16] =	ssyncadd.s32 @!p1 $0xFFFFF800;
	s16 =	simm.s32 @!p3 $0xE  }
0x87: {  	_ =	swait.ge @!p3 [sflag:s16], $0x800  }
0x88: {  	[sflag:s16] =	ssyncset.done @!p3 $0x0  }
0x89: {  	[sflag:s16] =	ssyncadd.s32 @!p3 $0xFFFFF800;
	s16 =	sshra.s32 @!p2 s15, $0x2  }
0x8a: {  	s17 =	simm.s32 @!p2 $0x80;
	s18 =	simm.s32 @!p2 $0x5000;
	s16 =	sadd.s32 @!p2 $0x200, s16  }
0x8b: {  	[tilespmem:s18], [sflag:$0x6] =	stream.indirect.gather @!p2 [spmem:s3], $0x10, s16, s17, $0xb8;
	[tilespmem:$0xEE80] =	vst v63  }
0x8c: {  	s17 =	sadd.s32 $0x2, s13  }
0x8d: {  	p1 =	sgt.u32 s17, s14  }
0x8e: {  	s16 =	simm.s32 @!p1 $0x4  }
0x8f: {  	_ =	swait.ge @!p1 [sflag:s16], $0x800  }
0x90: {  	[sflag:s16] =	ssyncset.done @!p1 $0x0  }
0x91: {  	[sflag:s16] =	ssyncadd.s32 @!p1 $0xFFFFF800;
	s16 =	sshra.s32 @!p1 s15, $0x2  }
0x92: {  	s17 =	simm.s32 @!p1 $0x80;
	s18 =	simm.s32 @!p1 $0x4000;
	s16 =	sadd.s32 @!p1 $0x1900, s16  }
0x93: {  	[spmem:s4] =	stream.indirect.scatter.add.f32 @!p1 [tilespmem:s18], [sflag:$0xC], $0x10, s16, s17, $0xb8;
	[tilespmem:$0xEE80] =	vst v63  }
0x94: {  	s18 =	simm.s32 @!p1 $0xBF00  }
0x95: {  	[spmem:s2] =	stream.indirect.scatter.add.f32 @!p1 [tilespmem:s18], [sflag:$0x12], $0x10, s16, s17, $0xb8;
	[tilespmem:$0xEE80] =	vst v63  }
0x96: {  	s16 =	sadd.s32 @!p1 $0x5, s13  }
0x97: {  	p3 =	sgt.u32 @!p1 s16, s14  }
0x98: {  	p2 =	por p3, p1  }
0x99: {  	s16 =	simm.s32 @!p1 $0x12;
	p4 =	seq.s32 @!p2 s15, $0x0  }
0x9a: {  	_ =	swait.ge @!p1 [sflag:s16], $0x800;
	p3 =	por @!p1 p4, p3  }
0x9b: {  	[sflag:s16] =	ssyncset.done @!p1 $0x0;
	p3 =	por p3, p1  }
0x9c: {  	[sflag:s16] =	ssyncadd.s32 @!p1 $0xFFFFF800;
	s16 =	simm.s32 @!p3 $0xF  }
0x9d: {  	_ =	swait.ge @!p3 [sflag:s16], $0x800  }
0x9e: {  	[sflag:s16] =	ssyncset.done @!p3 $0x0  }
0x9f: {  	[sflag:s16] =	ssyncadd.s32 @!p3 $0xFFFFF800;
	s16 =	sshra.s32 @!p2 s15, $0x2  }
0xa0: {  	s17 =	simm.s32 @!p2 $0x80;
	s18 =	simm.s32 @!p2 $0x5800;
	s16 =	sadd.s32 @!p2 $0x280, s16  }
0xa1: {  	[tilespmem:s18], [sflag:$0x7] =	stream.indirect.gather @!p2 [spmem:s3], $0x10, s16, s17, $0xb8;
	[tilespmem:$0xEE80] =	vst v63  }
0xa2: {  	s18 =	sadd.s32 $0x3, s13  }
0xa3: {  	p1 =	sgt.u32 s18, s14  }
0xa4: {  	s16 =	simm.s32 @!p1 $0x5  }
0xa5: {  	_ =	swait.ge @!p1 [sflag:s16], $0x800  }
0xa6: {  	[sflag:s16] =	ssyncset.done @!p1 $0x0  }
0xa7: {  	[sflag:s16] =	ssyncadd.s32 @!p1 $0xFFFFF800;
	s16 =	sshra.s32 @!p1 s15, $0x2  }
0xa8: {  	s17 =	simm.s32 @!p1 $0x80;
	s18 =	simm.s32 @!p1 $0x4800;
	s16 =	sadd.s32 @!p1 $0x1980, s16  }
0xa9: {  	[spmem:s4] =	stream.indirect.scatter.add.f32 @!p1 [tilespmem:s18], [sflag:$0xD], $0x10, s16, s17, $0xb8;
	[tilespmem:$0xEE80] =	vst v63  }
0xaa: {  	s18 =	simm.s32 @!p1 $0xBF00  }
0xab: {  	[spmem:s2] =	stream.indirect.scatter.add.f32 @!p1 [tilespmem:s18], [sflag:$0x12], $0x10, s16, s17, $0xb8;
	[tilespmem:$0xEE80] =	vst v63  }
0xac: {  	s16 =	sadd.s32 @!p1 $0x6, s13  }
0xad: {  	p3 =	sgt.u32 @!p1 s16, s14  }
0xae: {  	p2 =	por p3, p1  }
0xaf: {  	s16 =	simm.s32 @!p1 $0x12;
	p4 =	seq.s32 @!p2 s15, $0x0  }
0xb0: {  	_ =	swait.ge @!p1 [sflag:s16], $0x800;
	p3 =	por @!p1 p4, p3  }
0xb1: {  	[sflag:s16] =	ssyncset.done @!p1 $0x0;
	p3 =	por p3, p1  }
0xb2: {  	[sflag:s16] =	ssyncadd.s32 @!p1 $0xFFFFF800;
	s16 =	simm.s32 @!p3 $0x10  }
0xb3: {  	_ =	swait.ge @!p3 [sflag:s16], $0x800  }
0xb4: {  	[sflag:s16] =	ssyncset.done @!p3 $0x0  }
0xb5: {  	[sflag:s16] =	ssyncadd.s32 @!p3 $0xFFFFF800;
	s16 =	sshra.s32 @!p2 s15, $0x2  }
0xb6: {  	s17 =	simm.s32 @!p2 $0x80;
	s18 =	simm.s32 @!p2 $0x6000;
	s16 =	sadd.s32 @!p2 $0x300, s16  }
0xb7: {  	[tilespmem:s18], [sflag:$0x8] =	stream.indirect.gather @!p2 [spmem:s3], $0x10, s16, s17, $0xb8;
	[tilespmem:$0xEE80] =	vst v63  }
0xb8: {  	s17 =	sadd.s32 $0x4, s13  }
0xb9: {  	p1 =	sgt.u32 s17, s14  }
0xba: {  	s16 =	simm.s32 @!p1 $0x6  }
0xbb: {  	_ =	swait.ge @!p1 [sflag:s16], $0x800  }
0xbc: {  	[sflag:s16] =	ssyncset.done @!p1 $0x0  }
0xbd: {  	[sflag:s16] =	ssyncadd.s32 @!p1 $0xFFFFF800;
	s16 =	sshra.s32 @!p1 s15, $0x2  }
0xbe: {  	s17 =	simm.s32 @!p1 $0x80;
	s18 =	simm.s32 @!p1 $0x5000;
	s16 =	sadd.s32 @!p1 $0x1A00, s16  }
0xbf: {  	[spmem:s4] =	stream.indirect.scatter.add.f32 @!p1 [tilespmem:s18], [sflag:$0xE], $0x10, s16, s17, $0xb8;
	[tilespmem:$0xEE80] =	vst v63  }
0xc0: {  	s18 =	simm.s32 @!p1 $0xBF00  }
0xc1: {  	[spmem:s2] =	stream.indirect.scatter.add.f32 @!p1 [tilespmem:s18], [sflag:$0x12], $0x10, s16, s17, $0xb8;
	[tilespmem:$0xEE80] =	vst v63  }
0xc2: {  	s16 =	sadd.s32 @!p1 $0x7, s13  }
0xc3: {  	p3 =	sgt.u32 @!p1 s16, s14  }
0xc4: {  	p2 =	por p3, p1  }
0xc5: {  	s16 =	simm.s32 @!p1 $0x12;
	p4 =	seq.s32 @!p2 s15, $0x0  }
0xc6: {  	_ =	swait.ge @!p1 [sflag:s16], $0x800;
	p3 =	por @!p1 p4, p3  }
0xc7: {  	[sflag:s16] =	ssyncset.done @!p1 $0x0;
	p3 =	por p3, p1  }
0xc8: {  	[sflag:s16] =	ssyncadd.s32 @!p1 $0xFFFFF800;
	s16 =	simm.s32 @!p3 $0x11  }
0xc9: {  	_ =	swait.ge @!p3 [sflag:s16], $0x800  }
0xca: {  	[sflag:s16] =	ssyncset.done @!p3 $0x0  }
0xcb: {  	[sflag:s16] =	ssyncadd.s32 @!p3 $0xFFFFF800;
	s16 =	sshra.s32 @!p2 s15, $0x2  }
0xcc: {  	s17 =	simm.s32 @!p2 $0x80;
	s18 =	simm.s32 @!p2 $0x6800;
	s16 =	sadd.s32 @!p2 $0x380, s16  }
0xcd: {  	[tilespmem:s18], [sflag:$0x9] =	stream.indirect.gather @!p2 [spmem:s3], $0x10, s16, s17, $0xb8;
	[tilespmem:$0xEE80] =	vst v63  }
0xce: {  	s18 =	sadd.s32 $0x5, s13  }
0xcf: {  	p1 =	sgt.u32 s18, s14  }
0xd0: {  	s16 =	simm.s32 @!p1 $0x7  }
0xd1: {  	_ =	swait.ge @!p1 [sflag:s16], $0x800  }
0xd2: {  	[sflag:s16] =	ssyncset.done @!p1 $0x0  }
0xd3: {  	[sflag:s16] =	ssyncadd.s32 @!p1 $0xFFFFF800;
	s16 =	sshra.s32 @!p1 s15, $0x2  }
0xd4: {  	s17 =	simm.s32 @!p1 $0x80;
	s18 =	simm.s32 @!p1 $0x5800;
	s16 =	sadd.s32 @!p1 $0x1A80, s16  }
0xd5: {  	[spmem:s4] =	stream.indirect.scatter.add.f32 @!p1 [tilespmem:s18], [sflag:$0xF], $0x10, s16, s17, $0xb8;
	[tilespmem:$0xEE80] =	vst v63  }
0xd6: {  	s18 =	simm.s32 @!p1 $0xBF00  }
0xd7: {  	[spmem:s2] =	stream.indirect.scatter.add.f32 @!p1 [tilespmem:s18], [sflag:$0x12], $0x10, s16, s17, $0xb8;
	[tilespmem:$0xEE80] =	vst v63  }
0xd8: {  	s16 =	simm.s32 @!p1 $0x12;
	s17 =	sadd.s32 @!p1 $0x8, s13  }
0xd9: {  	_ =	swait.ge @!p1 [sflag:s16], $0x800;
	p2 =	sgt.u32 @!p1 s17, s14  }
0xda: {  	[sflag:s16] =	ssyncset.done @!p1 $0x0;
	p2 =	por p2, p1  }
0xdb: {  	[sflag:s16] =	ssyncadd.s32 @!p1 $0xFFFFF800;
	s16 =	simm.s32 @!p2 $0xA  }
0xdc: {  	_ =	swait.ge @!p2 [sflag:s16], $0x800  }
0xdd: {  	[sflag:s16] =	ssyncset.done @!p2 $0x0  }
0xde: {  	[sflag:s16] =	ssyncadd.s32 @!p2 $0xFFFFF800;
	s16 =	sshra.s32 @!p2 s15, $0x2  }
0xdf: {  	s17 =	simm.s32 @!p2 $0x80;
	s18 =	simm.s32 @!p2 $0x3000;
	s16 =	sadd.s32 @!p2 $0x400, s16  }
0xe0: {  	[tilespmem:s18], [sflag:$0x2] =	stream.indirect.gather @!p2 [spmem:s3], $0x10, s16, s17, $0xb8;
	[tilespmem:$0xEE80] =	vst v63  }
0xe1: {  	s17 =	sadd.s32 $0x6, s13  }
0xe2: {  	p1 =	sgt.u32 s17, s14  }
0xe3: {  	s16 =	simm.s32 @!p1 $0x8  }
0xe4: {  	_ =	swait.ge @!p1 [sflag:s16], $0x800  }
0xe5: {  	[sflag:s16] =	ssyncset.done @!p1 $0x0  }
0xe6: {  	[sflag:s16] =	ssyncadd.s32 @!p1 $0xFFFFF800;
	s16 =	sshra.s32 @!p1 s15, $0x2  }
0xe7: {  	s17 =	simm.s32 @!p1 $0x80;
	s18 =	simm.s32 @!p1 $0x6000;
	s16 =	sadd.s32 @!p1 $0x1B00, s16  }
0xe8: {  	[spmem:s4] =	stream.indirect.scatter.add.f32 @!p1 [tilespmem:s18], [sflag:$0x10], $0x10, s16, s17, $0xb8;
	[tilespmem:$0xEE80] =	vst v63  }
0xe9: {  	s18 =	simm.s32 @!p1 $0xBF00  }
0xea: {  	[spmem:s2] =	stream.indirect.scatter.add.f32 @!p1 [tilespmem:s18], [sflag:$0x12], $0x10, s16, s17, $0xb8;
	[tilespmem:$0xEE80] =	vst v63  }
0xeb: {  	s16 =	simm.s32 @!p1 $0x12;
	s17 =	sadd.s32 @!p1 $0x9, s13  }
0xec: {  	_ =	swait.ge @!p1 [sflag:s16], $0x800;
	p2 =	sgt.u32 @!p1 s17, s14  }
0xed: {  	[sflag:s16] =	ssyncset.done @!p1 $0x0;
	p2 =	por p2, p1  }
0xee: {  	[sflag:s16] =	ssyncadd.s32 @!p1 $0xFFFFF800;
	s16 =	simm.s32 @!p2 $0xB  }
0xef: {  	_ =	swait.ge @!p2 [sflag:s16], $0x800  }
0xf0: {  	[sflag:s16] =	ssyncset.done @!p2 $0x0  }
0xf1: {  	[sflag:s16] =	ssyncadd.s32 @!p2 $0xFFFFF800;
	s16 =	sshra.s32 @!p2 s15, $0x2  }
0xf2: {  	s17 =	simm.s32 @!p2 $0x80;
	s18 =	simm.s32 @!p2 $0x3800;
	s16 =	sadd.s32 @!p2 $0x480, s16  }
0xf3: {  	[tilespmem:s18], [sflag:$0x3] =	stream.indirect.gather @!p2 [spmem:s3], $0x10, s16, s17, $0xb8;
	[tilespmem:$0xEE80] =	vst v63  }
0xf4: {  	s18 =	sadd.s32 $0x7, s13  }
0xf5: {  	p1 =	sgt.u32 s18, s14  }
0xf6: {  	s16 =	simm.s32 @!p1 $0x9  }
0xf7: {  	_ =	swait.ge @!p1 [sflag:s16], $0x800  }
0xf8: {  	[sflag:s16] =	ssyncset.done @!p1 $0x0  }
0xf9: {  	[sflag:s16] =	ssyncadd.s32 @!p1 $0xFFFFF800;
	s16 =	sshra.s32 @!p1 s15, $0x2  }
0xfa: {  	s17 =	simm.s32 @!p1 $0x80;
	s18 =	simm.s32 @!p1 $0x6800;
	s16 =	sadd.s32 @!p1 $0x1B80, s16  }
0xfb: {  	[spmem:s4] =	stream.indirect.scatter.add.f32 @!p1 [tilespmem:s18], [sflag:$0x11], $0x10, s16, s17, $0xb8;
	[tilespmem:$0xEE80] =	vst v63  }
0xfc: {  	s18 =	simm.s32 @!p1 $0xBF00  }
0xfd: {  	[spmem:s2] =	stream.indirect.scatter.add.f32 @!p1 [tilespmem:s18], [sflag:$0x12], $0x10, s16, s17, $0xb8;
	[tilespmem:$0xEE80] =	vst v63  }
0xfe: {  	s16 =	simm.s32 @!p1 $0x12;
	s17 =	sadd.s32 @!p1 $0xA, s13  }
0xff: {  	_ =	swait.ge @!p1 [sflag:s16], $0x800;
	p2 =	sgt.u32 @!p1 s17, s14  }
0x100: {  	[sflag:s16] =	ssyncset.done @!p1 $0x0;
	p2 =	por p2, p1  }
0x101: {  	[sflag:s16] =	ssyncadd.s32 @!p1 $0xFFFFF800;
	s16 =	simm.s32 @!p2 $0xC  }
0x102: {  	_ =	swait.ge @!p2 [sflag:s16], $0x800  }
0x103: {  	[sflag:s16] =	ssyncset.done @!p2 $0x0  }
0x104: {  	[sflag:s16] =	ssyncadd.s32 @!p2 $0xFFFFF800;
	s16 =	sshra.s32 @!p2 s15, $0x2;
	s15 =	sadd.s32 $0x1000, s15  }
0x105: {  	p1 =	sne.s32 s15, $0x6000  }
.Ltmp3:
0x106: {  	_ = 	snop;
	(pc) =	sbr.rel @!p1 .LBB2_9-.Ltmp3, $4  }
0x107: {  	_ = 	snop  }
0x108: {  	s13 =	sadd.s32 $0x8, s13  }
0x109: {  	s17 =	simm.s32 @!p2 $0x80;
	s18 =	simm.s32 @!p2 $0x4000;
	s16 =	sadd.s32 @!p2 $0x500, s16  }
0x10a: {  	[tilespmem:s18], [sflag:$0x4] =	stream.indirect.gather @!p2 [spmem:s3], $0x10, s16, s17, $0xb8;
	[tilespmem:$0xEE80] =	vst v63  }
.LBB2_2:
0x10b: {  	p1 =	sgt.u32 s13, s14  }
.Ltmp4:
0x10c: {  	_ = 	snop;
	(pc) =	sbr.rel @p1 .LBB2_8-.Ltmp4, $1  }
0x10d: {  	_ =	sdelay $0x3  }
0x10e: {  	_ =	swait.ge [sflag:s6], $0x800;
	p1 =	seq.s32 s15, $0x0  }
.Ltmp5:
0x10f: {  	s16 =	sshra.s32 s15, $0x2;
	[sflag:s6] =	ssyncset.done $0x0;
	(pc) =	sbr.rel @p1 .LBB2_4-.Ltmp5, $4  }
0x110: {  	s16 =	sadd.s32 $0x1800, s16;
	[sflag:s6] =	ssyncadd.s32 $0xFFFFF800  }
0x111: {  	[spmem:s4] =	stream.indirect.scatter.add.f32 [tilespmem:s24], [sflag:$0xA], $0x10, s16, s23, $0xb8;
	[tilespmem:$0xEE80] =	vst v63  }
0x112: {  	_ = 	snop  }
0x113: {  	[spmem:s2] =	stream.indirect.scatter.add.f32 [tilespmem:s19], [sflag:$0x12], $0x10, s16, s23, $0xb8;
	[tilespmem:$0xEE80] =	vst v63  }
0x114: {  	s16 =	sadd.s32 $0x3, s13  }
0x115: {  	p1 =	sgt.u32 s16, s14  }
.Ltmp6:
0x116: {  	_ = 	snop;
	(pc) =	sbr.rel @p1 .LBB2_8-.Ltmp6, $4  }
0x117: {  	_ = 	snop  }
0x118: {  	_ =	swait.ge [sflag:s5], $0x800  }
0x119: {  	[sflag:s5] =	ssyncset.done $0x0  }
0x11a: {  	[sflag:s5] =	ssyncadd.s32 $0xFFFFF800  }
.Ltmp7:
0x11b: {  	(pc) =	sbr.rel .LBB2_7-.Ltmp7, $4  }
0x11c: {  	_ = 	snop  }
0x11d: {  	_ =	swait.ge [sflag:s0], $0x800  }
0x11e: {  	[sflag:s0] =	ssyncset.done $0x0  }
0x11f: {  	s16 =	sadd.s32 $0x600, s15;
	[sflag:s0] =	ssyncadd.s32 $0xFFFFF800  }
.LBB2_10:
0x120: {  	_ =	sfence.sel $0x180000  }
0x121: {  	[bflag:$0x0] =	sbarrier.arrive $0xFFFF  }
0x122: {  	_ =	strace $0x90000047  }
0x123: {  	s0 =	stileid.u32;
	[bflag:$0x2] =	sbarrier.arrive $0xFFFF  }
0x124: {  	p0 =	sne.s32 s0, $0x0;
	s0 =	rddreg [dreg:$0x5]  }
0x125: {  	s0 =	sadd.s32 @!p0 $0x100000, s0  }
0x126: {  	[sflag:s0] =	ssyncadd.tile.s32 @!p0 $0x1;
	_ =	shalt  }
.Lfunc_end2:
_tile_overlayer_lowered:
.L_overlay_start_2:
0x127: {  	(tag) =	ssettag $0x2  }
0x128: {  	s0 =	rddreg [dreg:$0x0];
	s2 =	stileid.u32  }
0x129: {  	s1 =	rddreg [dreg:$0x1];
	p0 =	sne.s32 s2, $0x0  }
0x12a: {  	s3 =	rddreg [dreg:$0x2];
	[bflag:$0x3] =	sbarrier.arrive $0xFFFF;
	s2 =	simm.s32 @!p0 $0x1C13  }
0x12b: {  	[timem:s3], [sflag:s2] =	dma.local @!p0 [hbm:s0], s1  }
0x12c: {  	s0 =	simm.s32 @!p0 $0x13  }
0x12d: {  	_ =	swait.ge @!p0 [sflag:s0], s1  }
0x12e: {  	s1 =	ssub.s32 @!p0 $0x0, s1;
	[sflag:s0] =	ssyncset.done @!p0 $0x0  }
0x12f: {  	[sflag:s0] =	ssyncadd.s32 @!p0 s1  }
0x130: {  	[bflag:$0x3] =	sbarrier.arrive $0xFFFF  }
0x131: {  	_ =	shalt  }

</sc_bundles>
